<compile_context>
chip_gen: v7x
topology: tpu7x:2x2x1
jax: 0.10.2.dev20260603
libtpu: 0.0.44.dev20260713+nightly
codegen_flags: <defaults>
</compile_context>

<pallas_src>
import jax
import jax.numpy as jnp
import numpy as np
from jax import lax
from jax.experimental import pallas as pl
from jax.experimental.pallas import tpu as pltpu
from jax.experimental.pallas import tpu_sc as plsc

_IOU_T = 0.5
_SCORE_T = 0.5
_MAX_OUT = 200
_N = 5000
_NPAD = 5120
_BC = 16
_KPAD = 256
_P = _BC * _MAX_OUT
_PBUF = _P + 256


def _nms_kernel(x1_ref, y1_ref, x2_ref, y2_ref, sc_ref, keep_ref, cnt_ref):
    x1 = x1_ref[...]
    y1 = y1_ref[...]
    x2 = x2_ref[...]
    y2 = y2_ref[...]
    sc = sc_ref[...]
    areas = (x2 - x1) * (y2 - y1)

    iota_n = jax.lax.broadcasted_iota(jnp.int32, (_BC, _NPAD), 1)
    col_iota = jax.lax.broadcasted_iota(jnp.int32, (_BC, _KPAD), 1)

    scm0 = jnp.where(sc > _SCORE_T, sc, -1.0)
    keep0 = jnp.zeros((_BC, _KPAD), jnp.int32)
    cnt0 = jnp.zeros((_BC, 1), jnp.int32)

    def body(k, state):
        scm, keep, cnt = state
        m = jnp.max(scm, axis=1, keepdims=True)
        found = m > _SCORE_T
        idx = jnp.min(jnp.where(scm == m, iota_n, _NPAD), axis=1, keepdims=True)
        onehot = iota_n == idx
        bx1 = jnp.sum(jnp.where(onehot, x1, 0.0), axis=1, keepdims=True)
        by1 = jnp.sum(jnp.where(onehot, y1, 0.0), axis=1, keepdims=True)
        bx2 = jnp.sum(jnp.where(onehot, x2, 0.0), axis=1, keepdims=True)
        by2 = jnp.sum(jnp.where(onehot, y2, 0.0), axis=1, keepdims=True)
        barea = (bx2 - bx1) * (by2 - by1)
        w = jnp.maximum(jnp.minimum(x2, bx2) - jnp.maximum(x1, bx1), 0.0)
        h = jnp.maximum(jnp.minimum(y2, by2) - jnp.maximum(y1, by1), 0.0)
        inter = w * h
        union = areas + barea - inter
        sup = inter / union > _IOU_T
        scm = jnp.where((sup | onehot) & found, -1.0, scm)
        keep = keep + jnp.where((col_iota == k) & found, idx, 0)
        cnt = cnt + found.astype(jnp.int32)
        return scm, keep, cnt

    _, keep, cnt = jax.lax.fori_loop(0, _MAX_OUT, body, (scm0, keep0, cnt0),
                                     unroll=4)
    keep_ref[...] = keep
    cnt_ref[...] = cnt


def _pack_kernel(keep_hbm, cnt_hbm, zero_hbm, out0, out1, out2,
                 keep_v, cnt_v, r0, r1, r2):
    @pl.when((lax.axis_index("c") == 0) & (lax.axis_index("s") == 0))
    def _():
        pltpu.sync_copy(keep_hbm, keep_v)
        pltpu.sync_copy(cnt_hbm, cnt_v)
        pltpu.sync_copy(zero_hbm, r0)
        pltpu.sync_copy(zero_hbm, r1)
        pltpu.sync_copy(zero_hbm, r2)
        cnt = cnt_v[...]
        cum_start = plsc.cumsum(cnt) - cnt
        lane = jax.lax.iota(jnp.int32, 16)
        zero16 = jnp.zeros((16,), jnp.int32)
        for c in range(_BC):
            cs = jnp.sum(jnp.where(lane == c, cum_start, 0))
            bval = jnp.full((16,), c >> 3, jnp.int32)
            cval = jnp.full((16,), c & 7, jnp.int32)
            for k in range(13):
                sel = keep_v[c, pl.ds(16 * k, 16)]
                r0[pl.ds(cs + 16 * k, 16)] = bval
                r1[pl.ds(cs + 16 * k, 16)] = cval
                r2[pl.ds(cs + 16 * k, 16)] = sel
        total = jnp.sum(cnt)
        for t in range(14):
            r0[pl.ds(total + 16 * t, 16)] = zero16
            r1[pl.ds(total + 16 * t, 16)] = zero16
            r2[pl.ds(total + 16 * t, 16)] = zero16
        pltpu.sync_copy(r0.at[pl.ds(0, _P)], out0)
        pltpu.sync_copy(r1.at[pl.ds(0, _P)], out1)
        pltpu.sync_copy(r2.at[pl.ds(0, _P)], out2)


def kernel(boxes, scores):
    B, C, N = scores.shape
    sc = scores.reshape(B * C, N)
    sc = jnp.pad(sc, ((0, 0), (0, _NPAD - N)))
    bx = jnp.pad(boxes, ((0, 0), (0, _NPAD - N), (0, 0)))
    x1 = jnp.repeat(bx[:, :, 1], C, axis=0)
    y1 = jnp.repeat(bx[:, :, 0], C, axis=0)
    x2 = jnp.repeat(bx[:, :, 3], C, axis=0)
    y2 = jnp.repeat(bx[:, :, 2], C, axis=0)

    keep, cnt = pl.pallas_call(
        _nms_kernel,
        out_shape=[
            jax.ShapeDtypeStruct((_BC, _KPAD), jnp.int32),
            jax.ShapeDtypeStruct((_BC, 1), jnp.int32),
        ],
    )(x1, y1, x2, y2, sc)

    zero = jnp.zeros((_PBUF,), jnp.int32)
    pack = pl.kernel(
        _pack_kernel,
        mesh=plsc.VectorSubcoreMesh(core_axis_name="c", subcore_axis_name="s"),
        compiler_params=pltpu.CompilerParams(needs_layout_passes=False),
        out_type=[jax.ShapeDtypeStruct((_P,), jnp.int32)] * 3,
        scratch_types=[
            pltpu.VMEM((_BC, _KPAD), jnp.int32),
            pltpu.VMEM((_BC,), jnp.int32),
            pltpu.VMEM((_PBUF,), jnp.int32),
            pltpu.VMEM((_PBUF,), jnp.int32),
            pltpu.VMEM((_PBUF,), jnp.int32),
        ],
    )
    o0, o1, o2 = pack(keep, cnt.reshape(_BC), zero)
    out = jnp.stack([o0, o1, o2], axis=1)

    out_dtype = jnp.asarray(np.zeros((1,), dtype=np.int64)).dtype
    return out.astype(out_dtype)

# --- scband reference (transcript-rebuilt; emitter-appended) ---
"""Pipeline reference for scband-non-max-suppression-8890582303353 (READ-ONLY COPY).

The authoritative reference and input builder live on the scoring server;
editing this copy changes nothing except your own understanding.
"""

import jax, jax.numpy as jnp
import numpy as np

IOU_T = 0.5
SCORE_T = 0.5
MAX_OUT = 200


def setup_inputs(seed: int = 0) -> dict:
    key = jax.random.key(seed)
    k1, k2 = jax.random.split(key)
    boxes = jax.random.uniform(k1, (2, 5000, 4), dtype=jnp.float32)
    scores = jax.random.uniform(k2, (2, 8, 5000), dtype=jnp.float32)
    return {"boxes": boxes, "scores": scores}


def _nms(boxes_xyxy, scores, valid, iou_t):
    # boxes_xyxy: [M,4] in x1,y1,x2,y2 order; scores: [M]; valid: [M] bool
    M = int(boxes_xyxy.shape[0])
    x1 = boxes_xyxy[:, 0]
    y1 = boxes_xyxy[:, 1]
    x2 = boxes_xyxy[:, 2]
    y2 = boxes_xyxy[:, 3]
    areas = (x2 - x1) * (y2 - y1)
    xx1 = jnp.maximum(x1[:, None], x1[None, :])
    yy1 = jnp.maximum(y1[:, None], y1[None, :])
    xx2 = jnp.minimum(x2[:, None], x2[None, :])
    yy2 = jnp.minimum(y2[:, None], y2[None, :])
    w = jnp.clip(xx2 - xx1, 0.0)
    h = jnp.clip(yy2 - yy1, 0.0)
    inter = w * h
    union = areas[:, None] + areas[None, :] - inter
    iou = inter / union
    sc_masked = jnp.where(valid, scores, -jnp.inf)
    order = jnp.argsort(-sc_masked, stable=True)
    iou_s = iou[order][:, order]
    valid_s = valid[order]

    def body(i, state):
        suppressed, keep = state
        can = valid_s[i] & jnp.logical_not(suppressed[i])
        keep = keep.at[i].set(can)
        suppressed = jnp.where(can, suppressed | (iou_s[i] > iou_t), suppressed)
        return suppressed, keep

    suppressed0 = jnp.zeros((M,), dtype=bool)
    keep0 = jnp.zeros((M,), dtype=bool)
    _, keep = jax.lax.fori_loop(0, M, body, (suppressed0, keep0))
    return order, keep


def reference(boxes, scores):
    B, C, N = scores.shape
    perm = jnp.array([1, 0, 3, 2])  # y1x1y2x2 -> x1y1x2y2
    sels = []
    cnts = []
    for b in range(B):
        bx_xyxy = boxes[b][:, perm]
        for c in range(C):
            sc = scores[b, c]
            valid = sc > SCORE_T
            order, keep = _nms(bx_xyxy, sc, valid, IOU_T)
            comp = jnp.argsort(jnp.logical_not(keep).astype(jnp.int32), stable=True)
            sel_all = order[comp]
            cnt = jnp.minimum(jnp.sum(keep.astype(jnp.int32)), MAX_OUT)
            sels.append(sel_all[:MAX_OUT])
            cnts.append(cnt)
    sel = jnp.stack(sels)  # [B*C, MAX_OUT]
    cnt = jnp.stack(cnts)  # [B*C]
    slot = jnp.arange(MAX_OUT)
    valid_rows = slot[None, :] < cnt[:, None]
    bc = jnp.arange(B * C)
    rows = jnp.stack(
        [
            jnp.broadcast_to((bc // C)[:, None], (B * C, MAX_OUT)),
            jnp.broadcast_to((bc % C)[:, None], (B * C, MAX_OUT)),
            sel,
        ],
        axis=-1,
    ).reshape(B * C * MAX_OUT, 3)
    flat_valid = valid_rows.reshape(-1)
    gorder = jnp.argsort(jnp.logical_not(flat_valid).astype(jnp.int32), stable=True)
    packed = rows[gorder]
    total = jnp.sum(cnt)
    mask = jnp.arange(B * C * MAX_OUT) < total
    out = jnp.where(mask[:, None], packed, 0)
    out_dtype = jnp.asarray(np.zeros((1,), dtype=np.int64)).dtype
    return out.astype(out_dtype)

if __name__ == "__main__":
    import jax
    _d = setup_inputs()
    print(jax.jit(kernel)(*tuple(_d.values())))

</pallas_src>

<mosaic_0001>
#map = affine_map<(d0, d1) -> (0, 0)>
#map1 = affine_map<(d0, d1) -> (0)>
module attributes {stable_mosaic.version = 14 : i64} {
  func.func @_pack_kernel(%arg0: i32, %arg1: i32, %arg2: memref<16x256xi32, #tpu.memory_space<hbm>>, %arg3: memref<16xi32, #tpu.memory_space<hbm>>, %arg4: memref<3456xi32, #tpu.memory_space<hbm>>, %arg5: memref<3200xi32, #tpu.memory_space<hbm>>, %arg6: memref<3200xi32, #tpu.memory_space<hbm>>, %arg7: memref<3200xi32, #tpu.memory_space<hbm>>, %arg8: memref<16x256xi32, #tpu.memory_space<vmem>>, %arg9: memref<16xi32, #tpu.memory_space<vmem>>, %arg10: memref<3456xi32, #tpu.memory_space<vmem>>, %arg11: memref<3456xi32, #tpu.memory_space<vmem>>, %arg12: memref<3456xi32, #tpu.memory_space<vmem>>) attributes {dimension_semantics = [#tpu.dimension_semantics<core_parallel>, #tpu.dimension_semantics<subcore_parallel>], iteration_bounds = array<i64: 2, 16>, scalar_prefetch = 0 : i64, scratch_operands = 5 : i64, tpu.core_type = #tpu.core_type<sc_vector_subcore>, window_params = [{transform_indices = #map}, {transform_indices = #map1}, {transform_indices = #map1}, {transform_indices = #map1}, {transform_indices = #map1}, {transform_indices = #map1}]} {
    %eq3A = arith.constant 0 : i32
    %eq3A_0 = arith.cmpi eq, %arg0, %eq3A : i32
    %eq3A_1 = arith.constant 0 : i32
    %eq3A_2 = arith.cmpi eq, %arg1, %eq3A_1 : i32
    %and3A = arith.andi %eq3A_0, %eq3A_2 : i1
    %convert_element_type3A = arith.extui %and3A : i1 to i32
    %cond3A = arith.constant 0 : i32
    %cond3A_3 = arith.cmpi ne, %convert_element_type3A, %cond3A : i32
    scf.if %cond3A_3 {
      "tpu.region"() ({
        %run_scoped3A = tpu.sem_alloc : memref<!tpu.dma_semaphore, #tpu.memory_space<semaphore_mem>>
        tpu.enqueue_dma source(%arg2 : memref<16x256xi32, #tpu.memory_space<hbm>>) target(%arg8 : memref<16x256xi32, #tpu.memory_space<vmem>>) target_semaphore(%run_scoped3A : memref<!tpu.dma_semaphore, #tpu.memory_space<semaphore_mem>>)
        tpu.wait_dma2 semaphore(%run_scoped3A : memref<!tpu.dma_semaphore, #tpu.memory_space<semaphore_mem>>) src(%arg2 : memref<16x256xi32, #tpu.memory_space<hbm>>) dst(%arg8 : memref<16x256xi32, #tpu.memory_space<vmem>>)
        tpu.yield
      }) : () -> ()
      "tpu.region"() ({
        %run_scoped3A = tpu.sem_alloc : memref<!tpu.dma_semaphore, #tpu.memory_space<semaphore_mem>>
        tpu.enqueue_dma source(%arg3 : memref<16xi32, #tpu.memory_space<hbm>>) target(%arg9 : memref<16xi32, #tpu.memory_space<vmem>>) target_semaphore(%run_scoped3A : memref<!tpu.dma_semaphore, #tpu.memory_space<semaphore_mem>>)
        tpu.wait_dma2 semaphore(%run_scoped3A : memref<!tpu.dma_semaphore, #tpu.memory_space<semaphore_mem>>) src(%arg3 : memref<16xi32, #tpu.memory_space<hbm>>) dst(%arg9 : memref<16xi32, #tpu.memory_space<vmem>>)
        tpu.yield
      }) : () -> ()
      "tpu.region"() ({
        %run_scoped3A = tpu.sem_alloc : memref<!tpu.dma_semaphore, #tpu.memory_space<semaphore_mem>>
        tpu.enqueue_dma source(%arg4 : memref<3456xi32, #tpu.memory_space<hbm>>) target(%arg10 : memref<3456xi32, #tpu.memory_space<vmem>>) target_semaphore(%run_scoped3A : memref<!tpu.dma_semaphore, #tpu.memory_space<semaphore_mem>>)
        tpu.wait_dma2 semaphore(%run_scoped3A : memref<!tpu.dma_semaphore, #tpu.memory_space<semaphore_mem>>) src(%arg4 : memref<3456xi32, #tpu.memory_space<hbm>>) dst(%arg10 : memref<3456xi32, #tpu.memory_space<vmem>>)
        tpu.yield
      }) : () -> ()
      "tpu.region"() ({
        %run_scoped3A = tpu.sem_alloc : memref<!tpu.dma_semaphore, #tpu.memory_space<semaphore_mem>>
        tpu.enqueue_dma source(%arg4 : memref<3456xi32, #tpu.memory_space<hbm>>) target(%arg11 : memref<3456xi32, #tpu.memory_space<vmem>>) target_semaphore(%run_scoped3A : memref<!tpu.dma_semaphore, #tpu.memory_space<semaphore_mem>>)
        tpu.wait_dma2 semaphore(%run_scoped3A : memref<!tpu.dma_semaphore, #tpu.memory_space<semaphore_mem>>) src(%arg4 : memref<3456xi32, #tpu.memory_space<hbm>>) dst(%arg11 : memref<3456xi32, #tpu.memory_space<vmem>>)
        tpu.yield
      }) : () -> ()
      "tpu.region"() ({
        %run_scoped3A = tpu.sem_alloc : memref<!tpu.dma_semaphore, #tpu.memory_space<semaphore_mem>>
        tpu.enqueue_dma source(%arg4 : memref<3456xi32, #tpu.memory_space<hbm>>) target(%arg12 : memref<3456xi32, #tpu.memory_space<vmem>>) target_semaphore(%run_scoped3A : memref<!tpu.dma_semaphore, #tpu.memory_space<semaphore_mem>>)
        tpu.wait_dma2 semaphore(%run_scoped3A : memref<!tpu.dma_semaphore, #tpu.memory_space<semaphore_mem>>) src(%arg4 : memref<3456xi32, #tpu.memory_space<hbm>>) dst(%arg12 : memref<3456xi32, #tpu.memory_space<vmem>>)
        tpu.yield
      }) : () -> ()
      %get3A = arith.constant 0 : index
      %get3A_4 = tpu.vector_load %arg9[%get3A] {strides = array<i32>} : memref<16xi32, #tpu.memory_space<vmem>>, vector<16xi32>,
      %broadcast_in_dim3A = arith.constant true
      %broadcast_in_dim3A_5 = vector.broadcast %broadcast_in_dim3A : i1 to vector<16xi1>
      %masked_cumsum3A = tpu.scan <sum>, %get3A_4 masked %broadcast_in_dim3A_5 : vector<16xi32>, vector<16xi1> -> vector<16xi32>
      %sub3A = arith.subi %masked_cumsum3A, %get3A_4 : vector<16xi32>
      %iota3A = tpu.iota {dimensions = array<i32: 0>} : vector<16xi32>
      %broadcast_in_dim3A_6 = arith.constant 0 : i32
      %broadcast_in_dim3A_7 = vector.broadcast %broadcast_in_dim3A_6 : i32 to vector<16xi32>
      %eq3A_8 = arith.constant 0 : i32
      %eq3A_9 = vector.broadcast %eq3A_8 : i32 to vector<16xi32>
      %eq3A_10 = arith.cmpi eq, %iota3A, %eq3A_9 : vector<16xi32>
      %jit3A = arith.constant 0 : i32
      %broadcast_in_dim3A_11 = vector.broadcast %jit3A : i32 to vector<16xi32>
      %select_n3A = arith.select %eq3A_10, %sub3A, %broadcast_in_dim3A_11 : vector<16xi1>, vector<16xi32>
      %reduce_sum3A = arith.constant true
      %reduce_sum3A_12 = vector.broadcast %reduce_sum3A : i1 to vector<16xi1>
      %reduce_sum3A_13 = tpu.scan <sum>, %select_n3A masked %reduce_sum3A_12 : vector<16xi32>, vector<16xi1> -> vector<16xi32>
      %reduce_sum3A_14 = vector.extract %reduce_sum3A_13[15] : i32 from vector<16xi32>
      %broadcast_in_dim3A_15 = arith.constant 0 : i32
      %broadcast_in_dim3A_16 = vector.broadcast %broadcast_in_dim3A_15 : i32 to vector<16xi32>
      %broadcast_in_dim3A_17 = arith.constant 0 : i32
      %broadcast_in_dim3A_18 = vector.broadcast %broadcast_in_dim3A_17 : i32 to vector<16xi32>
      %get3A_19 = arith.constant 0 : i32
      %get3A_20 = arith.index_cast %get3A_19 : i32 to index
      %get3A_21 = arith.constant 0 : index
      %get3A_22 = tpu.vector_load %arg8[%get3A_20, %get3A_21] {strides = array<i32>} : memref<16x256xi32, #tpu.memory_space<vmem>>, vector<16xi32>,
      %add3A = arith.constant 0 : i32
      %add3A_23 = arith.addi %reduce_sum3A_14, %add3A : i32
      %swap3A = arith.index_cast %add3A_23 : i32 to index
      %swap3A_24 = tpu.vector_load %arg10[%swap3A] {strides = array<i32>} : memref<3456xi32, #tpu.memory_space<vmem>>, vector<16xi32>,
      tpu.vector_store %arg10[%swap3A], %broadcast_in_dim3A_16 {strides = array<i32>} : memref<3456xi32, #tpu.memory_space<vmem>>, vector<16xi32>,
      %add3A_25 = arith.constant 0 : i32
      %add3A_26 = arith.addi %reduce_sum3A_14, %add3A_25 : i32
      %swap3A_27 = arith.index_cast %add3A_26 : i32 to index
      %swap3A_28 = tpu.vector_load %arg11[%swap3A_27] {strides = array<i32>} : memref<3456xi32, #tpu.memory_space<vmem>>, vector<16xi32>,
      tpu.vector_store %arg11[%swap3A_27], %broadcast_in_dim3A_18 {strides = array<i32>} : memref<3456xi32, #tpu.memory_space<vmem>>, vector<16xi32>,
      %add3A_29 = arith.constant 0 : i32
      %add3A_30 = arith.addi %reduce_sum3A_14, %add3A_29 : i32
      %swap3A_31 = arith.index_cast %add3A_30 : i32 to index
      %swap3A_32 = tpu.vector_load %arg12[%swap3A_31] {strides = array<i32>} : memref<3456xi32, #tpu.memory_space<vmem>>, vector<16xi32>,
      tpu.vector_store %arg12[%swap3A_31], %get3A_22 {strides = array<i32>} : memref<3456xi32, #tpu.memory_space<vmem>>, vector<16xi32>,
      %get3A_33 = arith.constant 0 : i32
      %get3A_34 = arith.index_cast %get3A_33 : i32 to index
      %get3A_35 = arith.constant 16 : index
      %get3A_36 = tpu.vector_load %arg8[%get3A_34, %get3A_35] {strides = array<i32>} : memref<16x256xi32, #tpu.memory_space<vmem>>, vector<16xi32>,
      %add3A_37 = arith.constant 16 : i32
      %add3A_38 = arith.addi %reduce_sum3A_14, %add3A_37 : i32
      %swap3A_39 = arith.index_cast %add3A_38 : i32 to index
      %swap3A_40 = tpu.vector_load %arg10[%swap3A_39] {strides = array<i32>} : memref<3456xi32, #tpu.memory_space<vmem>>, vector<16xi32>,
      tpu.vector_store %arg10[%swap3A_39], %broadcast_in_dim3A_16 {strides = array<i32>} : memref<3456xi32, #tpu.memory_space<vmem>>, vector<16xi32>,
      %add3A_41 = arith.constant 16 : i32
      %add3A_42 = arith.addi %reduce_sum3A_14, %add3A_41 : i32
      %swap3A_43 = arith.index_cast %add3A_42 : i32 to index
      %swap3A_44 = tpu.vector_load %arg11[%swap3A_43] {strides = array<i32>} : memref<3456xi32, #tpu.memory_space<vmem>>, vector<16xi32>,
      tpu.vector_store %arg11[%swap3A_43], %broadcast_in_dim3A_18 {strides = array<i32>} : memref<3456xi32, #tpu.memory_space<vmem>>, vector<16xi32>,
      %add3A_45 = arith.constant 16 : i32
      %add3A_46 = arith.addi %reduce_sum3A_14, %add3A_45 : i32
      %swap3A_47 = arith.index_cast %add3A_46 : i32 to index
      %swap3A_48 = tpu.vector_load %arg12[%swap3A_47] {strides = array<i32>} : memref<3456xi32, #tpu.memory_space<vmem>>, vector<16xi32>,
      tpu.vector_store %arg12[%swap3A_47], %get3A_36 {strides = array<i32>} : memref<3456xi32, #tpu.memory_space<vmem>>, vector<16xi32>,
      %get3A_49 = arith.constant 0 : i32
      %get3A_50 = arith.index_cast %get3A_49 : i32 to index
      %get3A_51 = arith.constant 32 : index
      %get3A_52 = tpu.vector_load %arg8[%get3A_50, %get3A_51] {strides = array<i32>} : memref<16x256xi32, #tpu.memory_space<vmem>>, vector<16xi32>,
      %add3A_53 = arith.constant 32 : i32
      %add3A_54 = arith.addi %reduce_sum3A_14, %add3A_53 : i32
      %swap3A_55 = arith.index_cast %add3A_54 : i32 to index
      %swap3A_56 = tpu.vector_load %arg10[%swap3A_55] {strides = array<i32>} : memref<3456xi32, #tpu.memory_space<vmem>>, vector<16xi32>,
      tpu.vector_store %arg10[%swap3A_55], %broadcast_in_dim3A_16 {strides = array<i32>} : memref<3456xi32, #tpu.memory_space<vmem>>, vector<16xi32>,
      %add3A_57 = arith.constant 32 : i32
      %add3A_58 = arith.addi %reduce_sum3A_14, %add3A_57 : i32
      %swap3A_59 = arith.index_cast %add3A_58 : i32 to index
      %swap3A_60 = tpu.vector_load %arg11[%swap3A_59] {strides = array<i32>} : memref<3456xi32, #tpu.memory_space<vmem>>, vector<16xi32>,
      tpu.vector_store %arg11[%swap3A_59], %broadcast_in_dim3A_18 {strides = array<i32>} : memref<3456xi32, #tpu.memory_space<vmem>>, vector<16xi32>,
      %add3A_61 = arith.constant 32 : i32
      %add3A_62 = arith.addi %reduce_sum3A_14, %add3A_61 : i32
      %swap3A_63 = arith.index_cast %add3A_62 : i32 to index
      %swap3A_64 = tpu.vector_load %arg12[%swap3A_63] {strides = array<i32>} : memref<3456xi32, #tpu.memory_space<vmem>>, vector<16xi32>,
      tpu.vector_store %arg12[%swap3A_63], %get3A_52 {strides = array<i32>} : memref<3456xi32, #tpu.memory_space<vmem>>, vector<16xi32>,
      %get3A_65 = arith.constant 0 : i32
      %get3A_66 = arith.index_cast %get3A_65 : i32 to index
      %get3A_67 = arith.constant 48 : index
      %get3A_68 = tpu.vector_load %arg8[%get3A_66, %get3A_67] {strides = array<i32>} : memref<16x256xi32, #tpu.memory_space<vmem>>, vector<16xi32>,
      %add3A_69 = arith.constant 48 : i32
      %add3A_70 = arith.addi %reduce_sum3A_14, %add3A_69 : i32
      %swap3A_71 = arith.index_cast %add3A_70 : i32 to index
      %swap3A_72 = tpu.vector_load %arg10[%swap3A_71] {strides = array<i32>} : memref<3456xi32, #tpu.memory_space<vmem>>, vector<16xi32>,
      tpu.vector_store %arg10[%swap3A_71], %broadcast_in_dim3A_16 {strides = array<i32>} : memref<3456xi32, #tpu.memory_space<vmem>>, vector<16xi32>,
      %add3A_73 = arith.constant 48 : i32
      %add3A_74 = arith.addi %reduce_sum3A_14, %add3A_73 : i32
      %swap3A_75 = arith.index_cast %add3A_74 : i32 to index
      %swap3A_76 = tpu.vector_load %arg11[%swap3A_75] {strides = array<i32>} : memref<3456xi32, #tpu.memory_space<vmem>>, vector<16xi32>,
      tpu.vector_store %arg11[%swap3A_75], %broadcast_in_dim3A_18 {strides = array<i32>} : memref<3456xi32, #tpu.memory_space<vmem>>, vector<16xi32>,
      %add3A_77 = arith.constant 48 : i32
      %add3A_78 = arith.addi %reduce_sum3A_14, %add3A_77 : i32
      %swap3A_79 = arith.index_cast %add3A_78 : i32 to index
      %swap3A_80 = tpu.vector_load %arg12[%swap3A_79] {strides = array<i32>} : memref<3456xi32, #tpu.memory_space<vmem>>, vector<16xi32>,
      tpu.vector_store %arg12[%swap3A_79], %get3A_68 {strides = array<i32>} : memref<3456xi32, #tpu.memory_space<vmem>>, vector<16xi32>,
      %get3A_81 = arith.constant 0 : i32
      %get3A_82 = arith.index_cast %get3A_81 : i32 to index
      %get3A_83 = arith.constant 64 : index
      %get3A_84 = tpu.vector_load %arg8[%get3A_82, %get3A_83] {strides = array<i32>} : memref<16x256xi32, #tpu.memory_space<vmem>>, vector<16xi32>,
      %add3A_85 = arith.constant 64 : i32
      %add3A_86 = arith.addi %reduce_sum3A_14, %add3A_85 : i32
      %swap3A_87 = arith.index_cast %add3A_86 : i32 to index
      %swap3A_88 = tpu.vector_load %arg10[%swap3A_87] {strides = array<i32>} : memref<3456xi32, #tpu.memory_space<vmem>>, vector<16xi32>,
      tpu.vector_store %arg10[%swap3A_87], %broadcast_in_dim3A_16 {strides = array<i32>} : memref<3456xi32, #tpu.memory_space<vmem>>, vector<16xi32>,
      %add3A_89 = arith.constant 64 : i32
      %add3A_90 = arith.addi %reduce_sum3A_14, %add3A_89 : i32
      %swap3A_91 = arith.index_cast %add3A_90 : i32 to index
      %swap3A_92 = tpu.vector_load %arg11[%swap3A_91] {strides = array<i32>} : memref<3456xi32, #tpu.memory_space<vmem>>, vector<16xi32>,
      tpu.vector_store %arg11[%swap3A_91], %broadcast_in_dim3A_18 {strides = array<i32>} : memref<3456xi32, #tpu.memory_space<vmem>>, vector<16xi32>,
      %add3A_93 = arith.constant 64 : i32
      %add3A_94 = arith.addi %reduce_sum3A_14, %add3A_93 : i32
      %swap3A_95 = arith.index_cast %add3A_94 : i32 to index
      %swap3A_96 = tpu.vector_load %arg12[%swap3A_95] {strides = array<i32>} : memref<3456xi32, #tpu.memory_space<vmem>>, vector<16xi32>,
      tpu.vector_store %arg12[%swap3A_95], %get3A_84 {strides = array<i32>} : memref<3456xi32, #tpu.memory_space<vmem>>, vector<16xi32>,
      %get3A_97 = arith.constant 0 : i32
      %get3A_98 = arith.index_cast %get3A_97 : i32 to index
      %get3A_99 = arith.constant 80 : index
      %get3A_100 = tpu.vector_load %arg8[%get3A_98, %get3A_99] {strides = array<i32>} : memref<16x256xi32, #tpu.memory_space<vmem>>, vector<16xi32>,
      %add3A_101 = arith.constant 80 : i32
      %add3A_102 = arith.addi %reduce_sum3A_14, %add3A_101 : i32
      %swap3A_103 = arith.index_cast %add3A_102 : i32 to index
      %swap3A_104 = tpu.vector_load %arg10[%swap3A_103] {strides = array<i32>} : memref<3456xi32, #tpu.memory_space<vmem>>, vector<16xi32>,
      tpu.vector_store %arg10[%swap3A_103], %broadcast_in_dim3A_16 {strides = array<i32>} : memref<3456xi32, #tpu.memory_space<vmem>>, vector<16xi32>,
      %add3A_105 = arith.constant 80 : i32
      %add3A_106 = arith.addi %reduce_sum3A_14, %add3A_105 : i32
      %swap3A_107 = arith.index_cast %add3A_106 : i32 to index
      %swap3A_108 = tpu.vector_load %arg11[%swap3A_107] {strides = array<i32>} : memref<3456xi32, #tpu.memory_space<vmem>>, vector<16xi32>,
      tpu.vector_store %arg11[%swap3A_107], %broadcast_in_dim3A_18 {strides = array<i32>} : memref<3456xi32, #tpu.memory_space<vmem>>, vector<16xi32>,
      %add3A_109 = arith.constant 80 : i32
      %add3A_110 = arith.addi %reduce_sum3A_14, %add3A_109 : i32
      %swap3A_111 = arith.index_cast %add3A_110 : i32 to index
      %swap3A_112 = tpu.vector_load %arg12[%swap3A_111] {strides = array<i32>} : memref<3456xi32, #tpu.memory_space<vmem>>, vector<16xi32>,
      tpu.vector_store %arg12[%swap3A_111], %get3A_100 {strides = array<i32>} : memref<3456xi32, #tpu.memory_space<vmem>>, vector<16xi32>,
      %get3A_113 = arith.constant 0 : i32
      %get3A_114 = arith.index_cast %get3A_113 : i32 to index
      %get3A_115 = arith.constant 96 : index
      %get3A_116 = tpu.vector_load %arg8[%get3A_114, %get3A_115] {strides = array<i32>} : memref<16x256xi32, #tpu.memory_space<vmem>>, vector<16xi32>,
      %add3A_117 = arith.constant 96 : i32
      %add3A_118 = arith.addi %reduce_sum3A_14, %add3A_117 : i32
      %swap3A_119 = arith.index_cast %add3A_118 : i32 to index
      %swap3A_120 = tpu.vector_load %arg10[%swap3A_119] {strides = array<i32>} : memref<3456xi32, #tpu.memory_space<vmem>>, vector<16xi32>,
      tpu.vector_store %arg10[%swap3A_119], %broadcast_in_dim3A_16 {strides = array<i32>} : memref<3456xi32, #tpu.memory_space<vmem>>, vector<16xi32>,
      %add3A_121 = arith.constant 96 : i32
      %add3A_122 = arith.addi %reduce_sum3A_14, %add3A_121 : i32
      %swap3A_123 = arith.index_cast %add3A_122 : i32 to index
      %swap3A_124 = tpu.vector_load %arg11[%swap3A_123] {strides = array<i32>} : memref<3456xi32, #tpu.memory_space<vmem>>, vector<16xi32>,
      tpu.vector_store %arg11[%swap3A_123], %broadcast_in_dim3A_18 {strides = array<i32>} : memref<3456xi32, #tpu.memory_space<vmem>>, vector<16xi32>,
      %add3A_125 = arith.constant 96 : i32
      %add3A_126 = arith.addi %reduce_sum3A_14, %add3A_125 : i32
      %swap3A_127 = arith.index_cast %add3A_126 : i32 to index
      %swap3A_128 = tpu.vector_load %arg12[%swap3A_127] {strides = array<i32>} : memref<3456xi32, #tpu.memory_space<vmem>>, vector<16xi32>,
      tpu.vector_store %arg12[%swap3A_127], %get3A_116 {strides = array<i32>} : memref<3456xi32, #tpu.memory_space<vmem>>, vector<16xi32>,
      %get3A_129 = arith.constant 0 : i32
      %get3A_130 = arith.index_cast %get3A_129 : i32 to index
      %get3A_131 = arith.constant 112 : index
      %get3A_132 = tpu.vector_load %arg8[%get3A_130, %get3A_131] {strides = array<i32>} : memref<16x256xi32, #tpu.memory_space<vmem>>, vector<16xi32>,
      %add3A_133 = arith.constant 112 : i32
      %add3A_134 = arith.addi %reduce_sum3A_14, %add3A_133 : i32
      %swap3A_135 = arith.index_cast %add3A_134 : i32 to index
      %swap3A_136 = tpu.vector_load %arg10[%swap3A_135] {strides = array<i32>} : memref<3456xi32, #tpu.memory_space<vmem>>, vector<16xi32>,
      tpu.vector_store %arg10[%swap3A_135], %broadcast_in_dim3A_16 {strides = array<i32>} : memref<3456xi32, #tpu.memory_space<vmem>>, vector<16xi32>,
      %add3A_137 = arith.constant 112 : i32
      %add3A_138 = arith.addi %reduce_sum3A_14, %add3A_137 : i32
      %swap3A_139 = arith.index_cast %add3A_138 : i32 to index
      %swap3A_140 = tpu.vector_load %arg11[%swap3A_139] {strides = array<i32>} : memref<3456xi32, #tpu.memory_space<vmem>>, vector<16xi32>,
      tpu.vector_store %arg11[%swap3A_139], %broadcast_in_dim3A_18 {strides = array<i32>} : memref<3456xi32, #tpu.memory_space<vmem>>, vector<16xi32>,
      %add3A_141 = arith.constant 112 : i32
      %add3A_142 = arith.addi %reduce_sum3A_14, %add3A_141 : i32
      %swap3A_143 = arith.index_cast %add3A_142 : i32 to index
      %swap3A_144 = tpu.vector_load %arg12[%swap3A_143] {strides = array<i32>} : memref<3456xi32, #tpu.memory_space<vmem>>, vector<16xi32>,
      tpu.vector_store %arg12[%swap3A_143], %get3A_132 {strides = array<i32>} : memref<3456xi32, #tpu.memory_space<vmem>>, vector<16xi32>,
      %get3A_145 = arith.constant 0 : i32
      %get3A_146 = arith.index_cast %get3A_145 : i32 to index
      %get3A_147 = arith.constant 128 : index
      %get3A_148 = tpu.vector_load %arg8[%get3A_146, %get3A_147] {strides = array<i32>} : memref<16x256xi32, #tpu.memory_space<vmem>>, vector<16xi32>,
      %add3A_149 = arith.constant 128 : i32
      %add3A_150 = arith.addi %reduce_sum3A_14, %add3A_149 : i32
      %swap3A_151 = arith.index_cast %add3A_150 : i32 to index
      %swap3A_152 = tpu.vector_load %arg10[%swap3A_151] {strides = array<i32>} : memref<3456xi32, #tpu.memory_space<vmem>>, vector<16xi32>,
      tpu.vector_store %arg10[%swap3A_151], %broadcast_in_dim3A_16 {strides = array<i32>} : memref<3456xi32, #tpu.memory_space<vmem>>, vector<16xi32>,
      %add3A_153 = arith.constant 128 : i32
      %add3A_154 = arith.addi %reduce_sum3A_14, %add3A_153 : i32
      %swap3A_155 = arith.index_cast %add3A_154 : i32 to index
      %swap3A_156 = tpu.vector_load %arg11[%swap3A_155] {strides = array<i32>} : memref<3456xi32, #tpu.memory_space<vmem>>, vector<16xi32>,
      tpu.vector_store %arg11[%swap3A_155], %broadcast_in_dim3A_18 {strides = array<i32>} : memref<3456xi32, #tpu.memory_space<vmem>>, vector<16xi32>,
      %add3A_157 = arith.constant 128 : i32
      %add3A_158 = arith.addi %reduce_sum3A_14, %add3A_157 : i32
      %swap3A_159 = arith.index_cast %add3A_158 : i32 to index
      %swap3A_160 = tpu.vector_load %arg12[%swap3A_159] {strides = array<i32>} : memref<3456xi32, #tpu.memory_space<vmem>>, vector<16xi32>,
      tpu.vector_store %arg12[%swap3A_159], %get3A_148 {strides = array<i32>} : memref<3456xi32, #tpu.memory_space<vmem>>, vector<16xi32>,
      %get3A_161 = arith.constant 0 : i32
      %get3A_162 = arith.index_cast %get3A_161 : i32 to index
      %get3A_163 = arith.constant 144 : index
      %get3A_164 = tpu.vector_load %arg8[%get3A_162, %get3A_163] {strides = array<i32>} : memref<16x256xi32, #tpu.memory_space<vmem>>, vector<16xi32>,
      %add3A_165 = arith.constant 144 : i32
      %add3A_166 = arith.addi %reduce_sum3A_14, %add3A_165 : i32
      %swap3A_167 = arith.index_cast %add3A_166 : i32 to index
      %swap3A_168 = tpu.vector_load %arg10[%swap3A_167] {strides = array<i32>} : memref<3456xi32, #tpu.memory_space<vmem>>, vector<16xi32>,
      tpu.vector_store %arg10[%swap3A_167], %broadcast_in_dim3A_16 {strides = array<i32>} : memref<3456xi32, #tpu.memory_space<vmem>>, vector<16xi32>,
      %add3A_169 = arith.constant 144 : i32
      %add3A_170 = arith.addi %reduce_sum3A_14, %add3A_169 : i32
      %swap3A_171 = arith.index_cast %add3A_170 : i32 to index
      %swap3A_172 = tpu.vector_load %arg11[%swap3A_171] {strides = array<i32>} : memref<3456xi32, #tpu.memory_space<vmem>>, vector<16xi32>,
      tpu.vector_store %arg11[%swap3A_171], %broadcast_in_dim3A_18 {strides = array<i32>} : memref<3456xi32, #tpu.memory_space<vmem>>, vector<16xi32>,
      %add3A_173 = arith.constant 144 : i32
      %add3A_174 = arith.addi %reduce_sum3A_14, %add3A_173 : i32
      %swap3A_175 = arith.index_cast %add3A_174 : i32 to index
      %swap3A_176 = tpu.vector_load %arg12[%swap3A_175] {strides = array<i32>} : memref<3456xi32, #tpu.memory_space<vmem>>, vector<16xi32>,
      tpu.vector_store %arg12[%swap3A_175], %get3A_164 {strides = array<i32>} : memref<3456xi32, #tpu.memory_space<vmem>>, vector<16xi32>,
      %get3A_177 = arith.constant 0 : i32
      %get3A_178 = arith.index_cast %get3A_177 : i32 to index
      %get3A_179 = arith.constant 160 : index
      %get3A_180 = tpu.vector_load %arg8[%get3A_178, %get3A_179] {strides = array<i32>} : memref<16x256xi32, #tpu.memory_space<vmem>>, vector<16xi32>,
      %add3A_181 = arith.constant 160 : i32
      %add3A_182 = arith.addi %reduce_sum3A_14, %add3A_181 : i32
      %swap3A_183 = arith.index_cast %add3A_182 : i32 to index
      %swap3A_184 = tpu.vector_load %arg10[%swap3A_183] {strides = array<i32>} : memref<3456xi32, #tpu.memory_space<vmem>>, vector<16xi32>,
      tpu.vector_store %arg10[%swap3A_183], %broadcast_in_dim3A_16 {strides = array<i32>} : memref<3456xi32, #tpu.memory_space<vmem>>, vector<16xi32>,
      %add3A_185 = arith.constant 160 : i32
      %add3A_186 = arith.addi %reduce_sum3A_14, %add3A_185 : i32
      %swap3A_187 = arith.index_cast %add3A_186 : i32 to index
      %swap3A_188 = tpu.vector_load %arg11[%swap3A_187] {strides = array<i32>} : memref<3456xi32, #tpu.memory_space<vmem>>, vector<16xi32>,
      tpu.vector_store %arg11[%swap3A_187], %broadcast_in_dim3A_18 {strides = array<i32>} : memref<3456xi32, #tpu.memory_space<vmem>>, vector<16xi32>,
      %add3A_189 = arith.constant 160 : i32
      %add3A_190 = arith.addi %reduce_sum3A_14, %add3A_189 : i32
      %swap3A_191 = arith.index_cast %add3A_190 : i32 to index
      %swap3A_192 = tpu.vector_load %arg12[%swap3A_191] {strides = array<i32>} : memref<3456xi32, #tpu.memory_space<vmem>>, vector<16xi32>,
      tpu.vector_store %arg12[%swap3A_191], %get3A_180 {strides = array<i32>} : memref<3456xi32, #tpu.memory_space<vmem>>, vector<16xi32>,
      %get3A_193 = arith.constant 0 : i32
      %get3A_194 = arith.index_cast %get3A_193 : i32 to index
      %get3A_195 = arith.constant 176 : index
      %get3A_196 = tpu.vector_load %arg8[%get3A_194, %get3A_195] {strides = array<i32>} : memref<16x256xi32, #tpu.memory_space<vmem>>, vector<16xi32>,
      %add3A_197 = arith.constant 176 : i32
      %add3A_198 = arith.addi %reduce_sum3A_14, %add3A_197 : i32
      %swap3A_199 = arith.index_cast %add3A_198 : i32 to index
      %swap3A_200 = tpu.vector_load %arg10[%swap3A_199] {strides = array<i32>} : memref<3456xi32, #tpu.memory_space<vmem>>, vector<16xi32>,
      tpu.vector_store %arg10[%swap3A_199], %broadcast_in_dim3A_16 {strides = array<i32>} : memref<3456xi32, #tpu.memory_space<vmem>>, vector<16xi32>,
      %add3A_201 = arith.constant 176 : i32
      %add3A_202 = arith.addi %reduce_sum3A_14, %add3A_201 : i32
      %swap3A_203 = arith.index_cast %add3A_202 : i32 to index
      %swap3A_204 = tpu.vector_load %arg11[%swap3A_203] {strides = array<i32>} : memref<3456xi32, #tpu.memory_space<vmem>>, vector<16xi32>,
      tpu.vector_store %arg11[%swap3A_203], %broadcast_in_dim3A_18 {strides = array<i32>} : memref<3456xi32, #tpu.memory_space<vmem>>, vector<16xi32>,
      %add3A_205 = arith.constant 176 : i32
      %add3A_206 = arith.addi %reduce_sum3A_14, %add3A_205 : i32
      %swap3A_207 = arith.index_cast %add3A_206 : i32 to index
      %swap3A_208 = tpu.vector_load %arg12[%swap3A_207] {strides = array<i32>} : memref<3456xi32, #tpu.memory_space<vmem>>, vector<16xi32>,
      tpu.vector_store %arg12[%swap3A_207], %get3A_196 {strides = array<i32>} : memref<3456xi32, #tpu.memory_space<vmem>>, vector<16xi32>,
      %get3A_209 = arith.constant 0 : i32
      %get3A_210 = arith.index_cast %get3A_209 : i32 to index
      %get3A_211 = arith.constant 192 : index
      %get3A_212 = tpu.vector_load %arg8[%get3A_210, %get3A_211] {strides = array<i32>} : memref<16x256xi32, #tpu.memory_space<vmem>>, vector<16xi32>,
      %add3A_213 = arith.constant 192 : i32
      %add3A_214 = arith.addi %reduce_sum3A_14, %add3A_213 : i32
      %swap3A_215 = arith.index_cast %add3A_214 : i32 to index
      %swap3A_216 = tpu.vector_load %arg10[%swap3A_215] {strides = array<i32>} : memref<3456xi32, #tpu.memory_space<vmem>>, vector<16xi32>,
      tpu.vector_store %arg10[%swap3A_215], %broadcast_in_dim3A_16 {strides = array<i32>} : memref<3456xi32, #tpu.memory_space<vmem>>, vector<16xi32>,
      %add3A_217 = arith.constant 192 : i32
      %add3A_218 = arith.addi %reduce_sum3A_14, %add3A_217 : i32
      %swap3A_219 = arith.index_cast %add3A_218 : i32 to index
      %swap3A_220 = tpu.vector_load %arg11[%swap3A_219] {strides = array<i32>} : memref<3456xi32, #tpu.memory_space<vmem>>, vector<16xi32>,
      tpu.vector_store %arg11[%swap3A_219], %broadcast_in_dim3A_18 {strides = array<i32>} : memref<3456xi32, #tpu.memory_space<vmem>>, vector<16xi32>,
      %add3A_221 = arith.constant 192 : i32
      %add3A_222 = arith.addi %reduce_sum3A_14, %add3A_221 : i32
      %swap3A_223 = arith.index_cast %add3A_222 : i32 to index
      %swap3A_224 = tpu.vector_load %arg12[%swap3A_223] {strides = array<i32>} : memref<3456xi32, #tpu.memory_space<vmem>>, vector<16xi32>,
      tpu.vector_store %arg12[%swap3A_223], %get3A_212 {strides = array<i32>} : memref<3456xi32, #tpu.memory_space<vmem>>, vector<16xi32>,
      %eq3A_225 = arith.constant 1 : i32
      %eq3A_226 = vector.broadcast %eq3A_225 : i32 to vector<16xi32>
      %eq3A_227 = arith.cmpi eq, %iota3A, %eq3A_226 : vector<16xi32>
      %jit3A_228 = arith.constant 0 : i32
      %broadcast_in_dim3A_229 = vector.broadcast %jit3A_228 : i32 to vector<16xi32>
      %select_n3A_230 = arith.select %eq3A_227, %sub3A, %broadcast_in_dim3A_229 : vector<16xi1>, vector<16xi32>
      %reduce_sum3A_231 = arith.constant true
      %reduce_sum3A_232 = vector.broadcast %reduce_sum3A_231 : i1 to vector<16xi1>
      %reduce_sum3A_233 = tpu.scan <sum>, %select_n3A_230 masked %reduce_sum3A_232 : vector<16xi32>, vector<16xi1> -> vector<16xi32>
      %reduce_sum3A_234 = vector.extract %reduce_sum3A_233[15] : i32 from vector<16xi32>
      %broadcast_in_dim3A_235 = arith.constant 0 : i32
      %broadcast_in_dim3A_236 = vector.broadcast %broadcast_in_dim3A_235 : i32 to vector<16xi32>
      %broadcast_in_dim3A_237 = arith.constant 1 : i32
      %broadcast_in_dim3A_238 = vector.broadcast %broadcast_in_dim3A_237 : i32 to vector<16xi32>
      %get3A_239 = arith.constant 1 : i32
      %get3A_240 = arith.index_cast %get3A_239 : i32 to index
      %get3A_241 = arith.constant 0 : index
      %get3A_242 = tpu.vector_load %arg8[%get3A_240, %get3A_241] {strides = array<i32>} : memref<16x256xi32, #tpu.memory_space<vmem>>, vector<16xi32>,
      %add3A_243 = arith.constant 0 : i32
      %add3A_244 = arith.addi %reduce_sum3A_234, %add3A_243 : i32
      %swap3A_245 = arith.index_cast %add3A_244 : i32 to index
      %swap3A_246 = tpu.vector_load %arg10[%swap3A_245] {strides = array<i32>} : memref<3456xi32, #tpu.memory_space<vmem>>, vector<16xi32>,
      tpu.vector_store %arg10[%swap3A_245], %broadcast_in_dim3A_236 {strides = array<i32>} : memref<3456xi32, #tpu.memory_space<vmem>>, vector<16xi32>,
      %add3A_247 = arith.constant 0 : i32
      %add3A_248 = arith.addi %reduce_sum3A_234, %add3A_247 : i32
      %swap3A_249 = arith.index_cast %add3A_248 : i32 to index
      %swap3A_250 = tpu.vector_load %arg11[%swap3A_249] {strides = array<i32>} : memref<3456xi32, #tpu.memory_space<vmem>>, vector<16xi32>,
      tpu.vector_store %arg11[%swap3A_249], %broadcast_in_dim3A_238 {strides = array<i32>} : memref<3456xi32, #tpu.memory_space<vmem>>, vector<16xi32>,
      %add3A_251 = arith.constant 0 : i32
      %add3A_252 = arith.addi %reduce_sum3A_234, %add3A_251 : i32
      %swap3A_253 = arith.index_cast %add3A_252 : i32 to index
      %swap3A_254 = tpu.vector_load %arg12[%swap3A_253] {strides = array<i32>} : memref<3456xi32, #tpu.memory_space<vmem>>, vector<16xi32>,
      tpu.vector_store %arg12[%swap3A_253], %get3A_242 {strides = array<i32>} : memref<3456xi32, #tpu.memory_space<vmem>>, vector<16xi32>,
      %get3A_255 = arith.constant 1 : i32
      %get3A_256 = arith.index_cast %get3A_255 : i32 to index
      %get3A_257 = arith.constant 16 : index
      %get3A_258 = tpu.vector_load %arg8[%get3A_256, %get3A_257] {strides = array<i32>} : memref<16x256xi32, #tpu.memory_space<vmem>>, vector<16xi32>,
      %add3A_259 = arith.constant 16 : i32
      %add3A_260 = arith.addi %reduce_sum3A_234, %add3A_259 : i32
      %swap3A_261 = arith.index_cast %add3A_260 : i32 to index
      %swap3A_262 = tpu.vector_load %arg10[%swap3A_261] {strides = array<i32>} : memref<3456xi32, #tpu.memory_space<vmem>>, vector<16xi32>,
      tpu.vector_store %arg10[%swap3A_261], %broadcast_in_dim3A_236 {strides = array<i32>} : memref<3456xi32, #tpu.memory_space<vmem>>, vector<16xi32>,
      %add3A_263 = arith.constant 16 : i32
      %add3A_264 = arith.addi %reduce_sum3A_234, %add3A_263 : i32
      %swap3A_265 = arith.index_cast %add3A_264 : i32 to index
      %swap3A_266 = tpu.vector_load %arg11[%swap3A_265] {strides = array<i32>} : memref<3456xi32, #tpu.memory_space<vmem>>, vector<16xi32>,
      tpu.vector_store %arg11[%swap3A_265], %broadcast_in_dim3A_238 {strides = array<i32>} : memref<3456xi32, #tpu.memory_space<vmem>>, vector<16xi32>,
      %add3A_267 = arith.constant 16 : i32
      %add3A_268 = arith.addi %reduce_sum3A_234, %add3A_267 : i32
      %swap3A_269 = arith.index_cast %add3A_268 : i32 to index
      %swap3A_270 = tpu.vector_load %arg12[%swap3A_269] {strides = array<i32>} : memref<3456xi32, #tpu.memory_space<vmem>>, vector<16xi32>,
      tpu.vector_store %arg12[%swap3A_269], %get3A_258 {strides = array<i32>} : memref<3456xi32, #tpu.memory_space<vmem>>, vector<16xi32>,
      %get3A_271 = arith.constant 1 : i32
      %get3A_272 = arith.index_cast %get3A_271 : i32 to index
      %get3A_273 = arith.constant 32 : index
      %get3A_274 = tpu.vector_load %arg8[%get3A_272, %get3A_273] {strides = array<i32>} : memref<16x256xi32, #tpu.memory_space<vmem>>, vector<16xi32>,
      %add3A_275 = arith.constant 32 : i32
      %add3A_276 = arith.addi %reduce_sum3A_234, %add3A_275 : i32
      %swap3A_277 = arith.index_cast %add3A_276 : i32 to index
      %swap3A_278 = tpu.vector_load %arg10[%swap3A_277] {strides = array<i32>} : memref<3456xi32, #tpu.memory_space<vmem>>, vector<16xi32>,
      tpu.vector_store %arg10[%swap3A_277], %broadcast_in_dim3A_236 {strides = array<i32>} : memref<3456xi32, #tpu.memory_space<vmem>>, vector<16xi32>,
      %add3A_279 = arith.constant 32 : i32
      %add3A_280 = arith.addi %reduce_sum3A_234, %add3A_279 : i32
      %swap3A_281 = arith.index_cast %add3A_280 : i32 to index
      %swap3A_282 = tpu.vector_load %arg11[%swap3A_281] {strides = array<i32>} : memref<3456xi32, #tpu.memory_space<vmem>>, vector<16xi32>,
      tpu.vector_store %arg11[%swap3A_281], %broadcast_in_dim3A_238 {strides = array<i32>} : memref<3456xi32, #tpu.memory_space<vmem>>, vector<16xi32>,
      %add3A_283 = arith.constant 32 : i32
      %add3A_284 = arith.addi %reduce_sum3A_234, %add3A_283 : i32
      %swap3A_285 = arith.index_cast %add3A_284 : i32 to index
      %swap3A_286 = tpu.vector_load %arg12[%swap3A_285] {strides = array<i32>} : memref<3456xi32, #tpu.memory_space<vmem>>, vector<16xi32>,
      tpu.vector_store %arg12[%swap3A_285], %get3A_274 {strides = array<i32>} : memref<3456xi32, #tpu.memory_space<vmem>>, vector<16xi32>,
      %get3A_287 = arith.constant 1 : i32
      %get3A_288 = arith.index_cast %get3A_287 : i32 to index
      %get3A_289 = arith.constant 48 : index
      %get3A_290 = tpu.vector_load %arg8[%get3A_288, %get3A_289] {strides = array<i32>} : memref<16x256xi32, #tpu.memory_space<vmem>>, vector<16xi32>,
      %add3A_291 = arith.constant 48 : i32
      %add3A_292 = arith.addi %reduce_sum3A_234, %add3A_291 : i32
      %swap3A_293 = arith.index_cast %add3A_292 : i32 to index
      %swap3A_294 = tpu.vector_load %arg10[%swap3A_293] {strides = array<i32>} : memref<3456xi32, #tpu.memory_space<vmem>>, vector<16xi32>,
      tpu.vector_store %arg10[%swap3A_293], %broadcast_in_dim3A_236 {strides = array<i32>} : memref<3456xi32, #tpu.memory_space<vmem>>, vector<16xi32>,
      %add3A_295 = arith.constant 48 : i32
      %add3A_296 = arith.addi %reduce_sum3A_234, %add3A_295 : i32
      %swap3A_297 = arith.index_cast %add3A_296 : i32 to index
      %swap3A_298 = tpu.vector_load %arg11[%swap3A_297] {strides = array<i32>} : memref<3456xi32, #tpu.memory_space<vmem>>, vector<16xi32>,
      tpu.vector_store %arg11[%swap3A_297], %broadcast_in_dim3A_238 {strides = array<i32>} : memref<3456xi32, #tpu.memory_space<vmem>>, vector<16xi32>,
      %add3A_299 = arith.constant 48 : i32
      %add3A_300 = arith.addi %reduce_sum3A_234, %add3A_299 : i32
      %swap3A_301 = arith.index_cast %add3A_300 : i32 to index
      %swap3A_302 = tpu.vector_load %arg12[%swap3A_301] {strides = array<i32>} : memref<3456xi32, #tpu.memory_space<vmem>>, vector<16xi32>,
      tpu.vector_store %arg12[%swap3A_301], %get3A_290 {strides = array<i32>} : memref<3456xi32, #tpu.memory_space<vmem>>, vector<16xi32>,
      %get3A_303 = arith.constant 1 : i32
      %get3A_304 = arith.index_cast %get3A_303 : i32 to index
      %get3A_305 = arith.constant 64 : index
      %get3A_306 = tpu.vector_load %arg8[%get3A_304, %get3A_305] {strides = array<i32>} : memref<16x256xi32, #tpu.memory_space<vmem>>, vector<16xi32>,
      %add3A_307 = arith.constant 64 : i32
      %add3A_308 = arith.addi %reduce_sum3A_234, %add3A_307 : i32
      %swap3A_309 = arith.index_cast %add3A_308 : i32 to index
      %swap3A_310 = tpu.vector_load %arg10[%swap3A_309] {strides = array<i32>} : memref<3456xi32, #tpu.memory_space<vmem>>, vector<16xi32>,
      tpu.vector_store %arg10[%swap3A_309], %broadcast_in_dim3A_236 {strides = array<i32>} : memref<3456xi32, #tpu.memory_space<vmem>>, vector<16xi32>,
      %add3A_311 = arith.constant 64 : i32
      %add3A_312 = arith.addi %reduce_sum3A_234, %add3A_311 : i32
      %swap3A_313 = arith.index_cast %add3A_312 : i32 to index
      %swap3A_314 = tpu.vector_load %arg11[%swap3A_313] {strides = array<i32>} : memref<3456xi32, #tpu.memory_space<vmem>>, vector<16xi32>,
      tpu.vector_store %arg11[%swap3A_313], %broadcast_in_dim3A_238 {strides = array<i32>} : memref<3456xi32, #tpu.memory_space<vmem>>, vector<16xi32>,
      %add3A_315 = arith.constant 64 : i32
      %add3A_316 = arith.addi %reduce_sum3A_234, %add3A_315 : i32
      %swap3A_317 = arith.index_cast %add3A_316 : i32 to index
      %swap3A_318 = tpu.vector_load %arg12[%swap3A_317] {strides = array<i32>} : memref<3456xi32, #tpu.memory_space<vmem>>, vector<16xi32>,
      tpu.vector_store %arg12[%swap3A_317], %get3A_306 {strides = array<i32>} : memref<3456xi32, #tpu.memory_space<vmem>>, vector<16xi32>,
      %get3A_319 = arith.constant 1 : i32
      %get3A_320 = arith.index_cast %get3A_319 : i32 to index
      %get3A_321 = arith.constant 80 : index
      %get3A_322 = tpu.vector_load %arg8[%get3A_320, %get3A_321] {strides = array<i32>} : memref<16x256xi32, #tpu.memory_space<vmem>>, vector<16xi32>,
      %add3A_323 = arith.constant 80 : i32
      %add3A_324 = arith.addi %reduce_sum3A_234, %add3A_323 : i32
      %swap3A_325 = arith.index_cast %add3A_324 : i32 to index
      %swap3A_326 = tpu.vector_load %arg10[%swap3A_325] {strides = array<i32>} : memref<3456xi32, #tpu.memory_space<vmem>>, vector<16xi32>,
      tpu.vector_store %arg10[%swap3A_325], %broadcast_in_dim3A_236 {strides = array<i32>} : memref<3456xi32, #tpu.memory_space<vmem>>, vector<16xi32>,
      %add3A_327 = arith.constant 80 : i32
      %add3A_328 = arith.addi %reduce_sum3A_234, %add3A_327 : i32
      %swap3A_329 = arith.index_cast %add3A_328 : i32 to index
      %swap3A_330 = tpu.vector_load %arg11[%swap3A_329] {strides = array<i32>} : memref<3456xi32, #tpu.memory_space<vmem>>, vector<16xi32>,
      tpu.vector_store %arg11[%swap3A_329], %broadcast_in_dim3A_238 {strides = array<i32>} : memref<3456xi32, #tpu.memory_space<vmem>>, vector<16xi32>,
      %add3A_331 = arith.constant 80 : i32
      %add3A_332 = arith.addi %reduce_sum3A_234, %add3A_331 : i32
      %swap3A_333 = arith.index_cast %add3A_332 : i32 to index
      %swap3A_334 = tpu.vector_load %arg12[%swap3A_333] {strides = array<i32>} : memref<3456xi32, #tpu.memory_space<vmem>>, vector<16xi32>,
      tpu.vector_store %arg12[%swap3A_333], %get3A_322 {strides = array<i32>} : memref<3456xi32, #tpu.memory_space<vmem>>, vector<16xi32>,
      %get3A_335 = arith.constant 1 : i32
      %get3A_336 = arith.index_cast %get3A_335 : i32 to index
      %get3A_337 = arith.constant 96 : index
      %get3A_338 = tpu.vector_load %arg8[%get3A_336, %get3A_337] {strides = array<i32>} : memref<16x256xi32, #tpu.memory_space<vmem>>, vector<16xi32>,
      %add3A_339 = arith.constant 96 : i32
      %add3A_340 = arith.addi %reduce_sum3A_234, %add3A_339 : i32
      %swap3A_341 = arith.index_cast %add3A_340 : i32 to index
      %swap3A_342 = tpu.vector_load %arg10[%swap3A_341] {strides = array<i32>} : memref<3456xi32, #tpu.memory_space<vmem>>, vector<16xi32>,
      tpu.vector_store %arg10[%swap3A_341], %broadcast_in_dim3A_236 {strides = array<i32>} : memref<3456xi32, #tpu.memory_space<vmem>>, vector<16xi32>,
      %add3A_343 = arith.constant 96 : i32
      %add3A_344 = arith.addi %reduce_sum3A_234, %add3A_343 : i32
      %swap3A_345 = arith.index_cast %add3A_344 : i32 to index
      %swap3A_346 = tpu.vector_load %arg11[%swap3A_345] {strides = array<i32>} : memref<3456xi32, #tpu.memory_space<vmem>>, vector<16xi32>,
      tpu.vector_store %arg11[%swap3A_345], %broadcast_in_dim3A_238 {strides = array<i32>} : memref<3456xi32, #tpu.memory_space<vmem>>, vector<16xi32>,
      %add3A_347 = arith.constant 96 : i32
      %add3A_348 = arith.addi %reduce_sum3A_234, %add3A_347 : i32
      %swap3A_349 = arith.index_cast %add3A_348 : i32 to index
      %swap3A_350 = tpu.vector_load %arg12[%swap3A_349] {strides = array<i32>} : memref<3456xi32, #tpu.memory_space<vmem>>, vector<16xi32>,
      tpu.vector_store %arg12[%swap3A_349], %get3A_338 {strides = array<i32>} : memref<3456xi32, #tpu.memory_space<vmem>>, vector<16xi32>,
      %get3A_351 = arith.constant 1 : i32
      %get3A_352 = arith.index_cast %get3A_351 : i32 to index
      %get3A_353 = arith.constant 112 : index
      %get3A_354 = tpu.vector_load %arg8[%get3A_352, %get3A_353] {strides = array<i32>} : memref<16x256xi32, #tpu.memory_space<vmem>>, vector<16xi32>,
      %add3A_355 = arith.constant 112 : i32
      %add3A_356 = arith.addi %reduce_sum3A_234, %add3A_355 : i32
      %swap3A_357 = arith.index_cast %add3A_356 : i32 to index
      %swap3A_358 = tpu.vector_load %arg10[%swap3A_357] {strides = array<i32>} : memref<3456xi32, #tpu.memory_space<vmem>>, vector<16xi32>,
      tpu.vector_store %arg10[%swap3A_357], %broadcast_in_dim3A_236 {strides = array<i32>} : memref<3456xi32, #tpu.memory_space<vmem>>, vector<16xi32>,
      %add3A_359 = arith.constant 112 : i32
      %add3A_360 = arith.addi %reduce_sum3A_234, %add3A_359 : i32
      %swap3A_361 = arith.index_cast %add3A_360 : i32 to index
      %swap3A_362 = tpu.vector_load %arg11[%swap3A_361] {strides = array<i32>} : memref<3456xi32, #tpu.memory_space<vmem>>, vector<16xi32>,
      tpu.vector_store %arg11[%swap3A_361], %broadcast_in_dim3A_238 {strides = array<i32>} : memref<3456xi32, #tpu.memory_space<vmem>>, vector<16xi32>,
      %add3A_363 = arith.constant 112 : i32
      %add3A_364 = arith.addi %reduce_sum3A_234, %add3A_363 : i32
      %swap3A_365 = arith.index_cast %add3A_364 : i32 to index
      %swap3A_366 = tpu.vector_load %arg12[%swap3A_365] {strides = array<i32>} : memref<3456xi32, #tpu.memory_space<vmem>>, vector<16xi32>,
      tpu.vector_store %arg12[%swap3A_365], %get3A_354 {strides = array<i32>} : memref<3456xi32, #tpu.memory_space<vmem>>, vector<16xi32>,
      %get3A_367 = arith.constant 1 : i32
      %get3A_368 = arith.index_cast %get3A_367 : i32 to index
      %get3A_369 = arith.constant 128 : index
      %get3A_370 = tpu.vector_load %arg8[%get3A_368, %get3A_369] {strides = array<i32>} : memref<16x256xi32, #tpu.memory_space<vmem>>, vector<16xi32>,
      %add3A_371 = arith.constant 128 : i32
      %add3A_372 = arith.addi %reduce_sum3A_234, %add3A_371 : i32
      %swap3A_373 = arith.index_cast %add3A_372 : i32 to index
      %swap3A_374 = tpu.vector_load %arg10[%swap3A_373] {strides = array<i32>} : memref<3456xi32, #tpu.memory_space<vmem>>, vector<16xi32>,
      tpu.vector_store %arg10[%swap3A_373], %broadcast_in_dim3A_236 {strides = array<i32>} : memref<3456xi32, #tpu.memory_space<vmem>>, vector<16xi32>,
      %add3A_375 = arith.constant 128 : i32
      %add3A_376 = arith.addi %reduce_sum3A_234, %add3A_375 : i32
      %swap3A_377 = arith.index_cast %add3A_376 : i32 to index
      %swap3A_378 = tpu.vector_load %arg11[%swap3A_377] {strides = array<i32>} : memref<3456xi32, #tpu.memory_space<vmem>>, vector<16xi32>,
      tpu.vector_store %arg11[%swap3A_377], %broadcast_in_dim3A_238 {strides = array<i32>} : memref<3456xi32, #tpu.memory_space<vmem>>, vector<16xi32>,
      %add3A_379 = arith.constant 128 : i32
      %add3A_380 = arith.addi %reduce_sum3A_234, %add3A_379 : i32
      %swap3A_381 = arith.index_cast %add3A_380 : i32 to index
      %swap3A_382 = tpu.vector_load %arg12[%swap3A_381] {strides = array<i32>} : memref<3456xi32, #tpu.memory_space<vmem>>, vector<16xi32>,
      tpu.vector_store %arg12[%swap3A_381], %get3A_370 {strides = array<i32>} : memref<3456xi32, #tpu.memory_space<vmem>>, vector<16xi32>,
      %get3A_383 = arith.constant 1 : i32
      %get3A_384 = arith.index_cast %get3A_383 : i32 to index
      %get3A_385 = arith.constant 144 : index
      %get3A_386 = tpu.vector_load %arg8[%get3A_384, %get3A_385] {strides = array<i32>} : memref<16x256xi32, #tpu.memory_space<vmem>>, vector<16xi32>,
      %add3A_387 = arith.constant 144 : i32
      %add3A_388 = arith.addi %reduce_sum3A_234, %add3A_387 : i32
      %swap3A_389 = arith.index_cast %add3A_388 : i32 to index
      %swap3A_390 = tpu.vector_load %arg10[%swap3A_389] {strides = array<i32>} : memref<3456xi32, #tpu.memory_space<vmem>>, vector<16xi32>,
      tpu.vector_store %arg10[%swap3A_389], %broadcast_in_dim3A_236 {strides = array<i32>} : memref<3456xi32, #tpu.memory_space<vmem>>, vector<16xi32>,
      %add3A_391 = arith.constant 144 : i32
      %add3A_392 = arith.addi %reduce_sum3A_234, %add3A_391 : i32
      %swap3A_393 = arith.index_cast %add3A_392 : i32 to index
      %swap3A_394 = tpu.vector_load %arg11[%swap3A_393] {strides = array<i32>} : memref<3456xi32, #tpu.memory_space<vmem>>, vector<16xi32>,
      tpu.vector_store %arg11[%swap3A_393], %broadcast_in_dim3A_238 {strides = array<i32>} : memref<3456xi32, #tpu.memory_space<vmem>>, vector<16xi32>,
      %add3A_395 = arith.constant 144 : i32
      %add3A_396 = arith.addi %reduce_sum3A_234, %add3A_395 : i32
      %swap3A_397 = arith.index_cast %add3A_396 : i32 to index
      %swap3A_398 = tpu.vector_load %arg12[%swap3A_397] {strides = array<i32>} : memref<3456xi32, #tpu.memory_space<vmem>>, vector<16xi32>,
      tpu.vector_store %arg12[%swap3A_397], %get3A_386 {strides = array<i32>} : memref<3456xi32, #tpu.memory_space<vmem>>, vector<16xi32>,
      %get3A_399 = arith.constant 1 : i32
      %get3A_400 = arith.index_cast %get3A_399 : i32 to index
      %get3A_401 = arith.constant 160 : index
      %get3A_402 = tpu.vector_load %arg8[%get3A_400, %get3A_401] {strides = array<i32>} : memref<16x256xi32, #tpu.memory_space<vmem>>, vector<16xi32>,
      %add3A_403 = arith.constant 160 : i32
      %add3A_404 = arith.addi %reduce_sum3A_234, %add3A_403 : i32
      %swap3A_405 = arith.index_cast %add3A_404 : i32 to index
      %swap3A_406 = tpu.vector_load %arg10[%swap3A_405] {strides = array<i32>} : memref<3456xi32, #tpu.memory_space<vmem>>, vector<16xi32>,
      tpu.vector_store %arg10[%swap3A_405], %broadcast_in_dim3A_236 {strides = array<i32>} : memref<3456xi32, #tpu.memory_space<vmem>>, vector<16xi32>,
      %add3A_407 = arith.constant 160 : i32
      %add3A_408 = arith.addi %reduce_sum3A_234, %add3A_407 : i32
      %swap3A_409 = arith.index_cast %add3A_408 : i32 to index
      %swap3A_410 = tpu.vector_load %arg11[%swap3A_409] {strides = array<i32>} : memref<3456xi32, #tpu.memory_space<vmem>>, vector<16xi32>,
      tpu.vector_store %arg11[%swap3A_409], %broadcast_in_dim3A_238 {strides = array<i32>} : memref<3456xi32, #tpu.memory_space<vmem>>, vector<16xi32>,
      %add3A_411 = arith.constant 160 : i32
      %add3A_412 = arith.addi %reduce_sum3A_234, %add3A_411 : i32
      %swap3A_413 = arith.index_cast %add3A_412 : i32 to index
      %swap3A_414 = tpu.vector_load %arg12[%swap3A_413] {strides = array<i32>} : memref<3456xi32, #tpu.memory_space<vmem>>, vector<16xi32>,
      tpu.vector_store %arg12[%swap3A_413], %get3A_402 {strides = array<i32>} : memref<3456xi32, #tpu.memory_space<vmem>>, vector<16xi32>,
      %get3A_415 = arith.constant 1 : i32
      %get3A_416 = arith.index_cast %get3A_415 : i32 to index
      %get3A_417 = arith.constant 176 : index
      %get3A_418 = tpu.vector_load %arg8[%get3A_416, %get3A_417] {strides = array<i32>} : memref<16x256xi32, #tpu.memory_space<vmem>>, vector<16xi32>,
      %add3A_419 = arith.constant 176 : i32
      %add3A_420 = arith.addi %reduce_sum3A_234, %add3A_419 : i32
      %swap3A_421 = arith.index_cast %add3A_420 : i32 to index
      %swap3A_422 = tpu.vector_load %arg10[%swap3A_421] {strides = array<i32>} : memref<3456xi32, #tpu.memory_space<vmem>>, vector<16xi32>,
      tpu.vector_store %arg10[%swap3A_421], %broadcast_in_dim3A_236 {strides = array<i32>} : memref<3456xi32, #tpu.memory_space<vmem>>, vector<16xi32>,
      %add3A_423 = arith.constant 176 : i32
      %add3A_424 = arith.addi %reduce_sum3A_234, %add3A_423 : i32
      %swap3A_425 = arith.index_cast %add3A_424 : i32 to index
      %swap3A_426 = tpu.vector_load %arg11[%swap3A_425] {strides = array<i32>} : memref<3456xi32, #tpu.memory_space<vmem>>, vector<16xi32>,
      tpu.vector_store %arg11[%swap3A_425], %broadcast_in_dim3A_238 {strides = array<i32>} : memref<3456xi32, #tpu.memory_space<vmem>>, vector<16xi32>,
      %add3A_427 = arith.constant 176 : i32
      %add3A_428 = arith.addi %reduce_sum3A_234, %add3A_427 : i32
      %swap3A_429 = arith.index_cast %add3A_428 : i32 to index
      %swap3A_430 = tpu.vector_load %arg12[%swap3A_429] {strides = array<i32>} : memref<3456xi32, #tpu.memory_space<vmem>>, vector<16xi32>,
      tpu.vector_store %arg12[%swap3A_429], %get3A_418 {strides = array<i32>} : memref<3456xi32, #tpu.memory_space<vmem>>, vector<16xi32>,
      %get3A_431 = arith.constant 1 : i32
      %get3A_432 = arith.index_cast %get3A_431 : i32 to index
      %get3A_433 = arith.constant 192 : index
      %get3A_434 = tpu.vector_load %arg8[%get3A_432, %get3A_433] {strides = array<i32>} : memref<16x256xi32, #tpu.memory_space<vmem>>, vector<16xi32>,
      %add3A_435 = arith.constant 192 : i32
      %add3A_436 = arith.addi %reduce_sum3A_234, %add3A_435 : i32
      %swap3A_437 = arith.index_cast %add3A_436 : i32 to index
      %swap3A_438 = tpu.vector_load %arg10[%swap3A_437] {strides = array<i32>} : memref<3456xi32, #tpu.memory_space<vmem>>, vector<16xi32>,
      tpu.vector_store %arg10[%swap3A_437], %broadcast_in_dim3A_236 {strides = array<i32>} : memref<3456xi32, #tpu.memory_space<vmem>>, vector<16xi32>,
      %add3A_439 = arith.constant 192 : i32
      %add3A_440 = arith.addi %reduce_sum3A_234, %add3A_439 : i32
      %swap3A_441 = arith.index_cast %add3A_440 : i32 to index
      %swap3A_442 = tpu.vector_load %arg11[%swap3A_441] {strides = array<i32>} : memref<3456xi32, #tpu.memory_space<vmem>>, vector<16xi32>,
      tpu.vector_store %arg11[%swap3A_441], %broadcast_in_dim3A_238 {strides = array<i32>} : memref<3456xi32, #tpu.memory_space<vmem>>, vector<16xi32>,
      %add3A_443 = arith.constant 192 : i32
      %add3A_444 = arith.addi %reduce_sum3A_234, %add3A_443 : i32
      %swap3A_445 = arith.index_cast %add3A_444 : i32 to index
      %swap3A_446 = tpu.vector_load %arg12[%swap3A_445] {strides = array<i32>} : memref<3456xi32, #tpu.memory_space<vmem>>, vector<16xi32>,
      tpu.vector_store %arg12[%swap3A_445], %get3A_434 {strides = array<i32>} : memref<3456xi32, #tpu.memory_space<vmem>>, vector<16xi32>,
      %eq3A_447 = arith.constant 2 : i32
      %eq3A_448 = vector.broadcast %eq3A_447 : i32 to vector<16xi32>
      %eq3A_449 = arith.cmpi eq, %iota3A, %eq3A_448 : vector<16xi32>
      %jit3A_450 = arith.constant 0 : i32
      %broadcast_in_dim3A_451 = vector.broadcast %jit3A_450 : i32 to vector<16xi32>
      %select_n3A_452 = arith.select %eq3A_449, %sub3A, %broadcast_in_dim3A_451 : vector<16xi1>, vector<16xi32>
      %reduce_sum3A_453 = arith.constant true
      %reduce_sum3A_454 = vector.broadcast %reduce_sum3A_453 : i1 to vector<16xi1>
      %reduce_sum3A_455 = tpu.scan <sum>, %select_n3A_452 masked %reduce_sum3A_454 : vector<16xi32>, vector<16xi1> -> vector<16xi32>
      %reduce_sum3A_456 = vector.extract %reduce_sum3A_455[15] : i32 from vector<16xi32>
      %broadcast_in_dim3A_457 = arith.constant 0 : i32
      %broadcast_in_dim3A_458 = vector.broadcast %broadcast_in_dim3A_457 : i32 to vector<16xi32>
      %broadcast_in_dim3A_459 = arith.constant 2 : i32
      %broadcast_in_dim3A_460 = vector.broadcast %broadcast_in_dim3A_459 : i32 to vector<16xi32>
      %get3A_461 = arith.constant 2 : i32
      %get3A_462 = arith.index_cast %get3A_461 : i32 to index
      %get3A_463 = arith.constant 0 : index
      %get3A_464 = tpu.vector_load %arg8[%get3A_462, %get3A_463] {strides = array<i32>} : memref<16x256xi32, #tpu.memory_space<vmem>>, vector<16xi32>,
      %add3A_465 = arith.constant 0 : i32
      %add3A_466 = arith.addi %reduce_sum3A_456, %add3A_465 : i32
      %swap3A_467 = arith.index_cast %add3A_466 : i32 to index
      %swap3A_468 = tpu.vector_load %arg10[%swap3A_467] {strides = array<i32>} : memref<3456xi32, #tpu.memory_space<vmem>>, vector<16xi32>,
      tpu.vector_store %arg10[%swap3A_467], %broadcast_in_dim3A_458 {strides = array<i32>} : memref<3456xi32, #tpu.memory_space<vmem>>, vector<16xi32>,
      %add3A_469 = arith.constant 0 : i32
      %add3A_470 = arith.addi %reduce_sum3A_456, %add3A_469 : i32
      %swap3A_471 = arith.index_cast %add3A_470 : i32 to index
      %swap3A_472 = tpu.vector_load %arg11[%swap3A_471] {strides = array<i32>} : memref<3456xi32, #tpu.memory_space<vmem>>, vector<16xi32>,
      tpu.vector_store %arg11[%swap3A_471], %broadcast_in_dim3A_460 {strides = array<i32>} : memref<3456xi32, #tpu.memory_space<vmem>>, vector<16xi32>,
      %add3A_473 = arith.constant 0 : i32
      %add3A_474 = arith.addi %reduce_sum3A_456, %add3A_473 : i32
      %swap3A_475 = arith.index_cast %add3A_474 : i32 to index
      %swap3A_476 = tpu.vector_load %arg12[%swap3A_475] {strides = array<i32>} : memref<3456xi32, #tpu.memory_space<vmem>>, vector<16xi32>,
      tpu.vector_store %arg12[%swap3A_475], %get3A_464 {strides = array<i32>} : memref<3456xi32, #tpu.memory_space<vmem>>, vector<16xi32>,
      %get3A_477 = arith.constant 2 : i32
      %get3A_478 = arith.index_cast %get3A_477 : i32 to index
      %get3A_479 = arith.constant 16 : index
      %get3A_480 = tpu.vector_load %arg8[%get3A_478, %get3A_479] {strides = array<i32>} : memref<16x256xi32, #tpu.memory_space<vmem>>, vector<16xi32>,
      %add3A_481 = arith.constant 16 : i32
      %add3A_482 = arith.addi %reduce_sum3A_456, %add3A_481 : i32
      %swap3A_483 = arith.index_cast %add3A_482 : i32 to index
      %swap3A_484 = tpu.vector_load %arg10[%swap3A_483] {strides = array<i32>} : memref<3456xi32, #tpu.memory_space<vmem>>, vector<16xi32>,
      tpu.vector_store %arg10[%swap3A_483], %broadcast_in_dim3A_458 {strides = array<i32>} : memref<3456xi32, #tpu.memory_space<vmem>>, vector<16xi32>,
      %add3A_485 = arith.constant 16 : i32
      %add3A_486 = arith.addi %reduce_sum3A_456, %add3A_485 : i32
      %swap3A_487 = arith.index_cast %add3A_486 : i32 to index
      %swap3A_488 = tpu.vector_load %arg11[%swap3A_487] {strides = array<i32>} : memref<3456xi32, #tpu.memory_space<vmem>>, vector<16xi32>,
      tpu.vector_store %arg11[%swap3A_487], %broadcast_in_dim3A_460 {strides = array<i32>} : memref<3456xi32, #tpu.memory_space<vmem>>, vector<16xi32>,
      %add3A_489 = arith.constant 16 : i32
      %add3A_490 = arith.addi %reduce_sum3A_456, %add3A_489 : i32
      %swap3A_491 = arith.index_cast %add3A_490 : i32 to index
      %swap3A_492 = tpu.vector_load %arg12[%swap3A_491] {strides = array<i32>} : memref<3456xi32, #tpu.memory_space<vmem>>, vector<16xi32>,
      tpu.vector_store %arg12[%swap3A_491], %get3A_480 {strides = array<i32>} : memref<3456xi32, #tpu.memory_space<vmem>>, vector<16xi32>,
      %get3A_493 = arith.constant 2 : i32
      %get3A_494 = arith.index_cast %get3A_493 : i32 to index
      %get3A_495 = arith.constant 32 : index
      %get3A_496 = tpu.vector_load %arg8[%get3A_494, %get3A_495] {strides = array<i32>} : memref<16x256xi32, #tpu.memory_space<vmem>>, vector<16xi32>,
      %add3A_497 = arith.constant 32 : i32
      %add3A_498 = arith.addi %reduce_sum3A_456, %add3A_497 : i32
      %swap3A_499 = arith.index_cast %add3A_498 : i32 to index
      %swap3A_500 = tpu.vector_load %arg10[%swap3A_499] {strides = array<i32>} : memref<3456xi32, #tpu.memory_space<vmem>>, vector<16xi32>,
      tpu.vector_store %arg10[%swap3A_499], %broadcast_in_dim3A_458 {strides = array<i32>} : memref<3456xi32, #tpu.memory_space<vmem>>, vector<16xi32>,
      %add3A_501 = arith.constant 32 : i32
      %add3A_502 = arith.addi %reduce_sum3A_456, %add3A_501 : i32
      %swap3A_503 = arith.index_cast %add3A_502 : i32 to index
      %swap3A_504 = tpu.vector_load %arg11[%swap3A_503] {strides = array<i32>} : memref<3456xi32, #tpu.memory_space<vmem>>, vector<16xi32>,
      tpu.vector_store %arg11[%swap3A_503], %broadcast_in_dim3A_460 {strides = array<i32>} : memref<3456xi32, #tpu.memory_space<vmem>>, vector<16xi32>,
      %add3A_505 = arith.constant 32 : i32
      %add3A_506 = arith.addi %reduce_sum3A_456, %add3A_505 : i32
      %swap3A_507 = arith.index_cast %add3A_506 : i32 to index
      %swap3A_508 = tpu.vector_load %arg12[%swap3A_507] {strides = array<i32>} : memref<3456xi32, #tpu.memory_space<vmem>>, vector<16xi32>,
      tpu.vector_store %arg12[%swap3A_507], %get3A_496 {strides = array<i32>} : memref<3456xi32, #tpu.memory_space<vmem>>, vector<16xi32>,
      %get3A_509 = arith.constant 2 : i32
      %get3A_510 = arith.index_cast %get3A_509 : i32 to index
      %get3A_511 = arith.constant 48 : index
      %get3A_512 = tpu.vector_load %arg8[%get3A_510, %get3A_511] {strides = array<i32>} : memref<16x256xi32, #tpu.memory_space<vmem>>, vector<16xi32>,
      %add3A_513 = arith.constant 48 : i32
      %add3A_514 = arith.addi %reduce_sum3A_456, %add3A_513 : i32
      %swap3A_515 = arith.index_cast %add3A_514 : i32 to index
      %swap3A_516 = tpu.vector_load %arg10[%swap3A_515] {strides = array<i32>} : memref<3456xi32, #tpu.memory_space<vmem>>, vector<16xi32>,
      tpu.vector_store %arg10[%swap3A_515], %broadcast_in_dim3A_458 {strides = array<i32>} : memref<3456xi32, #tpu.memory_space<vmem>>, vector<16xi32>,
      %add3A_517 = arith.constant 48 : i32
      %add3A_518 = arith.addi %reduce_sum3A_456, %add3A_517 : i32
      %swap3A_519 = arith.index_cast %add3A_518 : i32 to index
      %swap3A_520 = tpu.vector_load %arg11[%swap3A_519] {strides = array<i32>} : memref<3456xi32, #tpu.memory_space<vmem>>, vector<16xi32>,
      tpu.vector_store %arg11[%swap3A_519], %broadcast_in_dim3A_460 {strides = array<i32>} : memref<3456xi32, #tpu.memory_space<vmem>>, vector<16xi32>,
      %add3A_521 = arith.constant 48 : i32
      %add3A_522 = arith.addi %reduce_sum3A_456, %add3A_521 : i32
      %swap3A_523 = arith.index_cast %add3A_522 : i32 to index
      %swap3A_524 = tpu.vector_load %arg12[%swap3A_523] {strides = array<i32>} : memref<3456xi32, #tpu.memory_space<vmem>>, vector<16xi32>,
      tpu.vector_store %arg12[%swap3A_523], %get3A_512 {strides = array<i32>} : memref<3456xi32, #tpu.memory_space<vmem>>, vector<16xi32>,
      %get3A_525 = arith.constant 2 : i32
      %get3A_526 = arith.index_cast %get3A_525 : i32 to index
      %get3A_527 = arith.constant 64 : index
      %get3A_528 = tpu.vector_load %arg8[%get3A_526, %get3A_527] {strides = array<i32>} : memref<16x256xi32, #tpu.memory_space<vmem>>, vector<16xi32>,
      %add3A_529 = arith.constant 64 : i32
      %add3A_530 = arith.addi %reduce_sum3A_456, %add3A_529 : i32
      %swap3A_531 = arith.index_cast %add3A_530 : i32 to index
      %swap3A_532 = tpu.vector_load %arg10[%swap3A_531] {strides = array<i32>} : memref<3456xi32, #tpu.memory_space<vmem>>, vector<16xi32>,
      tpu.vector_store %arg10[%swap3A_531], %broadcast_in_dim3A_458 {strides = array<i32>} : memref<3456xi32, #tpu.memory_space<vmem>>, vector<16xi32>,
      %add3A_533 = arith.constant 64 : i32
      %add3A_534 = arith.addi %reduce_sum3A_456, %add3A_533 : i32
      %swap3A_535 = arith.index_cast %add3A_534 : i32 to index
      %swap3A_536 = tpu.vector_load %arg11[%swap3A_535] {strides = array<i32>} : memref<3456xi32, #tpu.memory_space<vmem>>, vector<16xi32>,
      tpu.vector_store %arg11[%swap3A_535], %broadcast_in_dim3A_460 {strides = array<i32>} : memref<3456xi32, #tpu.memory_space<vmem>>, vector<16xi32>,
      %add3A_537 = arith.constant 64 : i32
      %add3A_538 = arith.addi %reduce_sum3A_456, %add3A_537 : i32
      %swap3A_539 = arith.index_cast %add3A_538 : i32 to index
      %swap3A_540 = tpu.vector_load %arg12[%swap3A_539] {strides = array<i32>} : memref<3456xi32, #tpu.memory_space<vmem>>, vector<16xi32>,
      tpu.vector_store %arg12[%swap3A_539], %get3A_528 {strides = array<i32>} : memref<3456xi32, #tpu.memory_space<vmem>>, vector<16xi32>,
      %get3A_541 = arith.constant 2 : i32
      %get3A_542 = arith.index_cast %get3A_541 : i32 to index
      %get3A_543 = arith.constant 80 : index
      %get3A_544 = tpu.vector_load %arg8[%get3A_542, %get3A_543] {strides = array<i32>} : memref<16x256xi32, #tpu.memory_space<vmem>>, vector<16xi32>,
      %add3A_545 = arith.constant 80 : i32
      %add3A_546 = arith.addi %reduce_sum3A_456, %add3A_545 : i32
      %swap3A_547 = arith.index_cast %add3A_546 : i32 to index
      %swap3A_548 = tpu.vector_load %arg10[%swap3A_547] {strides = array<i32>} : memref<3456xi32, #tpu.memory_space<vmem>>, vector<16xi32>,
      tpu.vector_store %arg10[%swap3A_547], %broadcast_in_dim3A_458 {strides = array<i32>} : memref<3456xi32, #tpu.memory_space<vmem>>, vector<16xi32>,
      %add3A_549 = arith.constant 80 : i32
      %add3A_550 = arith.addi %reduce_sum3A_456, %add3A_549 : i32
      %swap3A_551 = arith.index_cast %add3A_550 : i32 to index
      %swap3A_552 = tpu.vector_load %arg11[%swap3A_551] {strides = array<i32>} : memref<3456xi32, #tpu.memory_space<vmem>>, vector<16xi32>,
      tpu.vector_store %arg11[%swap3A_551], %broadcast_in_dim3A_460 {strides = array<i32>} : memref<3456xi32, #tpu.memory_space<vmem>>, vector<16xi32>,
      %add3A_553 = arith.constant 80 : i32
      %add3A_554 = arith.addi %reduce_sum3A_456, %add3A_553 : i32
      %swap3A_555 = arith.index_cast %add3A_554 : i32 to index
      %swap3A_556 = tpu.vector_load %arg12[%swap3A_555] {strides = array<i32>} : memref<3456xi32, #tpu.memory_space<vmem>>, vector<16xi32>,
      tpu.vector_store %arg12[%swap3A_555], %get3A_544 {strides = array<i32>} : memref<3456xi32, #tpu.memory_space<vmem>>, vector<16xi32>,
      %get3A_557 = arith.constant 2 : i32
      %get3A_558 = arith.index_cast %get3A_557 : i32 to index
      %get3A_559 = arith.constant 96 : index
      %get3A_560 = tpu.vector_load %arg8[%get3A_558, %get3A_559] {strides = array<i32>} : memref<16x256xi32, #tpu.memory_space<vmem>>, vector<16xi32>,
      %add3A_561 = arith.constant 96 : i32
      %add3A_562 = arith.addi %reduce_sum3A_456, %add3A_561 : i32
      %swap3A_563 = arith.index_cast %add3A_562 : i32 to index
      %swap3A_564 = tpu.vector_load %arg10[%swap3A_563] {strides = array<i32>} : memref<3456xi32, #tpu.memory_space<vmem>>, vector<16xi32>,
      tpu.vector_store %arg10[%swap3A_563], %broadcast_in_dim3A_458 {strides = array<i32>} : memref<3456xi32, #tpu.memory_space<vmem>>, vector<16xi32>,
      %add3A_565 = arith.constant 96 : i32
      %add3A_566 = arith.addi %reduce_sum3A_456, %add3A_565 : i32
      %swap3A_567 = arith.index_cast %add3A_566 : i32 to index
      %swap3A_568 = tpu.vector_load %arg11[%swap3A_567] {strides = array<i32>} : memref<3456xi32, #tpu.memory_space<vmem>>, vector<16xi32>,
      tpu.vector_store %arg11[%swap3A_567], %broadcast_in_dim3A_460 {strides = array<i32>} : memref<3456xi32, #tpu.memory_space<vmem>>, vector<16xi32>,
      %add3A_569 = arith.constant 96 : i32
      %add3A_570 = arith.addi %reduce_sum3A_456, %add3A_569 : i32
      %swap3A_571 = arith.index_cast %add3A_570 : i32 to index
      %swap3A_572 = tpu.vector_load %arg12[%swap3A_571] {strides = array<i32>} : memref<3456xi32, #tpu.memory_space<vmem>>, vector<16xi32>,
      tpu.vector_store %arg12[%swap3A_571], %get3A_560 {strides = array<i32>} : memref<3456xi32, #tpu.memory_space<vmem>>, vector<16xi32>,
      %get3A_573 = arith.constant 2 : i32
      %get3A_574 = arith.index_cast %get3A_573 : i32 to index
      %get3A_575 = arith.constant 112 : index
      %get3A_576 = tpu.vector_load %arg8[%get3A_574, %get3A_575] {strides = array<i32>} : memref<16x256xi32, #tpu.memory_space<vmem>>, vector<16xi32>,
      %add3A_577 = arith.constant 112 : i32
      %add3A_578 = arith.addi %reduce_sum3A_456, %add3A_577 : i32
      %swap3A_579 = arith.index_cast %add3A_578 : i32 to index
      %swap3A_580 = tpu.vector_load %arg10[%swap3A_579] {strides = array<i32>} : memref<3456xi32, #tpu.memory_space<vmem>>, vector<16xi32>,
      tpu.vector_store %arg10[%swap3A_579], %broadcast_in_dim3A_458 {strides = array<i32>} : memref<3456xi32, #tpu.memory_space<vmem>>, vector<16xi32>,
      %add3A_581 = arith.constant 112 : i32
      %add3A_582 = arith.addi %reduce_sum3A_456, %add3A_581 : i32
      %swap3A_583 = arith.index_cast %add3A_582 : i32 to index
      %swap3A_584 = tpu.vector_load %arg11[%swap3A_583] {strides = array<i32>} : memref<3456xi32, #tpu.memory_space<vmem>>, vector<16xi32>,
      tpu.vector_store %arg11[%swap3A_583], %broadcast_in_dim3A_460 {strides = array<i32>} : memref<3456xi32, #tpu.memory_space<vmem>>, vector<16xi32>,
      %add3A_585 = arith.constant 112 : i32
      %add3A_586 = arith.addi %reduce_sum3A_456, %add3A_585 : i32
      %swap3A_587 = arith.index_cast %add3A_586 : i32 to index
      %swap3A_588 = tpu.vector_load %arg12[%swap3A_587] {strides = array<i32>} : memref<3456xi32, #tpu.memory_space<vmem>>, vector<16xi32>,
      tpu.vector_store %arg12[%swap3A_587], %get3A_576 {strides = array<i32>} : memref<3456xi32, #tpu.memory_space<vmem>>, vector<16xi32>,
      %get3A_589 = arith.constant 2 : i32
      %get3A_590 = arith.index_cast %get3A_589 : i32 to index
      %get3A_591 = arith.constant 128 : index
      %get3A_592 = tpu.vector_load %arg8[%get3A_590, %get3A_591] {strides = array<i32>} : memref<16x256xi32, #tpu.memory_space<vmem>>, vector<16xi32>,
      %add3A_593 = arith.constant 128 : i32
      %add3A_594 = arith.addi %reduce_sum3A_456, %add3A_593 : i32
      %swap3A_595 = arith.index_cast %add3A_594 : i32 to index
      %swap3A_596 = tpu.vector_load %arg10[%swap3A_595] {strides = array<i32>} : memref<3456xi32, #tpu.memory_space<vmem>>, vector<16xi32>,
      tpu.vector_store %arg10[%swap3A_595], %broadcast_in_dim3A_458 {strides = array<i32>} : memref<3456xi32, #tpu.memory_space<vmem>>, vector<16xi32>,
      %add3A_597 = arith.constant 128 : i32
      %add3A_598 = arith.addi %reduce_sum3A_456, %add3A_597 : i32
      %swap3A_599 = arith.index_cast %add3A_598 : i32 to index
      %swap3A_600 = tpu.vector_load %arg11[%swap3A_599] {strides = array<i32>} : memref<3456xi32, #tpu.memory_space<vmem>>, vector<16xi32>,
      tpu.vector_store %arg11[%swap3A_599], %broadcast_in_dim3A_460 {strides = array<i32>} : memref<3456xi32, #tpu.memory_space<vmem>>, vector<16xi32>,
      %add3A_601 = arith.constant 128 : i32
      %add3A_602 = arith.addi %reduce_sum3A_456, %add3A_601 : i32
      %swap3A_603 = arith.index_cast %add3A_602 : i32 to index
      %swap3A_604 = tpu.vector_load %arg12[%swap3A_603] {strides = array<i32>} : memref<3456xi32, #tpu.memory_space<vmem>>, vector<16xi32>,
      tpu.vector_store %arg12[%swap3A_603], %get3A_592 {strides = array<i32>} : memref<3456xi32, #tpu.memory_space<vmem>>, vector<16xi32>,
      %get3A_605 = arith.constant 2 : i32
      %get3A_606 = arith.index_cast %get3A_605 : i32 to index
      %get3A_607 = arith.constant 144 : index
      %get3A_608 = tpu.vector_load %arg8[%get3A_606, %get3A_607] {strides = array<i32>} : memref<16x256xi32, #tpu.memory_space<vmem>>, vector<16xi32>,
      %add3A_609 = arith.constant 144 : i32
      %add3A_610 = arith.addi %reduce_sum3A_456, %add3A_609 : i32
      %swap3A_611 = arith.index_cast %add3A_610 : i32 to index
      %swap3A_612 = tpu.vector_load %arg10[%swap3A_611] {strides = array<i32>} : memref<3456xi32, #tpu.memory_space<vmem>>, vector<16xi32>,
      tpu.vector_store %arg10[%swap3A_611], %broadcast_in_dim3A_458 {strides = array<i32>} : memref<3456xi32, #tpu.memory_space<vmem>>, vector<16xi32>,
      %add3A_613 = arith.constant 144 : i32
      %add3A_614 = arith.addi %reduce_sum3A_456, %add3A_613 : i32
      %swap3A_615 = arith.index_cast %add3A_614 : i32 to index
      %swap3A_616 = tpu.vector_load %arg11[%swap3A_615] {strides = array<i32>} : memref<3456xi32, #tpu.memory_space<vmem>>, vector<16xi32>,
      tpu.vector_store %arg11[%swap3A_615], %broadcast_in_dim3A_460 {strides = array<i32>} : memref<3456xi32, #tpu.memory_space<vmem>>, vector<16xi32>,
      %add3A_617 = arith.constant 144 : i32
      %add3A_618 = arith.addi %reduce_sum3A_456, %add3A_617 : i32
      %swap3A_619 = arith.index_cast %add3A_618 : i32 to index
      %swap3A_620 = tpu.vector_load %arg12[%swap3A_619] {strides = array<i32>} : memref<3456xi32, #tpu.memory_space<vmem>>, vector<16xi32>,
      tpu.vector_store %arg12[%swap3A_619], %get3A_608 {strides = array<i32>} : memref<3456xi32, #tpu.memory_space<vmem>>, vector<16xi32>,
      %get3A_621 = arith.constant 2 : i32
      %get3A_622 = arith.index_cast %get3A_621 : i32 to index
      %get3A_623 = arith.constant 160 : index
      %get3A_624 = tpu.vector_load %arg8[%get3A_622, %get3A_623] {strides = array<i32>} : memref<16x256xi32, #tpu.memory_space<vmem>>, vector<16xi32>,
      %add3A_625 = arith.constant 160 : i32
      %add3A_626 = arith.addi %reduce_sum3A_456, %add3A_625 : i32
      %swap3A_627 = arith.index_cast %add3A_626 : i32 to index
      %swap3A_628 = tpu.vector_load %arg10[%swap3A_627] {strides = array<i32>} : memref<3456xi32, #tpu.memory_space<vmem>>, vector<16xi32>,
      tpu.vector_store %arg10[%swap3A_627], %broadcast_in_dim3A_458 {strides = array<i32>} : memref<3456xi32, #tpu.memory_space<vmem>>, vector<16xi32>,
      %add3A_629 = arith.constant 160 : i32
      %add3A_630 = arith.addi %reduce_sum3A_456, %add3A_629 : i32
      %swap3A_631 = arith.index_cast %add3A_630 : i32 to index
      %swap3A_632 = tpu.vector_load %arg11[%swap3A_631] {strides = array<i32>} : memref<3456xi32, #tpu.memory_space<vmem>>, vector<16xi32>,
      tpu.vector_store %arg11[%swap3A_631], %broadcast_in_dim3A_460 {strides = array<i32>} : memref<3456xi32, #tpu.memory_space<vmem>>, vector<16xi32>,
      %add3A_633 = arith.constant 160 : i32
      %add3A_634 = arith.addi %reduce_sum3A_456, %add3A_633 : i32
      %swap3A_635 = arith.index_cast %add3A_634 : i32 to index
      %swap3A_636 = tpu.vector_load %arg12[%swap3A_635] {strides = array<i32>} : memref<3456xi32, #tpu.memory_space<vmem>>, vector<16xi32>,
      tpu.vector_store %arg12[%swap3A_635], %get3A_624 {strides = array<i32>} : memref<3456xi32, #tpu.memory_space<vmem>>, vector<16xi32>,
      %get3A_637 = arith.constant 2 : i32
      %get3A_638 = arith.index_cast %get3A_637 : i32 to index
      %get3A_639 = arith.constant 176 : index
      %get3A_640 = tpu.vector_load %arg8[%get3A_638, %get3A_639] {strides = array<i32>} : memref<16x256xi32, #tpu.memory_space<vmem>>, vector<16xi32>,
      %add3A_641 = arith.constant 176 : i32
      %add3A_642 = arith.addi %reduce_sum3A_456, %add3A_641 : i32
      %swap3A_643 = arith.index_cast %add3A_642 : i32 to index
      %swap3A_644 = tpu.vector_load %arg10[%swap3A_643] {strides = array<i32>} : memref<3456xi32, #tpu.memory_space<vmem>>, vector<16xi32>,
      tpu.vector_store %arg10[%swap3A_643], %broadcast_in_dim3A_458 {strides = array<i32>} : memref<3456xi32, #tpu.memory_space<vmem>>, vector<16xi32>,
      %add3A_645 = arith.constant 176 : i32
      %add3A_646 = arith.addi %reduce_sum3A_456, %add3A_645 : i32
      %swap3A_647 = arith.index_cast %add3A_646 : i32 to index
      %swap3A_648 = tpu.vector_load %arg11[%swap3A_647] {strides = array<i32>} : memref<3456xi32, #tpu.memory_space<vmem>>, vector<16xi32>,
      tpu.vector_store %arg11[%swap3A_647], %broadcast_in_dim3A_460 {strides = array<i32>} : memref<3456xi32, #tpu.memory_space<vmem>>, vector<16xi32>,
      %add3A_649 = arith.constant 176 : i32
      %add3A_650 = arith.addi %reduce_sum3A_456, %add3A_649 : i32
      %swap3A_651 = arith.index_cast %add3A_650 : i32 to index
      %swap3A_652 = tpu.vector_load %arg12[%swap3A_651] {strides = array<i32>} : memref<3456xi32, #tpu.memory_space<vmem>>, vector<16xi32>,
      tpu.vector_store %arg12[%swap3A_651], %get3A_640 {strides = array<i32>} : memref<3456xi32, #tpu.memory_space<vmem>>, vector<16xi32>,
      %get3A_653 = arith.constant 2 : i32
      %get3A_654 = arith.index_cast %get3A_653 : i32 to index
      %get3A_655 = arith.constant 192 : index
      %get3A_656 = tpu.vector_load %arg8[%get3A_654, %get3A_655] {strides = array<i32>} : memref<16x256xi32, #tpu.memory_space<vmem>>, vector<16xi32>,
      %add3A_657 = arith.constant 192 : i32
      %add3A_658 = arith.addi %reduce_sum3A_456, %add3A_657 : i32
      %swap3A_659 = arith.index_cast %add3A_658 : i32 to index
      %swap3A_660 = tpu.vector_load %arg10[%swap3A_659] {strides = array<i32>} : memref<3456xi32, #tpu.memory_space<vmem>>, vector<16xi32>,
      tpu.vector_store %arg10[%swap3A_659], %broadcast_in_dim3A_458 {strides = array<i32>} : memref<3456xi32, #tpu.memory_space<vmem>>, vector<16xi32>,
      %add3A_661 = arith.constant 192 : i32
      %add3A_662 = arith.addi %reduce_sum3A_456, %add3A_661 : i32
      %swap3A_663 = arith.index_cast %add3A_662 : i32 to index
      %swap3A_664 = tpu.vector_load %arg11[%swap3A_663] {strides = array<i32>} : memref<3456xi32, #tpu.memory_space<vmem>>, vector<16xi32>,
      tpu.vector_store %arg11[%swap3A_663], %broadcast_in_dim3A_460 {strides = array<i32>} : memref<3456xi32, #tpu.memory_space<vmem>>, vector<16xi32>,
      %add3A_665 = arith.constant 192 : i32
      %add3A_666 = arith.addi %reduce_sum3A_456, %add3A_665 : i32
      %swap3A_667 = arith.index_cast %add3A_666 : i32 to index
      %swap3A_668 = tpu.vector_load %arg12[%swap3A_667] {strides = array<i32>} : memref<3456xi32, #tpu.memory_space<vmem>>, vector<16xi32>,
      tpu.vector_store %arg12[%swap3A_667], %get3A_656 {strides = array<i32>} : memref<3456xi32, #tpu.memory_space<vmem>>, vector<16xi32>,
      %eq3A_669 = arith.constant 3 : i32
      %eq3A_670 = vector.broadcast %eq3A_669 : i32 to vector<16xi32>
      %eq3A_671 = arith.cmpi eq, %iota3A, %eq3A_670 : vector<16xi32>
      %jit3A_672 = arith.constant 0 : i32
      %broadcast_in_dim3A_673 = vector.broadcast %jit3A_672 : i32 to vector<16xi32>
      %select_n3A_674 = arith.select %eq3A_671, %sub3A, %broadcast_in_dim3A_673 : vector<16xi1>, vector<16xi32>
      %reduce_sum3A_675 = arith.constant true
      %reduce_sum3A_676 = vector.broadcast %reduce_sum3A_675 : i1 to vector<16xi1>
      %reduce_sum3A_677 = tpu.scan <sum>, %select_n3A_674 masked %reduce_sum3A_676 : vector<16xi32>, vector<16xi1> -> vector<16xi32>
      %reduce_sum3A_678 = vector.extract %reduce_sum3A_677[15] : i32 from vector<16xi32>
      %broadcast_in_dim3A_679 = arith.constant 0 : i32
      %broadcast_in_dim3A_680 = vector.broadcast %broadcast_in_dim3A_679 : i32 to vector<16xi32>
      %broadcast_in_dim3A_681 = arith.constant 3 : i32
      %broadcast_in_dim3A_682 = vector.broadcast %broadcast_in_dim3A_681 : i32 to vector<16xi32>
      %get3A_683 = arith.constant 3 : i32
      %get3A_684 = arith.index_cast %get3A_683 : i32 to index
      %get3A_685 = arith.constant 0 : index
      %get3A_686 = tpu.vector_load %arg8[%get3A_684, %get3A_685] {strides = array<i32>} : memref<16x256xi32, #tpu.memory_space<vmem>>, vector<16xi32>,
      %add3A_687 = arith.constant 0 : i32
      %add3A_688 = arith.addi %reduce_sum3A_678, %add3A_687 : i32
      %swap3A_689 = arith.index_cast %add3A_688 : i32 to index
      %swap3A_690 = tpu.vector_load %arg10[%swap3A_689] {strides = array<i32>} : memref<3456xi32, #tpu.memory_space<vmem>>, vector<16xi32>,
      tpu.vector_store %arg10[%swap3A_689], %broadcast_in_dim3A_680 {strides = array<i32>} : memref<3456xi32, #tpu.memory_space<vmem>>, vector<16xi32>,
      %add3A_691 = arith.constant 0 : i32
      %add3A_692 = arith.addi %reduce_sum3A_678, %add3A_691 : i32
      %swap3A_693 = arith.index_cast %add3A_692 : i32 to index
      %swap3A_694 = tpu.vector_load %arg11[%swap3A_693] {strides = array<i32>} : memref<3456xi32, #tpu.memory_space<vmem>>, vector<16xi32>,
      tpu.vector_store %arg11[%swap3A_693], %broadcast_in_dim3A_682 {strides = array<i32>} : memref<3456xi32, #tpu.memory_space<vmem>>, vector<16xi32>,
      %add3A_695 = arith.constant 0 : i32
      %add3A_696 = arith.addi %reduce_sum3A_678, %add3A_695 : i32
      %swap3A_697 = arith.index_cast %add3A_696 : i32 to index
      %swap3A_698 = tpu.vector_load %arg12[%swap3A_697] {strides = array<i32>} : memref<3456xi32, #tpu.memory_space<vmem>>, vector<16xi32>,
      tpu.vector_store %arg12[%swap3A_697], %get3A_686 {strides = array<i32>} : memref<3456xi32, #tpu.memory_space<vmem>>, vector<16xi32>,
      %get3A_699 = arith.constant 3 : i32
      %get3A_700 = arith.index_cast %get3A_699 : i32 to index
      %get3A_701 = arith.constant 16 : index
      %get3A_702 = tpu.vector_load %arg8[%get3A_700, %get3A_701] {strides = array<i32>} : memref<16x256xi32, #tpu.memory_space<vmem>>, vector<16xi32>,
      %add3A_703 = arith.constant 16 : i32
      %add3A_704 = arith.addi %reduce_sum3A_678, %add3A_703 : i32
      %swap3A_705 = arith.index_cast %add3A_704 : i32 to index
      %swap3A_706 = tpu.vector_load %arg10[%swap3A_705] {strides = array<i32>} : memref<3456xi32, #tpu.memory_space<vmem>>, vector<16xi32>,
      tpu.vector_store %arg10[%swap3A_705], %broadcast_in_dim3A_680 {strides = array<i32>} : memref<3456xi32, #tpu.memory_space<vmem>>, vector<16xi32>,
      %add3A_707 = arith.constant 16 : i32
      %add3A_708 = arith.addi %reduce_sum3A_678, %add3A_707 : i32
      %swap3A_709 = arith.index_cast %add3A_708 : i32 to index
      %swap3A_710 = tpu.vector_load %arg11[%swap3A_709] {strides = array<i32>} : memref<3456xi32, #tpu.memory_space<vmem>>, vector<16xi32>,
      tpu.vector_store %arg11[%swap3A_709], %broadcast_in_dim3A_682 {strides = array<i32>} : memref<3456xi32, #tpu.memory_space<vmem>>, vector<16xi32>,
      %add3A_711 = arith.constant 16 : i32
      %add3A_712 = arith.addi %reduce_sum3A_678, %add3A_711 : i32
      %swap3A_713 = arith.index_cast %add3A_712 : i32 to index
      %swap3A_714 = tpu.vector_load %arg12[%swap3A_713] {strides = array<i32>} : memref<3456xi32, #tpu.memory_space<vmem>>, vector<16xi32>,
      tpu.vector_store %arg12[%swap3A_713], %get3A_702 {strides = array<i32>} : memref<3456xi32, #tpu.memory_space<vmem>>, vector<16xi32>,
      %get3A_715 = arith.constant 3 : i32
      %get3A_716 = arith.index_cast %get3A_715 : i32 to index
      %get3A_717 = arith.constant 32 : index
      %get3A_718 = tpu.vector_load %arg8[%get3A_716, %get3A_717] {strides = array<i32>} : memref<16x256xi32, #tpu.memory_space<vmem>>, vector<16xi32>,
      %add3A_719 = arith.constant 32 : i32
      %add3A_720 = arith.addi %reduce_sum3A_678, %add3A_719 : i32
      %swap3A_721 = arith.index_cast %add3A_720 : i32 to index
      %swap3A_722 = tpu.vector_load %arg10[%swap3A_721] {strides = array<i32>} : memref<3456xi32, #tpu.memory_space<vmem>>, vector<16xi32>,
      tpu.vector_store %arg10[%swap3A_721], %broadcast_in_dim3A_680 {strides = array<i32>} : memref<3456xi32, #tpu.memory_space<vmem>>, vector<16xi32>,
      %add3A_723 = arith.constant 32 : i32
      %add3A_724 = arith.addi %reduce_sum3A_678, %add3A_723 : i32
      %swap3A_725 = arith.index_cast %add3A_724 : i32 to index
      %swap3A_726 = tpu.vector_load %arg11[%swap3A_725] {strides = array<i32>} : memref<3456xi32, #tpu.memory_space<vmem>>, vector<16xi32>,
      tpu.vector_store %arg11[%swap3A_725], %broadcast_in_dim3A_682 {strides = array<i32>} : memref<3456xi32, #tpu.memory_space<vmem>>, vector<16xi32>,
      %add3A_727 = arith.constant 32 : i32
      %add3A_728 = arith.addi %reduce_sum3A_678, %add3A_727 : i32
      %swap3A_729 = arith.index_cast %add3A_728 : i32 to index
      %swap3A_730 = tpu.vector_load %arg12[%swap3A_729] {strides = array<i32>} : memref<3456xi32, #tpu.memory_space<vmem>>, vector<16xi32>,
      tpu.vector_store %arg12[%swap3A_729], %get3A_718 {strides = array<i32>} : memref<3456xi32, #tpu.memory_space<vmem>>, vector<16xi32>,
      %get3A_731 = arith.constant 3 : i32
      %get3A_732 = arith.index_cast %get3A_731 : i32 to index
      %get3A_733 = arith.constant 48 : index
      %get3A_734 = tpu.vector_load %arg8[%get3A_732, %get3A_733] {strides = array<i32>} : memref<16x256xi32, #tpu.memory_space<vmem>>, vector<16xi32>,
      %add3A_735 = arith.constant 48 : i32
      %add3A_736 = arith.addi %reduce_sum3A_678, %add3A_735 : i32
      %swap3A_737 = arith.index_cast %add3A_736 : i32 to index
      %swap3A_738 = tpu.vector_load %arg10[%swap3A_737] {strides = array<i32>} : memref<3456xi32, #tpu.memory_space<vmem>>, vector<16xi32>,
      tpu.vector_store %arg10[%swap3A_737], %broadcast_in_dim3A_680 {strides = array<i32>} : memref<3456xi32, #tpu.memory_space<vmem>>, vector<16xi32>,
      %add3A_739 = arith.constant 48 : i32
      %add3A_740 = arith.addi %reduce_sum3A_678, %add3A_739 : i32
      %swap3A_741 = arith.index_cast %add3A_740 : i32 to index
      %swap3A_742 = tpu.vector_load %arg11[%swap3A_741] {strides = array<i32>} : memref<3456xi32, #tpu.memory_space<vmem>>, vector<16xi32>,
      tpu.vector_store %arg11[%swap3A_741], %broadcast_in_dim3A_682 {strides = array<i32>} : memref<3456xi32, #tpu.memory_space<vmem>>, vector<16xi32>,
      %add3A_743 = arith.constant 48 : i32
      %add3A_744 = arith.addi %reduce_sum3A_678, %add3A_743 : i32
      %swap3A_745 = arith.index_cast %add3A_744 : i32 to index
      %swap3A_746 = tpu.vector_load %arg12[%swap3A_745] {strides = array<i32>} : memref<3456xi32, #tpu.memory_space<vmem>>, vector<16xi32>,
      tpu.vector_store %arg12[%swap3A_745], %get3A_734 {strides = array<i32>} : memref<3456xi32, #tpu.memory_space<vmem>>, vector<16xi32>,
      %get3A_747 = arith.constant 3 : i32
      %get3A_748 = arith.index_cast %get3A_747 : i32 to index
      %get3A_749 = arith.constant 64 : index
      %get3A_750 = tpu.vector_load %arg8[%get3A_748, %get3A_749] {strides = array<i32>} : memref<16x256xi32, #tpu.memory_space<vmem>>, vector<16xi32>,
      %add3A_751 = arith.constant 64 : i32
      %add3A_752 = arith.addi %reduce_sum3A_678, %add3A_751 : i32
      %swap3A_753 = arith.index_cast %add3A_752 : i32 to index
      %swap3A_754 = tpu.vector_load %arg10[%swap3A_753] {strides = array<i32>} : memref<3456xi32, #tpu.memory_space<vmem>>, vector<16xi32>,
      tpu.vector_store %arg10[%swap3A_753], %broadcast_in_dim3A_680 {strides = array<i32>} : memref<3456xi32, #tpu.memory_space<vmem>>, vector<16xi32>,
      %add3A_755 = arith.constant 64 : i32
      %add3A_756 = arith.addi %reduce_sum3A_678, %add3A_755 : i32
      %swap3A_757 = arith.index_cast %add3A_756 : i32 to index
      %swap3A_758 = tpu.vector_load %arg11[%swap3A_757] {strides = array<i32>} : memref<3456xi32, #tpu.memory_space<vmem>>, vector<16xi32>,
      tpu.vector_store %arg11[%swap3A_757], %broadcast_in_dim3A_682 {strides = array<i32>} : memref<3456xi32, #tpu.memory_space<vmem>>, vector<16xi32>,
      %add3A_759 = arith.constant 64 : i32
      %add3A_760 = arith.addi %reduce_sum3A_678, %add3A_759 : i32
      %swap3A_761 = arith.index_cast %add3A_760 : i32 to index
      %swap3A_762 = tpu.vector_load %arg12[%swap3A_761] {strides = array<i32>} : memref<3456xi32, #tpu.memory_space<vmem>>, vector<16xi32>,
      tpu.vector_store %arg12[%swap3A_761], %get3A_750 {strides = array<i32>} : memref<3456xi32, #tpu.memory_space<vmem>>, vector<16xi32>,
      %get3A_763 = arith.constant 3 : i32
      %get3A_764 = arith.index_cast %get3A_763 : i32 to index
      %get3A_765 = arith.constant 80 : index
      %get3A_766 = tpu.vector_load %arg8[%get3A_764, %get3A_765] {strides = array<i32>} : memref<16x256xi32, #tpu.memory_space<vmem>>, vector<16xi32>,
      %add3A_767 = arith.constant 80 : i32
      %add3A_768 = arith.addi %reduce_sum3A_678, %add3A_767 : i32
      %swap3A_769 = arith.index_cast %add3A_768 : i32 to index
      %swap3A_770 = tpu.vector_load %arg10[%swap3A_769] {strides = array<i32>} : memref<3456xi32, #tpu.memory_space<vmem>>, vector<16xi32>,
      tpu.vector_store %arg10[%swap3A_769], %broadcast_in_dim3A_680 {strides = array<i32>} : memref<3456xi32, #tpu.memory_space<vmem>>, vector<16xi32>,
      %add3A_771 = arith.constant 80 : i32
      %add3A_772 = arith.addi %reduce_sum3A_678, %add3A_771 : i32
      %swap3A_773 = arith.index_cast %add3A_772 : i32 to index
      %swap3A_774 = tpu.vector_load %arg11[%swap3A_773] {strides = array<i32>} : memref<3456xi32, #tpu.memory_space<vmem>>, vector<16xi32>,
      tpu.vector_store %arg11[%swap3A_773], %broadcast_in_dim3A_682 {strides = array<i32>} : memref<3456xi32, #tpu.memory_space<vmem>>, vector<16xi32>,
      %add3A_775 = arith.constant 80 : i32
      %add3A_776 = arith.addi %reduce_sum3A_678, %add3A_775 : i32
      %swap3A_777 = arith.index_cast %add3A_776 : i32 to index
      %swap3A_778 = tpu.vector_load %arg12[%swap3A_777] {strides = array<i32>} : memref<3456xi32, #tpu.memory_space<vmem>>, vector<16xi32>,
      tpu.vector_store %arg12[%swap3A_777], %get3A_766 {strides = array<i32>} : memref<3456xi32, #tpu.memory_space<vmem>>, vector<16xi32>,
      %get3A_779 = arith.constant 3 : i32
      %get3A_780 = arith.index_cast %get3A_779 : i32 to index
      %get3A_781 = arith.constant 96 : index
      %get3A_782 = tpu.vector_load %arg8[%get3A_780, %get3A_781] {strides = array<i32>} : memref<16x256xi32, #tpu.memory_space<vmem>>, vector<16xi32>,
      %add3A_783 = arith.constant 96 : i32
      %add3A_784 = arith.addi %reduce_sum3A_678, %add3A_783 : i32
      %swap3A_785 = arith.index_cast %add3A_784 : i32 to index
      %swap3A_786 = tpu.vector_load %arg10[%swap3A_785] {strides = array<i32>} : memref<3456xi32, #tpu.memory_space<vmem>>, vector<16xi32>,
      tpu.vector_store %arg10[%swap3A_785], %broadcast_in_dim3A_680 {strides = array<i32>} : memref<3456xi32, #tpu.memory_space<vmem>>, vector<16xi32>,
      %add3A_787 = arith.constant 96 : i32
      %add3A_788 = arith.addi %reduce_sum3A_678, %add3A_787 : i32
      %swap3A_789 = arith.index_cast %add3A_788 : i32 to index
      %swap3A_790 = tpu.vector_load %arg11[%swap3A_789] {strides = array<i32>} : memref<3456xi32, #tpu.memory_space<vmem>>, vector<16xi32>,
      tpu.vector_store %arg11[%swap3A_789], %broadcast_in_dim3A_682 {strides = array<i32>} : memref<3456xi32, #tpu.memory_space<vmem>>, vector<16xi32>,
      %add3A_791 = arith.constant 96 : i32
      %add3A_792 = arith.addi %reduce_sum3A_678, %add3A_791 : i32
      %swap3A_793 = arith.index_cast %add3A_792 : i32 to index
      %swap3A_794 = tpu.vector_load %arg12[%swap3A_793] {strides = array<i32>} : memref<3456xi32, #tpu.memory_space<vmem>>, vector<16xi32>,
      tpu.vector_store %arg12[%swap3A_793], %get3A_782 {strides = array<i32>} : memref<3456xi32, #tpu.memory_space<vmem>>, vector<16xi32>,
      %get3A_795 = arith.constant 3 : i32
      %get3A_796 = arith.index_cast %get3A_795 : i32 to index
      %get3A_797 = arith.constant 112 : index
      %get3A_798 = tpu.vector_load %arg8[%get3A_796, %get3A_797] {strides = array<i32>} : memref<16x256xi32, #tpu.memory_space<vmem>>, vector<16xi32>,
      %add3A_799 = arith.constant 112 : i32
      %add3A_800 = arith.addi %reduce_sum3A_678, %add3A_799 : i32
      %swap3A_801 = arith.index_cast %add3A_800 : i32 to index
      %swap3A_802 = tpu.vector_load %arg10[%swap3A_801] {strides = array<i32>} : memref<3456xi32, #tpu.memory_space<vmem>>, vector<16xi32>,
      tpu.vector_store %arg10[%swap3A_801], %broadcast_in_dim3A_680 {strides = array<i32>} : memref<3456xi32, #tpu.memory_space<vmem>>, vector<16xi32>,
      %add3A_803 = arith.constant 112 : i32
      %add3A_804 = arith.addi %reduce_sum3A_678, %add3A_803 : i32
      %swap3A_805 = arith.index_cast %add3A_804 : i32 to index
      %swap3A_806 = tpu.vector_load %arg11[%swap3A_805] {strides = array<i32>} : memref<3456xi32, #tpu.memory_space<vmem>>, vector<16xi32>,
      tpu.vector_store %arg11[%swap3A_805], %broadcast_in_dim3A_682 {strides = array<i32>} : memref<3456xi32, #tpu.memory_space<vmem>>, vector<16xi32>,
      %add3A_807 = arith.constant 112 : i32
      %add3A_808 = arith.addi %reduce_sum3A_678, %add3A_807 : i32
      %swap3A_809 = arith.index_cast %add3A_808 : i32 to index
      %swap3A_810 = tpu.vector_load %arg12[%swap3A_809] {strides = array<i32>} : memref<3456xi32, #tpu.memory_space<vmem>>, vector<16xi32>,
      tpu.vector_store %arg12[%swap3A_809], %get3A_798 {strides = array<i32>} : memref<3456xi32, #tpu.memory_space<vmem>>, vector<16xi32>,
      %get3A_811 = arith.constant 3 : i32
      %get3A_812 = arith.index_cast %get3A_811 : i32 to index
      %get3A_813 = arith.constant 128 : index
      %get3A_814 = tpu.vector_load %arg8[%get3A_812, %get3A_813] {strides = array<i32>} : memref<16x256xi32, #tpu.memory_space<vmem>>, vector<16xi32>,
      %add3A_815 = arith.constant 128 : i32
      %add3A_816 = arith.addi %reduce_sum3A_678, %add3A_815 : i32
      %swap3A_817 = arith.index_cast %add3A_816 : i32 to index
      %swap3A_818 = tpu.vector_load %arg10[%swap3A_817] {strides = array<i32>} : memref<3456xi32, #tpu.memory_space<vmem>>, vector<16xi32>,
      tpu.vector_store %arg10[%swap3A_817], %broadcast_in_dim3A_680 {strides = array<i32>} : memref<3456xi32, #tpu.memory_space<vmem>>, vector<16xi32>,
      %add3A_819 = arith.constant 128 : i32
      %add3A_820 = arith.addi %reduce_sum3A_678, %add3A_819 : i32
      %swap3A_821 = arith.index_cast %add3A_820 : i32 to index
      %swap3A_822 = tpu.vector_load %arg11[%swap3A_821] {strides = array<i32>} : memref<3456xi32, #tpu.memory_space<vmem>>, vector<16xi32>,
      tpu.vector_store %arg11[%swap3A_821], %broadcast_in_dim3A_682 {strides = array<i32>} : memref<3456xi32, #tpu.memory_space<vmem>>, vector<16xi32>,
      %add3A_823 = arith.constant 128 : i32
      %add3A_824 = arith.addi %reduce_sum3A_678, %add3A_823 : i32
      %swap3A_825 = arith.index_cast %add3A_824 : i32 to index
      %swap3A_826 = tpu.vector_load %arg12[%swap3A_825] {strides = array<i32>} : memref<3456xi32, #tpu.memory_space<vmem>>, vector<16xi32>,
      tpu.vector_store %arg12[%swap3A_825], %get3A_814 {strides = array<i32>} : memref<3456xi32, #tpu.memory_space<vmem>>, vector<16xi32>,
      %get3A_827 = arith.constant 3 : i32
      %get3A_828 = arith.index_cast %get3A_827 : i32 to index
      %get3A_829 = arith.constant 144 : index
      %get3A_830 = tpu.vector_load %arg8[%get3A_828, %get3A_829] {strides = array<i32>} : memref<16x256xi32, #tpu.memory_space<vmem>>, vector<16xi32>,
      %add3A_831 = arith.constant 144 : i32
      %add3A_832 = arith.addi %reduce_sum3A_678, %add3A_831 : i32
      %swap3A_833 = arith.index_cast %add3A_832 : i32 to index
      %swap3A_834 = tpu.vector_load %arg10[%swap3A_833] {strides = array<i32>} : memref<3456xi32, #tpu.memory_space<vmem>>, vector<16xi32>,
      tpu.vector_store %arg10[%swap3A_833], %broadcast_in_dim3A_680 {strides = array<i32>} : memref<3456xi32, #tpu.memory_space<vmem>>, vector<16xi32>,
      %add3A_835 = arith.constant 144 : i32
      %add3A_836 = arith.addi %reduce_sum3A_678, %add3A_835 : i32
      %swap3A_837 = arith.index_cast %add3A_836 : i32 to index
      %swap3A_838 = tpu.vector_load %arg11[%swap3A_837] {strides = array<i32>} : memref<3456xi32, #tpu.memory_space<vmem>>, vector<16xi32>,
      tpu.vector_store %arg11[%swap3A_837], %broadcast_in_dim3A_682 {strides = array<i32>} : memref<3456xi32, #tpu.memory_space<vmem>>, vector<16xi32>,
      %add3A_839 = arith.constant 144 : i32
      %add3A_840 = arith.addi %reduce_sum3A_678, %add3A_839 : i32
      %swap3A_841 = arith.index_cast %add3A_840 : i32 to index
      %swap3A_842 = tpu.vector_load %arg12[%swap3A_841] {strides = array<i32>} : memref<3456xi32, #tpu.memory_space<vmem>>, vector<16xi32>,
      tpu.vector_store %arg12[%swap3A_841], %get3A_830 {strides = array<i32>} : memref<3456xi32, #tpu.memory_space<vmem>>, vector<16xi32>,
      %get3A_843 = arith.constant 3 : i32
      %get3A_844 = arith.index_cast %get3A_843 : i32 to index
      %get3A_845 = arith.constant 160 : index
      %get3A_846 = tpu.vector_load %arg8[%get3A_844, %get3A_845] {strides = array<i32>} : memref<16x256xi32, #tpu.memory_space<vmem>>, vector<16xi32>,
      %add3A_847 = arith.constant 160 : i32
      %add3A_848 = arith.addi %reduce_sum3A_678, %add3A_847 : i32
      %swap3A_849 = arith.index_cast %add3A_848 : i32 to index
      %swap3A_850 = tpu.vector_load %arg10[%swap3A_849] {strides = array<i32>} : memref<3456xi32, #tpu.memory_space<vmem>>, vector<16xi32>,
      tpu.vector_store %arg10[%swap3A_849], %broadcast_in_dim3A_680 {strides = array<i32>} : memref<3456xi32, #tpu.memory_space<vmem>>, vector<16xi32>,
      %add3A_851 = arith.constant 160 : i32
      %add3A_852 = arith.addi %reduce_sum3A_678, %add3A_851 : i32
      %swap3A_853 = arith.index_cast %add3A_852 : i32 to index
      %swap3A_854 = tpu.vector_load %arg11[%swap3A_853] {strides = array<i32>} : memref<3456xi32, #tpu.memory_space<vmem>>, vector<16xi32>,
      tpu.vector_store %arg11[%swap3A_853], %broadcast_in_dim3A_682 {strides = array<i32>} : memref<3456xi32, #tpu.memory_space<vmem>>, vector<16xi32>,
      %add3A_855 = arith.constant 160 : i32
      %add3A_856 = arith.addi %reduce_sum3A_678, %add3A_855 : i32
      %swap3A_857 = arith.index_cast %add3A_856 : i32 to index
      %swap3A_858 = tpu.vector_load %arg12[%swap3A_857] {strides = array<i32>} : memref<3456xi32, #tpu.memory_space<vmem>>, vector<16xi32>,
      tpu.vector_store %arg12[%swap3A_857], %get3A_846 {strides = array<i32>} : memref<3456xi32, #tpu.memory_space<vmem>>, vector<16xi32>,
      %get3A_859 = arith.constant 3 : i32
      %get3A_860 = arith.index_cast %get3A_859 : i32 to index
      %get3A_861 = arith.constant 176 : index
      %get3A_862 = tpu.vector_load %arg8[%get3A_860, %get3A_861] {strides = array<i32>} : memref<16x256xi32, #tpu.memory_space<vmem>>, vector<16xi32>,
      %add3A_863 = arith.constant 176 : i32
      %add3A_864 = arith.addi %reduce_sum3A_678, %add3A_863 : i32
      %swap3A_865 = arith.index_cast %add3A_864 : i32 to index
      %swap3A_866 = tpu.vector_load %arg10[%swap3A_865] {strides = array<i32>} : memref<3456xi32, #tpu.memory_space<vmem>>, vector<16xi32>,
      tpu.vector_store %arg10[%swap3A_865], %broadcast_in_dim3A_680 {strides = array<i32>} : memref<3456xi32, #tpu.memory_space<vmem>>, vector<16xi32>,
      %add3A_867 = arith.constant 176 : i32
      %add3A_868 = arith.addi %reduce_sum3A_678, %add3A_867 : i32
      %swap3A_869 = arith.index_cast %add3A_868 : i32 to index
      %swap3A_870 = tpu.vector_load %arg11[%swap3A_869] {strides = array<i32>} : memref<3456xi32, #tpu.memory_space<vmem>>, vector<16xi32>,
      tpu.vector_store %arg11[%swap3A_869], %broadcast_in_dim3A_682 {strides = array<i32>} : memref<3456xi32, #tpu.memory_space<vmem>>, vector<16xi32>,
      %add3A_871 = arith.constant 176 : i32
      %add3A_872 = arith.addi %reduce_sum3A_678, %add3A_871 : i32
      %swap3A_873 = arith.index_cast %add3A_872 : i32 to index
      %swap3A_874 = tpu.vector_load %arg12[%swap3A_873] {strides = array<i32>} : memref<3456xi32, #tpu.memory_space<vmem>>, vector<16xi32>,
      tpu.vector_store %arg12[%swap3A_873], %get3A_862 {strides = array<i32>} : memref<3456xi32, #tpu.memory_space<vmem>>, vector<16xi32>,
      %get3A_875 = arith.constant 3 : i32
      %get3A_876 = arith.index_cast %get3A_875 : i32 to index
      %get3A_877 = arith.constant 192 : index
      %get3A_878 = tpu.vector_load %arg8[%get3A_876, %get3A_877] {strides = array<i32>} : memref<16x256xi32, #tpu.memory_space<vmem>>, vector<16xi32>,
      %add3A_879 = arith.constant 192 : i32
      %add3A_880 = arith.addi %reduce_sum3A_678, %add3A_879 : i32
      %swap3A_881 = arith.index_cast %add3A_880 : i32 to index
      %swap3A_882 = tpu.vector_load %arg10[%swap3A_881] {strides = array<i32>} : memref<3456xi32, #tpu.memory_space<vmem>>, vector<16xi32>,
      tpu.vector_store %arg10[%swap3A_881], %broadcast_in_dim3A_680 {strides = array<i32>} : memref<3456xi32, #tpu.memory_space<vmem>>, vector<16xi32>,
      %add3A_883 = arith.constant 192 : i32
      %add3A_884 = arith.addi %reduce_sum3A_678, %add3A_883 : i32
      %swap3A_885 = arith.index_cast %add3A_884 : i32 to index
      %swap3A_886 = tpu.vector_load %arg11[%swap3A_885] {strides = array<i32>} : memref<3456xi32, #tpu.memory_space<vmem>>, vector<16xi32>,
      tpu.vector_store %arg11[%swap3A_885], %broadcast_in_dim3A_682 {strides = array<i32>} : memref<3456xi32, #tpu.memory_space<vmem>>, vector<16xi32>,
      %add3A_887 = arith.constant 192 : i32
      %add3A_888 = arith.addi %reduce_sum3A_678, %add3A_887 : i32
      %swap3A_889 = arith.index_cast %add3A_888 : i32 to index
      %swap3A_890 = tpu.vector_load %arg12[%swap3A_889] {strides = array<i32>} : memref<3456xi32, #tpu.memory_space<vmem>>, vector<16xi32>,
      tpu.vector_store %arg12[%swap3A_889], %get3A_878 {strides = array<i32>} : memref<3456xi32, #tpu.memory_space<vmem>>, vector<16xi32>,
      %eq3A_891 = arith.constant 4 : i32
      %eq3A_892 = vector.broadcast %eq3A_891 : i32 to vector<16xi32>
      %eq3A_893 = arith.cmpi eq, %iota3A, %eq3A_892 : vector<16xi32>
      %jit3A_894 = arith.constant 0 : i32
      %broadcast_in_dim3A_895 = vector.broadcast %jit3A_894 : i32 to vector<16xi32>
      %select_n3A_896 = arith.select %eq3A_893, %sub3A, %broadcast_in_dim3A_895 : vector<16xi1>, vector<16xi32>
      %reduce_sum3A_897 = arith.constant true
      %reduce_sum3A_898 = vector.broadcast %reduce_sum3A_897 : i1 to vector<16xi1>
      %reduce_sum3A_899 = tpu.scan <sum>, %select_n3A_896 masked %reduce_sum3A_898 : vector<16xi32>, vector<16xi1> -> vector<16xi32>
      %reduce_sum3A_900 = vector.extract %reduce_sum3A_899[15] : i32 from vector<16xi32>
      %broadcast_in_dim3A_901 = arith.constant 0 : i32
      %broadcast_in_dim3A_902 = vector.broadcast %broadcast_in_dim3A_901 : i32 to vector<16xi32>
      %broadcast_in_dim3A_903 = arith.constant 4 : i32
      %broadcast_in_dim3A_904 = vector.broadcast %broadcast_in_dim3A_903 : i32 to vector<16xi32>
      %get3A_905 = arith.constant 4 : i32
      %get3A_906 = arith.index_cast %get3A_905 : i32 to index
      %get3A_907 = arith.constant 0 : index
      %get3A_908 = tpu.vector_load %arg8[%get3A_906, %get3A_907] {strides = array<i32>} : memref<16x256xi32, #tpu.memory_space<vmem>>, vector<16xi32>,
      %add3A_909 = arith.constant 0 : i32
      %add3A_910 = arith.addi %reduce_sum3A_900, %add3A_909 : i32
      %swap3A_911 = arith.index_cast %add3A_910 : i32 to index
      %swap3A_912 = tpu.vector_load %arg10[%swap3A_911] {strides = array<i32>} : memref<3456xi32, #tpu.memory_space<vmem>>, vector<16xi32>,
      tpu.vector_store %arg10[%swap3A_911], %broadcast_in_dim3A_902 {strides = array<i32>} : memref<3456xi32, #tpu.memory_space<vmem>>, vector<16xi32>,
      %add3A_913 = arith.constant 0 : i32
      %add3A_914 = arith.addi %reduce_sum3A_900, %add3A_913 : i32
      %swap3A_915 = arith.index_cast %add3A_914 : i32 to index
      %swap3A_916 = tpu.vector_load %arg11[%swap3A_915] {strides = array<i32>} : memref<3456xi32, #tpu.memory_space<vmem>>, vector<16xi32>,
      tpu.vector_store %arg11[%swap3A_915], %broadcast_in_dim3A_904 {strides = array<i32>} : memref<3456xi32, #tpu.memory_space<vmem>>, vector<16xi32>,
      %add3A_917 = arith.constant 0 : i32
      %add3A_918 = arith.addi %reduce_sum3A_900, %add3A_917 : i32
      %swap3A_919 = arith.index_cast %add3A_918 : i32 to index
      %swap3A_920 = tpu.vector_load %arg12[%swap3A_919] {strides = array<i32>} : memref<3456xi32, #tpu.memory_space<vmem>>, vector<16xi32>,
      tpu.vector_store %arg12[%swap3A_919], %get3A_908 {strides = array<i32>} : memref<3456xi32, #tpu.memory_space<vmem>>, vector<16xi32>,
      %get3A_921 = arith.constant 4 : i32
      %get3A_922 = arith.index_cast %get3A_921 : i32 to index
      %get3A_923 = arith.constant 16 : index
      %get3A_924 = tpu.vector_load %arg8[%get3A_922, %get3A_923] {strides = array<i32>} : memref<16x256xi32, #tpu.memory_space<vmem>>, vector<16xi32>,
      %add3A_925 = arith.constant 16 : i32
      %add3A_926 = arith.addi %reduce_sum3A_900, %add3A_925 : i32
      %swap3A_927 = arith.index_cast %add3A_926 : i32 to index
      %swap3A_928 = tpu.vector_load %arg10[%swap3A_927] {strides = array<i32>} : memref<3456xi32, #tpu.memory_space<vmem>>, vector<16xi32>,
      tpu.vector_store %arg10[%swap3A_927], %broadcast_in_dim3A_902 {strides = array<i32>} : memref<3456xi32, #tpu.memory_space<vmem>>, vector<16xi32>,
      %add3A_929 = arith.constant 16 : i32
      %add3A_930 = arith.addi %reduce_sum3A_900, %add3A_929 : i32
      %swap3A_931 = arith.index_cast %add3A_930 : i32 to index
      %swap3A_932 = tpu.vector_load %arg11[%swap3A_931] {strides = array<i32>} : memref<3456xi32, #tpu.memory_space<vmem>>, vector<16xi32>,
      tpu.vector_store %arg11[%swap3A_931], %broadcast_in_dim3A_904 {strides = array<i32>} : memref<3456xi32, #tpu.memory_space<vmem>>, vector<16xi32>,
      %add3A_933 = arith.constant 16 : i32
      %add3A_934 = arith.addi %reduce_sum3A_900, %add3A_933 : i32
      %swap3A_935 = arith.index_cast %add3A_934 : i32 to index
      %swap3A_936 = tpu.vector_load %arg12[%swap3A_935] {strides = array<i32>} : memref<3456xi32, #tpu.memory_space<vmem>>, vector<16xi32>,
      tpu.vector_store %arg12[%swap3A_935], %get3A_924 {strides = array<i32>} : memref<3456xi32, #tpu.memory_space<vmem>>, vector<16xi32>,
      %get3A_937 = arith.constant 4 : i32
      %get3A_938 = arith.index_cast %get3A_937 : i32 to index
      %get3A_939 = arith.constant 32 : index
      %get3A_940 = tpu.vector_load %arg8[%get3A_938, %get3A_939] {strides = array<i32>} : memref<16x256xi32, #tpu.memory_space<vmem>>, vector<16xi32>,
      %add3A_941 = arith.constant 32 : i32
      %add3A_942 = arith.addi %reduce_sum3A_900, %add3A_941 : i32
      %swap3A_943 = arith.index_cast %add3A_942 : i32 to index
      %swap3A_944 = tpu.vector_load %arg10[%swap3A_943] {strides = array<i32>} : memref<3456xi32, #tpu.memory_space<vmem>>, vector<16xi32>,
      tpu.vector_store %arg10[%swap3A_943], %broadcast_in_dim3A_902 {strides = array<i32>} : memref<3456xi32, #tpu.memory_space<vmem>>, vector<16xi32>,
      %add3A_945 = arith.constant 32 : i32
      %add3A_946 = arith.addi %reduce_sum3A_900, %add3A_945 : i32
      %swap3A_947 = arith.index_cast %add3A_946 : i32 to index
      %swap3A_948 = tpu.vector_load %arg11[%swap3A_947] {strides = array<i32>} : memref<3456xi32, #tpu.memory_space<vmem>>, vector<16xi32>,
      tpu.vector_store %arg11[%swap3A_947], %broadcast_in_dim3A_904 {strides = array<i32>} : memref<3456xi32, #tpu.memory_space<vmem>>, vector<16xi32>,
      %add3A_949 = arith.constant 32 : i32
      %add3A_950 = arith.addi %reduce_sum3A_900, %add3A_949 : i32
      %swap3A_951 = arith.index_cast %add3A_950 : i32 to index
      %swap3A_952 = tpu.vector_load %arg12[%swap3A_951] {strides = array<i32>} : memref<3456xi32, #tpu.memory_space<vmem>>, vector<16xi32>,
      tpu.vector_store %arg12[%swap3A_951], %get3A_940 {strides = array<i32>} : memref<3456xi32, #tpu.memory_space<vmem>>, vector<16xi32>,
      %get3A_953 = arith.constant 4 : i32
      %get3A_954 = arith.index_cast %get3A_953 : i32 to index
      %get3A_955 = arith.constant 48 : index
      %get3A_956 = tpu.vector_load %arg8[%get3A_954, %get3A_955] {strides = array<i32>} : memref<16x256xi32, #tpu.memory_space<vmem>>, vector<16xi32>,
      %add3A_957 = arith.constant 48 : i32
      %add3A_958 = arith.addi %reduce_sum3A_900, %add3A_957 : i32
      %swap3A_959 = arith.index_cast %add3A_958 : i32 to index
      %swap3A_960 = tpu.vector_load %arg10[%swap3A_959] {strides = array<i32>} : memref<3456xi32, #tpu.memory_space<vmem>>, vector<16xi32>,
      tpu.vector_store %arg10[%swap3A_959], %broadcast_in_dim3A_902 {strides = array<i32>} : memref<3456xi32, #tpu.memory_space<vmem>>, vector<16xi32>,
      %add3A_961 = arith.constant 48 : i32
      %add3A_962 = arith.addi %reduce_sum3A_900, %add3A_961 : i32
      %swap3A_963 = arith.index_cast %add3A_962 : i32 to index
      %swap3A_964 = tpu.vector_load %arg11[%swap3A_963] {strides = array<i32>} : memref<3456xi32, #tpu.memory_space<vmem>>, vector<16xi32>,
      tpu.vector_store %arg11[%swap3A_963], %broadcast_in_dim3A_904 {strides = array<i32>} : memref<3456xi32, #tpu.memory_space<vmem>>, vector<16xi32>,
      %add3A_965 = arith.constant 48 : i32
      %add3A_966 = arith.addi %reduce_sum3A_900, %add3A_965 : i32
      %swap3A_967 = arith.index_cast %add3A_966 : i32 to index
      %swap3A_968 = tpu.vector_load %arg12[%swap3A_967] {strides = array<i32>} : memref<3456xi32, #tpu.memory_space<vmem>>, vector<16xi32>,
      tpu.vector_store %arg12[%swap3A_967], %get3A_956 {strides = array<i32>} : memref<3456xi32, #tpu.memory_space<vmem>>, vector<16xi32>,
      %get3A_969 = arith.constant 4 : i32
      %get3A_970 = arith.index_cast %get3A_969 : i32 to index
      %get3A_971 = arith.constant 64 : index
      %get3A_972 = tpu.vector_load %arg8[%get3A_970, %get3A_971] {strides = array<i32>} : memref<16x256xi32, #tpu.memory_space<vmem>>, vector<16xi32>,
      %add3A_973 = arith.constant 64 : i32
      %add3A_974 = arith.addi %reduce_sum3A_900, %add3A_973 : i32
      %swap3A_975 = arith.index_cast %add3A_974 : i32 to index
      %swap3A_976 = tpu.vector_load %arg10[%swap3A_975] {strides = array<i32>} : memref<3456xi32, #tpu.memory_space<vmem>>, vector<16xi32>,
      tpu.vector_store %arg10[%swap3A_975], %broadcast_in_dim3A_902 {strides = array<i32>} : memref<3456xi32, #tpu.memory_space<vmem>>, vector<16xi32>,
      %add3A_977 = arith.constant 64 : i32
      %add3A_978 = arith.addi %reduce_sum3A_900, %add3A_977 : i32
      %swap3A_979 = arith.index_cast %add3A_978 : i32 to index
      %swap3A_980 = tpu.vector_load %arg11[%swap3A_979] {strides = array<i32>} : memref<3456xi32, #tpu.memory_space<vmem>>, vector<16xi32>,
      tpu.vector_store %arg11[%swap3A_979], %broadcast_in_dim3A_904 {strides = array<i32>} : memref<3456xi32, #tpu.memory_space<vmem>>, vector<16xi32>,
      %add3A_981 = arith.constant 64 : i32
      %add3A_982 = arith.addi %reduce_sum3A_900, %add3A_981 : i32
      %swap3A_983 = arith.index_cast %add3A_982 : i32 to index
      %swap3A_984 = tpu.vector_load %arg12[%swap3A_983] {strides = array<i32>} : memref<3456xi32, #tpu.memory_space<vmem>>, vector<16xi32>,
      tpu.vector_store %arg12[%swap3A_983], %get3A_972 {strides = array<i32>} : memref<3456xi32, #tpu.memory_space<vmem>>, vector<16xi32>,
      %get3A_985 = arith.constant 4 : i32
      %get3A_986 = arith.index_cast %get3A_985 : i32 to index
      %get3A_987 = arith.constant 80 : index
      %get3A_988 = tpu.vector_load %arg8[%get3A_986, %get3A_987] {strides = array<i32>} : memref<16x256xi32, #tpu.memory_space<vmem>>, vector<16xi32>,
      %add3A_989 = arith.constant 80 : i32
      %add3A_990 = arith.addi %reduce_sum3A_900, %add3A_989 : i32
      %swap3A_991 = arith.index_cast %add3A_990 : i32 to index
      %swap3A_992 = tpu.vector_load %arg10[%swap3A_991] {strides = array<i32>} : memref<3456xi32, #tpu.memory_space<vmem>>, vector<16xi32>,
      tpu.vector_store %arg10[%swap3A_991], %broadcast_in_dim3A_902 {strides = array<i32>} : memref<3456xi32, #tpu.memory_space<vmem>>, vector<16xi32>,
      %add3A_993 = arith.constant 80 : i32
      %add3A_994 = arith.addi %reduce_sum3A_900, %add3A_993 : i32
      %swap3A_995 = arith.index_cast %add3A_994 : i32 to index
      %swap3A_996 = tpu.vector_load %arg11[%swap3A_995] {strides = array<i32>} : memref<3456xi32, #tpu.memory_space<vmem>>, vector<16xi32>,
      tpu.vector_store %arg11[%swap3A_995], %broadcast_in_dim3A_904 {strides = array<i32>} : memref<3456xi32, #tpu.memory_space<vmem>>, vector<16xi32>,
      %add3A_997 = arith.constant 80 : i32
      %add3A_998 = arith.addi %reduce_sum3A_900, %add3A_997 : i32
      %swap3A_999 = arith.index_cast %add3A_998 : i32 to index
      %swap3A_1000 = tpu.vector_load %arg12[%swap3A_999] {strides = array<i32>} : memref<3456xi32, #tpu.memory_space<vmem>>, vector<16xi32>,
      tpu.vector_store %arg12[%swap3A_999], %get3A_988 {strides = array<i32>} : memref<3456xi32, #tpu.memory_space<vmem>>, vector<16xi32>,
      %get3A_1001 = arith.constant 4 : i32
      %get3A_1002 = arith.index_cast %get3A_1001 : i32 to index
      %get3A_1003 = arith.constant 96 : index
      %get3A_1004 = tpu.vector_load %arg8[%get3A_1002, %get3A_1003] {strides = array<i32>} : memref<16x256xi32, #tpu.memory_space<vmem>>, vector<16xi32>,
      %add3A_1005 = arith.constant 96 : i32
      %add3A_1006 = arith.addi %reduce_sum3A_900, %add3A_1005 : i32
      %swap3A_1007 = arith.index_cast %add3A_1006 : i32 to index
      %swap3A_1008 = tpu.vector_load %arg10[%swap3A_1007] {strides = array<i32>} : memref<3456xi32, #tpu.memory_space<vmem>>, vector<16xi32>,
      tpu.vector_store %arg10[%swap3A_1007], %broadcast_in_dim3A_902 {strides = array<i32>} : memref<3456xi32, #tpu.memory_space<vmem>>, vector<16xi32>,
      %add3A_1009 = arith.constant 96 : i32
      %add3A_1010 = arith.addi %reduce_sum3A_900, %add3A_1009 : i32
      %swap3A_1011 = arith.index_cast %add3A_1010 : i32 to index
      %swap3A_1012 = tpu.vector_load %arg11[%swap3A_1011] {strides = array<i32>} : memref<3456xi32, #tpu.memory_space<vmem>>, vector<16xi32>,
      tpu.vector_store %arg11[%swap3A_1011], %broadcast_in_dim3A_904 {strides = array<i32>} : memref<3456xi32, #tpu.memory_space<vmem>>, vector<16xi32>,
      %add3A_1013 = arith.constant 96 : i32
      %add3A_1014 = arith.addi %reduce_sum3A_900, %add3A_1013 : i32
      %swap3A_1015 = arith.index_cast %add3A_1014 : i32 to index
      %swap3A_1016 = tpu.vector_load %arg12[%swap3A_1015] {strides = array<i32>} : memref<3456xi32, #tpu.memory_space<vmem>>, vector<16xi32>,
      tpu.vector_store %arg12[%swap3A_1015], %get3A_1004 {strides = array<i32>} : memref<3456xi32, #tpu.memory_space<vmem>>, vector<16xi32>,
      %get3A_1017 = arith.constant 4 : i32
      %get3A_1018 = arith.index_cast %get3A_1017 : i32 to index
      %get3A_1019 = arith.constant 112 : index
      %get3A_1020 = tpu.vector_load %arg8[%get3A_1018, %get3A_1019] {strides = array<i32>} : memref<16x256xi32, #tpu.memory_space<vmem>>, vector<16xi32>,
      %add3A_1021 = arith.constant 112 : i32
      %add3A_1022 = arith.addi %reduce_sum3A_900, %add3A_1021 : i32
      %swap3A_1023 = arith.index_cast %add3A_1022 : i32 to index
      %swap3A_1024 = tpu.vector_load %arg10[%swap3A_1023] {strides = array<i32>} : memref<3456xi32, #tpu.memory_space<vmem>>, vector<16xi32>,
      tpu.vector_store %arg10[%swap3A_1023], %broadcast_in_dim3A_902 {strides = array<i32>} : memref<3456xi32, #tpu.memory_space<vmem>>, vector<16xi32>,
      %add3A_1025 = arith.constant 112 : i32
      %add3A_1026 = arith.addi %reduce_sum3A_900, %add3A_1025 : i32
      %swap3A_1027 = arith.index_cast %add3A_1026 : i32 to index
      %swap3A_1028 = tpu.vector_load %arg11[%swap3A_1027] {strides = array<i32>} : memref<3456xi32, #tpu.memory_space<vmem>>, vector<16xi32>,
      tpu.vector_store %arg11[%swap3A_1027], %broadcast_in_dim3A_904 {strides = array<i32>} : memref<3456xi32, #tpu.memory_space<vmem>>, vector<16xi32>,
      %add3A_1029 = arith.constant 112 : i32
      %add3A_1030 = arith.addi %reduce_sum3A_900, %add3A_1029 : i32
      %swap3A_1031 = arith.index_cast %add3A_1030 : i32 to index
      %swap3A_1032 = tpu.vector_load %arg12[%swap3A_1031] {strides = array<i32>} : memref<3456xi32, #tpu.memory_space<vmem>>, vector<16xi32>,
      tpu.vector_store %arg12[%swap3A_1031], %get3A_1020 {strides = array<i32>} : memref<3456xi32, #tpu.memory_space<vmem>>, vector<16xi32>,
      %get3A_1033 = arith.constant 4 : i32
      %get3A_1034 = arith.index_cast %get3A_1033 : i32 to index
      %get3A_1035 = arith.constant 128 : index
      %get3A_1036 = tpu.vector_load %arg8[%get3A_1034, %get3A_1035] {strides = array<i32>} : memref<16x256xi32, #tpu.memory_space<vmem>>, vector<16xi32>,
      %add3A_1037 = arith.constant 128 : i32
      %add3A_1038 = arith.addi %reduce_sum3A_900, %add3A_1037 : i32
      %swap3A_1039 = arith.index_cast %add3A_1038 : i32 to index
      %swap3A_1040 = tpu.vector_load %arg10[%swap3A_1039] {strides = array<i32>} : memref<3456xi32, #tpu.memory_space<vmem>>, vector<16xi32>,
      tpu.vector_store %arg10[%swap3A_1039], %broadcast_in_dim3A_902 {strides = array<i32>} : memref<3456xi32, #tpu.memory_space<vmem>>, vector<16xi32>,
      %add3A_1041 = arith.constant 128 : i32
      %add3A_1042 = arith.addi %reduce_sum3A_900, %add3A_1041 : i32
      %swap3A_1043 = arith.index_cast %add3A_1042 : i32 to index
      %swap3A_1044 = tpu.vector_load %arg11[%swap3A_1043] {strides = array<i32>} : memref<3456xi32, #tpu.memory_space<vmem>>, vector<16xi32>,
      tpu.vector_store %arg11[%swap3A_1043], %broadcast_in_dim3A_904 {strides = array<i32>} : memref<3456xi32, #tpu.memory_space<vmem>>, vector<16xi32>,
      %add3A_1045 = arith.constant 128 : i32
      %add3A_1046 = arith.addi %reduce_sum3A_900, %add3A_1045 : i32
      %swap3A_1047 = arith.index_cast %add3A_1046 : i32 to index
      %swap3A_1048 = tpu.vector_load %arg12[%swap3A_1047] {strides = array<i32>} : memref<3456xi32, #tpu.memory_space<vmem>>, vector<16xi32>,
      tpu.vector_store %arg12[%swap3A_1047], %get3A_1036 {strides = array<i32>} : memref<3456xi32, #tpu.memory_space<vmem>>, vector<16xi32>,
      %get3A_1049 = arith.constant 4 : i32
      %get3A_1050 = arith.index_cast %get3A_1049 : i32 to index
      %get3A_1051 = arith.constant 144 : index
      %get3A_1052 = tpu.vector_load %arg8[%get3A_1050, %get3A_1051] {strides = array<i32>} : memref<16x256xi32, #tpu.memory_space<vmem>>, vector<16xi32>,
      %add3A_1053 = arith.constant 144 : i32
      %add3A_1054 = arith.addi %reduce_sum3A_900, %add3A_1053 : i32
      %swap3A_1055 = arith.index_cast %add3A_1054 : i32 to index
      %swap3A_1056 = tpu.vector_load %arg10[%swap3A_1055] {strides = array<i32>} : memref<3456xi32, #tpu.memory_space<vmem>>, vector<16xi32>,
      tpu.vector_store %arg10[%swap3A_1055], %broadcast_in_dim3A_902 {strides = array<i32>} : memref<3456xi32, #tpu.memory_space<vmem>>, vector<16xi32>,
      %add3A_1057 = arith.constant 144 : i32
      %add3A_1058 = arith.addi %reduce_sum3A_900, %add3A_1057 : i32
      %swap3A_1059 = arith.index_cast %add3A_1058 : i32 to index
      %swap3A_1060 = tpu.vector_load %arg11[%swap3A_1059] {strides = array<i32>} : memref<3456xi32, #tpu.memory_space<vmem>>, vector<16xi32>,
      tpu.vector_store %arg11[%swap3A_1059], %broadcast_in_dim3A_904 {strides = array<i32>} : memref<3456xi32, #tpu.memory_space<vmem>>, vector<16xi32>,
      %add3A_1061 = arith.constant 144 : i32
      %add3A_1062 = arith.addi %reduce_sum3A_900, %add3A_1061 : i32
      %swap3A_1063 = arith.index_cast %add3A_1062 : i32 to index
      %swap3A_1064 = tpu.vector_load %arg12[%swap3A_1063] {strides = array<i32>} : memref<3456xi32, #tpu.memory_space<vmem>>, vector<16xi32>,
      tpu.vector_store %arg12[%swap3A_1063], %get3A_1052 {strides = array<i32>} : memref<3456xi32, #tpu.memory_space<vmem>>, vector<16xi32>,
      %get3A_1065 = arith.constant 4 : i32
      %get3A_1066 = arith.index_cast %get3A_1065 : i32 to index
      %get3A_1067 = arith.constant 160 : index
      %get3A_1068 = tpu.vector_load %arg8[%get3A_1066, %get3A_1067] {strides = array<i32>} : memref<16x256xi32, #tpu.memory_space<vmem>>, vector<16xi32>,
      %add3A_1069 = arith.constant 160 : i32
      %add3A_1070 = arith.addi %reduce_sum3A_900, %add3A_1069 : i32
      %swap3A_1071 = arith.index_cast %add3A_1070 : i32 to index
      %swap3A_1072 = tpu.vector_load %arg10[%swap3A_1071] {strides = array<i32>} : memref<3456xi32, #tpu.memory_space<vmem>>, vector<16xi32>,
      tpu.vector_store %arg10[%swap3A_1071], %broadcast_in_dim3A_902 {strides = array<i32>} : memref<3456xi32, #tpu.memory_space<vmem>>, vector<16xi32>,
      %add3A_1073 = arith.constant 160 : i32
      %add3A_1074 = arith.addi %reduce_sum3A_900, %add3A_1073 : i32
      %swap3A_1075 = arith.index_cast %add3A_1074 : i32 to index
      %swap3A_1076 = tpu.vector_load %arg11[%swap3A_1075] {strides = array<i32>} : memref<3456xi32, #tpu.memory_space<vmem>>, vector<16xi32>,
      tpu.vector_store %arg11[%swap3A_1075], %broadcast_in_dim3A_904 {strides = array<i32>} : memref<3456xi32, #tpu.memory_space<vmem>>, vector<16xi32>,
      %add3A_1077 = arith.constant 160 : i32
      %add3A_1078 = arith.addi %reduce_sum3A_900, %add3A_1077 : i32
      %swap3A_1079 = arith.index_cast %add3A_1078 : i32 to index
      %swap3A_1080 = tpu.vector_load %arg12[%swap3A_1079] {strides = array<i32>} : memref<3456xi32, #tpu.memory_space<vmem>>, vector<16xi32>,
      tpu.vector_store %arg12[%swap3A_1079], %get3A_1068 {strides = array<i32>} : memref<3456xi32, #tpu.memory_space<vmem>>, vector<16xi32>,
      %get3A_1081 = arith.constant 4 : i32
      %get3A_1082 = arith.index_cast %get3A_1081 : i32 to index
      %get3A_1083 = arith.constant 176 : index
      %get3A_1084 = tpu.vector_load %arg8[%get3A_1082, %get3A_1083] {strides = array<i32>} : memref<16x256xi32, #tpu.memory_space<vmem>>, vector<16xi32>,
      %add3A_1085 = arith.constant 176 : i32
      %add3A_1086 = arith.addi %reduce_sum3A_900, %add3A_1085 : i32
      %swap3A_1087 = arith.index_cast %add3A_1086 : i32 to index
      %swap3A_1088 = tpu.vector_load %arg10[%swap3A_1087] {strides = array<i32>} : memref<3456xi32, #tpu.memory_space<vmem>>, vector<16xi32>,
      tpu.vector_store %arg10[%swap3A_1087], %broadcast_in_dim3A_902 {strides = array<i32>} : memref<3456xi32, #tpu.memory_space<vmem>>, vector<16xi32>,
      %add3A_1089 = arith.constant 176 : i32
      %add3A_1090 = arith.addi %reduce_sum3A_900, %add3A_1089 : i32
      %swap3A_1091 = arith.index_cast %add3A_1090 : i32 to index
      %swap3A_1092 = tpu.vector_load %arg11[%swap3A_1091] {strides = array<i32>} : memref<3456xi32, #tpu.memory_space<vmem>>, vector<16xi32>,
      tpu.vector_store %arg11[%swap3A_1091], %broadcast_in_dim3A_904 {strides = array<i32>} : memref<3456xi32, #tpu.memory_space<vmem>>, vector<16xi32>,
      %add3A_1093 = arith.constant 176 : i32
      %add3A_1094 = arith.addi %reduce_sum3A_900, %add3A_1093 : i32
      %swap3A_1095 = arith.index_cast %add3A_1094 : i32 to index
      %swap3A_1096 = tpu.vector_load %arg12[%swap3A_1095] {strides = array<i32>} : memref<3456xi32, #tpu.memory_space<vmem>>, vector<16xi32>,
      tpu.vector_store %arg12[%swap3A_1095], %get3A_1084 {strides = array<i32>} : memref<3456xi32, #tpu.memory_space<vmem>>, vector<16xi32>,
      %get3A_1097 = arith.constant 4 : i32
      %get3A_1098 = arith.index_cast %get3A_1097 : i32 to index
      %get3A_1099 = arith.constant 192 : index
      %get3A_1100 = tpu.vector_load %arg8[%get3A_1098, %get3A_1099] {strides = array<i32>} : memref<16x256xi32, #tpu.memory_space<vmem>>, vector<16xi32>,
      %add3A_1101 = arith.constant 192 : i32
      %add3A_1102 = arith.addi %reduce_sum3A_900, %add3A_1101 : i32
      %swap3A_1103 = arith.index_cast %add3A_1102 : i32 to index
      %swap3A_1104 = tpu.vector_load %arg10[%swap3A_1103] {strides = array<i32>} : memref<3456xi32, #tpu.memory_space<vmem>>, vector<16xi32>,
      tpu.vector_store %arg10[%swap3A_1103], %broadcast_in_dim3A_902 {strides = array<i32>} : memref<3456xi32, #tpu.memory_space<vmem>>, vector<16xi32>,
      %add3A_1105 = arith.constant 192 : i32
      %add3A_1106 = arith.addi %reduce_sum3A_900, %add3A_1105 : i32
      %swap3A_1107 = arith.index_cast %add3A_1106 : i32 to index
      %swap3A_1108 = tpu.vector_load %arg11[%swap3A_1107] {strides = array<i32>} : memref<3456xi32, #tpu.memory_space<vmem>>, vector<16xi32>,
      tpu.vector_store %arg11[%swap3A_1107], %broadcast_in_dim3A_904 {strides = array<i32>} : memref<3456xi32, #tpu.memory_space<vmem>>, vector<16xi32>,
      %add3A_1109 = arith.constant 192 : i32
      %add3A_1110 = arith.addi %reduce_sum3A_900, %add3A_1109 : i32
      %swap3A_1111 = arith.index_cast %add3A_1110 : i32 to index
      %swap3A_1112 = tpu.vector_load %arg12[%swap3A_1111] {strides = array<i32>} : memref<3456xi32, #tpu.memory_space<vmem>>, vector<16xi32>,
      tpu.vector_store %arg12[%swap3A_1111], %get3A_1100 {strides = array<i32>} : memref<3456xi32, #tpu.memory_space<vmem>>, vector<16xi32>,
      %eq3A_1113 = arith.constant 5 : i32
      %eq3A_1114 = vector.broadcast %eq3A_1113 : i32 to vector<16xi32>
      %eq3A_1115 = arith.cmpi eq, %iota3A, %eq3A_1114 : vector<16xi32>
      %jit3A_1116 = arith.constant 0 : i32
      %broadcast_in_dim3A_1117 = vector.broadcast %jit3A_1116 : i32 to vector<16xi32>
      %select_n3A_1118 = arith.select %eq3A_1115, %sub3A, %broadcast_in_dim3A_1117 : vector<16xi1>, vector<16xi32>
      %reduce_sum3A_1119 = arith.constant true
      %reduce_sum3A_1120 = vector.broadcast %reduce_sum3A_1119 : i1 to vector<16xi1>
      %reduce_sum3A_1121 = tpu.scan <sum>, %select_n3A_1118 masked %reduce_sum3A_1120 : vector<16xi32>, vector<16xi1> -> vector<16xi32>
      %reduce_sum3A_1122 = vector.extract %reduce_sum3A_1121[15] : i32 from vector<16xi32>
      %broadcast_in_dim3A_1123 = arith.constant 0 : i32
      %broadcast_in_dim3A_1124 = vector.broadcast %broadcast_in_dim3A_1123 : i32 to vector<16xi32>
      %broadcast_in_dim3A_1125 = arith.constant 5 : i32
      %broadcast_in_dim3A_1126 = vector.broadcast %broadcast_in_dim3A_1125 : i32 to vector<16xi32>
      %get3A_1127 = arith.constant 5 : i32
      %get3A_1128 = arith.index_cast %get3A_1127 : i32 to index
      %get3A_1129 = arith.constant 0 : index
      %get3A_1130 = tpu.vector_load %arg8[%get3A_1128, %get3A_1129] {strides = array<i32>} : memref<16x256xi32, #tpu.memory_space<vmem>>, vector<16xi32>,
      %add3A_1131 = arith.constant 0 : i32
      %add3A_1132 = arith.addi %reduce_sum3A_1122, %add3A_1131 : i32
      %swap3A_1133 = arith.index_cast %add3A_1132 : i32 to index
      %swap3A_1134 = tpu.vector_load %arg10[%swap3A_1133] {strides = array<i32>} : memref<3456xi32, #tpu.memory_space<vmem>>, vector<16xi32>,
      tpu.vector_store %arg10[%swap3A_1133], %broadcast_in_dim3A_1124 {strides = array<i32>} : memref<3456xi32, #tpu.memory_space<vmem>>, vector<16xi32>,
      %add3A_1135 = arith.constant 0 : i32
      %add3A_1136 = arith.addi %reduce_sum3A_1122, %add3A_1135 : i32
      %swap3A_1137 = arith.index_cast %add3A_1136 : i32 to index
      %swap3A_1138 = tpu.vector_load %arg11[%swap3A_1137] {strides = array<i32>} : memref<3456xi32, #tpu.memory_space<vmem>>, vector<16xi32>,
      tpu.vector_store %arg11[%swap3A_1137], %broadcast_in_dim3A_1126 {strides = array<i32>} : memref<3456xi32, #tpu.memory_space<vmem>>, vector<16xi32>,
      %add3A_1139 = arith.constant 0 : i32
      %add3A_1140 = arith.addi %reduce_sum3A_1122, %add3A_1139 : i32
      %swap3A_1141 = arith.index_cast %add3A_1140 : i32 to index
      %swap3A_1142 = tpu.vector_load %arg12[%swap3A_1141] {strides = array<i32>} : memref<3456xi32, #tpu.memory_space<vmem>>, vector<16xi32>,
      tpu.vector_store %arg12[%swap3A_1141], %get3A_1130 {strides = array<i32>} : memref<3456xi32, #tpu.memory_space<vmem>>, vector<16xi32>,
      %get3A_1143 = arith.constant 5 : i32
      %get3A_1144 = arith.index_cast %get3A_1143 : i32 to index
      %get3A_1145 = arith.constant 16 : index
      %get3A_1146 = tpu.vector_load %arg8[%get3A_1144, %get3A_1145] {strides = array<i32>} : memref<16x256xi32, #tpu.memory_space<vmem>>, vector<16xi32>,
      %add3A_1147 = arith.constant 16 : i32
      %add3A_1148 = arith.addi %reduce_sum3A_1122, %add3A_1147 : i32
      %swap3A_1149 = arith.index_cast %add3A_1148 : i32 to index
      %swap3A_1150 = tpu.vector_load %arg10[%swap3A_1149] {strides = array<i32>} : memref<3456xi32, #tpu.memory_space<vmem>>, vector<16xi32>,
      tpu.vector_store %arg10[%swap3A_1149], %broadcast_in_dim3A_1124 {strides = array<i32>} : memref<3456xi32, #tpu.memory_space<vmem>>, vector<16xi32>,
      %add3A_1151 = arith.constant 16 : i32
      %add3A_1152 = arith.addi %reduce_sum3A_1122, %add3A_1151 : i32
      %swap3A_1153 = arith.index_cast %add3A_1152 : i32 to index
      %swap3A_1154 = tpu.vector_load %arg11[%swap3A_1153] {strides = array<i32>} : memref<3456xi32, #tpu.memory_space<vmem>>, vector<16xi32>,
      tpu.vector_store %arg11[%swap3A_1153], %broadcast_in_dim3A_1126 {strides = array<i32>} : memref<3456xi32, #tpu.memory_space<vmem>>, vector<16xi32>,
      %add3A_1155 = arith.constant 16 : i32
      %add3A_1156 = arith.addi %reduce_sum3A_1122, %add3A_1155 : i32
      %swap3A_1157 = arith.index_cast %add3A_1156 : i32 to index
      %swap3A_1158 = tpu.vector_load %arg12[%swap3A_1157] {strides = array<i32>} : memref<3456xi32, #tpu.memory_space<vmem>>, vector<16xi32>,
      tpu.vector_store %arg12[%swap3A_1157], %get3A_1146 {strides = array<i32>} : memref<3456xi32, #tpu.memory_space<vmem>>, vector<16xi32>,
      %get3A_1159 = arith.constant 5 : i32
      %get3A_1160 = arith.index_cast %get3A_1159 : i32 to index
      %get3A_1161 = arith.constant 32 : index
      %get3A_1162 = tpu.vector_load %arg8[%get3A_1160, %get3A_1161] {strides = array<i32>} : memref<16x256xi32, #tpu.memory_space<vmem>>, vector<16xi32>,
      %add3A_1163 = arith.constant 32 : i32
      %add3A_1164 = arith.addi %reduce_sum3A_1122, %add3A_1163 : i32
      %swap3A_1165 = arith.index_cast %add3A_1164 : i32 to index
      %swap3A_1166 = tpu.vector_load %arg10[%swap3A_1165] {strides = array<i32>} : memref<3456xi32, #tpu.memory_space<vmem>>, vector<16xi32>,
      tpu.vector_store %arg10[%swap3A_1165], %broadcast_in_dim3A_1124 {strides = array<i32>} : memref<3456xi32, #tpu.memory_space<vmem>>, vector<16xi32>,
      %add3A_1167 = arith.constant 32 : i32
      %add3A_1168 = arith.addi %reduce_sum3A_1122, %add3A_1167 : i32
      %swap3A_1169 = arith.index_cast %add3A_1168 : i32 to index
      %swap3A_1170 = tpu.vector_load %arg11[%swap3A_1169] {strides = array<i32>} : memref<3456xi32, #tpu.memory_space<vmem>>, vector<16xi32>,
      tpu.vector_store %arg11[%swap3A_1169], %broadcast_in_dim3A_1126 {strides = array<i32>} : memref<3456xi32, #tpu.memory_space<vmem>>, vector<16xi32>,
      %add3A_1171 = arith.constant 32 : i32
      %add3A_1172 = arith.addi %reduce_sum3A_1122, %add3A_1171 : i32
      %swap3A_1173 = arith.index_cast %add3A_1172 : i32 to index
      %swap3A_1174 = tpu.vector_load %arg12[%swap3A_1173] {strides = array<i32>} : memref<3456xi32, #tpu.memory_space<vmem>>, vector<16xi32>,
      tpu.vector_store %arg12[%swap3A_1173], %get3A_1162 {strides = array<i32>} : memref<3456xi32, #tpu.memory_space<vmem>>, vector<16xi32>,
      %get3A_1175 = arith.constant 5 : i32
      %get3A_1176 = arith.index_cast %get3A_1175 : i32 to index
      %get3A_1177 = arith.constant 48 : index
      %get3A_1178 = tpu.vector_load %arg8[%get3A_1176, %get3A_1177] {strides = array<i32>} : memref<16x256xi32, #tpu.memory_space<vmem>>, vector<16xi32>,
      %add3A_1179 = arith.constant 48 : i32
      %add3A_1180 = arith.addi %reduce_sum3A_1122, %add3A_1179 : i32
      %swap3A_1181 = arith.index_cast %add3A_1180 : i32 to index
      %swap3A_1182 = tpu.vector_load %arg10[%swap3A_1181] {strides = array<i32>} : memref<3456xi32, #tpu.memory_space<vmem>>, vector<16xi32>,
      tpu.vector_store %arg10[%swap3A_1181], %broadcast_in_dim3A_1124 {strides = array<i32>} : memref<3456xi32, #tpu.memory_space<vmem>>, vector<16xi32>,
      %add3A_1183 = arith.constant 48 : i32
      %add3A_1184 = arith.addi %reduce_sum3A_1122, %add3A_1183 : i32
      %swap3A_1185 = arith.index_cast %add3A_1184 : i32 to index
      %swap3A_1186 = tpu.vector_load %arg11[%swap3A_1185] {strides = array<i32>} : memref<3456xi32, #tpu.memory_space<vmem>>, vector<16xi32>,
      tpu.vector_store %arg11[%swap3A_1185], %broadcast_in_dim3A_1126 {strides = array<i32>} : memref<3456xi32, #tpu.memory_space<vmem>>, vector<16xi32>,
      %add3A_1187 = arith.constant 48 : i32
      %add3A_1188 = arith.addi %reduce_sum3A_1122, %add3A_1187 : i32
      %swap3A_1189 = arith.index_cast %add3A_1188 : i32 to index
      %swap3A_1190 = tpu.vector_load %arg12[%swap3A_1189] {strides = array<i32>} : memref<3456xi32, #tpu.memory_space<vmem>>, vector<16xi32>,
      tpu.vector_store %arg12[%swap3A_1189], %get3A_1178 {strides = array<i32>} : memref<3456xi32, #tpu.memory_space<vmem>>, vector<16xi32>,
      %get3A_1191 = arith.constant 5 : i32
      %get3A_1192 = arith.index_cast %get3A_1191 : i32 to index
      %get3A_1193 = arith.constant 64 : index
      %get3A_1194 = tpu.vector_load %arg8[%get3A_1192, %get3A_1193] {strides = array<i32>} : memref<16x256xi32, #tpu.memory_space<vmem>>, vector<16xi32>,
      %add3A_1195 = arith.constant 64 : i32
      %add3A_1196 = arith.addi %reduce_sum3A_1122, %add3A_1195 : i32
      %swap3A_1197 = arith.index_cast %add3A_1196 : i32 to index
      %swap3A_1198 = tpu.vector_load %arg10[%swap3A_1197] {strides = array<i32>} : memref<3456xi32, #tpu.memory_space<vmem>>, vector<16xi32>,
      tpu.vector_store %arg10[%swap3A_1197], %broadcast_in_dim3A_1124 {strides = array<i32>} : memref<3456xi32, #tpu.memory_space<vmem>>, vector<16xi32>,
      %add3A_1199 = arith.constant 64 : i32
      %add3A_1200 = arith.addi %reduce_sum3A_1122, %add3A_1199 : i32
      %swap3A_1201 = arith.index_cast %add3A_1200 : i32 to index
      %swap3A_1202 = tpu.vector_load %arg11[%swap3A_1201] {strides = array<i32>} : memref<3456xi32, #tpu.memory_space<vmem>>, vector<16xi32>,
      tpu.vector_store %arg11[%swap3A_1201], %broadcast_in_dim3A_1126 {strides = array<i32>} : memref<3456xi32, #tpu.memory_space<vmem>>, vector<16xi32>,
      %add3A_1203 = arith.constant 64 : i32
      %add3A_1204 = arith.addi %reduce_sum3A_1122, %add3A_1203 : i32
      %swap3A_1205 = arith.index_cast %add3A_1204 : i32 to index
      %swap3A_1206 = tpu.vector_load %arg12[%swap3A_1205] {strides = array<i32>} : memref<3456xi32, #tpu.memory_space<vmem>>, vector<16xi32>,
      tpu.vector_store %arg12[%swap3A_1205], %get3A_1194 {strides = array<i32>} : memref<3456xi32, #tpu.memory_space<vmem>>, vector<16xi32>,
      %get3A_1207 = arith.constant 5 : i32
      %get3A_1208 = arith.index_cast %get3A_1207 : i32 to index
      %get3A_1209 = arith.constant 80 : index
      %get3A_1210 = tpu.vector_load %arg8[%get3A_1208, %get3A_1209] {strides = array<i32>} : memref<16x256xi32, #tpu.memory_space<vmem>>, vector<16xi32>,
      %add3A_1211 = arith.constant 80 : i32
      %add3A_1212 = arith.addi %reduce_sum3A_1122, %add3A_1211 : i32
      %swap3A_1213 = arith.index_cast %add3A_1212 : i32 to index
      %swap3A_1214 = tpu.vector_load %arg10[%swap3A_1213] {strides = array<i32>} : memref<3456xi32, #tpu.memory_space<vmem>>, vector<16xi32>,
      tpu.vector_store %arg10[%swap3A_1213], %broadcast_in_dim3A_1124 {strides = array<i32>} : memref<3456xi32, #tpu.memory_space<vmem>>, vector<16xi32>,
      %add3A_1215 = arith.constant 80 : i32
      %add3A_1216 = arith.addi %reduce_sum3A_1122, %add3A_1215 : i32
      %swap3A_1217 = arith.index_cast %add3A_1216 : i32 to index
      %swap3A_1218 = tpu.vector_load %arg11[%swap3A_1217] {strides = array<i32>} : memref<3456xi32, #tpu.memory_space<vmem>>, vector<16xi32>,
      tpu.vector_store %arg11[%swap3A_1217], %broadcast_in_dim3A_1126 {strides = array<i32>} : memref<3456xi32, #tpu.memory_space<vmem>>, vector<16xi32>,
      %add3A_1219 = arith.constant 80 : i32
      %add3A_1220 = arith.addi %reduce_sum3A_1122, %add3A_1219 : i32
      %swap3A_1221 = arith.index_cast %add3A_1220 : i32 to index
      %swap3A_1222 = tpu.vector_load %arg12[%swap3A_1221] {strides = array<i32>} : memref<3456xi32, #tpu.memory_space<vmem>>, vector<16xi32>,
      tpu.vector_store %arg12[%swap3A_1221], %get3A_1210 {strides = array<i32>} : memref<3456xi32, #tpu.memory_space<vmem>>, vector<16xi32>,
      %get3A_1223 = arith.constant 5 : i32
      %get3A_1224 = arith.index_cast %get3A_1223 : i32 to index
      %get3A_1225 = arith.constant 96 : index
      %get3A_1226 = tpu.vector_load %arg8[%get3A_1224, %get3A_1225] {strides = array<i32>} : memref<16x256xi32, #tpu.memory_space<vmem>>, vector<16xi32>,
      %add3A_1227 = arith.constant 96 : i32
      %add3A_1228 = arith.addi %reduce_sum3A_1122, %add3A_1227 : i32
      %swap3A_1229 = arith.index_cast %add3A_1228 : i32 to index
      %swap3A_1230 = tpu.vector_load %arg10[%swap3A_1229] {strides = array<i32>} : memref<3456xi32, #tpu.memory_space<vmem>>, vector<16xi32>,
      tpu.vector_store %arg10[%swap3A_1229], %broadcast_in_dim3A_1124 {strides = array<i32>} : memref<3456xi32, #tpu.memory_space<vmem>>, vector<16xi32>,
      %add3A_1231 = arith.constant 96 : i32
      %add3A_1232 = arith.addi %reduce_sum3A_1122, %add3A_1231 : i32
      %swap3A_1233 = arith.index_cast %add3A_1232 : i32 to index
      %swap3A_1234 = tpu.vector_load %arg11[%swap3A_1233] {strides = array<i32>} : memref<3456xi32, #tpu.memory_space<vmem>>, vector<16xi32>,
      tpu.vector_store %arg11[%swap3A_1233], %broadcast_in_dim3A_1126 {strides = array<i32>} : memref<3456xi32, #tpu.memory_space<vmem>>, vector<16xi32>,
      %add3A_1235 = arith.constant 96 : i32
      %add3A_1236 = arith.addi %reduce_sum3A_1122, %add3A_1235 : i32
      %swap3A_1237 = arith.index_cast %add3A_1236 : i32 to index
      %swap3A_1238 = tpu.vector_load %arg12[%swap3A_1237] {strides = array<i32>} : memref<3456xi32, #tpu.memory_space<vmem>>, vector<16xi32>,
      tpu.vector_store %arg12[%swap3A_1237], %get3A_1226 {strides = array<i32>} : memref<3456xi32, #tpu.memory_space<vmem>>, vector<16xi32>,
      %get3A_1239 = arith.constant 5 : i32
      %get3A_1240 = arith.index_cast %get3A_1239 : i32 to index
      %get3A_1241 = arith.constant 112 : index
      %get3A_1242 = tpu.vector_load %arg8[%get3A_1240, %get3A_1241] {strides = array<i32>} : memref<16x256xi32, #tpu.memory_space<vmem>>, vector<16xi32>,
      %add3A_1243 = arith.constant 112 : i32
      %add3A_1244 = arith.addi %reduce_sum3A_1122, %add3A_1243 : i32
      %swap3A_1245 = arith.index_cast %add3A_1244 : i32 to index
      %swap3A_1246 = tpu.vector_load %arg10[%swap3A_1245] {strides = array<i32>} : memref<3456xi32, #tpu.memory_space<vmem>>, vector<16xi32>,
      tpu.vector_store %arg10[%swap3A_1245], %broadcast_in_dim3A_1124 {strides = array<i32>} : memref<3456xi32, #tpu.memory_space<vmem>>, vector<16xi32>,
      %add3A_1247 = arith.constant 112 : i32
      %add3A_1248 = arith.addi %reduce_sum3A_1122, %add3A_1247 : i32
      %swap3A_1249 = arith.index_cast %add3A_1248 : i32 to index
      %swap3A_1250 = tpu.vector_load %arg11[%swap3A_1249] {strides = array<i32>} : memref<3456xi32, #tpu.memory_space<vmem>>, vector<16xi32>,
      tpu.vector_store %arg11[%swap3A_1249], %broadcast_in_dim3A_1126 {strides = array<i32>} : memref<3456xi32, #tpu.memory_space<vmem>>, vector<16xi32>,
      %add3A_1251 = arith.constant 112 : i32
      %add3A_1252 = arith.addi %reduce_sum3A_1122, %add3A_1251 : i32
      %swap3A_1253 = arith.index_cast %add3A_1252 : i32 to index
      %swap3A_1254 = tpu.vector_load %arg12[%swap3A_1253] {strides = array<i32>} : memref<3456xi32, #tpu.memory_space<vmem>>, vector<16xi32>,
      tpu.vector_store %arg12[%swap3A_1253], %get3A_1242 {strides = array<i32>} : memref<3456xi32, #tpu.memory_space<vmem>>, vector<16xi32>,
      %get3A_1255 = arith.constant 5 : i32
      %get3A_1256 = arith.index_cast %get3A_1255 : i32 to index
      %get3A_1257 = arith.constant 128 : index
      %get3A_1258 = tpu.vector_load %arg8[%get3A_1256, %get3A_1257] {strides = array<i32>} : memref<16x256xi32, #tpu.memory_space<vmem>>, vector<16xi32>,
      %add3A_1259 = arith.constant 128 : i32
      %add3A_1260 = arith.addi %reduce_sum3A_1122, %add3A_1259 : i32
      %swap3A_1261 = arith.index_cast %add3A_1260 : i32 to index
      %swap3A_1262 = tpu.vector_load %arg10[%swap3A_1261] {strides = array<i32>} : memref<3456xi32, #tpu.memory_space<vmem>>, vector<16xi32>,
      tpu.vector_store %arg10[%swap3A_1261], %broadcast_in_dim3A_1124 {strides = array<i32>} : memref<3456xi32, #tpu.memory_space<vmem>>, vector<16xi32>,
      %add3A_1263 = arith.constant 128 : i32
      %add3A_1264 = arith.addi %reduce_sum3A_1122, %add3A_1263 : i32
      %swap3A_1265 = arith.index_cast %add3A_1264 : i32 to index
      %swap3A_1266 = tpu.vector_load %arg11[%swap3A_1265] {strides = array<i32>} : memref<3456xi32, #tpu.memory_space<vmem>>, vector<16xi32>,
      tpu.vector_store %arg11[%swap3A_1265], %broadcast_in_dim3A_1126 {strides = array<i32>} : memref<3456xi32, #tpu.memory_space<vmem>>, vector<16xi32>,
      %add3A_1267 = arith.constant 128 : i32
      %add3A_1268 = arith.addi %reduce_sum3A_1122, %add3A_1267 : i32
      %swap3A_1269 = arith.index_cast %add3A_1268 : i32 to index
      %swap3A_1270 = tpu.vector_load %arg12[%swap3A_1269] {strides = array<i32>} : memref<3456xi32, #tpu.memory_space<vmem>>, vector<16xi32>,
      tpu.vector_store %arg12[%swap3A_1269], %get3A_1258 {strides = array<i32>} : memref<3456xi32, #tpu.memory_space<vmem>>, vector<16xi32>,
      %get3A_1271 = arith.constant 5 : i32
      %get3A_1272 = arith.index_cast %get3A_1271 : i32 to index
      %get3A_1273 = arith.constant 144 : index
      %get3A_1274 = tpu.vector_load %arg8[%get3A_1272, %get3A_1273] {strides = array<i32>} : memref<16x256xi32, #tpu.memory_space<vmem>>, vector<16xi32>,
      %add3A_1275 = arith.constant 144 : i32
      %add3A_1276 = arith.addi %reduce_sum3A_1122, %add3A_1275 : i32
      %swap3A_1277 = arith.index_cast %add3A_1276 : i32 to index
      %swap3A_1278 = tpu.vector_load %arg10[%swap3A_1277] {strides = array<i32>} : memref<3456xi32, #tpu.memory_space<vmem>>, vector<16xi32>,
      tpu.vector_store %arg10[%swap3A_1277], %broadcast_in_dim3A_1124 {strides = array<i32>} : memref<3456xi32, #tpu.memory_space<vmem>>, vector<16xi32>,
      %add3A_1279 = arith.constant 144 : i32
      %add3A_1280 = arith.addi %reduce_sum3A_1122, %add3A_1279 : i32
      %swap3A_1281 = arith.index_cast %add3A_1280 : i32 to index
      %swap3A_1282 = tpu.vector_load %arg11[%swap3A_1281] {strides = array<i32>} : memref<3456xi32, #tpu.memory_space<vmem>>, vector<16xi32>,
      tpu.vector_store %arg11[%swap3A_1281], %broadcast_in_dim3A_1126 {strides = array<i32>} : memref<3456xi32, #tpu.memory_space<vmem>>, vector<16xi32>,
      %add3A_1283 = arith.constant 144 : i32
      %add3A_1284 = arith.addi %reduce_sum3A_1122, %add3A_1283 : i32
      %swap3A_1285 = arith.index_cast %add3A_1284 : i32 to index
      %swap3A_1286 = tpu.vector_load %arg12[%swap3A_1285] {strides = array<i32>} : memref<3456xi32, #tpu.memory_space<vmem>>, vector<16xi32>,
      tpu.vector_store %arg12[%swap3A_1285], %get3A_1274 {strides = array<i32>} : memref<3456xi32, #tpu.memory_space<vmem>>, vector<16xi32>,
      %get3A_1287 = arith.constant 5 : i32
      %get3A_1288 = arith.index_cast %get3A_1287 : i32 to index
      %get3A_1289 = arith.constant 160 : index
      %get3A_1290 = tpu.vector_load %arg8[%get3A_1288, %get3A_1289] {strides = array<i32>} : memref<16x256xi32, #tpu.memory_space<vmem>>, vector<16xi32>,
      %add3A_1291 = arith.constant 160 : i32
      %add3A_1292 = arith.addi %reduce_sum3A_1122, %add3A_1291 : i32
      %swap3A_1293 = arith.index_cast %add3A_1292 : i32 to index
      %swap3A_1294 = tpu.vector_load %arg10[%swap3A_1293] {strides = array<i32>} : memref<3456xi32, #tpu.memory_space<vmem>>, vector<16xi32>,
      tpu.vector_store %arg10[%swap3A_1293], %broadcast_in_dim3A_1124 {strides = array<i32>} : memref<3456xi32, #tpu.memory_space<vmem>>, vector<16xi32>,
      %add3A_1295 = arith.constant 160 : i32
      %add3A_1296 = arith.addi %reduce_sum3A_1122, %add3A_1295 : i32
      %swap3A_1297 = arith.index_cast %add3A_1296 : i32 to index
      %swap3A_1298 = tpu.vector_load %arg11[%swap3A_1297] {strides = array<i32>} : memref<3456xi32, #tpu.memory_space<vmem>>, vector<16xi32>,
      tpu.vector_store %arg11[%swap3A_1297], %broadcast_in_dim3A_1126 {strides = array<i32>} : memref<3456xi32, #tpu.memory_space<vmem>>, vector<16xi32>,
      %add3A_1299 = arith.constant 160 : i32
      %add3A_1300 = arith.addi %reduce_sum3A_1122, %add3A_1299 : i32
      %swap3A_1301 = arith.index_cast %add3A_1300 : i32 to index
      %swap3A_1302 = tpu.vector_load %arg12[%swap3A_1301] {strides = array<i32>} : memref<3456xi32, #tpu.memory_space<vmem>>, vector<16xi32>,
      tpu.vector_store %arg12[%swap3A_1301], %get3A_1290 {strides = array<i32>} : memref<3456xi32, #tpu.memory_space<vmem>>, vector<16xi32>,
      %get3A_1303 = arith.constant 5 : i32
      %get3A_1304 = arith.index_cast %get3A_1303 : i32 to index
      %get3A_1305 = arith.constant 176 : index
      %get3A_1306 = tpu.vector_load %arg8[%get3A_1304, %get3A_1305] {strides = array<i32>} : memref<16x256xi32, #tpu.memory_space<vmem>>, vector<16xi32>,
      %add3A_1307 = arith.constant 176 : i32
      %add3A_1308 = arith.addi %reduce_sum3A_1122, %add3A_1307 : i32
      %swap3A_1309 = arith.index_cast %add3A_1308 : i32 to index
      %swap3A_1310 = tpu.vector_load %arg10[%swap3A_1309] {strides = array<i32>} : memref<3456xi32, #tpu.memory_space<vmem>>, vector<16xi32>,
      tpu.vector_store %arg10[%swap3A_1309], %broadcast_in_dim3A_1124 {strides = array<i32>} : memref<3456xi32, #tpu.memory_space<vmem>>, vector<16xi32>,
      %add3A_1311 = arith.constant 176 : i32
      %add3A_1312 = arith.addi %reduce_sum3A_1122, %add3A_1311 : i32
      %swap3A_1313 = arith.index_cast %add3A_1312 : i32 to index
      %swap3A_1314 = tpu.vector_load %arg11[%swap3A_1313] {strides = array<i32>} : memref<3456xi32, #tpu.memory_space<vmem>>, vector<16xi32>,
      tpu.vector_store %arg11[%swap3A_1313], %broadcast_in_dim3A_1126 {strides = array<i32>} : memref<3456xi32, #tpu.memory_space<vmem>>, vector<16xi32>,
      %add3A_1315 = arith.constant 176 : i32
      %add3A_1316 = arith.addi %reduce_sum3A_1122, %add3A_1315 : i32
      %swap3A_1317 = arith.index_cast %add3A_1316 : i32 to index
      %swap3A_1318 = tpu.vector_load %arg12[%swap3A_1317] {strides = array<i32>} : memref<3456xi32, #tpu.memory_space<vmem>>, vector<16xi32>,
      tpu.vector_store %arg12[%swap3A_1317], %get3A_1306 {strides = array<i32>} : memref<3456xi32, #tpu.memory_space<vmem>>, vector<16xi32>,
      %get3A_1319 = arith.constant 5 : i32
      %get3A_1320 = arith.index_cast %get3A_1319 : i32 to index
      %get3A_1321 = arith.constant 192 : index
      %get3A_1322 = tpu.vector_load %arg8[%get3A_1320, %get3A_1321] {strides = array<i32>} : memref<16x256xi32, #tpu.memory_space<vmem>>, vector<16xi32>,
      %add3A_1323 = arith.constant 192 : i32
      %add3A_1324 = arith.addi %reduce_sum3A_1122, %add3A_1323 : i32
      %swap3A_1325 = arith.index_cast %add3A_1324 : i32 to index
      %swap3A_1326 = tpu.vector_load %arg10[%swap3A_1325] {strides = array<i32>} : memref<3456xi32, #tpu.memory_space<vmem>>, vector<16xi32>,
      tpu.vector_store %arg10[%swap3A_1325], %broadcast_in_dim3A_1124 {strides = array<i32>} : memref<3456xi32, #tpu.memory_space<vmem>>, vector<16xi32>,
      %add3A_1327 = arith.constant 192 : i32
      %add3A_1328 = arith.addi %reduce_sum3A_1122, %add3A_1327 : i32
      %swap3A_1329 = arith.index_cast %add3A_1328 : i32 to index
      %swap3A_1330 = tpu.vector_load %arg11[%swap3A_1329] {strides = array<i32>} : memref<3456xi32, #tpu.memory_space<vmem>>, vector<16xi32>,
      tpu.vector_store %arg11[%swap3A_1329], %broadcast_in_dim3A_1126 {strides = array<i32>} : memref<3456xi32, #tpu.memory_space<vmem>>, vector<16xi32>,
      %add3A_1331 = arith.constant 192 : i32
      %add3A_1332 = arith.addi %reduce_sum3A_1122, %add3A_1331 : i32
      %swap3A_1333 = arith.index_cast %add3A_1332 : i32 to index
      %swap3A_1334 = tpu.vector_load %arg12[%swap3A_1333] {strides = array<i32>} : memref<3456xi32, #tpu.memory_space<vmem>>, vector<16xi32>,
      tpu.vector_store %arg12[%swap3A_1333], %get3A_1322 {strides = array<i32>} : memref<3456xi32, #tpu.memory_space<vmem>>, vector<16xi32>,
      %eq3A_1335 = arith.constant 6 : i32
      %eq3A_1336 = vector.broadcast %eq3A_1335 : i32 to vector<16xi32>
      %eq3A_1337 = arith.cmpi eq, %iota3A, %eq3A_1336 : vector<16xi32>
      %jit3A_1338 = arith.constant 0 : i32
      %broadcast_in_dim3A_1339 = vector.broadcast %jit3A_1338 : i32 to vector<16xi32>
      %select_n3A_1340 = arith.select %eq3A_1337, %sub3A, %broadcast_in_dim3A_1339 : vector<16xi1>, vector<16xi32>
      %reduce_sum3A_1341 = arith.constant true
      %reduce_sum3A_1342 = vector.broadcast %reduce_sum3A_1341 : i1 to vector<16xi1>
      %reduce_sum3A_1343 = tpu.scan <sum>, %select_n3A_1340 masked %reduce_sum3A_1342 : vector<16xi32>, vector<16xi1> -> vector<16xi32>
      %reduce_sum3A_1344 = vector.extract %reduce_sum3A_1343[15] : i32 from vector<16xi32>
      %broadcast_in_dim3A_1345 = arith.constant 0 : i32
      %broadcast_in_dim3A_1346 = vector.broadcast %broadcast_in_dim3A_1345 : i32 to vector<16xi32>
      %broadcast_in_dim3A_1347 = arith.constant 6 : i32
      %broadcast_in_dim3A_1348 = vector.broadcast %broadcast_in_dim3A_1347 : i32 to vector<16xi32>
      %get3A_1349 = arith.constant 6 : i32
      %get3A_1350 = arith.index_cast %get3A_1349 : i32 to index
      %get3A_1351 = arith.constant 0 : index
      %get3A_1352 = tpu.vector_load %arg8[%get3A_1350, %get3A_1351] {strides = array<i32>} : memref<16x256xi32, #tpu.memory_space<vmem>>, vector<16xi32>,
      %add3A_1353 = arith.constant 0 : i32
      %add3A_1354 = arith.addi %reduce_sum3A_1344, %add3A_1353 : i32
      %swap3A_1355 = arith.index_cast %add3A_1354 : i32 to index
      %swap3A_1356 = tpu.vector_load %arg10[%swap3A_1355] {strides = array<i32>} : memref<3456xi32, #tpu.memory_space<vmem>>, vector<16xi32>,
      tpu.vector_store %arg10[%swap3A_1355], %broadcast_in_dim3A_1346 {strides = array<i32>} : memref<3456xi32, #tpu.memory_space<vmem>>, vector<16xi32>,
      %add3A_1357 = arith.constant 0 : i32
      %add3A_1358 = arith.addi %reduce_sum3A_1344, %add3A_1357 : i32
      %swap3A_1359 = arith.index_cast %add3A_1358 : i32 to index
      %swap3A_1360 = tpu.vector_load %arg11[%swap3A_1359] {strides = array<i32>} : memref<3456xi32, #tpu.memory_space<vmem>>, vector<16xi32>,
      tpu.vector_store %arg11[%swap3A_1359], %broadcast_in_dim3A_1348 {strides = array<i32>} : memref<3456xi32, #tpu.memory_space<vmem>>, vector<16xi32>,
      %add3A_1361 = arith.constant 0 : i32
      %add3A_1362 = arith.addi %reduce_sum3A_1344, %add3A_1361 : i32
      %swap3A_1363 = arith.index_cast %add3A_1362 : i32 to index
      %swap3A_1364 = tpu.vector_load %arg12[%swap3A_1363] {strides = array<i32>} : memref<3456xi32, #tpu.memory_space<vmem>>, vector<16xi32>,
      tpu.vector_store %arg12[%swap3A_1363], %get3A_1352 {strides = array<i32>} : memref<3456xi32, #tpu.memory_space<vmem>>, vector<16xi32>,
      %get3A_1365 = arith.constant 6 : i32
      %get3A_1366 = arith.index_cast %get3A_1365 : i32 to index
      %get3A_1367 = arith.constant 16 : index
      %get3A_1368 = tpu.vector_load %arg8[%get3A_1366, %get3A_1367] {strides = array<i32>} : memref<16x256xi32, #tpu.memory_space<vmem>>, vector<16xi32>,
      %add3A_1369 = arith.constant 16 : i32
      %add3A_1370 = arith.addi %reduce_sum3A_1344, %add3A_1369 : i32
      %swap3A_1371 = arith.index_cast %add3A_1370 : i32 to index
      %swap3A_1372 = tpu.vector_load %arg10[%swap3A_1371] {strides = array<i32>} : memref<3456xi32, #tpu.memory_space<vmem>>, vector<16xi32>,
      tpu.vector_store %arg10[%swap3A_1371], %broadcast_in_dim3A_1346 {strides = array<i32>} : memref<3456xi32, #tpu.memory_space<vmem>>, vector<16xi32>,
      %add3A_1373 = arith.constant 16 : i32
      %add3A_1374 = arith.addi %reduce_sum3A_1344, %add3A_1373 : i32
      %swap3A_1375 = arith.index_cast %add3A_1374 : i32 to index
      %swap3A_1376 = tpu.vector_load %arg11[%swap3A_1375] {strides = array<i32>} : memref<3456xi32, #tpu.memory_space<vmem>>, vector<16xi32>,
      tpu.vector_store %arg11[%swap3A_1375], %broadcast_in_dim3A_1348 {strides = array<i32>} : memref<3456xi32, #tpu.memory_space<vmem>>, vector<16xi32>,
      %add3A_1377 = arith.constant 16 : i32
      %add3A_1378 = arith.addi %reduce_sum3A_1344, %add3A_1377 : i32
      %swap3A_1379 = arith.index_cast %add3A_1378 : i32 to index
      %swap3A_1380 = tpu.vector_load %arg12[%swap3A_1379] {strides = array<i32>} : memref<3456xi32, #tpu.memory_space<vmem>>, vector<16xi32>,
      tpu.vector_store %arg12[%swap3A_1379], %get3A_1368 {strides = array<i32>} : memref<3456xi32, #tpu.memory_space<vmem>>, vector<16xi32>,
      %get3A_1381 = arith.constant 6 : i32
      %get3A_1382 = arith.index_cast %get3A_1381 : i32 to index
      %get3A_1383 = arith.constant 32 : index
      %get3A_1384 = tpu.vector_load %arg8[%get3A_1382, %get3A_1383] {strides = array<i32>} : memref<16x256xi32, #tpu.memory_space<vmem>>, vector<16xi32>,
      %add3A_1385 = arith.constant 32 : i32
      %add3A_1386 = arith.addi %reduce_sum3A_1344, %add3A_1385 : i32
      %swap3A_1387 = arith.index_cast %add3A_1386 : i32 to index
      %swap3A_1388 = tpu.vector_load %arg10[%swap3A_1387] {strides = array<i32>} : memref<3456xi32, #tpu.memory_space<vmem>>, vector<16xi32>,
      tpu.vector_store %arg10[%swap3A_1387], %broadcast_in_dim3A_1346 {strides = array<i32>} : memref<3456xi32, #tpu.memory_space<vmem>>, vector<16xi32>,
      %add3A_1389 = arith.constant 32 : i32
      %add3A_1390 = arith.addi %reduce_sum3A_1344, %add3A_1389 : i32
      %swap3A_1391 = arith.index_cast %add3A_1390 : i32 to index
      %swap3A_1392 = tpu.vector_load %arg11[%swap3A_1391] {strides = array<i32>} : memref<3456xi32, #tpu.memory_space<vmem>>, vector<16xi32>,
      tpu.vector_store %arg11[%swap3A_1391], %broadcast_in_dim3A_1348 {strides = array<i32>} : memref<3456xi32, #tpu.memory_space<vmem>>, vector<16xi32>,
      %add3A_1393 = arith.constant 32 : i32
      %add3A_1394 = arith.addi %reduce_sum3A_1344, %add3A_1393 : i32
      %swap3A_1395 = arith.index_cast %add3A_1394 : i32 to index
      %swap3A_1396 = tpu.vector_load %arg12[%swap3A_1395] {strides = array<i32>} : memref<3456xi32, #tpu.memory_space<vmem>>, vector<16xi32>,
      tpu.vector_store %arg12[%swap3A_1395], %get3A_1384 {strides = array<i32>} : memref<3456xi32, #tpu.memory_space<vmem>>, vector<16xi32>,
      %get3A_1397 = arith.constant 6 : i32
      %get3A_1398 = arith.index_cast %get3A_1397 : i32 to index
      %get3A_1399 = arith.constant 48 : index
      %get3A_1400 = tpu.vector_load %arg8[%get3A_1398, %get3A_1399] {strides = array<i32>} : memref<16x256xi32, #tpu.memory_space<vmem>>, vector<16xi32>,
      %add3A_1401 = arith.constant 48 : i32
      %add3A_1402 = arith.addi %reduce_sum3A_1344, %add3A_1401 : i32
      %swap3A_1403 = arith.index_cast %add3A_1402 : i32 to index
      %swap3A_1404 = tpu.vector_load %arg10[%swap3A_1403] {strides = array<i32>} : memref<3456xi32, #tpu.memory_space<vmem>>, vector<16xi32>,
      tpu.vector_store %arg10[%swap3A_1403], %broadcast_in_dim3A_1346 {strides = array<i32>} : memref<3456xi32, #tpu.memory_space<vmem>>, vector<16xi32>,
      %add3A_1405 = arith.constant 48 : i32
      %add3A_1406 = arith.addi %reduce_sum3A_1344, %add3A_1405 : i32
      %swap3A_1407 = arith.index_cast %add3A_1406 : i32 to index
      %swap3A_1408 = tpu.vector_load %arg11[%swap3A_1407] {strides = array<i32>} : memref<3456xi32, #tpu.memory_space<vmem>>, vector<16xi32>,
      tpu.vector_store %arg11[%swap3A_1407], %broadcast_in_dim3A_1348 {strides = array<i32>} : memref<3456xi32, #tpu.memory_space<vmem>>, vector<16xi32>,
      %add3A_1409 = arith.constant 48 : i32
      %add3A_1410 = arith.addi %reduce_sum3A_1344, %add3A_1409 : i32
      %swap3A_1411 = arith.index_cast %add3A_1410 : i32 to index
      %swap3A_1412 = tpu.vector_load %arg12[%swap3A_1411] {strides = array<i32>} : memref<3456xi32, #tpu.memory_space<vmem>>, vector<16xi32>,
      tpu.vector_store %arg12[%swap3A_1411], %get3A_1400 {strides = array<i32>} : memref<3456xi32, #tpu.memory_space<vmem>>, vector<16xi32>,
      %get3A_1413 = arith.constant 6 : i32
      %get3A_1414 = arith.index_cast %get3A_1413 : i32 to index
      %get3A_1415 = arith.constant 64 : index
      %get3A_1416 = tpu.vector_load %arg8[%get3A_1414, %get3A_1415] {strides = array<i32>} : memref<16x256xi32, #tpu.memory_space<vmem>>, vector<16xi32>,
      %add3A_1417 = arith.constant 64 : i32
      %add3A_1418 = arith.addi %reduce_sum3A_1344, %add3A_1417 : i32
      %swap3A_1419 = arith.index_cast %add3A_1418 : i32 to index
      %swap3A_1420 = tpu.vector_load %arg10[%swap3A_1419] {strides = array<i32>} : memref<3456xi32, #tpu.memory_space<vmem>>, vector<16xi32>,
      tpu.vector_store %arg10[%swap3A_1419], %broadcast_in_dim3A_1346 {strides = array<i32>} : memref<3456xi32, #tpu.memory_space<vmem>>, vector<16xi32>,
      %add3A_1421 = arith.constant 64 : i32
      %add3A_1422 = arith.addi %reduce_sum3A_1344, %add3A_1421 : i32
      %swap3A_1423 = arith.index_cast %add3A_1422 : i32 to index
      %swap3A_1424 = tpu.vector_load %arg11[%swap3A_1423] {strides = array<i32>} : memref<3456xi32, #tpu.memory_space<vmem>>, vector<16xi32>,
      tpu.vector_store %arg11[%swap3A_1423], %broadcast_in_dim3A_1348 {strides = array<i32>} : memref<3456xi32, #tpu.memory_space<vmem>>, vector<16xi32>,
      %add3A_1425 = arith.constant 64 : i32
      %add3A_1426 = arith.addi %reduce_sum3A_1344, %add3A_1425 : i32
      %swap3A_1427 = arith.index_cast %add3A_1426 : i32 to index
      %swap3A_1428 = tpu.vector_load %arg12[%swap3A_1427] {strides = array<i32>} : memref<3456xi32, #tpu.memory_space<vmem>>, vector<16xi32>,
      tpu.vector_store %arg12[%swap3A_1427], %get3A_1416 {strides = array<i32>} : memref<3456xi32, #tpu.memory_space<vmem>>, vector<16xi32>,
      %get3A_1429 = arith.constant 6 : i32
      %get3A_1430 = arith.index_cast %get3A_1429 : i32 to index
      %get3A_1431 = arith.constant 80 : index
      %get3A_1432 = tpu.vector_load %arg8[%get3A_1430, %get3A_1431] {strides = array<i32>} : memref<16x256xi32, #tpu.memory_space<vmem>>, vector<16xi32>,
      %add3A_1433 = arith.constant 80 : i32
      %add3A_1434 = arith.addi %reduce_sum3A_1344, %add3A_1433 : i32
      %swap3A_1435 = arith.index_cast %add3A_1434 : i32 to index
      %swap3A_1436 = tpu.vector_load %arg10[%swap3A_1435] {strides = array<i32>} : memref<3456xi32, #tpu.memory_space<vmem>>, vector<16xi32>,
      tpu.vector_store %arg10[%swap3A_1435], %broadcast_in_dim3A_1346 {strides = array<i32>} : memref<3456xi32, #tpu.memory_space<vmem>>, vector<16xi32>,
      %add3A_1437 = arith.constant 80 : i32
      %add3A_1438 = arith.addi %reduce_sum3A_1344, %add3A_1437 : i32
      %swap3A_1439 = arith.index_cast %add3A_1438 : i32 to index
      %swap3A_1440 = tpu.vector_load %arg11[%swap3A_1439] {strides = array<i32>} : memref<3456xi32, #tpu.memory_space<vmem>>, vector<16xi32>,
      tpu.vector_store %arg11[%swap3A_1439], %broadcast_in_dim3A_1348 {strides = array<i32>} : memref<3456xi32, #tpu.memory_space<vmem>>, vector<16xi32>,
      %add3A_1441 = arith.constant 80 : i32
      %add3A_1442 = arith.addi %reduce_sum3A_1344, %add3A_1441 : i32
      %swap3A_1443 = arith.index_cast %add3A_1442 : i32 to index
      %swap3A_1444 = tpu.vector_load %arg12[%swap3A_1443] {strides = array<i32>} : memref<3456xi32, #tpu.memory_space<vmem>>, vector<16xi32>,
      tpu.vector_store %arg12[%swap3A_1443], %get3A_1432 {strides = array<i32>} : memref<3456xi32, #tpu.memory_space<vmem>>, vector<16xi32>,
      %get3A_1445 = arith.constant 6 : i32
      %get3A_1446 = arith.index_cast %get3A_1445 : i32 to index
      %get3A_1447 = arith.constant 96 : index
      %get3A_1448 = tpu.vector_load %arg8[%get3A_1446, %get3A_1447] {strides = array<i32>} : memref<16x256xi32, #tpu.memory_space<vmem>>, vector<16xi32>,
      %add3A_1449 = arith.constant 96 : i32
      %add3A_1450 = arith.addi %reduce_sum3A_1344, %add3A_1449 : i32
      %swap3A_1451 = arith.index_cast %add3A_1450 : i32 to index
      %swap3A_1452 = tpu.vector_load %arg10[%swap3A_1451] {strides = array<i32>} : memref<3456xi32, #tpu.memory_space<vmem>>, vector<16xi32>,
      tpu.vector_store %arg10[%swap3A_1451], %broadcast_in_dim3A_1346 {strides = array<i32>} : memref<3456xi32, #tpu.memory_space<vmem>>, vector<16xi32>,
      %add3A_1453 = arith.constant 96 : i32
      %add3A_1454 = arith.addi %reduce_sum3A_1344, %add3A_1453 : i32
      %swap3A_1455 = arith.index_cast %add3A_1454 : i32 to index
      %swap3A_1456 = tpu.vector_load %arg11[%swap3A_1455] {strides = array<i32>} : memref<3456xi32, #tpu.memory_space<vmem>>, vector<16xi32>,
      tpu.vector_store %arg11[%swap3A_1455], %broadcast_in_dim3A_1348 {strides = array<i32>} : memref<3456xi32, #tpu.memory_space<vmem>>, vector<16xi32>,
      %add3A_1457 = arith.constant 96 : i32
      %add3A_1458 = arith.addi %reduce_sum3A_1344, %add3A_1457 : i32
      %swap3A_1459 = arith.index_cast %add3A_1458 : i32 to index
      %swap3A_1460 = tpu.vector_load %arg12[%swap3A_1459] {strides = array<i32>} : memref<3456xi32, #tpu.memory_space<vmem>>, vector<16xi32>,
      tpu.vector_store %arg12[%swap3A_1459], %get3A_1448 {strides = array<i32>} : memref<3456xi32, #tpu.memory_space<vmem>>, vector<16xi32>,
      %get3A_1461 = arith.constant 6 : i32
      %get3A_1462 = arith.index_cast %get3A_1461 : i32 to index
      %get3A_1463 = arith.constant 112 : index
      %get3A_1464 = tpu.vector_load %arg8[%get3A_1462, %get3A_1463] {strides = array<i32>} : memref<16x256xi32, #tpu.memory_space<vmem>>, vector<16xi32>,
      %add3A_1465 = arith.constant 112 : i32
      %add3A_1466 = arith.addi %reduce_sum3A_1344, %add3A_1465 : i32
      %swap3A_1467 = arith.index_cast %add3A_1466 : i32 to index
      %swap3A_1468 = tpu.vector_load %arg10[%swap3A_1467] {strides = array<i32>} : memref<3456xi32, #tpu.memory_space<vmem>>, vector<16xi32>,
      tpu.vector_store %arg10[%swap3A_1467], %broadcast_in_dim3A_1346 {strides = array<i32>} : memref<3456xi32, #tpu.memory_space<vmem>>, vector<16xi32>,
      %add3A_1469 = arith.constant 112 : i32
      %add3A_1470 = arith.addi %reduce_sum3A_1344, %add3A_1469 : i32
      %swap3A_1471 = arith.index_cast %add3A_1470 : i32 to index
      %swap3A_1472 = tpu.vector_load %arg11[%swap3A_1471] {strides = array<i32>} : memref<3456xi32, #tpu.memory_space<vmem>>, vector<16xi32>,
      tpu.vector_store %arg11[%swap3A_1471], %broadcast_in_dim3A_1348 {strides = array<i32>} : memref<3456xi32, #tpu.memory_space<vmem>>, vector<16xi32>,
      %add3A_1473 = arith.constant 112 : i32
      %add3A_1474 = arith.addi %reduce_sum3A_1344, %add3A_1473 : i32
      %swap3A_1475 = arith.index_cast %add3A_1474 : i32 to index
      %swap3A_1476 = tpu.vector_load %arg12[%swap3A_1475] {strides = array<i32>} : memref<3456xi32, #tpu.memory_space<vmem>>, vector<16xi32>,
      tpu.vector_store %arg12[%swap3A_1475], %get3A_1464 {strides = array<i32>} : memref<3456xi32, #tpu.memory_space<vmem>>, vector<16xi32>,
      %get3A_1477 = arith.constant 6 : i32
      %get3A_1478 = arith.index_cast %get3A_1477 : i32 to index
      %get3A_1479 = arith.constant 128 : index
      %get3A_1480 = tpu.vector_load %arg8[%get3A_1478, %get3A_1479] {strides = array<i32>} : memref<16x256xi32, #tpu.memory_space<vmem>>, vector<16xi32>,
      %add3A_1481 = arith.constant 128 : i32
      %add3A_1482 = arith.addi %reduce_sum3A_1344, %add3A_1481 : i32
      %swap3A_1483 = arith.index_cast %add3A_1482 : i32 to index
      %swap3A_1484 = tpu.vector_load %arg10[%swap3A_1483] {strides = array<i32>} : memref<3456xi32, #tpu.memory_space<vmem>>, vector<16xi32>,
      tpu.vector_store %arg10[%swap3A_1483], %broadcast_in_dim3A_1346 {strides = array<i32>} : memref<3456xi32, #tpu.memory_space<vmem>>, vector<16xi32>,
      %add3A_1485 = arith.constant 128 : i32
      %add3A_1486 = arith.addi %reduce_sum3A_1344, %add3A_1485 : i32
      %swap3A_1487 = arith.index_cast %add3A_1486 : i32 to index
      %swap3A_1488 = tpu.vector_load %arg11[%swap3A_1487] {strides = array<i32>} : memref<3456xi32, #tpu.memory_space<vmem>>, vector<16xi32>,
      tpu.vector_store %arg11[%swap3A_1487], %broadcast_in_dim3A_1348 {strides = array<i32>} : memref<3456xi32, #tpu.memory_space<vmem>>, vector<16xi32>,
      %add3A_1489 = arith.constant 128 : i32
      %add3A_1490 = arith.addi %reduce_sum3A_1344, %add3A_1489 : i32
      %swap3A_1491 = arith.index_cast %add3A_1490 : i32 to index
      %swap3A_1492 = tpu.vector_load %arg12[%swap3A_1491] {strides = array<i32>} : memref<3456xi32, #tpu.memory_space<vmem>>, vector<16xi32>,
      tpu.vector_store %arg12[%swap3A_1491], %get3A_1480 {strides = array<i32>} : memref<3456xi32, #tpu.memory_space<vmem>>, vector<16xi32>,
      %get3A_1493 = arith.constant 6 : i32
      %get3A_1494 = arith.index_cast %get3A_1493 : i32 to index
      %get3A_1495 = arith.constant 144 : index
      %get3A_1496 = tpu.vector_load %arg8[%get3A_1494, %get3A_1495] {strides = array<i32>} : memref<16x256xi32, #tpu.memory_space<vmem>>, vector<16xi32>,
      %add3A_1497 = arith.constant 144 : i32
      %add3A_1498 = arith.addi %reduce_sum3A_1344, %add3A_1497 : i32
      %swap3A_1499 = arith.index_cast %add3A_1498 : i32 to index
      %swap3A_1500 = tpu.vector_load %arg10[%swap3A_1499] {strides = array<i32>} : memref<3456xi32, #tpu.memory_space<vmem>>, vector<16xi32>,
      tpu.vector_store %arg10[%swap3A_1499], %broadcast_in_dim3A_1346 {strides = array<i32>} : memref<3456xi32, #tpu.memory_space<vmem>>, vector<16xi32>,
      %add3A_1501 = arith.constant 144 : i32
      %add3A_1502 = arith.addi %reduce_sum3A_1344, %add3A_1501 : i32
      %swap3A_1503 = arith.index_cast %add3A_1502 : i32 to index
      %swap3A_1504 = tpu.vector_load %arg11[%swap3A_1503] {strides = array<i32>} : memref<3456xi32, #tpu.memory_space<vmem>>, vector<16xi32>,
      tpu.vector_store %arg11[%swap3A_1503], %broadcast_in_dim3A_1348 {strides = array<i32>} : memref<3456xi32, #tpu.memory_space<vmem>>, vector<16xi32>,
      %add3A_1505 = arith.constant 144 : i32
      %add3A_1506 = arith.addi %reduce_sum3A_1344, %add3A_1505 : i32
      %swap3A_1507 = arith.index_cast %add3A_1506 : i32 to index
      %swap3A_1508 = tpu.vector_load %arg12[%swap3A_1507] {strides = array<i32>} : memref<3456xi32, #tpu.memory_space<vmem>>, vector<16xi32>,
      tpu.vector_store %arg12[%swap3A_1507], %get3A_1496 {strides = array<i32>} : memref<3456xi32, #tpu.memory_space<vmem>>, vector<16xi32>,
      %get3A_1509 = arith.constant 6 : i32
      %get3A_1510 = arith.index_cast %get3A_1509 : i32 to index
      %get3A_1511 = arith.constant 160 : index
      %get3A_1512 = tpu.vector_load %arg8[%get3A_1510, %get3A_1511] {strides = array<i32>} : memref<16x256xi32, #tpu.memory_space<vmem>>, vector<16xi32>,
      %add3A_1513 = arith.constant 160 : i32
      %add3A_1514 = arith.addi %reduce_sum3A_1344, %add3A_1513 : i32
      %swap3A_1515 = arith.index_cast %add3A_1514 : i32 to index
      %swap3A_1516 = tpu.vector_load %arg10[%swap3A_1515] {strides = array<i32>} : memref<3456xi32, #tpu.memory_space<vmem>>, vector<16xi32>,
      tpu.vector_store %arg10[%swap3A_1515], %broadcast_in_dim3A_1346 {strides = array<i32>} : memref<3456xi32, #tpu.memory_space<vmem>>, vector<16xi32>,
      %add3A_1517 = arith.constant 160 : i32
      %add3A_1518 = arith.addi %reduce_sum3A_1344, %add3A_1517 : i32
      %swap3A_1519 = arith.index_cast %add3A_1518 : i32 to index
      %swap3A_1520 = tpu.vector_load %arg11[%swap3A_1519] {strides = array<i32>} : memref<3456xi32, #tpu.memory_space<vmem>>, vector<16xi32>,
      tpu.vector_store %arg11[%swap3A_1519], %broadcast_in_dim3A_1348 {strides = array<i32>} : memref<3456xi32, #tpu.memory_space<vmem>>, vector<16xi32>,
      %add3A_1521 = arith.constant 160 : i32
      %add3A_1522 = arith.addi %reduce_sum3A_1344, %add3A_1521 : i32
      %swap3A_1523 = arith.index_cast %add3A_1522 : i32 to index
      %swap3A_1524 = tpu.vector_load %arg12[%swap3A_1523] {strides = array<i32>} : memref<3456xi32, #tpu.memory_space<vmem>>, vector<16xi32>,
      tpu.vector_store %arg12[%swap3A_1523], %get3A_1512 {strides = array<i32>} : memref<3456xi32, #tpu.memory_space<vmem>>, vector<16xi32>,
      %get3A_1525 = arith.constant 6 : i32
      %get3A_1526 = arith.index_cast %get3A_1525 : i32 to index
      %get3A_1527 = arith.constant 176 : index
      %get3A_1528 = tpu.vector_load %arg8[%get3A_1526, %get3A_1527] {strides = array<i32>} : memref<16x256xi32, #tpu.memory_space<vmem>>, vector<16xi32>,
      %add3A_1529 = arith.constant 176 : i32
      %add3A_1530 = arith.addi %reduce_sum3A_1344, %add3A_1529 : i32
      %swap3A_1531 = arith.index_cast %add3A_1530 : i32 to index
      %swap3A_1532 = tpu.vector_load %arg10[%swap3A_1531] {strides = array<i32>} : memref<3456xi32, #tpu.memory_space<vmem>>, vector<16xi32>,
      tpu.vector_store %arg10[%swap3A_1531], %broadcast_in_dim3A_1346 {strides = array<i32>} : memref<3456xi32, #tpu.memory_space<vmem>>, vector<16xi32>,
      %add3A_1533 = arith.constant 176 : i32
      %add3A_1534 = arith.addi %reduce_sum3A_1344, %add3A_1533 : i32
      %swap3A_1535 = arith.index_cast %add3A_1534 : i32 to index
      %swap3A_1536 = tpu.vector_load %arg11[%swap3A_1535] {strides = array<i32>} : memref<3456xi32, #tpu.memory_space<vmem>>, vector<16xi32>,
      tpu.vector_store %arg11[%swap3A_1535], %broadcast_in_dim3A_1348 {strides = array<i32>} : memref<3456xi32, #tpu.memory_space<vmem>>, vector<16xi32>,
      %add3A_1537 = arith.constant 176 : i32
      %add3A_1538 = arith.addi %reduce_sum3A_1344, %add3A_1537 : i32
      %swap3A_1539 = arith.index_cast %add3A_1538 : i32 to index
      %swap3A_1540 = tpu.vector_load %arg12[%swap3A_1539] {strides = array<i32>} : memref<3456xi32, #tpu.memory_space<vmem>>, vector<16xi32>,
      tpu.vector_store %arg12[%swap3A_1539], %get3A_1528 {strides = array<i32>} : memref<3456xi32, #tpu.memory_space<vmem>>, vector<16xi32>,
      %get3A_1541 = arith.constant 6 : i32
      %get3A_1542 = arith.index_cast %get3A_1541 : i32 to index
      %get3A_1543 = arith.constant 192 : index
      %get3A_1544 = tpu.vector_load %arg8[%get3A_1542, %get3A_1543] {strides = array<i32>} : memref<16x256xi32, #tpu.memory_space<vmem>>, vector<16xi32>,
      %add3A_1545 = arith.constant 192 : i32
      %add3A_1546 = arith.addi %reduce_sum3A_1344, %add3A_1545 : i32
      %swap3A_1547 = arith.index_cast %add3A_1546 : i32 to index
      %swap3A_1548 = tpu.vector_load %arg10[%swap3A_1547] {strides = array<i32>} : memref<3456xi32, #tpu.memory_space<vmem>>, vector<16xi32>,
      tpu.vector_store %arg10[%swap3A_1547], %broadcast_in_dim3A_1346 {strides = array<i32>} : memref<3456xi32, #tpu.memory_space<vmem>>, vector<16xi32>,
      %add3A_1549 = arith.constant 192 : i32
      %add3A_1550 = arith.addi %reduce_sum3A_1344, %add3A_1549 : i32
      %swap3A_1551 = arith.index_cast %add3A_1550 : i32 to index
      %swap3A_1552 = tpu.vector_load %arg11[%swap3A_1551] {strides = array<i32>} : memref<3456xi32, #tpu.memory_space<vmem>>, vector<16xi32>,
      tpu.vector_store %arg11[%swap3A_1551], %broadcast_in_dim3A_1348 {strides = array<i32>} : memref<3456xi32, #tpu.memory_space<vmem>>, vector<16xi32>,
      %add3A_1553 = arith.constant 192 : i32
      %add3A_1554 = arith.addi %reduce_sum3A_1344, %add3A_1553 : i32
      %swap3A_1555 = arith.index_cast %add3A_1554 : i32 to index
      %swap3A_1556 = tpu.vector_load %arg12[%swap3A_1555] {strides = array<i32>} : memref<3456xi32, #tpu.memory_space<vmem>>, vector<16xi32>,
      tpu.vector_store %arg12[%swap3A_1555], %get3A_1544 {strides = array<i32>} : memref<3456xi32, #tpu.memory_space<vmem>>, vector<16xi32>,
      %eq3A_1557 = arith.constant 7 : i32
      %eq3A_1558 = vector.broadcast %eq3A_1557 : i32 to vector<16xi32>
      %eq3A_1559 = arith.cmpi eq, %iota3A, %eq3A_1558 : vector<16xi32>
      %jit3A_1560 = arith.constant 0 : i32
      %broadcast_in_dim3A_1561 = vector.broadcast %jit3A_1560 : i32 to vector<16xi32>
      %select_n3A_1562 = arith.select %eq3A_1559, %sub3A, %broadcast_in_dim3A_1561 : vector<16xi1>, vector<16xi32>
      %reduce_sum3A_1563 = arith.constant true
      %reduce_sum3A_1564 = vector.broadcast %reduce_sum3A_1563 : i1 to vector<16xi1>
      %reduce_sum3A_1565 = tpu.scan <sum>, %select_n3A_1562 masked %reduce_sum3A_1564 : vector<16xi32>, vector<16xi1> -> vector<16xi32>
      %reduce_sum3A_1566 = vector.extract %reduce_sum3A_1565[15] : i32 from vector<16xi32>
      %broadcast_in_dim3A_1567 = arith.constant 0 : i32
      %broadcast_in_dim3A_1568 = vector.broadcast %broadcast_in_dim3A_1567 : i32 to vector<16xi32>
      %broadcast_in_dim3A_1569 = arith.constant 7 : i32
      %broadcast_in_dim3A_1570 = vector.broadcast %broadcast_in_dim3A_1569 : i32 to vector<16xi32>
      %get3A_1571 = arith.constant 7 : i32
      %get3A_1572 = arith.index_cast %get3A_1571 : i32 to index
      %get3A_1573 = arith.constant 0 : index
      %get3A_1574 = tpu.vector_load %arg8[%get3A_1572, %get3A_1573] {strides = array<i32>} : memref<16x256xi32, #tpu.memory_space<vmem>>, vector<16xi32>,
      %add3A_1575 = arith.constant 0 : i32
      %add3A_1576 = arith.addi %reduce_sum3A_1566, %add3A_1575 : i32
      %swap3A_1577 = arith.index_cast %add3A_1576 : i32 to index
      %swap3A_1578 = tpu.vector_load %arg10[%swap3A_1577] {strides = array<i32>} : memref<3456xi32, #tpu.memory_space<vmem>>, vector<16xi32>,
      tpu.vector_store %arg10[%swap3A_1577], %broadcast_in_dim3A_1568 {strides = array<i32>} : memref<3456xi32, #tpu.memory_space<vmem>>, vector<16xi32>,
      %add3A_1579 = arith.constant 0 : i32
      %add3A_1580 = arith.addi %reduce_sum3A_1566, %add3A_1579 : i32
      %swap3A_1581 = arith.index_cast %add3A_1580 : i32 to index
      %swap3A_1582 = tpu.vector_load %arg11[%swap3A_1581] {strides = array<i32>} : memref<3456xi32, #tpu.memory_space<vmem>>, vector<16xi32>,
      tpu.vector_store %arg11[%swap3A_1581], %broadcast_in_dim3A_1570 {strides = array<i32>} : memref<3456xi32, #tpu.memory_space<vmem>>, vector<16xi32>,
      %add3A_1583 = arith.constant 0 : i32
      %add3A_1584 = arith.addi %reduce_sum3A_1566, %add3A_1583 : i32
      %swap3A_1585 = arith.index_cast %add3A_1584 : i32 to index
      %swap3A_1586 = tpu.vector_load %arg12[%swap3A_1585] {strides = array<i32>} : memref<3456xi32, #tpu.memory_space<vmem>>, vector<16xi32>,
      tpu.vector_store %arg12[%swap3A_1585], %get3A_1574 {strides = array<i32>} : memref<3456xi32, #tpu.memory_space<vmem>>, vector<16xi32>,
      %get3A_1587 = arith.constant 7 : i32
      %get3A_1588 = arith.index_cast %get3A_1587 : i32 to index
      %get3A_1589 = arith.constant 16 : index
      %get3A_1590 = tpu.vector_load %arg8[%get3A_1588, %get3A_1589] {strides = array<i32>} : memref<16x256xi32, #tpu.memory_space<vmem>>, vector<16xi32>,
      %add3A_1591 = arith.constant 16 : i32
      %add3A_1592 = arith.addi %reduce_sum3A_1566, %add3A_1591 : i32
      %swap3A_1593 = arith.index_cast %add3A_1592 : i32 to index
      %swap3A_1594 = tpu.vector_load %arg10[%swap3A_1593] {strides = array<i32>} : memref<3456xi32, #tpu.memory_space<vmem>>, vector<16xi32>,
      tpu.vector_store %arg10[%swap3A_1593], %broadcast_in_dim3A_1568 {strides = array<i32>} : memref<3456xi32, #tpu.memory_space<vmem>>, vector<16xi32>,
      %add3A_1595 = arith.constant 16 : i32
      %add3A_1596 = arith.addi %reduce_sum3A_1566, %add3A_1595 : i32
      %swap3A_1597 = arith.index_cast %add3A_1596 : i32 to index
      %swap3A_1598 = tpu.vector_load %arg11[%swap3A_1597] {strides = array<i32>} : memref<3456xi32, #tpu.memory_space<vmem>>, vector<16xi32>,
      tpu.vector_store %arg11[%swap3A_1597], %broadcast_in_dim3A_1570 {strides = array<i32>} : memref<3456xi32, #tpu.memory_space<vmem>>, vector<16xi32>,
      %add3A_1599 = arith.constant 16 : i32
      %add3A_1600 = arith.addi %reduce_sum3A_1566, %add3A_1599 : i32
      %swap3A_1601 = arith.index_cast %add3A_1600 : i32 to index
      %swap3A_1602 = tpu.vector_load %arg12[%swap3A_1601] {strides = array<i32>} : memref<3456xi32, #tpu.memory_space<vmem>>, vector<16xi32>,
      tpu.vector_store %arg12[%swap3A_1601], %get3A_1590 {strides = array<i32>} : memref<3456xi32, #tpu.memory_space<vmem>>, vector<16xi32>,
      %get3A_1603 = arith.constant 7 : i32
      %get3A_1604 = arith.index_cast %get3A_1603 : i32 to index
      %get3A_1605 = arith.constant 32 : index
      %get3A_1606 = tpu.vector_load %arg8[%get3A_1604, %get3A_1605] {strides = array<i32>} : memref<16x256xi32, #tpu.memory_space<vmem>>, vector<16xi32>,
      %add3A_1607 = arith.constant 32 : i32
      %add3A_1608 = arith.addi %reduce_sum3A_1566, %add3A_1607 : i32
      %swap3A_1609 = arith.index_cast %add3A_1608 : i32 to index
      %swap3A_1610 = tpu.vector_load %arg10[%swap3A_1609] {strides = array<i32>} : memref<3456xi32, #tpu.memory_space<vmem>>, vector<16xi32>,
      tpu.vector_store %arg10[%swap3A_1609], %broadcast_in_dim3A_1568 {strides = array<i32>} : memref<3456xi32, #tpu.memory_space<vmem>>, vector<16xi32>,
      %add3A_1611 = arith.constant 32 : i32
      %add3A_1612 = arith.addi %reduce_sum3A_1566, %add3A_1611 : i32
      %swap3A_1613 = arith.index_cast %add3A_1612 : i32 to index
      %swap3A_1614 = tpu.vector_load %arg11[%swap3A_1613] {strides = array<i32>} : memref<3456xi32, #tpu.memory_space<vmem>>, vector<16xi32>,
      tpu.vector_store %arg11[%swap3A_1613], %broadcast_in_dim3A_1570 {strides = array<i32>} : memref<3456xi32, #tpu.memory_space<vmem>>, vector<16xi32>,
      %add3A_1615 = arith.constant 32 : i32
      %add3A_1616 = arith.addi %reduce_sum3A_1566, %add3A_1615 : i32
      %swap3A_1617 = arith.index_cast %add3A_1616 : i32 to index
      %swap3A_1618 = tpu.vector_load %arg12[%swap3A_1617] {strides = array<i32>} : memref<3456xi32, #tpu.memory_space<vmem>>, vector<16xi32>,
      tpu.vector_store %arg12[%swap3A_1617], %get3A_1606 {strides = array<i32>} : memref<3456xi32, #tpu.memory_space<vmem>>, vector<16xi32>,
      %get3A_1619 = arith.constant 7 : i32
      %get3A_1620 = arith.index_cast %get3A_1619 : i32 to index
      %get3A_1621 = arith.constant 48 : index
      %get3A_1622 = tpu.vector_load %arg8[%get3A_1620, %get3A_1621] {strides = array<i32>} : memref<16x256xi32, #tpu.memory_space<vmem>>, vector<16xi32>,
      %add3A_1623 = arith.constant 48 : i32
      %add3A_1624 = arith.addi %reduce_sum3A_1566, %add3A_1623 : i32
      %swap3A_1625 = arith.index_cast %add3A_1624 : i32 to index
      %swap3A_1626 = tpu.vector_load %arg10[%swap3A_1625] {strides = array<i32>} : memref<3456xi32, #tpu.memory_space<vmem>>, vector<16xi32>,
      tpu.vector_store %arg10[%swap3A_1625], %broadcast_in_dim3A_1568 {strides = array<i32>} : memref<3456xi32, #tpu.memory_space<vmem>>, vector<16xi32>,
      %add3A_1627 = arith.constant 48 : i32
      %add3A_1628 = arith.addi %reduce_sum3A_1566, %add3A_1627 : i32
      %swap3A_1629 = arith.index_cast %add3A_1628 : i32 to index
      %swap3A_1630 = tpu.vector_load %arg11[%swap3A_1629] {strides = array<i32>} : memref<3456xi32, #tpu.memory_space<vmem>>, vector<16xi32>,
      tpu.vector_store %arg11[%swap3A_1629], %broadcast_in_dim3A_1570 {strides = array<i32>} : memref<3456xi32, #tpu.memory_space<vmem>>, vector<16xi32>,
      %add3A_1631 = arith.constant 48 : i32
      %add3A_1632 = arith.addi %reduce_sum3A_1566, %add3A_1631 : i32
      %swap3A_1633 = arith.index_cast %add3A_1632 : i32 to index
      %swap3A_1634 = tpu.vector_load %arg12[%swap3A_1633] {strides = array<i32>} : memref<3456xi32, #tpu.memory_space<vmem>>, vector<16xi32>,
      tpu.vector_store %arg12[%swap3A_1633], %get3A_1622 {strides = array<i32>} : memref<3456xi32, #tpu.memory_space<vmem>>, vector<16xi32>,
      %get3A_1635 = arith.constant 7 : i32
      %get3A_1636 = arith.index_cast %get3A_1635 : i32 to index
      %get3A_1637 = arith.constant 64 : index
      %get3A_1638 = tpu.vector_load %arg8[%get3A_1636, %get3A_1637] {strides = array<i32>} : memref<16x256xi32, #tpu.memory_space<vmem>>, vector<16xi32>,
      %add3A_1639 = arith.constant 64 : i32
      %add3A_1640 = arith.addi %reduce_sum3A_1566, %add3A_1639 : i32
      %swap3A_1641 = arith.index_cast %add3A_1640 : i32 to index
      %swap3A_1642 = tpu.vector_load %arg10[%swap3A_1641] {strides = array<i32>} : memref<3456xi32, #tpu.memory_space<vmem>>, vector<16xi32>,
      tpu.vector_store %arg10[%swap3A_1641], %broadcast_in_dim3A_1568 {strides = array<i32>} : memref<3456xi32, #tpu.memory_space<vmem>>, vector<16xi32>,
      %add3A_1643 = arith.constant 64 : i32
      %add3A_1644 = arith.addi %reduce_sum3A_1566, %add3A_1643 : i32
      %swap3A_1645 = arith.index_cast %add3A_1644 : i32 to index
      %swap3A_1646 = tpu.vector_load %arg11[%swap3A_1645] {strides = array<i32>} : memref<3456xi32, #tpu.memory_space<vmem>>, vector<16xi32>,
      tpu.vector_store %arg11[%swap3A_1645], %broadcast_in_dim3A_1570 {strides = array<i32>} : memref<3456xi32, #tpu.memory_space<vmem>>, vector<16xi32>,
      %add3A_1647 = arith.constant 64 : i32
      %add3A_1648 = arith.addi %reduce_sum3A_1566, %add3A_1647 : i32
      %swap3A_1649 = arith.index_cast %add3A_1648 : i32 to index
      %swap3A_1650 = tpu.vector_load %arg12[%swap3A_1649] {strides = array<i32>} : memref<3456xi32, #tpu.memory_space<vmem>>, vector<16xi32>,
      tpu.vector_store %arg12[%swap3A_1649], %get3A_1638 {strides = array<i32>} : memref<3456xi32, #tpu.memory_space<vmem>>, vector<16xi32>,
      %get3A_1651 = arith.constant 7 : i32
      %get3A_1652 = arith.index_cast %get3A_1651 : i32 to index
      %get3A_1653 = arith.constant 80 : index
      %get3A_1654 = tpu.vector_load %arg8[%get3A_1652, %get3A_1653] {strides = array<i32>} : memref<16x256xi32, #tpu.memory_space<vmem>>, vector<16xi32>,
      %add3A_1655 = arith.constant 80 : i32
      %add3A_1656 = arith.addi %reduce_sum3A_1566, %add3A_1655 : i32
      %swap3A_1657 = arith.index_cast %add3A_1656 : i32 to index
      %swap3A_1658 = tpu.vector_load %arg10[%swap3A_1657] {strides = array<i32>} : memref<3456xi32, #tpu.memory_space<vmem>>, vector<16xi32>,
      tpu.vector_store %arg10[%swap3A_1657], %broadcast_in_dim3A_1568 {strides = array<i32>} : memref<3456xi32, #tpu.memory_space<vmem>>, vector<16xi32>,
      %add3A_1659 = arith.constant 80 : i32
      %add3A_1660 = arith.addi %reduce_sum3A_1566, %add3A_1659 : i32
      %swap3A_1661 = arith.index_cast %add3A_1660 : i32 to index
      %swap3A_1662 = tpu.vector_load %arg11[%swap3A_1661] {strides = array<i32>} : memref<3456xi32, #tpu.memory_space<vmem>>, vector<16xi32>,
      tpu.vector_store %arg11[%swap3A_1661], %broadcast_in_dim3A_1570 {strides = array<i32>} : memref<3456xi32, #tpu.memory_space<vmem>>, vector<16xi32>,
      %add3A_1663 = arith.constant 80 : i32
      %add3A_1664 = arith.addi %reduce_sum3A_1566, %add3A_1663 : i32
      %swap3A_1665 = arith.index_cast %add3A_1664 : i32 to index
      %swap3A_1666 = tpu.vector_load %arg12[%swap3A_1665] {strides = array<i32>} : memref<3456xi32, #tpu.memory_space<vmem>>, vector<16xi32>,
      tpu.vector_store %arg12[%swap3A_1665], %get3A_1654 {strides = array<i32>} : memref<3456xi32, #tpu.memory_space<vmem>>, vector<16xi32>,
      %get3A_1667 = arith.constant 7 : i32
      %get3A_1668 = arith.index_cast %get3A_1667 : i32 to index
      %get3A_1669 = arith.constant 96 : index
      %get3A_1670 = tpu.vector_load %arg8[%get3A_1668, %get3A_1669] {strides = array<i32>} : memref<16x256xi32, #tpu.memory_space<vmem>>, vector<16xi32>,
      %add3A_1671 = arith.constant 96 : i32
      %add3A_1672 = arith.addi %reduce_sum3A_1566, %add3A_1671 : i32
      %swap3A_1673 = arith.index_cast %add3A_1672 : i32 to index
      %swap3A_1674 = tpu.vector_load %arg10[%swap3A_1673] {strides = array<i32>} : memref<3456xi32, #tpu.memory_space<vmem>>, vector<16xi32>,
      tpu.vector_store %arg10[%swap3A_1673], %broadcast_in_dim3A_1568 {strides = array<i32>} : memref<3456xi32, #tpu.memory_space<vmem>>, vector<16xi32>,
      %add3A_1675 = arith.constant 96 : i32
      %add3A_1676 = arith.addi %reduce_sum3A_1566, %add3A_1675 : i32
      %swap3A_1677 = arith.index_cast %add3A_1676 : i32 to index
      %swap3A_1678 = tpu.vector_load %arg11[%swap3A_1677] {strides = array<i32>} : memref<3456xi32, #tpu.memory_space<vmem>>, vector<16xi32>,
      tpu.vector_store %arg11[%swap3A_1677], %broadcast_in_dim3A_1570 {strides = array<i32>} : memref<3456xi32, #tpu.memory_space<vmem>>, vector<16xi32>,
      %add3A_1679 = arith.constant 96 : i32
      %add3A_1680 = arith.addi %reduce_sum3A_1566, %add3A_1679 : i32
      %swap3A_1681 = arith.index_cast %add3A_1680 : i32 to index
      %swap3A_1682 = tpu.vector_load %arg12[%swap3A_1681] {strides = array<i32>} : memref<3456xi32, #tpu.memory_space<vmem>>, vector<16xi32>,
      tpu.vector_store %arg12[%swap3A_1681], %get3A_1670 {strides = array<i32>} : memref<3456xi32, #tpu.memory_space<vmem>>, vector<16xi32>,
      %get3A_1683 = arith.constant 7 : i32
      %get3A_1684 = arith.index_cast %get3A_1683 : i32 to index
      %get3A_1685 = arith.constant 112 : index
      %get3A_1686 = tpu.vector_load %arg8[%get3A_1684, %get3A_1685] {strides = array<i32>} : memref<16x256xi32, #tpu.memory_space<vmem>>, vector<16xi32>,
      %add3A_1687 = arith.constant 112 : i32
      %add3A_1688 = arith.addi %reduce_sum3A_1566, %add3A_1687 : i32
      %swap3A_1689 = arith.index_cast %add3A_1688 : i32 to index
      %swap3A_1690 = tpu.vector_load %arg10[%swap3A_1689] {strides = array<i32>} : memref<3456xi32, #tpu.memory_space<vmem>>, vector<16xi32>,
      tpu.vector_store %arg10[%swap3A_1689], %broadcast_in_dim3A_1568 {strides = array<i32>} : memref<3456xi32, #tpu.memory_space<vmem>>, vector<16xi32>,
      %add3A_1691 = arith.constant 112 : i32
      %add3A_1692 = arith.addi %reduce_sum3A_1566, %add3A_1691 : i32
      %swap3A_1693 = arith.index_cast %add3A_1692 : i32 to index
      %swap3A_1694 = tpu.vector_load %arg11[%swap3A_1693] {strides = array<i32>} : memref<3456xi32, #tpu.memory_space<vmem>>, vector<16xi32>,
      tpu.vector_store %arg11[%swap3A_1693], %broadcast_in_dim3A_1570 {strides = array<i32>} : memref<3456xi32, #tpu.memory_space<vmem>>, vector<16xi32>,
      %add3A_1695 = arith.constant 112 : i32
      %add3A_1696 = arith.addi %reduce_sum3A_1566, %add3A_1695 : i32
      %swap3A_1697 = arith.index_cast %add3A_1696 : i32 to index
      %swap3A_1698 = tpu.vector_load %arg12[%swap3A_1697] {strides = array<i32>} : memref<3456xi32, #tpu.memory_space<vmem>>, vector<16xi32>,
      tpu.vector_store %arg12[%swap3A_1697], %get3A_1686 {strides = array<i32>} : memref<3456xi32, #tpu.memory_space<vmem>>, vector<16xi32>,
      %get3A_1699 = arith.constant 7 : i32
      %get3A_1700 = arith.index_cast %get3A_1699 : i32 to index
      %get3A_1701 = arith.constant 128 : index
      %get3A_1702 = tpu.vector_load %arg8[%get3A_1700, %get3A_1701] {strides = array<i32>} : memref<16x256xi32, #tpu.memory_space<vmem>>, vector<16xi32>,
      %add3A_1703 = arith.constant 128 : i32
      %add3A_1704 = arith.addi %reduce_sum3A_1566, %add3A_1703 : i32
      %swap3A_1705 = arith.index_cast %add3A_1704 : i32 to index
      %swap3A_1706 = tpu.vector_load %arg10[%swap3A_1705] {strides = array<i32>} : memref<3456xi32, #tpu.memory_space<vmem>>, vector<16xi32>,
      tpu.vector_store %arg10[%swap3A_1705], %broadcast_in_dim3A_1568 {strides = array<i32>} : memref<3456xi32, #tpu.memory_space<vmem>>, vector<16xi32>,
      %add3A_1707 = arith.constant 128 : i32
      %add3A_1708 = arith.addi %reduce_sum3A_1566, %add3A_1707 : i32
      %swap3A_1709 = arith.index_cast %add3A_1708 : i32 to index
      %swap3A_1710 = tpu.vector_load %arg11[%swap3A_1709] {strides = array<i32>} : memref<3456xi32, #tpu.memory_space<vmem>>, vector<16xi32>,
      tpu.vector_store %arg11[%swap3A_1709], %broadcast_in_dim3A_1570 {strides = array<i32>} : memref<3456xi32, #tpu.memory_space<vmem>>, vector<16xi32>,
      %add3A_1711 = arith.constant 128 : i32
      %add3A_1712 = arith.addi %reduce_sum3A_1566, %add3A_1711 : i32
      %swap3A_1713 = arith.index_cast %add3A_1712 : i32 to index
      %swap3A_1714 = tpu.vector_load %arg12[%swap3A_1713] {strides = array<i32>} : memref<3456xi32, #tpu.memory_space<vmem>>, vector<16xi32>,
      tpu.vector_store %arg12[%swap3A_1713], %get3A_1702 {strides = array<i32>} : memref<3456xi32, #tpu.memory_space<vmem>>, vector<16xi32>,
      %get3A_1715 = arith.constant 7 : i32
      %get3A_1716 = arith.index_cast %get3A_1715 : i32 to index
      %get3A_1717 = arith.constant 144 : index
      %get3A_1718 = tpu.vector_load %arg8[%get3A_1716, %get3A_1717] {strides = array<i32>} : memref<16x256xi32, #tpu.memory_space<vmem>>, vector<16xi32>,
      %add3A_1719 = arith.constant 144 : i32
      %add3A_1720 = arith.addi %reduce_sum3A_1566, %add3A_1719 : i32
      %swap3A_1721 = arith.index_cast %add3A_1720 : i32 to index
      %swap3A_1722 = tpu.vector_load %arg10[%swap3A_1721] {strides = array<i32>} : memref<3456xi32, #tpu.memory_space<vmem>>, vector<16xi32>,
      tpu.vector_store %arg10[%swap3A_1721], %broadcast_in_dim3A_1568 {strides = array<i32>} : memref<3456xi32, #tpu.memory_space<vmem>>, vector<16xi32>,
      %add3A_1723 = arith.constant 144 : i32
      %add3A_1724 = arith.addi %reduce_sum3A_1566, %add3A_1723 : i32
      %swap3A_1725 = arith.index_cast %add3A_1724 : i32 to index
      %swap3A_1726 = tpu.vector_load %arg11[%swap3A_1725] {strides = array<i32>} : memref<3456xi32, #tpu.memory_space<vmem>>, vector<16xi32>,
      tpu.vector_store %arg11[%swap3A_1725], %broadcast_in_dim3A_1570 {strides = array<i32>} : memref<3456xi32, #tpu.memory_space<vmem>>, vector<16xi32>,
      %add3A_1727 = arith.constant 144 : i32
      %add3A_1728 = arith.addi %reduce_sum3A_1566, %add3A_1727 : i32
      %swap3A_1729 = arith.index_cast %add3A_1728 : i32 to index
      %swap3A_1730 = tpu.vector_load %arg12[%swap3A_1729] {strides = array<i32>} : memref<3456xi32, #tpu.memory_space<vmem>>, vector<16xi32>,
      tpu.vector_store %arg12[%swap3A_1729], %get3A_1718 {strides = array<i32>} : memref<3456xi32, #tpu.memory_space<vmem>>, vector<16xi32>,
      %get3A_1731 = arith.constant 7 : i32
      %get3A_1732 = arith.index_cast %get3A_1731 : i32 to index
      %get3A_1733 = arith.constant 160 : index
      %get3A_1734 = tpu.vector_load %arg8[%get3A_1732, %get3A_1733] {strides = array<i32>} : memref<16x256xi32, #tpu.memory_space<vmem>>, vector<16xi32>,
      %add3A_1735 = arith.constant 160 : i32
      %add3A_1736 = arith.addi %reduce_sum3A_1566, %add3A_1735 : i32
      %swap3A_1737 = arith.index_cast %add3A_1736 : i32 to index
      %swap3A_1738 = tpu.vector_load %arg10[%swap3A_1737] {strides = array<i32>} : memref<3456xi32, #tpu.memory_space<vmem>>, vector<16xi32>,
      tpu.vector_store %arg10[%swap3A_1737], %broadcast_in_dim3A_1568 {strides = array<i32>} : memref<3456xi32, #tpu.memory_space<vmem>>, vector<16xi32>,
      %add3A_1739 = arith.constant 160 : i32
      %add3A_1740 = arith.addi %reduce_sum3A_1566, %add3A_1739 : i32
      %swap3A_1741 = arith.index_cast %add3A_1740 : i32 to index
      %swap3A_1742 = tpu.vector_load %arg11[%swap3A_1741] {strides = array<i32>} : memref<3456xi32, #tpu.memory_space<vmem>>, vector<16xi32>,
      tpu.vector_store %arg11[%swap3A_1741], %broadcast_in_dim3A_1570 {strides = array<i32>} : memref<3456xi32, #tpu.memory_space<vmem>>, vector<16xi32>,
      %add3A_1743 = arith.constant 160 : i32
      %add3A_1744 = arith.addi %reduce_sum3A_1566, %add3A_1743 : i32
      %swap3A_1745 = arith.index_cast %add3A_1744 : i32 to index
      %swap3A_1746 = tpu.vector_load %arg12[%swap3A_1745] {strides = array<i32>} : memref<3456xi32, #tpu.memory_space<vmem>>, vector<16xi32>,
      tpu.vector_store %arg12[%swap3A_1745], %get3A_1734 {strides = array<i32>} : memref<3456xi32, #tpu.memory_space<vmem>>, vector<16xi32>,
      %get3A_1747 = arith.constant 7 : i32
      %get3A_1748 = arith.index_cast %get3A_1747 : i32 to index
      %get3A_1749 = arith.constant 176 : index
      %get3A_1750 = tpu.vector_load %arg8[%get3A_1748, %get3A_1749] {strides = array<i32>} : memref<16x256xi32, #tpu.memory_space<vmem>>, vector<16xi32>,
      %add3A_1751 = arith.constant 176 : i32
      %add3A_1752 = arith.addi %reduce_sum3A_1566, %add3A_1751 : i32
      %swap3A_1753 = arith.index_cast %add3A_1752 : i32 to index
      %swap3A_1754 = tpu.vector_load %arg10[%swap3A_1753] {strides = array<i32>} : memref<3456xi32, #tpu.memory_space<vmem>>, vector<16xi32>,
      tpu.vector_store %arg10[%swap3A_1753], %broadcast_in_dim3A_1568 {strides = array<i32>} : memref<3456xi32, #tpu.memory_space<vmem>>, vector<16xi32>,
      %add3A_1755 = arith.constant 176 : i32
      %add3A_1756 = arith.addi %reduce_sum3A_1566, %add3A_1755 : i32
      %swap3A_1757 = arith.index_cast %add3A_1756 : i32 to index
      %swap3A_1758 = tpu.vector_load %arg11[%swap3A_1757] {strides = array<i32>} : memref<3456xi32, #tpu.memory_space<vmem>>, vector<16xi32>,
      tpu.vector_store %arg11[%swap3A_1757], %broadcast_in_dim3A_1570 {strides = array<i32>} : memref<3456xi32, #tpu.memory_space<vmem>>, vector<16xi32>,
      %add3A_1759 = arith.constant 176 : i32
      %add3A_1760 = arith.addi %reduce_sum3A_1566, %add3A_1759 : i32
      %swap3A_1761 = arith.index_cast %add3A_1760 : i32 to index
      %swap3A_1762 = tpu.vector_load %arg12[%swap3A_1761] {strides = array<i32>} : memref<3456xi32, #tpu.memory_space<vmem>>, vector<16xi32>,
      tpu.vector_store %arg12[%swap3A_1761], %get3A_1750 {strides = array<i32>} : memref<3456xi32, #tpu.memory_space<vmem>>, vector<16xi32>,
      %get3A_1763 = arith.constant 7 : i32
      %get3A_1764 = arith.index_cast %get3A_1763 : i32 to index
      %get3A_1765 = arith.constant 192 : index
      %get3A_1766 = tpu.vector_load %arg8[%get3A_1764, %get3A_1765] {strides = array<i32>} : memref<16x256xi32, #tpu.memory_space<vmem>>, vector<16xi32>,
      %add3A_1767 = arith.constant 192 : i32
      %add3A_1768 = arith.addi %reduce_sum3A_1566, %add3A_1767 : i32
      %swap3A_1769 = arith.index_cast %add3A_1768 : i32 to index
      %swap3A_1770 = tpu.vector_load %arg10[%swap3A_1769] {strides = array<i32>} : memref<3456xi32, #tpu.memory_space<vmem>>, vector<16xi32>,
      tpu.vector_store %arg10[%swap3A_1769], %broadcast_in_dim3A_1568 {strides = array<i32>} : memref<3456xi32, #tpu.memory_space<vmem>>, vector<16xi32>,
      %add3A_1771 = arith.constant 192 : i32
      %add3A_1772 = arith.addi %reduce_sum3A_1566, %add3A_1771 : i32
      %swap3A_1773 = arith.index_cast %add3A_1772 : i32 to index
      %swap3A_1774 = tpu.vector_load %arg11[%swap3A_1773] {strides = array<i32>} : memref<3456xi32, #tpu.memory_space<vmem>>, vector<16xi32>,
      tpu.vector_store %arg11[%swap3A_1773], %broadcast_in_dim3A_1570 {strides = array<i32>} : memref<3456xi32, #tpu.memory_space<vmem>>, vector<16xi32>,
      %add3A_1775 = arith.constant 192 : i32
      %add3A_1776 = arith.addi %reduce_sum3A_1566, %add3A_1775 : i32
      %swap3A_1777 = arith.index_cast %add3A_1776 : i32 to index
      %swap3A_1778 = tpu.vector_load %arg12[%swap3A_1777] {strides = array<i32>} : memref<3456xi32, #tpu.memory_space<vmem>>, vector<16xi32>,
      tpu.vector_store %arg12[%swap3A_1777], %get3A_1766 {strides = array<i32>} : memref<3456xi32, #tpu.memory_space<vmem>>, vector<16xi32>,
      %eq3A_1779 = arith.constant 8 : i32
      %eq3A_1780 = vector.broadcast %eq3A_1779 : i32 to vector<16xi32>
      %eq3A_1781 = arith.cmpi eq, %iota3A, %eq3A_1780 : vector<16xi32>
      %jit3A_1782 = arith.constant 0 : i32
      %broadcast_in_dim3A_1783 = vector.broadcast %jit3A_1782 : i32 to vector<16xi32>
      %select_n3A_1784 = arith.select %eq3A_1781, %sub3A, %broadcast_in_dim3A_1783 : vector<16xi1>, vector<16xi32>
      %reduce_sum3A_1785 = arith.constant true
      %reduce_sum3A_1786 = vector.broadcast %reduce_sum3A_1785 : i1 to vector<16xi1>
      %reduce_sum3A_1787 = tpu.scan <sum>, %select_n3A_1784 masked %reduce_sum3A_1786 : vector<16xi32>, vector<16xi1> -> vector<16xi32>
      %reduce_sum3A_1788 = vector.extract %reduce_sum3A_1787[15] : i32 from vector<16xi32>
      %broadcast_in_dim3A_1789 = arith.constant 1 : i32
      %broadcast_in_dim3A_1790 = vector.broadcast %broadcast_in_dim3A_1789 : i32 to vector<16xi32>
      %broadcast_in_dim3A_1791 = arith.constant 0 : i32
      %broadcast_in_dim3A_1792 = vector.broadcast %broadcast_in_dim3A_1791 : i32 to vector<16xi32>
      %get3A_1793 = arith.constant 8 : i32
      %get3A_1794 = arith.index_cast %get3A_1793 : i32 to index
      %get3A_1795 = arith.constant 0 : index
      %get3A_1796 = tpu.vector_load %arg8[%get3A_1794, %get3A_1795] {strides = array<i32>} : memref<16x256xi32, #tpu.memory_space<vmem>>, vector<16xi32>,
      %add3A_1797 = arith.constant 0 : i32
      %add3A_1798 = arith.addi %reduce_sum3A_1788, %add3A_1797 : i32
      %swap3A_1799 = arith.index_cast %add3A_1798 : i32 to index
      %swap3A_1800 = tpu.vector_load %arg10[%swap3A_1799] {strides = array<i32>} : memref<3456xi32, #tpu.memory_space<vmem>>, vector<16xi32>,
      tpu.vector_store %arg10[%swap3A_1799], %broadcast_in_dim3A_1790 {strides = array<i32>} : memref<3456xi32, #tpu.memory_space<vmem>>, vector<16xi32>,
      %add3A_1801 = arith.constant 0 : i32
      %add3A_1802 = arith.addi %reduce_sum3A_1788, %add3A_1801 : i32
      %swap3A_1803 = arith.index_cast %add3A_1802 : i32 to index
      %swap3A_1804 = tpu.vector_load %arg11[%swap3A_1803] {strides = array<i32>} : memref<3456xi32, #tpu.memory_space<vmem>>, vector<16xi32>,
      tpu.vector_store %arg11[%swap3A_1803], %broadcast_in_dim3A_1792 {strides = array<i32>} : memref<3456xi32, #tpu.memory_space<vmem>>, vector<16xi32>,
      %add3A_1805 = arith.constant 0 : i32
      %add3A_1806 = arith.addi %reduce_sum3A_1788, %add3A_1805 : i32
      %swap3A_1807 = arith.index_cast %add3A_1806 : i32 to index
      %swap3A_1808 = tpu.vector_load %arg12[%swap3A_1807] {strides = array<i32>} : memref<3456xi32, #tpu.memory_space<vmem>>, vector<16xi32>,
      tpu.vector_store %arg12[%swap3A_1807], %get3A_1796 {strides = array<i32>} : memref<3456xi32, #tpu.memory_space<vmem>>, vector<16xi32>,
      %get3A_1809 = arith.constant 8 : i32
      %get3A_1810 = arith.index_cast %get3A_1809 : i32 to index
      %get3A_1811 = arith.constant 16 : index
      %get3A_1812 = tpu.vector_load %arg8[%get3A_1810, %get3A_1811] {strides = array<i32>} : memref<16x256xi32, #tpu.memory_space<vmem>>, vector<16xi32>,
      %add3A_1813 = arith.constant 16 : i32
      %add3A_1814 = arith.addi %reduce_sum3A_1788, %add3A_1813 : i32
      %swap3A_1815 = arith.index_cast %add3A_1814 : i32 to index
      %swap3A_1816 = tpu.vector_load %arg10[%swap3A_1815] {strides = array<i32>} : memref<3456xi32, #tpu.memory_space<vmem>>, vector<16xi32>,
      tpu.vector_store %arg10[%swap3A_1815], %broadcast_in_dim3A_1790 {strides = array<i32>} : memref<3456xi32, #tpu.memory_space<vmem>>, vector<16xi32>,
      %add3A_1817 = arith.constant 16 : i32
      %add3A_1818 = arith.addi %reduce_sum3A_1788, %add3A_1817 : i32
      %swap3A_1819 = arith.index_cast %add3A_1818 : i32 to index
      %swap3A_1820 = tpu.vector_load %arg11[%swap3A_1819] {strides = array<i32>} : memref<3456xi32, #tpu.memory_space<vmem>>, vector<16xi32>,
      tpu.vector_store %arg11[%swap3A_1819], %broadcast_in_dim3A_1792 {strides = array<i32>} : memref<3456xi32, #tpu.memory_space<vmem>>, vector<16xi32>,
      %add3A_1821 = arith.constant 16 : i32
      %add3A_1822 = arith.addi %reduce_sum3A_1788, %add3A_1821 : i32
      %swap3A_1823 = arith.index_cast %add3A_1822 : i32 to index
      %swap3A_1824 = tpu.vector_load %arg12[%swap3A_1823] {strides = array<i32>} : memref<3456xi32, #tpu.memory_space<vmem>>, vector<16xi32>,
      tpu.vector_store %arg12[%swap3A_1823], %get3A_1812 {strides = array<i32>} : memref<3456xi32, #tpu.memory_space<vmem>>, vector<16xi32>,
      %get3A_1825 = arith.constant 8 : i32
      %get3A_1826 = arith.index_cast %get3A_1825 : i32 to index
      %get3A_1827 = arith.constant 32 : index
      %get3A_1828 = tpu.vector_load %arg8[%get3A_1826, %get3A_1827] {strides = array<i32>} : memref<16x256xi32, #tpu.memory_space<vmem>>, vector<16xi32>,
      %add3A_1829 = arith.constant 32 : i32
      %add3A_1830 = arith.addi %reduce_sum3A_1788, %add3A_1829 : i32
      %swap3A_1831 = arith.index_cast %add3A_1830 : i32 to index
      %swap3A_1832 = tpu.vector_load %arg10[%swap3A_1831] {strides = array<i32>} : memref<3456xi32, #tpu.memory_space<vmem>>, vector<16xi32>,
      tpu.vector_store %arg10[%swap3A_1831], %broadcast_in_dim3A_1790 {strides = array<i32>} : memref<3456xi32, #tpu.memory_space<vmem>>, vector<16xi32>,
      %add3A_1833 = arith.constant 32 : i32
      %add3A_1834 = arith.addi %reduce_sum3A_1788, %add3A_1833 : i32
      %swap3A_1835 = arith.index_cast %add3A_1834 : i32 to index
      %swap3A_1836 = tpu.vector_load %arg11[%swap3A_1835] {strides = array<i32>} : memref<3456xi32, #tpu.memory_space<vmem>>, vector<16xi32>,
      tpu.vector_store %arg11[%swap3A_1835], %broadcast_in_dim3A_1792 {strides = array<i32>} : memref<3456xi32, #tpu.memory_space<vmem>>, vector<16xi32>,
      %add3A_1837 = arith.constant 32 : i32
      %add3A_1838 = arith.addi %reduce_sum3A_1788, %add3A_1837 : i32
      %swap3A_1839 = arith.index_cast %add3A_1838 : i32 to index
      %swap3A_1840 = tpu.vector_load %arg12[%swap3A_1839] {strides = array<i32>} : memref<3456xi32, #tpu.memory_space<vmem>>, vector<16xi32>,
      tpu.vector_store %arg12[%swap3A_1839], %get3A_1828 {strides = array<i32>} : memref<3456xi32, #tpu.memory_space<vmem>>, vector<16xi32>,
      %get3A_1841 = arith.constant 8 : i32
      %get3A_1842 = arith.index_cast %get3A_1841 : i32 to index
      %get3A_1843 = arith.constant 48 : index
      %get3A_1844 = tpu.vector_load %arg8[%get3A_1842, %get3A_1843] {strides = array<i32>} : memref<16x256xi32, #tpu.memory_space<vmem>>, vector<16xi32>,
      %add3A_1845 = arith.constant 48 : i32
      %add3A_1846 = arith.addi %reduce_sum3A_1788, %add3A_1845 : i32
      %swap3A_1847 = arith.index_cast %add3A_1846 : i32 to index
      %swap3A_1848 = tpu.vector_load %arg10[%swap3A_1847] {strides = array<i32>} : memref<3456xi32, #tpu.memory_space<vmem>>, vector<16xi32>,
      tpu.vector_store %arg10[%swap3A_1847], %broadcast_in_dim3A_1790 {strides = array<i32>} : memref<3456xi32, #tpu.memory_space<vmem>>, vector<16xi32>,
      %add3A_1849 = arith.constant 48 : i32
      %add3A_1850 = arith.addi %reduce_sum3A_1788, %add3A_1849 : i32
      %swap3A_1851 = arith.index_cast %add3A_1850 : i32 to index
      %swap3A_1852 = tpu.vector_load %arg11[%swap3A_1851] {strides = array<i32>} : memref<3456xi32, #tpu.memory_space<vmem>>, vector<16xi32>,
      tpu.vector_store %arg11[%swap3A_1851], %broadcast_in_dim3A_1792 {strides = array<i32>} : memref<3456xi32, #tpu.memory_space<vmem>>, vector<16xi32>,
      %add3A_1853 = arith.constant 48 : i32
      %add3A_1854 = arith.addi %reduce_sum3A_1788, %add3A_1853 : i32
      %swap3A_1855 = arith.index_cast %add3A_1854 : i32 to index
      %swap3A_1856 = tpu.vector_load %arg12[%swap3A_1855] {strides = array<i32>} : memref<3456xi32, #tpu.memory_space<vmem>>, vector<16xi32>,
      tpu.vector_store %arg12[%swap3A_1855], %get3A_1844 {strides = array<i32>} : memref<3456xi32, #tpu.memory_space<vmem>>, vector<16xi32>,
      %get3A_1857 = arith.constant 8 : i32
      %get3A_1858 = arith.index_cast %get3A_1857 : i32 to index
      %get3A_1859 = arith.constant 64 : index
      %get3A_1860 = tpu.vector_load %arg8[%get3A_1858, %get3A_1859] {strides = array<i32>} : memref<16x256xi32, #tpu.memory_space<vmem>>, vector<16xi32>,
      %add3A_1861 = arith.constant 64 : i32
      %add3A_1862 = arith.addi %reduce_sum3A_1788, %add3A_1861 : i32
      %swap3A_1863 = arith.index_cast %add3A_1862 : i32 to index
      %swap3A_1864 = tpu.vector_load %arg10[%swap3A_1863] {strides = array<i32>} : memref<3456xi32, #tpu.memory_space<vmem>>, vector<16xi32>,
      tpu.vector_store %arg10[%swap3A_1863], %broadcast_in_dim3A_1790 {strides = array<i32>} : memref<3456xi32, #tpu.memory_space<vmem>>, vector<16xi32>,
      %add3A_1865 = arith.constant 64 : i32
      %add3A_1866 = arith.addi %reduce_sum3A_1788, %add3A_1865 : i32
      %swap3A_1867 = arith.index_cast %add3A_1866 : i32 to index
      %swap3A_1868 = tpu.vector_load %arg11[%swap3A_1867] {strides = array<i32>} : memref<3456xi32, #tpu.memory_space<vmem>>, vector<16xi32>,
      tpu.vector_store %arg11[%swap3A_1867], %broadcast_in_dim3A_1792 {strides = array<i32>} : memref<3456xi32, #tpu.memory_space<vmem>>, vector<16xi32>,
      %add3A_1869 = arith.constant 64 : i32
      %add3A_1870 = arith.addi %reduce_sum3A_1788, %add3A_1869 : i32
      %swap3A_1871 = arith.index_cast %add3A_1870 : i32 to index
      %swap3A_1872 = tpu.vector_load %arg12[%swap3A_1871] {strides = array<i32>} : memref<3456xi32, #tpu.memory_space<vmem>>, vector<16xi32>,
      tpu.vector_store %arg12[%swap3A_1871], %get3A_1860 {strides = array<i32>} : memref<3456xi32, #tpu.memory_space<vmem>>, vector<16xi32>,
      %get3A_1873 = arith.constant 8 : i32
      %get3A_1874 = arith.index_cast %get3A_1873 : i32 to index
      %get3A_1875 = arith.constant 80 : index
      %get3A_1876 = tpu.vector_load %arg8[%get3A_1874, %get3A_1875] {strides = array<i32>} : memref<16x256xi32, #tpu.memory_space<vmem>>, vector<16xi32>,
      %add3A_1877 = arith.constant 80 : i32
      %add3A_1878 = arith.addi %reduce_sum3A_1788, %add3A_1877 : i32
      %swap3A_1879 = arith.index_cast %add3A_1878 : i32 to index
      %swap3A_1880 = tpu.vector_load %arg10[%swap3A_1879] {strides = array<i32>} : memref<3456xi32, #tpu.memory_space<vmem>>, vector<16xi32>,
      tpu.vector_store %arg10[%swap3A_1879], %broadcast_in_dim3A_1790 {strides = array<i32>} : memref<3456xi32, #tpu.memory_space<vmem>>, vector<16xi32>,
      %add3A_1881 = arith.constant 80 : i32
      %add3A_1882 = arith.addi %reduce_sum3A_1788, %add3A_1881 : i32
      %swap3A_1883 = arith.index_cast %add3A_1882 : i32 to index
      %swap3A_1884 = tpu.vector_load %arg11[%swap3A_1883] {strides = array<i32>} : memref<3456xi32, #tpu.memory_space<vmem>>, vector<16xi32>,
      tpu.vector_store %arg11[%swap3A_1883], %broadcast_in_dim3A_1792 {strides = array<i32>} : memref<3456xi32, #tpu.memory_space<vmem>>, vector<16xi32>,
      %add3A_1885 = arith.constant 80 : i32
      %add3A_1886 = arith.addi %reduce_sum3A_1788, %add3A_1885 : i32
      %swap3A_1887 = arith.index_cast %add3A_1886 : i32 to index
      %swap3A_1888 = tpu.vector_load %arg12[%swap3A_1887] {strides = array<i32>} : memref<3456xi32, #tpu.memory_space<vmem>>, vector<16xi32>,
      tpu.vector_store %arg12[%swap3A_1887], %get3A_1876 {strides = array<i32>} : memref<3456xi32, #tpu.memory_space<vmem>>, vector<16xi32>,
      %get3A_1889 = arith.constant 8 : i32
      %get3A_1890 = arith.index_cast %get3A_1889 : i32 to index
      %get3A_1891 = arith.constant 96 : index
      %get3A_1892 = tpu.vector_load %arg8[%get3A_1890, %get3A_1891] {strides = array<i32>} : memref<16x256xi32, #tpu.memory_space<vmem>>, vector<16xi32>,
      %add3A_1893 = arith.constant 96 : i32
      %add3A_1894 = arith.addi %reduce_sum3A_1788, %add3A_1893 : i32
      %swap3A_1895 = arith.index_cast %add3A_1894 : i32 to index
      %swap3A_1896 = tpu.vector_load %arg10[%swap3A_1895] {strides = array<i32>} : memref<3456xi32, #tpu.memory_space<vmem>>, vector<16xi32>,
      tpu.vector_store %arg10[%swap3A_1895], %broadcast_in_dim3A_1790 {strides = array<i32>} : memref<3456xi32, #tpu.memory_space<vmem>>, vector<16xi32>,
      %add3A_1897 = arith.constant 96 : i32
      %add3A_1898 = arith.addi %reduce_sum3A_1788, %add3A_1897 : i32
      %swap3A_1899 = arith.index_cast %add3A_1898 : i32 to index
      %swap3A_1900 = tpu.vector_load %arg11[%swap3A_1899] {strides = array<i32>} : memref<3456xi32, #tpu.memory_space<vmem>>, vector<16xi32>,
      tpu.vector_store %arg11[%swap3A_1899], %broadcast_in_dim3A_1792 {strides = array<i32>} : memref<3456xi32, #tpu.memory_space<vmem>>, vector<16xi32>,
      %add3A_1901 = arith.constant 96 : i32
      %add3A_1902 = arith.addi %reduce_sum3A_1788, %add3A_1901 : i32
      %swap3A_1903 = arith.index_cast %add3A_1902 : i32 to index
      %swap3A_1904 = tpu.vector_load %arg12[%swap3A_1903] {strides = array<i32>} : memref<3456xi32, #tpu.memory_space<vmem>>, vector<16xi32>,
      tpu.vector_store %arg12[%swap3A_1903], %get3A_1892 {strides = array<i32>} : memref<3456xi32, #tpu.memory_space<vmem>>, vector<16xi32>,
      %get3A_1905 = arith.constant 8 : i32
      %get3A_1906 = arith.index_cast %get3A_1905 : i32 to index
      %get3A_1907 = arith.constant 112 : index
      %get3A_1908 = tpu.vector_load %arg8[%get3A_1906, %get3A_1907] {strides = array<i32>} : memref<16x256xi32, #tpu.memory_space<vmem>>, vector<16xi32>,
      %add3A_1909 = arith.constant 112 : i32
      %add3A_1910 = arith.addi %reduce_sum3A_1788, %add3A_1909 : i32
      %swap3A_1911 = arith.index_cast %add3A_1910 : i32 to index
      %swap3A_1912 = tpu.vector_load %arg10[%swap3A_1911] {strides = array<i32>} : memref<3456xi32, #tpu.memory_space<vmem>>, vector<16xi32>,
      tpu.vector_store %arg10[%swap3A_1911], %broadcast_in_dim3A_1790 {strides = array<i32>} : memref<3456xi32, #tpu.memory_space<vmem>>, vector<16xi32>,
      %add3A_1913 = arith.constant 112 : i32
      %add3A_1914 = arith.addi %reduce_sum3A_1788, %add3A_1913 : i32
      %swap3A_1915 = arith.index_cast %add3A_1914 : i32 to index
      %swap3A_1916 = tpu.vector_load %arg11[%swap3A_1915] {strides = array<i32>} : memref<3456xi32, #tpu.memory_space<vmem>>, vector<16xi32>,
      tpu.vector_store %arg11[%swap3A_1915], %broadcast_in_dim3A_1792 {strides = array<i32>} : memref<3456xi32, #tpu.memory_space<vmem>>, vector<16xi32>,
      %add3A_1917 = arith.constant 112 : i32
      %add3A_1918 = arith.addi %reduce_sum3A_1788, %add3A_1917 : i32
      %swap3A_1919 = arith.index_cast %add3A_1918 : i32 to index
      %swap3A_1920 = tpu.vector_load %arg12[%swap3A_1919] {strides = array<i32>} : memref<3456xi32, #tpu.memory_space<vmem>>, vector<16xi32>,
      tpu.vector_store %arg12[%swap3A_1919], %get3A_1908 {strides = array<i32>} : memref<3456xi32, #tpu.memory_space<vmem>>, vector<16xi32>,
      %get3A_1921 = arith.constant 8 : i32
      %get3A_1922 = arith.index_cast %get3A_1921 : i32 to index
      %get3A_1923 = arith.constant 128 : index
      %get3A_1924 = tpu.vector_load %arg8[%get3A_1922, %get3A_1923] {strides = array<i32>} : memref<16x256xi32, #tpu.memory_space<vmem>>, vector<16xi32>,
      %add3A_1925 = arith.constant 128 : i32
      %add3A_1926 = arith.addi %reduce_sum3A_1788, %add3A_1925 : i32
      %swap3A_1927 = arith.index_cast %add3A_1926 : i32 to index
      %swap3A_1928 = tpu.vector_load %arg10[%swap3A_1927] {strides = array<i32>} : memref<3456xi32, #tpu.memory_space<vmem>>, vector<16xi32>,
      tpu.vector_store %arg10[%swap3A_1927], %broadcast_in_dim3A_1790 {strides = array<i32>} : memref<3456xi32, #tpu.memory_space<vmem>>, vector<16xi32>,
      %add3A_1929 = arith.constant 128 : i32
      %add3A_1930 = arith.addi %reduce_sum3A_1788, %add3A_1929 : i32
      %swap3A_1931 = arith.index_cast %add3A_1930 : i32 to index
      %swap3A_1932 = tpu.vector_load %arg11[%swap3A_1931] {strides = array<i32>} : memref<3456xi32, #tpu.memory_space<vmem>>, vector<16xi32>,
      tpu.vector_store %arg11[%swap3A_1931], %broadcast_in_dim3A_1792 {strides = array<i32>} : memref<3456xi32, #tpu.memory_space<vmem>>, vector<16xi32>,
      %add3A_1933 = arith.constant 128 : i32
      %add3A_1934 = arith.addi %reduce_sum3A_1788, %add3A_1933 : i32
      %swap3A_1935 = arith.index_cast %add3A_1934 : i32 to index
      %swap3A_1936 = tpu.vector_load %arg12[%swap3A_1935] {strides = array<i32>} : memref<3456xi32, #tpu.memory_space<vmem>>, vector<16xi32>,
      tpu.vector_store %arg12[%swap3A_1935], %get3A_1924 {strides = array<i32>} : memref<3456xi32, #tpu.memory_space<vmem>>, vector<16xi32>,
      %get3A_1937 = arith.constant 8 : i32
      %get3A_1938 = arith.index_cast %get3A_1937 : i32 to index
      %get3A_1939 = arith.constant 144 : index
      %get3A_1940 = tpu.vector_load %arg8[%get3A_1938, %get3A_1939] {strides = array<i32>} : memref<16x256xi32, #tpu.memory_space<vmem>>, vector<16xi32>,
      %add3A_1941 = arith.constant 144 : i32
      %add3A_1942 = arith.addi %reduce_sum3A_1788, %add3A_1941 : i32
      %swap3A_1943 = arith.index_cast %add3A_1942 : i32 to index
      %swap3A_1944 = tpu.vector_load %arg10[%swap3A_1943] {strides = array<i32>} : memref<3456xi32, #tpu.memory_space<vmem>>, vector<16xi32>,
      tpu.vector_store %arg10[%swap3A_1943], %broadcast_in_dim3A_1790 {strides = array<i32>} : memref<3456xi32, #tpu.memory_space<vmem>>, vector<16xi32>,
      %add3A_1945 = arith.constant 144 : i32
      %add3A_1946 = arith.addi %reduce_sum3A_1788, %add3A_1945 : i32
      %swap3A_1947 = arith.index_cast %add3A_1946 : i32 to index
      %swap3A_1948 = tpu.vector_load %arg11[%swap3A_1947] {strides = array<i32>} : memref<3456xi32, #tpu.memory_space<vmem>>, vector<16xi32>,
      tpu.vector_store %arg11[%swap3A_1947], %broadcast_in_dim3A_1792 {strides = array<i32>} : memref<3456xi32, #tpu.memory_space<vmem>>, vector<16xi32>,
      %add3A_1949 = arith.constant 144 : i32
      %add3A_1950 = arith.addi %reduce_sum3A_1788, %add3A_1949 : i32
      %swap3A_1951 = arith.index_cast %add3A_1950 : i32 to index
      %swap3A_1952 = tpu.vector_load %arg12[%swap3A_1951] {strides = array<i32>} : memref<3456xi32, #tpu.memory_space<vmem>>, vector<16xi32>,
      tpu.vector_store %arg12[%swap3A_1951], %get3A_1940 {strides = array<i32>} : memref<3456xi32, #tpu.memory_space<vmem>>, vector<16xi32>,
      %get3A_1953 = arith.constant 8 : i32
      %get3A_1954 = arith.index_cast %get3A_1953 : i32 to index
      %get3A_1955 = arith.constant 160 : index
      %get3A_1956 = tpu.vector_load %arg8[%get3A_1954, %get3A_1955] {strides = array<i32>} : memref<16x256xi32, #tpu.memory_space<vmem>>, vector<16xi32>,
      %add3A_1957 = arith.constant 160 : i32
      %add3A_1958 = arith.addi %reduce_sum3A_1788, %add3A_1957 : i32
      %swap3A_1959 = arith.index_cast %add3A_1958 : i32 to index
      %swap3A_1960 = tpu.vector_load %arg10[%swap3A_1959] {strides = array<i32>} : memref<3456xi32, #tpu.memory_space<vmem>>, vector<16xi32>,
      tpu.vector_store %arg10[%swap3A_1959], %broadcast_in_dim3A_1790 {strides = array<i32>} : memref<3456xi32, #tpu.memory_space<vmem>>, vector<16xi32>,
      %add3A_1961 = arith.constant 160 : i32
      %add3A_1962 = arith.addi %reduce_sum3A_1788, %add3A_1961 : i32
      %swap3A_1963 = arith.index_cast %add3A_1962 : i32 to index
      %swap3A_1964 = tpu.vector_load %arg11[%swap3A_1963] {strides = array<i32>} : memref<3456xi32, #tpu.memory_space<vmem>>, vector<16xi32>,
      tpu.vector_store %arg11[%swap3A_1963], %broadcast_in_dim3A_1792 {strides = array<i32>} : memref<3456xi32, #tpu.memory_space<vmem>>, vector<16xi32>,
      %add3A_1965 = arith.constant 160 : i32
      %add3A_1966 = arith.addi %reduce_sum3A_1788, %add3A_1965 : i32
      %swap3A_1967 = arith.index_cast %add3A_1966 : i32 to index
      %swap3A_1968 = tpu.vector_load %arg12[%swap3A_1967] {strides = array<i32>} : memref<3456xi32, #tpu.memory_space<vmem>>, vector<16xi32>,
      tpu.vector_store %arg12[%swap3A_1967], %get3A_1956 {strides = array<i32>} : memref<3456xi32, #tpu.memory_space<vmem>>, vector<16xi32>,
      %get3A_1969 = arith.constant 8 : i32
      %get3A_1970 = arith.index_cast %get3A_1969 : i32 to index
      %get3A_1971 = arith.constant 176 : index
      %get3A_1972 = tpu.vector_load %arg8[%get3A_1970, %get3A_1971] {strides = array<i32>} : memref<16x256xi32, #tpu.memory_space<vmem>>, vector<16xi32>,
      %add3A_1973 = arith.constant 176 : i32
      %add3A_1974 = arith.addi %reduce_sum3A_1788, %add3A_1973 : i32
      %swap3A_1975 = arith.index_cast %add3A_1974 : i32 to index
      %swap3A_1976 = tpu.vector_load %arg10[%swap3A_1975] {strides = array<i32>} : memref<3456xi32, #tpu.memory_space<vmem>>, vector<16xi32>,
      tpu.vector_store %arg10[%swap3A_1975], %broadcast_in_dim3A_1790 {strides = array<i32>} : memref<3456xi32, #tpu.memory_space<vmem>>, vector<16xi32>,
      %add3A_1977 = arith.constant 176 : i32
      %add3A_1978 = arith.addi %reduce_sum3A_1788, %add3A_1977 : i32
      %swap3A_1979 = arith.index_cast %add3A_1978 : i32 to index
      %swap3A_1980 = tpu.vector_load %arg11[%swap3A_1979] {strides = array<i32>} : memref<3456xi32, #tpu.memory_space<vmem>>, vector<16xi32>,
      tpu.vector_store %arg11[%swap3A_1979], %broadcast_in_dim3A_1792 {strides = array<i32>} : memref<3456xi32, #tpu.memory_space<vmem>>, vector<16xi32>,
      %add3A_1981 = arith.constant 176 : i32
      %add3A_1982 = arith.addi %reduce_sum3A_1788, %add3A_1981 : i32
      %swap3A_1983 = arith.index_cast %add3A_1982 : i32 to index
      %swap3A_1984 = tpu.vector_load %arg12[%swap3A_1983] {strides = array<i32>} : memref<3456xi32, #tpu.memory_space<vmem>>, vector<16xi32>,
      tpu.vector_store %arg12[%swap3A_1983], %get3A_1972 {strides = array<i32>} : memref<3456xi32, #tpu.memory_space<vmem>>, vector<16xi32>,
      %get3A_1985 = arith.constant 8 : i32
      %get3A_1986 = arith.index_cast %get3A_1985 : i32 to index
      %get3A_1987 = arith.constant 192 : index
      %get3A_1988 = tpu.vector_load %arg8[%get3A_1986, %get3A_1987] {strides = array<i32>} : memref<16x256xi32, #tpu.memory_space<vmem>>, vector<16xi32>,
      %add3A_1989 = arith.constant 192 : i32
      %add3A_1990 = arith.addi %reduce_sum3A_1788, %add3A_1989 : i32
      %swap3A_1991 = arith.index_cast %add3A_1990 : i32 to index
      %swap3A_1992 = tpu.vector_load %arg10[%swap3A_1991] {strides = array<i32>} : memref<3456xi32, #tpu.memory_space<vmem>>, vector<16xi32>,
      tpu.vector_store %arg10[%swap3A_1991], %broadcast_in_dim3A_1790 {strides = array<i32>} : memref<3456xi32, #tpu.memory_space<vmem>>, vector<16xi32>,
      %add3A_1993 = arith.constant 192 : i32
      %add3A_1994 = arith.addi %reduce_sum3A_1788, %add3A_1993 : i32
      %swap3A_1995 = arith.index_cast %add3A_1994 : i32 to index
      %swap3A_1996 = tpu.vector_load %arg11[%swap3A_1995] {strides = array<i32>} : memref<3456xi32, #tpu.memory_space<vmem>>, vector<16xi32>,
      tpu.vector_store %arg11[%swap3A_1995], %broadcast_in_dim3A_1792 {strides = array<i32>} : memref<3456xi32, #tpu.memory_space<vmem>>, vector<16xi32>,
      %add3A_1997 = arith.constant 192 : i32
      %add3A_1998 = arith.addi %reduce_sum3A_1788, %add3A_1997 : i32
      %swap3A_1999 = arith.index_cast %add3A_1998 : i32 to index
      %swap3A_2000 = tpu.vector_load %arg12[%swap3A_1999] {strides = array<i32>} : memref<3456xi32, #tpu.memory_space<vmem>>, vector<16xi32>,
      tpu.vector_store %arg12[%swap3A_1999], %get3A_1988 {strides = array<i32>} : memref<3456xi32, #tpu.memory_space<vmem>>, vector<16xi32>,
      %eq3A_2001 = arith.constant 9 : i32
      %eq3A_2002 = vector.broadcast %eq3A_2001 : i32 to vector<16xi32>
      %eq3A_2003 = arith.cmpi eq, %iota3A, %eq3A_2002 : vector<16xi32>
      %jit3A_2004 = arith.constant 0 : i32
      %broadcast_in_dim3A_2005 = vector.broadcast %jit3A_2004 : i32 to vector<16xi32>
      %select_n3A_2006 = arith.select %eq3A_2003, %sub3A, %broadcast_in_dim3A_2005 : vector<16xi1>, vector<16xi32>
      %reduce_sum3A_2007 = arith.constant true
      %reduce_sum3A_2008 = vector.broadcast %reduce_sum3A_2007 : i1 to vector<16xi1>
      %reduce_sum3A_2009 = tpu.scan <sum>, %select_n3A_2006 masked %reduce_sum3A_2008 : vector<16xi32>, vector<16xi1> -> vector<16xi32>
      %reduce_sum3A_2010 = vector.extract %reduce_sum3A_2009[15] : i32 from vector<16xi32>
      %broadcast_in_dim3A_2011 = arith.constant 1 : i32
      %broadcast_in_dim3A_2012 = vector.broadcast %broadcast_in_dim3A_2011 : i32 to vector<16xi32>
      %broadcast_in_dim3A_2013 = arith.constant 1 : i32
      %broadcast_in_dim3A_2014 = vector.broadcast %broadcast_in_dim3A_2013 : i32 to vector<16xi32>
      %get3A_2015 = arith.constant 9 : i32
      %get3A_2016 = arith.index_cast %get3A_2015 : i32 to index
      %get3A_2017 = arith.constant 0 : index
      %get3A_2018 = tpu.vector_load %arg8[%get3A_2016, %get3A_2017] {strides = array<i32>} : memref<16x256xi32, #tpu.memory_space<vmem>>, vector<16xi32>,
      %add3A_2019 = arith.constant 0 : i32
      %add3A_2020 = arith.addi %reduce_sum3A_2010, %add3A_2019 : i32
      %swap3A_2021 = arith.index_cast %add3A_2020 : i32 to index
      %swap3A_2022 = tpu.vector_load %arg10[%swap3A_2021] {strides = array<i32>} : memref<3456xi32, #tpu.memory_space<vmem>>, vector<16xi32>,
      tpu.vector_store %arg10[%swap3A_2021], %broadcast_in_dim3A_2012 {strides = array<i32>} : memref<3456xi32, #tpu.memory_space<vmem>>, vector<16xi32>,
      %add3A_2023 = arith.constant 0 : i32
      %add3A_2024 = arith.addi %reduce_sum3A_2010, %add3A_2023 : i32
      %swap3A_2025 = arith.index_cast %add3A_2024 : i32 to index
      %swap3A_2026 = tpu.vector_load %arg11[%swap3A_2025] {strides = array<i32>} : memref<3456xi32, #tpu.memory_space<vmem>>, vector<16xi32>,
      tpu.vector_store %arg11[%swap3A_2025], %broadcast_in_dim3A_2014 {strides = array<i32>} : memref<3456xi32, #tpu.memory_space<vmem>>, vector<16xi32>,
      %add3A_2027 = arith.constant 0 : i32
      %add3A_2028 = arith.addi %reduce_sum3A_2010, %add3A_2027 : i32
      %swap3A_2029 = arith.index_cast %add3A_2028 : i32 to index
      %swap3A_2030 = tpu.vector_load %arg12[%swap3A_2029] {strides = array<i32>} : memref<3456xi32, #tpu.memory_space<vmem>>, vector<16xi32>,
      tpu.vector_store %arg12[%swap3A_2029], %get3A_2018 {strides = array<i32>} : memref<3456xi32, #tpu.memory_space<vmem>>, vector<16xi32>,
      %get3A_2031 = arith.constant 9 : i32
      %get3A_2032 = arith.index_cast %get3A_2031 : i32 to index
      %get3A_2033 = arith.constant 16 : index
      %get3A_2034 = tpu.vector_load %arg8[%get3A_2032, %get3A_2033] {strides = array<i32>} : memref<16x256xi32, #tpu.memory_space<vmem>>, vector<16xi32>,
      %add3A_2035 = arith.constant 16 : i32
      %add3A_2036 = arith.addi %reduce_sum3A_2010, %add3A_2035 : i32
      %swap3A_2037 = arith.index_cast %add3A_2036 : i32 to index
      %swap3A_2038 = tpu.vector_load %arg10[%swap3A_2037] {strides = array<i32>} : memref<3456xi32, #tpu.memory_space<vmem>>, vector<16xi32>,
      tpu.vector_store %arg10[%swap3A_2037], %broadcast_in_dim3A_2012 {strides = array<i32>} : memref<3456xi32, #tpu.memory_space<vmem>>, vector<16xi32>,
      %add3A_2039 = arith.constant 16 : i32
      %add3A_2040 = arith.addi %reduce_sum3A_2010, %add3A_2039 : i32
      %swap3A_2041 = arith.index_cast %add3A_2040 : i32 to index
      %swap3A_2042 = tpu.vector_load %arg11[%swap3A_2041] {strides = array<i32>} : memref<3456xi32, #tpu.memory_space<vmem>>, vector<16xi32>,
      tpu.vector_store %arg11[%swap3A_2041], %broadcast_in_dim3A_2014 {strides = array<i32>} : memref<3456xi32, #tpu.memory_space<vmem>>, vector<16xi32>,
      %add3A_2043 = arith.constant 16 : i32
      %add3A_2044 = arith.addi %reduce_sum3A_2010, %add3A_2043 : i32
      %swap3A_2045 = arith.index_cast %add3A_2044 : i32 to index
      %swap3A_2046 = tpu.vector_load %arg12[%swap3A_2045] {strides = array<i32>} : memref<3456xi32, #tpu.memory_space<vmem>>, vector<16xi32>,
      tpu.vector_store %arg12[%swap3A_2045], %get3A_2034 {strides = array<i32>} : memref<3456xi32, #tpu.memory_space<vmem>>, vector<16xi32>,
      %get3A_2047 = arith.constant 9 : i32
      %get3A_2048 = arith.index_cast %get3A_2047 : i32 to index
      %get3A_2049 = arith.constant 32 : index
      %get3A_2050 = tpu.vector_load %arg8[%get3A_2048, %get3A_2049] {strides = array<i32>} : memref<16x256xi32, #tpu.memory_space<vmem>>, vector<16xi32>,
      %add3A_2051 = arith.constant 32 : i32
      %add3A_2052 = arith.addi %reduce_sum3A_2010, %add3A_2051 : i32
      %swap3A_2053 = arith.index_cast %add3A_2052 : i32 to index
      %swap3A_2054 = tpu.vector_load %arg10[%swap3A_2053] {strides = array<i32>} : memref<3456xi32, #tpu.memory_space<vmem>>, vector<16xi32>,
      tpu.vector_store %arg10[%swap3A_2053], %broadcast_in_dim3A_2012 {strides = array<i32>} : memref<3456xi32, #tpu.memory_space<vmem>>, vector<16xi32>,
      %add3A_2055 = arith.constant 32 : i32
      %add3A_2056 = arith.addi %reduce_sum3A_2010, %add3A_2055 : i32
      %swap3A_2057 = arith.index_cast %add3A_2056 : i32 to index
      %swap3A_2058 = tpu.vector_load %arg11[%swap3A_2057] {strides = array<i32>} : memref<3456xi32, #tpu.memory_space<vmem>>, vector<16xi32>,
      tpu.vector_store %arg11[%swap3A_2057], %broadcast_in_dim3A_2014 {strides = array<i32>} : memref<3456xi32, #tpu.memory_space<vmem>>, vector<16xi32>,
      %add3A_2059 = arith.constant 32 : i32
      %add3A_2060 = arith.addi %reduce_sum3A_2010, %add3A_2059 : i32
      %swap3A_2061 = arith.index_cast %add3A_2060 : i32 to index
      %swap3A_2062 = tpu.vector_load %arg12[%swap3A_2061] {strides = array<i32>} : memref<3456xi32, #tpu.memory_space<vmem>>, vector<16xi32>,
      tpu.vector_store %arg12[%swap3A_2061], %get3A_2050 {strides = array<i32>} : memref<3456xi32, #tpu.memory_space<vmem>>, vector<16xi32>,
      %get3A_2063 = arith.constant 9 : i32
      %get3A_2064 = arith.index_cast %get3A_2063 : i32 to index
      %get3A_2065 = arith.constant 48 : index
      %get3A_2066 = tpu.vector_load %arg8[%get3A_2064, %get3A_2065] {strides = array<i32>} : memref<16x256xi32, #tpu.memory_space<vmem>>, vector<16xi32>,
      %add3A_2067 = arith.constant 48 : i32
      %add3A_2068 = arith.addi %reduce_sum3A_2010, %add3A_2067 : i32
      %swap3A_2069 = arith.index_cast %add3A_2068 : i32 to index
      %swap3A_2070 = tpu.vector_load %arg10[%swap3A_2069] {strides = array<i32>} : memref<3456xi32, #tpu.memory_space<vmem>>, vector<16xi32>,
      tpu.vector_store %arg10[%swap3A_2069], %broadcast_in_dim3A_2012 {strides = array<i32>} : memref<3456xi32, #tpu.memory_space<vmem>>, vector<16xi32>,
      %add3A_2071 = arith.constant 48 : i32
      %add3A_2072 = arith.addi %reduce_sum3A_2010, %add3A_2071 : i32
      %swap3A_2073 = arith.index_cast %add3A_2072 : i32 to index
      %swap3A_2074 = tpu.vector_load %arg11[%swap3A_2073] {strides = array<i32>} : memref<3456xi32, #tpu.memory_space<vmem>>, vector<16xi32>,
      tpu.vector_store %arg11[%swap3A_2073], %broadcast_in_dim3A_2014 {strides = array<i32>} : memref<3456xi32, #tpu.memory_space<vmem>>, vector<16xi32>,
      %add3A_2075 = arith.constant 48 : i32
      %add3A_2076 = arith.addi %reduce_sum3A_2010, %add3A_2075 : i32
      %swap3A_2077 = arith.index_cast %add3A_2076 : i32 to index
      %swap3A_2078 = tpu.vector_load %arg12[%swap3A_2077] {strides = array<i32>} : memref<3456xi32, #tpu.memory_space<vmem>>, vector<16xi32>,
      tpu.vector_store %arg12[%swap3A_2077], %get3A_2066 {strides = array<i32>} : memref<3456xi32, #tpu.memory_space<vmem>>, vector<16xi32>,
      %get3A_2079 = arith.constant 9 : i32
      %get3A_2080 = arith.index_cast %get3A_2079 : i32 to index
      %get3A_2081 = arith.constant 64 : index
      %get3A_2082 = tpu.vector_load %arg8[%get3A_2080, %get3A_2081] {strides = array<i32>} : memref<16x256xi32, #tpu.memory_space<vmem>>, vector<16xi32>,
      %add3A_2083 = arith.constant 64 : i32
      %add3A_2084 = arith.addi %reduce_sum3A_2010, %add3A_2083 : i32
      %swap3A_2085 = arith.index_cast %add3A_2084 : i32 to index
      %swap3A_2086 = tpu.vector_load %arg10[%swap3A_2085] {strides = array<i32>} : memref<3456xi32, #tpu.memory_space<vmem>>, vector<16xi32>,
      tpu.vector_store %arg10[%swap3A_2085], %broadcast_in_dim3A_2012 {strides = array<i32>} : memref<3456xi32, #tpu.memory_space<vmem>>, vector<16xi32>,
      %add3A_2087 = arith.constant 64 : i32
      %add3A_2088 = arith.addi %reduce_sum3A_2010, %add3A_2087 : i32
      %swap3A_2089 = arith.index_cast %add3A_2088 : i32 to index
      %swap3A_2090 = tpu.vector_load %arg11[%swap3A_2089] {strides = array<i32>} : memref<3456xi32, #tpu.memory_space<vmem>>, vector<16xi32>,
      tpu.vector_store %arg11[%swap3A_2089], %broadcast_in_dim3A_2014 {strides = array<i32>} : memref<3456xi32, #tpu.memory_space<vmem>>, vector<16xi32>,
      %add3A_2091 = arith.constant 64 : i32
      %add3A_2092 = arith.addi %reduce_sum3A_2010, %add3A_2091 : i32
      %swap3A_2093 = arith.index_cast %add3A_2092 : i32 to index
      %swap3A_2094 = tpu.vector_load %arg12[%swap3A_2093] {strides = array<i32>} : memref<3456xi32, #tpu.memory_space<vmem>>, vector<16xi32>,
      tpu.vector_store %arg12[%swap3A_2093], %get3A_2082 {strides = array<i32>} : memref<3456xi32, #tpu.memory_space<vmem>>, vector<16xi32>,
      %get3A_2095 = arith.constant 9 : i32
      %get3A_2096 = arith.index_cast %get3A_2095 : i32 to index
      %get3A_2097 = arith.constant 80 : index
      %get3A_2098 = tpu.vector_load %arg8[%get3A_2096, %get3A_2097] {strides = array<i32>} : memref<16x256xi32, #tpu.memory_space<vmem>>, vector<16xi32>,
      %add3A_2099 = arith.constant 80 : i32
      %add3A_2100 = arith.addi %reduce_sum3A_2010, %add3A_2099 : i32
      %swap3A_2101 = arith.index_cast %add3A_2100 : i32 to index
      %swap3A_2102 = tpu.vector_load %arg10[%swap3A_2101] {strides = array<i32>} : memref<3456xi32, #tpu.memory_space<vmem>>, vector<16xi32>,
      tpu.vector_store %arg10[%swap3A_2101], %broadcast_in_dim3A_2012 {strides = array<i32>} : memref<3456xi32, #tpu.memory_space<vmem>>, vector<16xi32>,
      %add3A_2103 = arith.constant 80 : i32
      %add3A_2104 = arith.addi %reduce_sum3A_2010, %add3A_2103 : i32
      %swap3A_2105 = arith.index_cast %add3A_2104 : i32 to index
      %swap3A_2106 = tpu.vector_load %arg11[%swap3A_2105] {strides = array<i32>} : memref<3456xi32, #tpu.memory_space<vmem>>, vector<16xi32>,
      tpu.vector_store %arg11[%swap3A_2105], %broadcast_in_dim3A_2014 {strides = array<i32>} : memref<3456xi32, #tpu.memory_space<vmem>>, vector<16xi32>,
      %add3A_2107 = arith.constant 80 : i32
      %add3A_2108 = arith.addi %reduce_sum3A_2010, %add3A_2107 : i32
      %swap3A_2109 = arith.index_cast %add3A_2108 : i32 to index
      %swap3A_2110 = tpu.vector_load %arg12[%swap3A_2109] {strides = array<i32>} : memref<3456xi32, #tpu.memory_space<vmem>>, vector<16xi32>,
      tpu.vector_store %arg12[%swap3A_2109], %get3A_2098 {strides = array<i32>} : memref<3456xi32, #tpu.memory_space<vmem>>, vector<16xi32>,
      %get3A_2111 = arith.constant 9 : i32
      %get3A_2112 = arith.index_cast %get3A_2111 : i32 to index
      %get3A_2113 = arith.constant 96 : index
      %get3A_2114 = tpu.vector_load %arg8[%get3A_2112, %get3A_2113] {strides = array<i32>} : memref<16x256xi32, #tpu.memory_space<vmem>>, vector<16xi32>,
      %add3A_2115 = arith.constant 96 : i32
      %add3A_2116 = arith.addi %reduce_sum3A_2010, %add3A_2115 : i32
      %swap3A_2117 = arith.index_cast %add3A_2116 : i32 to index
      %swap3A_2118 = tpu.vector_load %arg10[%swap3A_2117] {strides = array<i32>} : memref<3456xi32, #tpu.memory_space<vmem>>, vector<16xi32>,
      tpu.vector_store %arg10[%swap3A_2117], %broadcast_in_dim3A_2012 {strides = array<i32>} : memref<3456xi32, #tpu.memory_space<vmem>>, vector<16xi32>,
      %add3A_2119 = arith.constant 96 : i32
      %add3A_2120 = arith.addi %reduce_sum3A_2010, %add3A_2119 : i32
      %swap3A_2121 = arith.index_cast %add3A_2120 : i32 to index
      %swap3A_2122 = tpu.vector_load %arg11[%swap3A_2121] {strides = array<i32>} : memref<3456xi32, #tpu.memory_space<vmem>>, vector<16xi32>,
      tpu.vector_store %arg11[%swap3A_2121], %broadcast_in_dim3A_2014 {strides = array<i32>} : memref<3456xi32, #tpu.memory_space<vmem>>, vector<16xi32>,
      %add3A_2123 = arith.constant 96 : i32
      %add3A_2124 = arith.addi %reduce_sum3A_2010, %add3A_2123 : i32
      %swap3A_2125 = arith.index_cast %add3A_2124 : i32 to index
      %swap3A_2126 = tpu.vector_load %arg12[%swap3A_2125] {strides = array<i32>} : memref<3456xi32, #tpu.memory_space<vmem>>, vector<16xi32>,
      tpu.vector_store %arg12[%swap3A_2125], %get3A_2114 {strides = array<i32>} : memref<3456xi32, #tpu.memory_space<vmem>>, vector<16xi32>,
      %get3A_2127 = arith.constant 9 : i32
      %get3A_2128 = arith.index_cast %get3A_2127 : i32 to index
      %get3A_2129 = arith.constant 112 : index
      %get3A_2130 = tpu.vector_load %arg8[%get3A_2128, %get3A_2129] {strides = array<i32>} : memref<16x256xi32, #tpu.memory_space<vmem>>, vector<16xi32>,
      %add3A_2131 = arith.constant 112 : i32
      %add3A_2132 = arith.addi %reduce_sum3A_2010, %add3A_2131 : i32
      %swap3A_2133 = arith.index_cast %add3A_2132 : i32 to index
      %swap3A_2134 = tpu.vector_load %arg10[%swap3A_2133] {strides = array<i32>} : memref<3456xi32, #tpu.memory_space<vmem>>, vector<16xi32>,
      tpu.vector_store %arg10[%swap3A_2133], %broadcast_in_dim3A_2012 {strides = array<i32>} : memref<3456xi32, #tpu.memory_space<vmem>>, vector<16xi32>,
      %add3A_2135 = arith.constant 112 : i32
      %add3A_2136 = arith.addi %reduce_sum3A_2010, %add3A_2135 : i32
      %swap3A_2137 = arith.index_cast %add3A_2136 : i32 to index
      %swap3A_2138 = tpu.vector_load %arg11[%swap3A_2137] {strides = array<i32>} : memref<3456xi32, #tpu.memory_space<vmem>>, vector<16xi32>,
      tpu.vector_store %arg11[%swap3A_2137], %broadcast_in_dim3A_2014 {strides = array<i32>} : memref<3456xi32, #tpu.memory_space<vmem>>, vector<16xi32>,
      %add3A_2139 = arith.constant 112 : i32
      %add3A_2140 = arith.addi %reduce_sum3A_2010, %add3A_2139 : i32
      %swap3A_2141 = arith.index_cast %add3A_2140 : i32 to index
      %swap3A_2142 = tpu.vector_load %arg12[%swap3A_2141] {strides = array<i32>} : memref<3456xi32, #tpu.memory_space<vmem>>, vector<16xi32>,
      tpu.vector_store %arg12[%swap3A_2141], %get3A_2130 {strides = array<i32>} : memref<3456xi32, #tpu.memory_space<vmem>>, vector<16xi32>,
      %get3A_2143 = arith.constant 9 : i32
      %get3A_2144 = arith.index_cast %get3A_2143 : i32 to index
      %get3A_2145 = arith.constant 128 : index
      %get3A_2146 = tpu.vector_load %arg8[%get3A_2144, %get3A_2145] {strides = array<i32>} : memref<16x256xi32, #tpu.memory_space<vmem>>, vector<16xi32>,
      %add3A_2147 = arith.constant 128 : i32
      %add3A_2148 = arith.addi %reduce_sum3A_2010, %add3A_2147 : i32
      %swap3A_2149 = arith.index_cast %add3A_2148 : i32 to index
      %swap3A_2150 = tpu.vector_load %arg10[%swap3A_2149] {strides = array<i32>} : memref<3456xi32, #tpu.memory_space<vmem>>, vector<16xi32>,
      tpu.vector_store %arg10[%swap3A_2149], %broadcast_in_dim3A_2012 {strides = array<i32>} : memref<3456xi32, #tpu.memory_space<vmem>>, vector<16xi32>,
      %add3A_2151 = arith.constant 128 : i32
      %add3A_2152 = arith.addi %reduce_sum3A_2010, %add3A_2151 : i32
      %swap3A_2153 = arith.index_cast %add3A_2152 : i32 to index
      %swap3A_2154 = tpu.vector_load %arg11[%swap3A_2153] {strides = array<i32>} : memref<3456xi32, #tpu.memory_space<vmem>>, vector<16xi32>,
      tpu.vector_store %arg11[%swap3A_2153], %broadcast_in_dim3A_2014 {strides = array<i32>} : memref<3456xi32, #tpu.memory_space<vmem>>, vector<16xi32>,
      %add3A_2155 = arith.constant 128 : i32
      %add3A_2156 = arith.addi %reduce_sum3A_2010, %add3A_2155 : i32
      %swap3A_2157 = arith.index_cast %add3A_2156 : i32 to index
      %swap3A_2158 = tpu.vector_load %arg12[%swap3A_2157] {strides = array<i32>} : memref<3456xi32, #tpu.memory_space<vmem>>, vector<16xi32>,
      tpu.vector_store %arg12[%swap3A_2157], %get3A_2146 {strides = array<i32>} : memref<3456xi32, #tpu.memory_space<vmem>>, vector<16xi32>,
      %get3A_2159 = arith.constant 9 : i32
      %get3A_2160 = arith.index_cast %get3A_2159 : i32 to index
      %get3A_2161 = arith.constant 144 : index
      %get3A_2162 = tpu.vector_load %arg8[%get3A_2160, %get3A_2161] {strides = array<i32>} : memref<16x256xi32, #tpu.memory_space<vmem>>, vector<16xi32>,
      %add3A_2163 = arith.constant 144 : i32
      %add3A_2164 = arith.addi %reduce_sum3A_2010, %add3A_2163 : i32
      %swap3A_2165 = arith.index_cast %add3A_2164 : i32 to index
      %swap3A_2166 = tpu.vector_load %arg10[%swap3A_2165] {strides = array<i32>} : memref<3456xi32, #tpu.memory_space<vmem>>, vector<16xi32>,
      tpu.vector_store %arg10[%swap3A_2165], %broadcast_in_dim3A_2012 {strides = array<i32>} : memref<3456xi32, #tpu.memory_space<vmem>>, vector<16xi32>,
      %add3A_2167 = arith.constant 144 : i32
      %add3A_2168 = arith.addi %reduce_sum3A_2010, %add3A_2167 : i32
      %swap3A_2169 = arith.index_cast %add3A_2168 : i32 to index
      %swap3A_2170 = tpu.vector_load %arg11[%swap3A_2169] {strides = array<i32>} : memref<3456xi32, #tpu.memory_space<vmem>>, vector<16xi32>,
      tpu.vector_store %arg11[%swap3A_2169], %broadcast_in_dim3A_2014 {strides = array<i32>} : memref<3456xi32, #tpu.memory_space<vmem>>, vector<16xi32>,
      %add3A_2171 = arith.constant 144 : i32
      %add3A_2172 = arith.addi %reduce_sum3A_2010, %add3A_2171 : i32
      %swap3A_2173 = arith.index_cast %add3A_2172 : i32 to index
      %swap3A_2174 = tpu.vector_load %arg12[%swap3A_2173] {strides = array<i32>} : memref<3456xi32, #tpu.memory_space<vmem>>, vector<16xi32>,
      tpu.vector_store %arg12[%swap3A_2173], %get3A_2162 {strides = array<i32>} : memref<3456xi32, #tpu.memory_space<vmem>>, vector<16xi32>,
      %get3A_2175 = arith.constant 9 : i32
      %get3A_2176 = arith.index_cast %get3A_2175 : i32 to index
      %get3A_2177 = arith.constant 160 : index
      %get3A_2178 = tpu.vector_load %arg8[%get3A_2176, %get3A_2177] {strides = array<i32>} : memref<16x256xi32, #tpu.memory_space<vmem>>, vector<16xi32>,
      %add3A_2179 = arith.constant 160 : i32
      %add3A_2180 = arith.addi %reduce_sum3A_2010, %add3A_2179 : i32
      %swap3A_2181 = arith.index_cast %add3A_2180 : i32 to index
      %swap3A_2182 = tpu.vector_load %arg10[%swap3A_2181] {strides = array<i32>} : memref<3456xi32, #tpu.memory_space<vmem>>, vector<16xi32>,
      tpu.vector_store %arg10[%swap3A_2181], %broadcast_in_dim3A_2012 {strides = array<i32>} : memref<3456xi32, #tpu.memory_space<vmem>>, vector<16xi32>,
      %add3A_2183 = arith.constant 160 : i32
      %add3A_2184 = arith.addi %reduce_sum3A_2010, %add3A_2183 : i32
      %swap3A_2185 = arith.index_cast %add3A_2184 : i32 to index
      %swap3A_2186 = tpu.vector_load %arg11[%swap3A_2185] {strides = array<i32>} : memref<3456xi32, #tpu.memory_space<vmem>>, vector<16xi32>,
      tpu.vector_store %arg11[%swap3A_2185], %broadcast_in_dim3A_2014 {strides = array<i32>} : memref<3456xi32, #tpu.memory_space<vmem>>, vector<16xi32>,
      %add3A_2187 = arith.constant 160 : i32
      %add3A_2188 = arith.addi %reduce_sum3A_2010, %add3A_2187 : i32
      %swap3A_2189 = arith.index_cast %add3A_2188 : i32 to index
      %swap3A_2190 = tpu.vector_load %arg12[%swap3A_2189] {strides = array<i32>} : memref<3456xi32, #tpu.memory_space<vmem>>, vector<16xi32>,
      tpu.vector_store %arg12[%swap3A_2189], %get3A_2178 {strides = array<i32>} : memref<3456xi32, #tpu.memory_space<vmem>>, vector<16xi32>,
      %get3A_2191 = arith.constant 9 : i32
      %get3A_2192 = arith.index_cast %get3A_2191 : i32 to index
      %get3A_2193 = arith.constant 176 : index
      %get3A_2194 = tpu.vector_load %arg8[%get3A_2192, %get3A_2193] {strides = array<i32>} : memref<16x256xi32, #tpu.memory_space<vmem>>, vector<16xi32>,
      %add3A_2195 = arith.constant 176 : i32
      %add3A_2196 = arith.addi %reduce_sum3A_2010, %add3A_2195 : i32
      %swap3A_2197 = arith.index_cast %add3A_2196 : i32 to index
      %swap3A_2198 = tpu.vector_load %arg10[%swap3A_2197] {strides = array<i32>} : memref<3456xi32, #tpu.memory_space<vmem>>, vector<16xi32>,
      tpu.vector_store %arg10[%swap3A_2197], %broadcast_in_dim3A_2012 {strides = array<i32>} : memref<3456xi32, #tpu.memory_space<vmem>>, vector<16xi32>,
      %add3A_2199 = arith.constant 176 : i32
      %add3A_2200 = arith.addi %reduce_sum3A_2010, %add3A_2199 : i32
      %swap3A_2201 = arith.index_cast %add3A_2200 : i32 to index
      %swap3A_2202 = tpu.vector_load %arg11[%swap3A_2201] {strides = array<i32>} : memref<3456xi32, #tpu.memory_space<vmem>>, vector<16xi32>,
      tpu.vector_store %arg11[%swap3A_2201], %broadcast_in_dim3A_2014 {strides = array<i32>} : memref<3456xi32, #tpu.memory_space<vmem>>, vector<16xi32>,
      %add3A_2203 = arith.constant 176 : i32
      %add3A_2204 = arith.addi %reduce_sum3A_2010, %add3A_2203 : i32
      %swap3A_2205 = arith.index_cast %add3A_2204 : i32 to index
      %swap3A_2206 = tpu.vector_load %arg12[%swap3A_2205] {strides = array<i32>} : memref<3456xi32, #tpu.memory_space<vmem>>, vector<16xi32>,
      tpu.vector_store %arg12[%swap3A_2205], %get3A_2194 {strides = array<i32>} : memref<3456xi32, #tpu.memory_space<vmem>>, vector<16xi32>,
      %get3A_2207 = arith.constant 9 : i32
      %get3A_2208 = arith.index_cast %get3A_2207 : i32 to index
      %get3A_2209 = arith.constant 192 : index
      %get3A_2210 = tpu.vector_load %arg8[%get3A_2208, %get3A_2209] {strides = array<i32>} : memref<16x256xi32, #tpu.memory_space<vmem>>, vector<16xi32>,
      %add3A_2211 = arith.constant 192 : i32
      %add3A_2212 = arith.addi %reduce_sum3A_2010, %add3A_2211 : i32
      %swap3A_2213 = arith.index_cast %add3A_2212 : i32 to index
      %swap3A_2214 = tpu.vector_load %arg10[%swap3A_2213] {strides = array<i32>} : memref<3456xi32, #tpu.memory_space<vmem>>, vector<16xi32>,
      tpu.vector_store %arg10[%swap3A_2213], %broadcast_in_dim3A_2012 {strides = array<i32>} : memref<3456xi32, #tpu.memory_space<vmem>>, vector<16xi32>,
      %add3A_2215 = arith.constant 192 : i32
      %add3A_2216 = arith.addi %reduce_sum3A_2010, %add3A_2215 : i32
      %swap3A_2217 = arith.index_cast %add3A_2216 : i32 to index
      %swap3A_2218 = tpu.vector_load %arg11[%swap3A_2217] {strides = array<i32>} : memref<3456xi32, #tpu.memory_space<vmem>>, vector<16xi32>,
      tpu.vector_store %arg11[%swap3A_2217], %broadcast_in_dim3A_2014 {strides = array<i32>} : memref<3456xi32, #tpu.memory_space<vmem>>, vector<16xi32>,
      %add3A_2219 = arith.constant 192 : i32
      %add3A_2220 = arith.addi %reduce_sum3A_2010, %add3A_2219 : i32
      %swap3A_2221 = arith.index_cast %add3A_2220 : i32 to index
      %swap3A_2222 = tpu.vector_load %arg12[%swap3A_2221] {strides = array<i32>} : memref<3456xi32, #tpu.memory_space<vmem>>, vector<16xi32>,
      tpu.vector_store %arg12[%swap3A_2221], %get3A_2210 {strides = array<i32>} : memref<3456xi32, #tpu.memory_space<vmem>>, vector<16xi32>,
      %eq3A_2223 = arith.constant 10 : i32
      %eq3A_2224 = vector.broadcast %eq3A_2223 : i32 to vector<16xi32>
      %eq3A_2225 = arith.cmpi eq, %iota3A, %eq3A_2224 : vector<16xi32>
      %jit3A_2226 = arith.constant 0 : i32
      %broadcast_in_dim3A_2227 = vector.broadcast %jit3A_2226 : i32 to vector<16xi32>
      %select_n3A_2228 = arith.select %eq3A_2225, %sub3A, %broadcast_in_dim3A_2227 : vector<16xi1>, vector<16xi32>
      %reduce_sum3A_2229 = arith.constant true
      %reduce_sum3A_2230 = vector.broadcast %reduce_sum3A_2229 : i1 to vector<16xi1>
      %reduce_sum3A_2231 = tpu.scan <sum>, %select_n3A_2228 masked %reduce_sum3A_2230 : vector<16xi32>, vector<16xi1> -> vector<16xi32>
      %reduce_sum3A_2232 = vector.extract %reduce_sum3A_2231[15] : i32 from vector<16xi32>
      %broadcast_in_dim3A_2233 = arith.constant 1 : i32
      %broadcast_in_dim3A_2234 = vector.broadcast %broadcast_in_dim3A_2233 : i32 to vector<16xi32>
      %broadcast_in_dim3A_2235 = arith.constant 2 : i32
      %broadcast_in_dim3A_2236 = vector.broadcast %broadcast_in_dim3A_2235 : i32 to vector<16xi32>
      %get3A_2237 = arith.constant 10 : i32
      %get3A_2238 = arith.index_cast %get3A_2237 : i32 to index
      %get3A_2239 = arith.constant 0 : index
      %get3A_2240 = tpu.vector_load %arg8[%get3A_2238, %get3A_2239] {strides = array<i32>} : memref<16x256xi32, #tpu.memory_space<vmem>>, vector<16xi32>,
      %add3A_2241 = arith.constant 0 : i32
      %add3A_2242 = arith.addi %reduce_sum3A_2232, %add3A_2241 : i32
      %swap3A_2243 = arith.index_cast %add3A_2242 : i32 to index
      %swap3A_2244 = tpu.vector_load %arg10[%swap3A_2243] {strides = array<i32>} : memref<3456xi32, #tpu.memory_space<vmem>>, vector<16xi32>,
      tpu.vector_store %arg10[%swap3A_2243], %broadcast_in_dim3A_2234 {strides = array<i32>} : memref<3456xi32, #tpu.memory_space<vmem>>, vector<16xi32>,
      %add3A_2245 = arith.constant 0 : i32
      %add3A_2246 = arith.addi %reduce_sum3A_2232, %add3A_2245 : i32
      %swap3A_2247 = arith.index_cast %add3A_2246 : i32 to index
      %swap3A_2248 = tpu.vector_load %arg11[%swap3A_2247] {strides = array<i32>} : memref<3456xi32, #tpu.memory_space<vmem>>, vector<16xi32>,
      tpu.vector_store %arg11[%swap3A_2247], %broadcast_in_dim3A_2236 {strides = array<i32>} : memref<3456xi32, #tpu.memory_space<vmem>>, vector<16xi32>,
      %add3A_2249 = arith.constant 0 : i32
      %add3A_2250 = arith.addi %reduce_sum3A_2232, %add3A_2249 : i32
      %swap3A_2251 = arith.index_cast %add3A_2250 : i32 to index
      %swap3A_2252 = tpu.vector_load %arg12[%swap3A_2251] {strides = array<i32>} : memref<3456xi32, #tpu.memory_space<vmem>>, vector<16xi32>,
      tpu.vector_store %arg12[%swap3A_2251], %get3A_2240 {strides = array<i32>} : memref<3456xi32, #tpu.memory_space<vmem>>, vector<16xi32>,
      %get3A_2253 = arith.constant 10 : i32
      %get3A_2254 = arith.index_cast %get3A_2253 : i32 to index
      %get3A_2255 = arith.constant 16 : index
      %get3A_2256 = tpu.vector_load %arg8[%get3A_2254, %get3A_2255] {strides = array<i32>} : memref<16x256xi32, #tpu.memory_space<vmem>>, vector<16xi32>,
      %add3A_2257 = arith.constant 16 : i32
      %add3A_2258 = arith.addi %reduce_sum3A_2232, %add3A_2257 : i32
      %swap3A_2259 = arith.index_cast %add3A_2258 : i32 to index
      %swap3A_2260 = tpu.vector_load %arg10[%swap3A_2259] {strides = array<i32>} : memref<3456xi32, #tpu.memory_space<vmem>>, vector<16xi32>,
      tpu.vector_store %arg10[%swap3A_2259], %broadcast_in_dim3A_2234 {strides = array<i32>} : memref<3456xi32, #tpu.memory_space<vmem>>, vector<16xi32>,
      %add3A_2261 = arith.constant 16 : i32
      %add3A_2262 = arith.addi %reduce_sum3A_2232, %add3A_2261 : i32
      %swap3A_2263 = arith.index_cast %add3A_2262 : i32 to index
      %swap3A_2264 = tpu.vector_load %arg11[%swap3A_2263] {strides = array<i32>} : memref<3456xi32, #tpu.memory_space<vmem>>, vector<16xi32>,
      tpu.vector_store %arg11[%swap3A_2263], %broadcast_in_dim3A_2236 {strides = array<i32>} : memref<3456xi32, #tpu.memory_space<vmem>>, vector<16xi32>,
      %add3A_2265 = arith.constant 16 : i32
      %add3A_2266 = arith.addi %reduce_sum3A_2232, %add3A_2265 : i32
      %swap3A_2267 = arith.index_cast %add3A_2266 : i32 to index
      %swap3A_2268 = tpu.vector_load %arg12[%swap3A_2267] {strides = array<i32>} : memref<3456xi32, #tpu.memory_space<vmem>>, vector<16xi32>,
      tpu.vector_store %arg12[%swap3A_2267], %get3A_2256 {strides = array<i32>} : memref<3456xi32, #tpu.memory_space<vmem>>, vector<16xi32>,
      %get3A_2269 = arith.constant 10 : i32
      %get3A_2270 = arith.index_cast %get3A_2269 : i32 to index
      %get3A_2271 = arith.constant 32 : index
      %get3A_2272 = tpu.vector_load %arg8[%get3A_2270, %get3A_2271] {strides = array<i32>} : memref<16x256xi32, #tpu.memory_space<vmem>>, vector<16xi32>,
      %add3A_2273 = arith.constant 32 : i32
      %add3A_2274 = arith.addi %reduce_sum3A_2232, %add3A_2273 : i32
      %swap3A_2275 = arith.index_cast %add3A_2274 : i32 to index
      %swap3A_2276 = tpu.vector_load %arg10[%swap3A_2275] {strides = array<i32>} : memref<3456xi32, #tpu.memory_space<vmem>>, vector<16xi32>,
      tpu.vector_store %arg10[%swap3A_2275], %broadcast_in_dim3A_2234 {strides = array<i32>} : memref<3456xi32, #tpu.memory_space<vmem>>, vector<16xi32>,
      %add3A_2277 = arith.constant 32 : i32
      %add3A_2278 = arith.addi %reduce_sum3A_2232, %add3A_2277 : i32
      %swap3A_2279 = arith.index_cast %add3A_2278 : i32 to index
      %swap3A_2280 = tpu.vector_load %arg11[%swap3A_2279] {strides = array<i32>} : memref<3456xi32, #tpu.memory_space<vmem>>, vector<16xi32>,
      tpu.vector_store %arg11[%swap3A_2279], %broadcast_in_dim3A_2236 {strides = array<i32>} : memref<3456xi32, #tpu.memory_space<vmem>>, vector<16xi32>,
      %add3A_2281 = arith.constant 32 : i32
      %add3A_2282 = arith.addi %reduce_sum3A_2232, %add3A_2281 : i32
      %swap3A_2283 = arith.index_cast %add3A_2282 : i32 to index
      %swap3A_2284 = tpu.vector_load %arg12[%swap3A_2283] {strides = array<i32>} : memref<3456xi32, #tpu.memory_space<vmem>>, vector<16xi32>,
      tpu.vector_store %arg12[%swap3A_2283], %get3A_2272 {strides = array<i32>} : memref<3456xi32, #tpu.memory_space<vmem>>, vector<16xi32>,
      %get3A_2285 = arith.constant 10 : i32
      %get3A_2286 = arith.index_cast %get3A_2285 : i32 to index
      %get3A_2287 = arith.constant 48 : index
      %get3A_2288 = tpu.vector_load %arg8[%get3A_2286, %get3A_2287] {strides = array<i32>} : memref<16x256xi32, #tpu.memory_space<vmem>>, vector<16xi32>,
      %add3A_2289 = arith.constant 48 : i32
      %add3A_2290 = arith.addi %reduce_sum3A_2232, %add3A_2289 : i32
      %swap3A_2291 = arith.index_cast %add3A_2290 : i32 to index
      %swap3A_2292 = tpu.vector_load %arg10[%swap3A_2291] {strides = array<i32>} : memref<3456xi32, #tpu.memory_space<vmem>>, vector<16xi32>,
      tpu.vector_store %arg10[%swap3A_2291], %broadcast_in_dim3A_2234 {strides = array<i32>} : memref<3456xi32, #tpu.memory_space<vmem>>, vector<16xi32>,
      %add3A_2293 = arith.constant 48 : i32
      %add3A_2294 = arith.addi %reduce_sum3A_2232, %add3A_2293 : i32
      %swap3A_2295 = arith.index_cast %add3A_2294 : i32 to index
      %swap3A_2296 = tpu.vector_load %arg11[%swap3A_2295] {strides = array<i32>} : memref<3456xi32, #tpu.memory_space<vmem>>, vector<16xi32>,
      tpu.vector_store %arg11[%swap3A_2295], %broadcast_in_dim3A_2236 {strides = array<i32>} : memref<3456xi32, #tpu.memory_space<vmem>>, vector<16xi32>,
      %add3A_2297 = arith.constant 48 : i32
      %add3A_2298 = arith.addi %reduce_sum3A_2232, %add3A_2297 : i32
      %swap3A_2299 = arith.index_cast %add3A_2298 : i32 to index
      %swap3A_2300 = tpu.vector_load %arg12[%swap3A_2299] {strides = array<i32>} : memref<3456xi32, #tpu.memory_space<vmem>>, vector<16xi32>,
      tpu.vector_store %arg12[%swap3A_2299], %get3A_2288 {strides = array<i32>} : memref<3456xi32, #tpu.memory_space<vmem>>, vector<16xi32>,
      %get3A_2301 = arith.constant 10 : i32
      %get3A_2302 = arith.index_cast %get3A_2301 : i32 to index
      %get3A_2303 = arith.constant 64 : index
      %get3A_2304 = tpu.vector_load %arg8[%get3A_2302, %get3A_2303] {strides = array<i32>} : memref<16x256xi32, #tpu.memory_space<vmem>>, vector<16xi32>,
      %add3A_2305 = arith.constant 64 : i32
      %add3A_2306 = arith.addi %reduce_sum3A_2232, %add3A_2305 : i32
      %swap3A_2307 = arith.index_cast %add3A_2306 : i32 to index
      %swap3A_2308 = tpu.vector_load %arg10[%swap3A_2307] {strides = array<i32>} : memref<3456xi32, #tpu.memory_space<vmem>>, vector<16xi32>,
      tpu.vector_store %arg10[%swap3A_2307], %broadcast_in_dim3A_2234 {strides = array<i32>} : memref<3456xi32, #tpu.memory_space<vmem>>, vector<16xi32>,
      %add3A_2309 = arith.constant 64 : i32
      %add3A_2310 = arith.addi %reduce_sum3A_2232, %add3A_2309 : i32
      %swap3A_2311 = arith.index_cast %add3A_2310 : i32 to index
      %swap3A_2312 = tpu.vector_load %arg11[%swap3A_2311] {strides = array<i32>} : memref<3456xi32, #tpu.memory_space<vmem>>, vector<16xi32>,
      tpu.vector_store %arg11[%swap3A_2311], %broadcast_in_dim3A_2236 {strides = array<i32>} : memref<3456xi32, #tpu.memory_space<vmem>>, vector<16xi32>,
      %add3A_2313 = arith.constant 64 : i32
      %add3A_2314 = arith.addi %reduce_sum3A_2232, %add3A_2313 : i32
      %swap3A_2315 = arith.index_cast %add3A_2314 : i32 to index
      %swap3A_2316 = tpu.vector_load %arg12[%swap3A_2315] {strides = array<i32>} : memref<3456xi32, #tpu.memory_space<vmem>>, vector<16xi32>,
      tpu.vector_store %arg12[%swap3A_2315], %get3A_2304 {strides = array<i32>} : memref<3456xi32, #tpu.memory_space<vmem>>, vector<16xi32>,
      %get3A_2317 = arith.constant 10 : i32
      %get3A_2318 = arith.index_cast %get3A_2317 : i32 to index
      %get3A_2319 = arith.constant 80 : index
      %get3A_2320 = tpu.vector_load %arg8[%get3A_2318, %get3A_2319] {strides = array<i32>} : memref<16x256xi32, #tpu.memory_space<vmem>>, vector<16xi32>,
      %add3A_2321 = arith.constant 80 : i32
      %add3A_2322 = arith.addi %reduce_sum3A_2232, %add3A_2321 : i32
      %swap3A_2323 = arith.index_cast %add3A_2322 : i32 to index
      %swap3A_2324 = tpu.vector_load %arg10[%swap3A_2323] {strides = array<i32>} : memref<3456xi32, #tpu.memory_space<vmem>>, vector<16xi32>,
      tpu.vector_store %arg10[%swap3A_2323], %broadcast_in_dim3A_2234 {strides = array<i32>} : memref<3456xi32, #tpu.memory_space<vmem>>, vector<16xi32>,
      %add3A_2325 = arith.constant 80 : i32
      %add3A_2326 = arith.addi %reduce_sum3A_2232, %add3A_2325 : i32
      %swap3A_2327 = arith.index_cast %add3A_2326 : i32 to index
      %swap3A_2328 = tpu.vector_load %arg11[%swap3A_2327] {strides = array<i32>} : memref<3456xi32, #tpu.memory_space<vmem>>, vector<16xi32>,
      tpu.vector_store %arg11[%swap3A_2327], %broadcast_in_dim3A_2236 {strides = array<i32>} : memref<3456xi32, #tpu.memory_space<vmem>>, vector<16xi32>,
      %add3A_2329 = arith.constant 80 : i32
      %add3A_2330 = arith.addi %reduce_sum3A_2232, %add3A_2329 : i32
      %swap3A_2331 = arith.index_cast %add3A_2330 : i32 to index
      %swap3A_2332 = tpu.vector_load %arg12[%swap3A_2331] {strides = array<i32>} : memref<3456xi32, #tpu.memory_space<vmem>>, vector<16xi32>,
      tpu.vector_store %arg12[%swap3A_2331], %get3A_2320 {strides = array<i32>} : memref<3456xi32, #tpu.memory_space<vmem>>, vector<16xi32>,
      %get3A_2333 = arith.constant 10 : i32
      %get3A_2334 = arith.index_cast %get3A_2333 : i32 to index
      %get3A_2335 = arith.constant 96 : index
      %get3A_2336 = tpu.vector_load %arg8[%get3A_2334, %get3A_2335] {strides = array<i32>} : memref<16x256xi32, #tpu.memory_space<vmem>>, vector<16xi32>,
      %add3A_2337 = arith.constant 96 : i32
      %add3A_2338 = arith.addi %reduce_sum3A_2232, %add3A_2337 : i32
      %swap3A_2339 = arith.index_cast %add3A_2338 : i32 to index
      %swap3A_2340 = tpu.vector_load %arg10[%swap3A_2339] {strides = array<i32>} : memref<3456xi32, #tpu.memory_space<vmem>>, vector<16xi32>,
      tpu.vector_store %arg10[%swap3A_2339], %broadcast_in_dim3A_2234 {strides = array<i32>} : memref<3456xi32, #tpu.memory_space<vmem>>, vector<16xi32>,
      %add3A_2341 = arith.constant 96 : i32
      %add3A_2342 = arith.addi %reduce_sum3A_2232, %add3A_2341 : i32
      %swap3A_2343 = arith.index_cast %add3A_2342 : i32 to index
      %swap3A_2344 = tpu.vector_load %arg11[%swap3A_2343] {strides = array<i32>} : memref<3456xi32, #tpu.memory_space<vmem>>, vector<16xi32>,
      tpu.vector_store %arg11[%swap3A_2343], %broadcast_in_dim3A_2236 {strides = array<i32>} : memref<3456xi32, #tpu.memory_space<vmem>>, vector<16xi32>,
      %add3A_2345 = arith.constant 96 : i32
      %add3A_2346 = arith.addi %reduce_sum3A_2232, %add3A_2345 : i32
      %swap3A_2347 = arith.index_cast %add3A_2346 : i32 to index
      %swap3A_2348 = tpu.vector_load %arg12[%swap3A_2347] {strides = array<i32>} : memref<3456xi32, #tpu.memory_space<vmem>>, vector<16xi32>,
      tpu.vector_store %arg12[%swap3A_2347], %get3A_2336 {strides = array<i32>} : memref<3456xi32, #tpu.memory_space<vmem>>, vector<16xi32>,
      %get3A_2349 = arith.constant 10 : i32
      %get3A_2350 = arith.index_cast %get3A_2349 : i32 to index
      %get3A_2351 = arith.constant 112 : index
      %get3A_2352 = tpu.vector_load %arg8[%get3A_2350, %get3A_2351] {strides = array<i32>} : memref<16x256xi32, #tpu.memory_space<vmem>>, vector<16xi32>,
      %add3A_2353 = arith.constant 112 : i32
      %add3A_2354 = arith.addi %reduce_sum3A_2232, %add3A_2353 : i32
      %swap3A_2355 = arith.index_cast %add3A_2354 : i32 to index
      %swap3A_2356 = tpu.vector_load %arg10[%swap3A_2355] {strides = array<i32>} : memref<3456xi32, #tpu.memory_space<vmem>>, vector<16xi32>,
      tpu.vector_store %arg10[%swap3A_2355], %broadcast_in_dim3A_2234 {strides = array<i32>} : memref<3456xi32, #tpu.memory_space<vmem>>, vector<16xi32>,
      %add3A_2357 = arith.constant 112 : i32
      %add3A_2358 = arith.addi %reduce_sum3A_2232, %add3A_2357 : i32
      %swap3A_2359 = arith.index_cast %add3A_2358 : i32 to index
      %swap3A_2360 = tpu.vector_load %arg11[%swap3A_2359] {strides = array<i32>} : memref<3456xi32, #tpu.memory_space<vmem>>, vector<16xi32>,
      tpu.vector_store %arg11[%swap3A_2359], %broadcast_in_dim3A_2236 {strides = array<i32>} : memref<3456xi32, #tpu.memory_space<vmem>>, vector<16xi32>,
      %add3A_2361 = arith.constant 112 : i32
      %add3A_2362 = arith.addi %reduce_sum3A_2232, %add3A_2361 : i32
      %swap3A_2363 = arith.index_cast %add3A_2362 : i32 to index
      %swap3A_2364 = tpu.vector_load %arg12[%swap3A_2363] {strides = array<i32>} : memref<3456xi32, #tpu.memory_space<vmem>>, vector<16xi32>,
      tpu.vector_store %arg12[%swap3A_2363], %get3A_2352 {strides = array<i32>} : memref<3456xi32, #tpu.memory_space<vmem>>, vector<16xi32>,
      %get3A_2365 = arith.constant 10 : i32
      %get3A_2366 = arith.index_cast %get3A_2365 : i32 to index
      %get3A_2367 = arith.constant 128 : index
      %get3A_2368 = tpu.vector_load %arg8[%get3A_2366, %get3A_2367] {strides = array<i32>} : memref<16x256xi32, #tpu.memory_space<vmem>>, vector<16xi32>,
      %add3A_2369 = arith.constant 128 : i32
      %add3A_2370 = arith.addi %reduce_sum3A_2232, %add3A_2369 : i32
      %swap3A_2371 = arith.index_cast %add3A_2370 : i32 to index
      %swap3A_2372 = tpu.vector_load %arg10[%swap3A_2371] {strides = array<i32>} : memref<3456xi32, #tpu.memory_space<vmem>>, vector<16xi32>,
      tpu.vector_store %arg10[%swap3A_2371], %broadcast_in_dim3A_2234 {strides = array<i32>} : memref<3456xi32, #tpu.memory_space<vmem>>, vector<16xi32>,
      %add3A_2373 = arith.constant 128 : i32
      %add3A_2374 = arith.addi %reduce_sum3A_2232, %add3A_2373 : i32
      %swap3A_2375 = arith.index_cast %add3A_2374 : i32 to index
      %swap3A_2376 = tpu.vector_load %arg11[%swap3A_2375] {strides = array<i32>} : memref<3456xi32, #tpu.memory_space<vmem>>, vector<16xi32>,
      tpu.vector_store %arg11[%swap3A_2375], %broadcast_in_dim3A_2236 {strides = array<i32>} : memref<3456xi32, #tpu.memory_space<vmem>>, vector<16xi32>,
      %add3A_2377 = arith.constant 128 : i32
      %add3A_2378 = arith.addi %reduce_sum3A_2232, %add3A_2377 : i32
      %swap3A_2379 = arith.index_cast %add3A_2378 : i32 to index
      %swap3A_2380 = tpu.vector_load %arg12[%swap3A_2379] {strides = array<i32>} : memref<3456xi32, #tpu.memory_space<vmem>>, vector<16xi32>,
      tpu.vector_store %arg12[%swap3A_2379], %get3A_2368 {strides = array<i32>} : memref<3456xi32, #tpu.memory_space<vmem>>, vector<16xi32>,
      %get3A_2381 = arith.constant 10 : i32
      %get3A_2382 = arith.index_cast %get3A_2381 : i32 to index
      %get3A_2383 = arith.constant 144 : index
      %get3A_2384 = tpu.vector_load %arg8[%get3A_2382, %get3A_2383] {strides = array<i32>} : memref<16x256xi32, #tpu.memory_space<vmem>>, vector<16xi32>,
      %add3A_2385 = arith.constant 144 : i32
      %add3A_2386 = arith.addi %reduce_sum3A_2232, %add3A_2385 : i32
      %swap3A_2387 = arith.index_cast %add3A_2386 : i32 to index
      %swap3A_2388 = tpu.vector_load %arg10[%swap3A_2387] {strides = array<i32>} : memref<3456xi32, #tpu.memory_space<vmem>>, vector<16xi32>,
      tpu.vector_store %arg10[%swap3A_2387], %broadcast_in_dim3A_2234 {strides = array<i32>} : memref<3456xi32, #tpu.memory_space<vmem>>, vector<16xi32>,
      %add3A_2389 = arith.constant 144 : i32
      %add3A_2390 = arith.addi %reduce_sum3A_2232, %add3A_2389 : i32
      %swap3A_2391 = arith.index_cast %add3A_2390 : i32 to index
      %swap3A_2392 = tpu.vector_load %arg11[%swap3A_2391] {strides = array<i32>} : memref<3456xi32, #tpu.memory_space<vmem>>, vector<16xi32>,
      tpu.vector_store %arg11[%swap3A_2391], %broadcast_in_dim3A_2236 {strides = array<i32>} : memref<3456xi32, #tpu.memory_space<vmem>>, vector<16xi32>,
      %add3A_2393 = arith.constant 144 : i32
      %add3A_2394 = arith.addi %reduce_sum3A_2232, %add3A_2393 : i32
      %swap3A_2395 = arith.index_cast %add3A_2394 : i32 to index
      %swap3A_2396 = tpu.vector_load %arg12[%swap3A_2395] {strides = array<i32>} : memref<3456xi32, #tpu.memory_space<vmem>>, vector<16xi32>,
      tpu.vector_store %arg12[%swap3A_2395], %get3A_2384 {strides = array<i32>} : memref<3456xi32, #tpu.memory_space<vmem>>, vector<16xi32>,
      %get3A_2397 = arith.constant 10 : i32
      %get3A_2398 = arith.index_cast %get3A_2397 : i32 to index
      %get3A_2399 = arith.constant 160 : index
      %get3A_2400 = tpu.vector_load %arg8[%get3A_2398, %get3A_2399] {strides = array<i32>} : memref<16x256xi32, #tpu.memory_space<vmem>>, vector<16xi32>,
      %add3A_2401 = arith.constant 160 : i32
      %add3A_2402 = arith.addi %reduce_sum3A_2232, %add3A_2401 : i32
      %swap3A_2403 = arith.index_cast %add3A_2402 : i32 to index
      %swap3A_2404 = tpu.vector_load %arg10[%swap3A_2403] {strides = array<i32>} : memref<3456xi32, #tpu.memory_space<vmem>>, vector<16xi32>,
      tpu.vector_store %arg10[%swap3A_2403], %broadcast_in_dim3A_2234 {strides = array<i32>} : memref<3456xi32, #tpu.memory_space<vmem>>, vector<16xi32>,
      %add3A_2405 = arith.constant 160 : i32
      %add3A_2406 = arith.addi %reduce_sum3A_2232, %add3A_2405 : i32
      %swap3A_2407 = arith.index_cast %add3A_2406 : i32 to index
      %swap3A_2408 = tpu.vector_load %arg11[%swap3A_2407] {strides = array<i32>} : memref<3456xi32, #tpu.memory_space<vmem>>, vector<16xi32>,
      tpu.vector_store %arg11[%swap3A_2407], %broadcast_in_dim3A_2236 {strides = array<i32>} : memref<3456xi32, #tpu.memory_space<vmem>>, vector<16xi32>,
      %add3A_2409 = arith.constant 160 : i32
      %add3A_2410 = arith.addi %reduce_sum3A_2232, %add3A_2409 : i32
      %swap3A_2411 = arith.index_cast %add3A_2410 : i32 to index
      %swap3A_2412 = tpu.vector_load %arg12[%swap3A_2411] {strides = array<i32>} : memref<3456xi32, #tpu.memory_space<vmem>>, vector<16xi32>,
      tpu.vector_store %arg12[%swap3A_2411], %get3A_2400 {strides = array<i32>} : memref<3456xi32, #tpu.memory_space<vmem>>, vector<16xi32>,
      %get3A_2413 = arith.constant 10 : i32
      %get3A_2414 = arith.index_cast %get3A_2413 : i32 to index
      %get3A_2415 = arith.constant 176 : index
      %get3A_2416 = tpu.vector_load %arg8[%get3A_2414, %get3A_2415] {strides = array<i32>} : memref<16x256xi32, #tpu.memory_space<vmem>>, vector<16xi32>,
      %add3A_2417 = arith.constant 176 : i32
      %add3A_2418 = arith.addi %reduce_sum3A_2232, %add3A_2417 : i32
      %swap3A_2419 = arith.index_cast %add3A_2418 : i32 to index
      %swap3A_2420 = tpu.vector_load %arg10[%swap3A_2419] {strides = array<i32>} : memref<3456xi32, #tpu.memory_space<vmem>>, vector<16xi32>,
      tpu.vector_store %arg10[%swap3A_2419], %broadcast_in_dim3A_2234 {strides = array<i32>} : memref<3456xi32, #tpu.memory_space<vmem>>, vector<16xi32>,
      %add3A_2421 = arith.constant 176 : i32
      %add3A_2422 = arith.addi %reduce_sum3A_2232, %add3A_2421 : i32
      %swap3A_2423 = arith.index_cast %add3A_2422 : i32 to index
      %swap3A_2424 = tpu.vector_load %arg11[%swap3A_2423] {strides = array<i32>} : memref<3456xi32, #tpu.memory_space<vmem>>, vector<16xi32>,
      tpu.vector_store %arg11[%swap3A_2423], %broadcast_in_dim3A_2236 {strides = array<i32>} : memref<3456xi32, #tpu.memory_space<vmem>>, vector<16xi32>,
      %add3A_2425 = arith.constant 176 : i32
      %add3A_2426 = arith.addi %reduce_sum3A_2232, %add3A_2425 : i32
      %swap3A_2427 = arith.index_cast %add3A_2426 : i32 to index
      %swap3A_2428 = tpu.vector_load %arg12[%swap3A_2427] {strides = array<i32>} : memref<3456xi32, #tpu.memory_space<vmem>>, vector<16xi32>,
      tpu.vector_store %arg12[%swap3A_2427], %get3A_2416 {strides = array<i32>} : memref<3456xi32, #tpu.memory_space<vmem>>, vector<16xi32>,
      %get3A_2429 = arith.constant 10 : i32
      %get3A_2430 = arith.index_cast %get3A_2429 : i32 to index
      %get3A_2431 = arith.constant 192 : index
      %get3A_2432 = tpu.vector_load %arg8[%get3A_2430, %get3A_2431] {strides = array<i32>} : memref<16x256xi32, #tpu.memory_space<vmem>>, vector<16xi32>,
      %add3A_2433 = arith.constant 192 : i32
      %add3A_2434 = arith.addi %reduce_sum3A_2232, %add3A_2433 : i32
      %swap3A_2435 = arith.index_cast %add3A_2434 : i32 to index
      %swap3A_2436 = tpu.vector_load %arg10[%swap3A_2435] {strides = array<i32>} : memref<3456xi32, #tpu.memory_space<vmem>>, vector<16xi32>,
      tpu.vector_store %arg10[%swap3A_2435], %broadcast_in_dim3A_2234 {strides = array<i32>} : memref<3456xi32, #tpu.memory_space<vmem>>, vector<16xi32>,
      %add3A_2437 = arith.constant 192 : i32
      %add3A_2438 = arith.addi %reduce_sum3A_2232, %add3A_2437 : i32
      %swap3A_2439 = arith.index_cast %add3A_2438 : i32 to index
      %swap3A_2440 = tpu.vector_load %arg11[%swap3A_2439] {strides = array<i32>} : memref<3456xi32, #tpu.memory_space<vmem>>, vector<16xi32>,
      tpu.vector_store %arg11[%swap3A_2439], %broadcast_in_dim3A_2236 {strides = array<i32>} : memref<3456xi32, #tpu.memory_space<vmem>>, vector<16xi32>,
      %add3A_2441 = arith.constant 192 : i32
      %add3A_2442 = arith.addi %reduce_sum3A_2232, %add3A_2441 : i32
      %swap3A_2443 = arith.index_cast %add3A_2442 : i32 to index
      %swap3A_2444 = tpu.vector_load %arg12[%swap3A_2443] {strides = array<i32>} : memref<3456xi32, #tpu.memory_space<vmem>>, vector<16xi32>,
      tpu.vector_store %arg12[%swap3A_2443], %get3A_2432 {strides = array<i32>} : memref<3456xi32, #tpu.memory_space<vmem>>, vector<16xi32>,
      %eq3A_2445 = arith.constant 11 : i32
      %eq3A_2446 = vector.broadcast %eq3A_2445 : i32 to vector<16xi32>
      %eq3A_2447 = arith.cmpi eq, %iota3A, %eq3A_2446 : vector<16xi32>
      %jit3A_2448 = arith.constant 0 : i32
      %broadcast_in_dim3A_2449 = vector.broadcast %jit3A_2448 : i32 to vector<16xi32>
      %select_n3A_2450 = arith.select %eq3A_2447, %sub3A, %broadcast_in_dim3A_2449 : vector<16xi1>, vector<16xi32>
      %reduce_sum3A_2451 = arith.constant true
      %reduce_sum3A_2452 = vector.broadcast %reduce_sum3A_2451 : i1 to vector<16xi1>
      %reduce_sum3A_2453 = tpu.scan <sum>, %select_n3A_2450 masked %reduce_sum3A_2452 : vector<16xi32>, vector<16xi1> -> vector<16xi32>
      %reduce_sum3A_2454 = vector.extract %reduce_sum3A_2453[15] : i32 from vector<16xi32>
      %broadcast_in_dim3A_2455 = arith.constant 1 : i32
      %broadcast_in_dim3A_2456 = vector.broadcast %broadcast_in_dim3A_2455 : i32 to vector<16xi32>
      %broadcast_in_dim3A_2457 = arith.constant 3 : i32
      %broadcast_in_dim3A_2458 = vector.broadcast %broadcast_in_dim3A_2457 : i32 to vector<16xi32>
      %get3A_2459 = arith.constant 11 : i32
      %get3A_2460 = arith.index_cast %get3A_2459 : i32 to index
      %get3A_2461 = arith.constant 0 : index
      %get3A_2462 = tpu.vector_load %arg8[%get3A_2460, %get3A_2461] {strides = array<i32>} : memref<16x256xi32, #tpu.memory_space<vmem>>, vector<16xi32>,
      %add3A_2463 = arith.constant 0 : i32
      %add3A_2464 = arith.addi %reduce_sum3A_2454, %add3A_2463 : i32
      %swap3A_2465 = arith.index_cast %add3A_2464 : i32 to index
      %swap3A_2466 = tpu.vector_load %arg10[%swap3A_2465] {strides = array<i32>} : memref<3456xi32, #tpu.memory_space<vmem>>, vector<16xi32>,
      tpu.vector_store %arg10[%swap3A_2465], %broadcast_in_dim3A_2456 {strides = array<i32>} : memref<3456xi32, #tpu.memory_space<vmem>>, vector<16xi32>,
      %add3A_2467 = arith.constant 0 : i32
      %add3A_2468 = arith.addi %reduce_sum3A_2454, %add3A_2467 : i32
      %swap3A_2469 = arith.index_cast %add3A_2468 : i32 to index
      %swap3A_2470 = tpu.vector_load %arg11[%swap3A_2469] {strides = array<i32>} : memref<3456xi32, #tpu.memory_space<vmem>>, vector<16xi32>,
      tpu.vector_store %arg11[%swap3A_2469], %broadcast_in_dim3A_2458 {strides = array<i32>} : memref<3456xi32, #tpu.memory_space<vmem>>, vector<16xi32>,
      %add3A_2471 = arith.constant 0 : i32
      %add3A_2472 = arith.addi %reduce_sum3A_2454, %add3A_2471 : i32
      %swap3A_2473 = arith.index_cast %add3A_2472 : i32 to index
      %swap3A_2474 = tpu.vector_load %arg12[%swap3A_2473] {strides = array<i32>} : memref<3456xi32, #tpu.memory_space<vmem>>, vector<16xi32>,
      tpu.vector_store %arg12[%swap3A_2473], %get3A_2462 {strides = array<i32>} : memref<3456xi32, #tpu.memory_space<vmem>>, vector<16xi32>,
      %get3A_2475 = arith.constant 11 : i32
      %get3A_2476 = arith.index_cast %get3A_2475 : i32 to index
      %get3A_2477 = arith.constant 16 : index
      %get3A_2478 = tpu.vector_load %arg8[%get3A_2476, %get3A_2477] {strides = array<i32>} : memref<16x256xi32, #tpu.memory_space<vmem>>, vector<16xi32>,
      %add3A_2479 = arith.constant 16 : i32
      %add3A_2480 = arith.addi %reduce_sum3A_2454, %add3A_2479 : i32
      %swap3A_2481 = arith.index_cast %add3A_2480 : i32 to index
      %swap3A_2482 = tpu.vector_load %arg10[%swap3A_2481] {strides = array<i32>} : memref<3456xi32, #tpu.memory_space<vmem>>, vector<16xi32>,
      tpu.vector_store %arg10[%swap3A_2481], %broadcast_in_dim3A_2456 {strides = array<i32>} : memref<3456xi32, #tpu.memory_space<vmem>>, vector<16xi32>,
      %add3A_2483 = arith.constant 16 : i32
      %add3A_2484 = arith.addi %reduce_sum3A_2454, %add3A_2483 : i32
      %swap3A_2485 = arith.index_cast %add3A_2484 : i32 to index
      %swap3A_2486 = tpu.vector_load %arg11[%swap3A_2485] {strides = array<i32>} : memref<3456xi32, #tpu.memory_space<vmem>>, vector<16xi32>,
      tpu.vector_store %arg11[%swap3A_2485], %broadcast_in_dim3A_2458 {strides = array<i32>} : memref<3456xi32, #tpu.memory_space<vmem>>, vector<16xi32>,
      %add3A_2487 = arith.constant 16 : i32
      %add3A_2488 = arith.addi %reduce_sum3A_2454, %add3A_2487 : i32
      %swap3A_2489 = arith.index_cast %add3A_2488 : i32 to index
      %swap3A_2490 = tpu.vector_load %arg12[%swap3A_2489] {strides = array<i32>} : memref<3456xi32, #tpu.memory_space<vmem>>, vector<16xi32>,
      tpu.vector_store %arg12[%swap3A_2489], %get3A_2478 {strides = array<i32>} : memref<3456xi32, #tpu.memory_space<vmem>>, vector<16xi32>,
      %get3A_2491 = arith.constant 11 : i32
      %get3A_2492 = arith.index_cast %get3A_2491 : i32 to index
      %get3A_2493 = arith.constant 32 : index
      %get3A_2494 = tpu.vector_load %arg8[%get3A_2492, %get3A_2493] {strides = array<i32>} : memref<16x256xi32, #tpu.memory_space<vmem>>, vector<16xi32>,
      %add3A_2495 = arith.constant 32 : i32
      %add3A_2496 = arith.addi %reduce_sum3A_2454, %add3A_2495 : i32
      %swap3A_2497 = arith.index_cast %add3A_2496 : i32 to index
      %swap3A_2498 = tpu.vector_load %arg10[%swap3A_2497] {strides = array<i32>} : memref<3456xi32, #tpu.memory_space<vmem>>, vector<16xi32>,
      tpu.vector_store %arg10[%swap3A_2497], %broadcast_in_dim3A_2456 {strides = array<i32>} : memref<3456xi32, #tpu.memory_space<vmem>>, vector<16xi32>,
      %add3A_2499 = arith.constant 32 : i32
      %add3A_2500 = arith.addi %reduce_sum3A_2454, %add3A_2499 : i32
      %swap3A_2501 = arith.index_cast %add3A_2500 : i32 to index
      %swap3A_2502 = tpu.vector_load %arg11[%swap3A_2501] {strides = array<i32>} : memref<3456xi32, #tpu.memory_space<vmem>>, vector<16xi32>,
      tpu.vector_store %arg11[%swap3A_2501], %broadcast_in_dim3A_2458 {strides = array<i32>} : memref<3456xi32, #tpu.memory_space<vmem>>, vector<16xi32>,
      %add3A_2503 = arith.constant 32 : i32
      %add3A_2504 = arith.addi %reduce_sum3A_2454, %add3A_2503 : i32
      %swap3A_2505 = arith.index_cast %add3A_2504 : i32 to index
      %swap3A_2506 = tpu.vector_load %arg12[%swap3A_2505] {strides = array<i32>} : memref<3456xi32, #tpu.memory_space<vmem>>, vector<16xi32>,
      tpu.vector_store %arg12[%swap3A_2505], %get3A_2494 {strides = array<i32>} : memref<3456xi32, #tpu.memory_space<vmem>>, vector<16xi32>,
      %get3A_2507 = arith.constant 11 : i32
      %get3A_2508 = arith.index_cast %get3A_2507 : i32 to index
      %get3A_2509 = arith.constant 48 : index
      %get3A_2510 = tpu.vector_load %arg8[%get3A_2508, %get3A_2509] {strides = array<i32>} : memref<16x256xi32, #tpu.memory_space<vmem>>, vector<16xi32>,
      %add3A_2511 = arith.constant 48 : i32
      %add3A_2512 = arith.addi %reduce_sum3A_2454, %add3A_2511 : i32
      %swap3A_2513 = arith.index_cast %add3A_2512 : i32 to index
      %swap3A_2514 = tpu.vector_load %arg10[%swap3A_2513] {strides = array<i32>} : memref<3456xi32, #tpu.memory_space<vmem>>, vector<16xi32>,
      tpu.vector_store %arg10[%swap3A_2513], %broadcast_in_dim3A_2456 {strides = array<i32>} : memref<3456xi32, #tpu.memory_space<vmem>>, vector<16xi32>,
      %add3A_2515 = arith.constant 48 : i32
      %add3A_2516 = arith.addi %reduce_sum3A_2454, %add3A_2515 : i32
      %swap3A_2517 = arith.index_cast %add3A_2516 : i32 to index
      %swap3A_2518 = tpu.vector_load %arg11[%swap3A_2517] {strides = array<i32>} : memref<3456xi32, #tpu.memory_space<vmem>>, vector<16xi32>,
      tpu.vector_store %arg11[%swap3A_2517], %broadcast_in_dim3A_2458 {strides = array<i32>} : memref<3456xi32, #tpu.memory_space<vmem>>, vector<16xi32>,
      %add3A_2519 = arith.constant 48 : i32
      %add3A_2520 = arith.addi %reduce_sum3A_2454, %add3A_2519 : i32
      %swap3A_2521 = arith.index_cast %add3A_2520 : i32 to index
      %swap3A_2522 = tpu.vector_load %arg12[%swap3A_2521] {strides = array<i32>} : memref<3456xi32, #tpu.memory_space<vmem>>, vector<16xi32>,
      tpu.vector_store %arg12[%swap3A_2521], %get3A_2510 {strides = array<i32>} : memref<3456xi32, #tpu.memory_space<vmem>>, vector<16xi32>,
      %get3A_2523 = arith.constant 11 : i32
      %get3A_2524 = arith.index_cast %get3A_2523 : i32 to index
      %get3A_2525 = arith.constant 64 : index
      %get3A_2526 = tpu.vector_load %arg8[%get3A_2524, %get3A_2525] {strides = array<i32>} : memref<16x256xi32, #tpu.memory_space<vmem>>, vector<16xi32>,
      %add3A_2527 = arith.constant 64 : i32
      %add3A_2528 = arith.addi %reduce_sum3A_2454, %add3A_2527 : i32
      %swap3A_2529 = arith.index_cast %add3A_2528 : i32 to index
      %swap3A_2530 = tpu.vector_load %arg10[%swap3A_2529] {strides = array<i32>} : memref<3456xi32, #tpu.memory_space<vmem>>, vector<16xi32>,
      tpu.vector_store %arg10[%swap3A_2529], %broadcast_in_dim3A_2456 {strides = array<i32>} : memref<3456xi32, #tpu.memory_space<vmem>>, vector<16xi32>,
      %add3A_2531 = arith.constant 64 : i32
      %add3A_2532 = arith.addi %reduce_sum3A_2454, %add3A_2531 : i32
      %swap3A_2533 = arith.index_cast %add3A_2532 : i32 to index
      %swap3A_2534 = tpu.vector_load %arg11[%swap3A_2533] {strides = array<i32>} : memref<3456xi32, #tpu.memory_space<vmem>>, vector<16xi32>,
      tpu.vector_store %arg11[%swap3A_2533], %broadcast_in_dim3A_2458 {strides = array<i32>} : memref<3456xi32, #tpu.memory_space<vmem>>, vector<16xi32>,
      %add3A_2535 = arith.constant 64 : i32
      %add3A_2536 = arith.addi %reduce_sum3A_2454, %add3A_2535 : i32
      %swap3A_2537 = arith.index_cast %add3A_2536 : i32 to index
      %swap3A_2538 = tpu.vector_load %arg12[%swap3A_2537] {strides = array<i32>} : memref<3456xi32, #tpu.memory_space<vmem>>, vector<16xi32>,
      tpu.vector_store %arg12[%swap3A_2537], %get3A_2526 {strides = array<i32>} : memref<3456xi32, #tpu.memory_space<vmem>>, vector<16xi32>,
      %get3A_2539 = arith.constant 11 : i32
      %get3A_2540 = arith.index_cast %get3A_2539 : i32 to index
      %get3A_2541 = arith.constant 80 : index
      %get3A_2542 = tpu.vector_load %arg8[%get3A_2540, %get3A_2541] {strides = array<i32>} : memref<16x256xi32, #tpu.memory_space<vmem>>, vector<16xi32>,
      %add3A_2543 = arith.constant 80 : i32
      %add3A_2544 = arith.addi %reduce_sum3A_2454, %add3A_2543 : i32
      %swap3A_2545 = arith.index_cast %add3A_2544 : i32 to index
      %swap3A_2546 = tpu.vector_load %arg10[%swap3A_2545] {strides = array<i32>} : memref<3456xi32, #tpu.memory_space<vmem>>, vector<16xi32>,
      tpu.vector_store %arg10[%swap3A_2545], %broadcast_in_dim3A_2456 {strides = array<i32>} : memref<3456xi32, #tpu.memory_space<vmem>>, vector<16xi32>,
      %add3A_2547 = arith.constant 80 : i32
      %add3A_2548 = arith.addi %reduce_sum3A_2454, %add3A_2547 : i32
      %swap3A_2549 = arith.index_cast %add3A_2548 : i32 to index
      %swap3A_2550 = tpu.vector_load %arg11[%swap3A_2549] {strides = array<i32>} : memref<3456xi32, #tpu.memory_space<vmem>>, vector<16xi32>,
      tpu.vector_store %arg11[%swap3A_2549], %broadcast_in_dim3A_2458 {strides = array<i32>} : memref<3456xi32, #tpu.memory_space<vmem>>, vector<16xi32>,
      %add3A_2551 = arith.constant 80 : i32
      %add3A_2552 = arith.addi %reduce_sum3A_2454, %add3A_2551 : i32
      %swap3A_2553 = arith.index_cast %add3A_2552 : i32 to index
      %swap3A_2554 = tpu.vector_load %arg12[%swap3A_2553] {strides = array<i32>} : memref<3456xi32, #tpu.memory_space<vmem>>, vector<16xi32>,
      tpu.vector_store %arg12[%swap3A_2553], %get3A_2542 {strides = array<i32>} : memref<3456xi32, #tpu.memory_space<vmem>>, vector<16xi32>,
      %get3A_2555 = arith.constant 11 : i32
      %get3A_2556 = arith.index_cast %get3A_2555 : i32 to index
      %get3A_2557 = arith.constant 96 : index
      %get3A_2558 = tpu.vector_load %arg8[%get3A_2556, %get3A_2557] {strides = array<i32>} : memref<16x256xi32, #tpu.memory_space<vmem>>, vector<16xi32>,
      %add3A_2559 = arith.constant 96 : i32
      %add3A_2560 = arith.addi %reduce_sum3A_2454, %add3A_2559 : i32
      %swap3A_2561 = arith.index_cast %add3A_2560 : i32 to index
      %swap3A_2562 = tpu.vector_load %arg10[%swap3A_2561] {strides = array<i32>} : memref<3456xi32, #tpu.memory_space<vmem>>, vector<16xi32>,
      tpu.vector_store %arg10[%swap3A_2561], %broadcast_in_dim3A_2456 {strides = array<i32>} : memref<3456xi32, #tpu.memory_space<vmem>>, vector<16xi32>,
      %add3A_2563 = arith.constant 96 : i32
      %add3A_2564 = arith.addi %reduce_sum3A_2454, %add3A_2563 : i32
      %swap3A_2565 = arith.index_cast %add3A_2564 : i32 to index
      %swap3A_2566 = tpu.vector_load %arg11[%swap3A_2565] {strides = array<i32>} : memref<3456xi32, #tpu.memory_space<vmem>>, vector<16xi32>,
      tpu.vector_store %arg11[%swap3A_2565], %broadcast_in_dim3A_2458 {strides = array<i32>} : memref<3456xi32, #tpu.memory_space<vmem>>, vector<16xi32>,
      %add3A_2567 = arith.constant 96 : i32
      %add3A_2568 = arith.addi %reduce_sum3A_2454, %add3A_2567 : i32
      %swap3A_2569 = arith.index_cast %add3A_2568 : i32 to index
      %swap3A_2570 = tpu.vector_load %arg12[%swap3A_2569] {strides = array<i32>} : memref<3456xi32, #tpu.memory_space<vmem>>, vector<16xi32>,
      tpu.vector_store %arg12[%swap3A_2569], %get3A_2558 {strides = array<i32>} : memref<3456xi32, #tpu.memory_space<vmem>>, vector<16xi32>,
      %get3A_2571 = arith.constant 11 : i32
      %get3A_2572 = arith.index_cast %get3A_2571 : i32 to index
      %get3A_2573 = arith.constant 112 : index
      %get3A_2574 = tpu.vector_load %arg8[%get3A_2572, %get3A_2573] {strides = array<i32>} : memref<16x256xi32, #tpu.memory_space<vmem>>, vector<16xi32>,
      %add3A_2575 = arith.constant 112 : i32
      %add3A_2576 = arith.addi %reduce_sum3A_2454, %add3A_2575 : i32
      %swap3A_2577 = arith.index_cast %add3A_2576 : i32 to index
      %swap3A_2578 = tpu.vector_load %arg10[%swap3A_2577] {strides = array<i32>} : memref<3456xi32, #tpu.memory_space<vmem>>, vector<16xi32>,
      tpu.vector_store %arg10[%swap3A_2577], %broadcast_in_dim3A_2456 {strides = array<i32>} : memref<3456xi32, #tpu.memory_space<vmem>>, vector<16xi32>,
      %add3A_2579 = arith.constant 112 : i32
      %add3A_2580 = arith.addi %reduce_sum3A_2454, %add3A_2579 : i32
      %swap3A_2581 = arith.index_cast %add3A_2580 : i32 to index
      %swap3A_2582 = tpu.vector_load %arg11[%swap3A_2581] {strides = array<i32>} : memref<3456xi32, #tpu.memory_space<vmem>>, vector<16xi32>,
      tpu.vector_store %arg11[%swap3A_2581], %broadcast_in_dim3A_2458 {strides = array<i32>} : memref<3456xi32, #tpu.memory_space<vmem>>, vector<16xi32>,
      %add3A_2583 = arith.constant 112 : i32
      %add3A_2584 = arith.addi %reduce_sum3A_2454, %add3A_2583 : i32
      %swap3A_2585 = arith.index_cast %add3A_2584 : i32 to index
      %swap3A_2586 = tpu.vector_load %arg12[%swap3A_2585] {strides = array<i32>} : memref<3456xi32, #tpu.memory_space<vmem>>, vector<16xi32>,
      tpu.vector_store %arg12[%swap3A_2585], %get3A_2574 {strides = array<i32>} : memref<3456xi32, #tpu.memory_space<vmem>>, vector<16xi32>,
      %get3A_2587 = arith.constant 11 : i32
      %get3A_2588 = arith.index_cast %get3A_2587 : i32 to index
      %get3A_2589 = arith.constant 128 : index
      %get3A_2590 = tpu.vector_load %arg8[%get3A_2588, %get3A_2589] {strides = array<i32>} : memref<16x256xi32, #tpu.memory_space<vmem>>, vector<16xi32>,
      %add3A_2591 = arith.constant 128 : i32
      %add3A_2592 = arith.addi %reduce_sum3A_2454, %add3A_2591 : i32
      %swap3A_2593 = arith.index_cast %add3A_2592 : i32 to index
      %swap3A_2594 = tpu.vector_load %arg10[%swap3A_2593] {strides = array<i32>} : memref<3456xi32, #tpu.memory_space<vmem>>, vector<16xi32>,
      tpu.vector_store %arg10[%swap3A_2593], %broadcast_in_dim3A_2456 {strides = array<i32>} : memref<3456xi32, #tpu.memory_space<vmem>>, vector<16xi32>,
      %add3A_2595 = arith.constant 128 : i32
      %add3A_2596 = arith.addi %reduce_sum3A_2454, %add3A_2595 : i32
      %swap3A_2597 = arith.index_cast %add3A_2596 : i32 to index
      %swap3A_2598 = tpu.vector_load %arg11[%swap3A_2597] {strides = array<i32>} : memref<3456xi32, #tpu.memory_space<vmem>>, vector<16xi32>,
      tpu.vector_store %arg11[%swap3A_2597], %broadcast_in_dim3A_2458 {strides = array<i32>} : memref<3456xi32, #tpu.memory_space<vmem>>, vector<16xi32>,
      %add3A_2599 = arith.constant 128 : i32
      %add3A_2600 = arith.addi %reduce_sum3A_2454, %add3A_2599 : i32
      %swap3A_2601 = arith.index_cast %add3A_2600 : i32 to index
      %swap3A_2602 = tpu.vector_load %arg12[%swap3A_2601] {strides = array<i32>} : memref<3456xi32, #tpu.memory_space<vmem>>, vector<16xi32>,
      tpu.vector_store %arg12[%swap3A_2601], %get3A_2590 {strides = array<i32>} : memref<3456xi32, #tpu.memory_space<vmem>>, vector<16xi32>,
      %get3A_2603 = arith.constant 11 : i32
      %get3A_2604 = arith.index_cast %get3A_2603 : i32 to index
      %get3A_2605 = arith.constant 144 : index
      %get3A_2606 = tpu.vector_load %arg8[%get3A_2604, %get3A_2605] {strides = array<i32>} : memref<16x256xi32, #tpu.memory_space<vmem>>, vector<16xi32>,
      %add3A_2607 = arith.constant 144 : i32
      %add3A_2608 = arith.addi %reduce_sum3A_2454, %add3A_2607 : i32
      %swap3A_2609 = arith.index_cast %add3A_2608 : i32 to index
      %swap3A_2610 = tpu.vector_load %arg10[%swap3A_2609] {strides = array<i32>} : memref<3456xi32, #tpu.memory_space<vmem>>, vector<16xi32>,
      tpu.vector_store %arg10[%swap3A_2609], %broadcast_in_dim3A_2456 {strides = array<i32>} : memref<3456xi32, #tpu.memory_space<vmem>>, vector<16xi32>,
      %add3A_2611 = arith.constant 144 : i32
      %add3A_2612 = arith.addi %reduce_sum3A_2454, %add3A_2611 : i32
      %swap3A_2613 = arith.index_cast %add3A_2612 : i32 to index
      %swap3A_2614 = tpu.vector_load %arg11[%swap3A_2613] {strides = array<i32>} : memref<3456xi32, #tpu.memory_space<vmem>>, vector<16xi32>,
      tpu.vector_store %arg11[%swap3A_2613], %broadcast_in_dim3A_2458 {strides = array<i32>} : memref<3456xi32, #tpu.memory_space<vmem>>, vector<16xi32>,
      %add3A_2615 = arith.constant 144 : i32
      %add3A_2616 = arith.addi %reduce_sum3A_2454, %add3A_2615 : i32
      %swap3A_2617 = arith.index_cast %add3A_2616 : i32 to index
      %swap3A_2618 = tpu.vector_load %arg12[%swap3A_2617] {strides = array<i32>} : memref<3456xi32, #tpu.memory_space<vmem>>, vector<16xi32>,
      tpu.vector_store %arg12[%swap3A_2617], %get3A_2606 {strides = array<i32>} : memref<3456xi32, #tpu.memory_space<vmem>>, vector<16xi32>,
      %get3A_2619 = arith.constant 11 : i32
      %get3A_2620 = arith.index_cast %get3A_2619 : i32 to index
      %get3A_2621 = arith.constant 160 : index
      %get3A_2622 = tpu.vector_load %arg8[%get3A_2620, %get3A_2621] {strides = array<i32>} : memref<16x256xi32, #tpu.memory_space<vmem>>, vector<16xi32>,
      %add3A_2623 = arith.constant 160 : i32
      %add3A_2624 = arith.addi %reduce_sum3A_2454, %add3A_2623 : i32
      %swap3A_2625 = arith.index_cast %add3A_2624 : i32 to index
      %swap3A_2626 = tpu.vector_load %arg10[%swap3A_2625] {strides = array<i32>} : memref<3456xi32, #tpu.memory_space<vmem>>, vector<16xi32>,
      tpu.vector_store %arg10[%swap3A_2625], %broadcast_in_dim3A_2456 {strides = array<i32>} : memref<3456xi32, #tpu.memory_space<vmem>>, vector<16xi32>,
      %add3A_2627 = arith.constant 160 : i32
      %add3A_2628 = arith.addi %reduce_sum3A_2454, %add3A_2627 : i32
      %swap3A_2629 = arith.index_cast %add3A_2628 : i32 to index
      %swap3A_2630 = tpu.vector_load %arg11[%swap3A_2629] {strides = array<i32>} : memref<3456xi32, #tpu.memory_space<vmem>>, vector<16xi32>,
      tpu.vector_store %arg11[%swap3A_2629], %broadcast_in_dim3A_2458 {strides = array<i32>} : memref<3456xi32, #tpu.memory_space<vmem>>, vector<16xi32>,
      %add3A_2631 = arith.constant 160 : i32
      %add3A_2632 = arith.addi %reduce_sum3A_2454, %add3A_2631 : i32
      %swap3A_2633 = arith.index_cast %add3A_2632 : i32 to index
      %swap3A_2634 = tpu.vector_load %arg12[%swap3A_2633] {strides = array<i32>} : memref<3456xi32, #tpu.memory_space<vmem>>, vector<16xi32>,
      tpu.vector_store %arg12[%swap3A_2633], %get3A_2622 {strides = array<i32>} : memref<3456xi32, #tpu.memory_space<vmem>>, vector<16xi32>,
      %get3A_2635 = arith.constant 11 : i32
      %get3A_2636 = arith.index_cast %get3A_2635 : i32 to index
      %get3A_2637 = arith.constant 176 : index
      %get3A_2638 = tpu.vector_load %arg8[%get3A_2636, %get3A_2637] {strides = array<i32>} : memref<16x256xi32, #tpu.memory_space<vmem>>, vector<16xi32>,
      %add3A_2639 = arith.constant 176 : i32
      %add3A_2640 = arith.addi %reduce_sum3A_2454, %add3A_2639 : i32
      %swap3A_2641 = arith.index_cast %add3A_2640 : i32 to index
      %swap3A_2642 = tpu.vector_load %arg10[%swap3A_2641] {strides = array<i32>} : memref<3456xi32, #tpu.memory_space<vmem>>, vector<16xi32>,
      tpu.vector_store %arg10[%swap3A_2641], %broadcast_in_dim3A_2456 {strides = array<i32>} : memref<3456xi32, #tpu.memory_space<vmem>>, vector<16xi32>,
      %add3A_2643 = arith.constant 176 : i32
      %add3A_2644 = arith.addi %reduce_sum3A_2454, %add3A_2643 : i32
      %swap3A_2645 = arith.index_cast %add3A_2644 : i32 to index
      %swap3A_2646 = tpu.vector_load %arg11[%swap3A_2645] {strides = array<i32>} : memref<3456xi32, #tpu.memory_space<vmem>>, vector<16xi32>,
      tpu.vector_store %arg11[%swap3A_2645], %broadcast_in_dim3A_2458 {strides = array<i32>} : memref<3456xi32, #tpu.memory_space<vmem>>, vector<16xi32>,
      %add3A_2647 = arith.constant 176 : i32
      %add3A_2648 = arith.addi %reduce_sum3A_2454, %add3A_2647 : i32
      %swap3A_2649 = arith.index_cast %add3A_2648 : i32 to index
      %swap3A_2650 = tpu.vector_load %arg12[%swap3A_2649] {strides = array<i32>} : memref<3456xi32, #tpu.memory_space<vmem>>, vector<16xi32>,
      tpu.vector_store %arg12[%swap3A_2649], %get3A_2638 {strides = array<i32>} : memref<3456xi32, #tpu.memory_space<vmem>>, vector<16xi32>,
      %get3A_2651 = arith.constant 11 : i32
      %get3A_2652 = arith.index_cast %get3A_2651 : i32 to index
      %get3A_2653 = arith.constant 192 : index
      %get3A_2654 = tpu.vector_load %arg8[%get3A_2652, %get3A_2653] {strides = array<i32>} : memref<16x256xi32, #tpu.memory_space<vmem>>, vector<16xi32>,
      %add3A_2655 = arith.constant 192 : i32
      %add3A_2656 = arith.addi %reduce_sum3A_2454, %add3A_2655 : i32
      %swap3A_2657 = arith.index_cast %add3A_2656 : i32 to index
      %swap3A_2658 = tpu.vector_load %arg10[%swap3A_2657] {strides = array<i32>} : memref<3456xi32, #tpu.memory_space<vmem>>, vector<16xi32>,
      tpu.vector_store %arg10[%swap3A_2657], %broadcast_in_dim3A_2456 {strides = array<i32>} : memref<3456xi32, #tpu.memory_space<vmem>>, vector<16xi32>,
      %add3A_2659 = arith.constant 192 : i32
      %add3A_2660 = arith.addi %reduce_sum3A_2454, %add3A_2659 : i32
      %swap3A_2661 = arith.index_cast %add3A_2660 : i32 to index
      %swap3A_2662 = tpu.vector_load %arg11[%swap3A_2661] {strides = array<i32>} : memref<3456xi32, #tpu.memory_space<vmem>>, vector<16xi32>,
      tpu.vector_store %arg11[%swap3A_2661], %broadcast_in_dim3A_2458 {strides = array<i32>} : memref<3456xi32, #tpu.memory_space<vmem>>, vector<16xi32>,
      %add3A_2663 = arith.constant 192 : i32
      %add3A_2664 = arith.addi %reduce_sum3A_2454, %add3A_2663 : i32
      %swap3A_2665 = arith.index_cast %add3A_2664 : i32 to index
      %swap3A_2666 = tpu.vector_load %arg12[%swap3A_2665] {strides = array<i32>} : memref<3456xi32, #tpu.memory_space<vmem>>, vector<16xi32>,
      tpu.vector_store %arg12[%swap3A_2665], %get3A_2654 {strides = array<i32>} : memref<3456xi32, #tpu.memory_space<vmem>>, vector<16xi32>,
      %eq3A_2667 = arith.constant 12 : i32
      %eq3A_2668 = vector.broadcast %eq3A_2667 : i32 to vector<16xi32>
      %eq3A_2669 = arith.cmpi eq, %iota3A, %eq3A_2668 : vector<16xi32>
      %jit3A_2670 = arith.constant 0 : i32
      %broadcast_in_dim3A_2671 = vector.broadcast %jit3A_2670 : i32 to vector<16xi32>
      %select_n3A_2672 = arith.select %eq3A_2669, %sub3A, %broadcast_in_dim3A_2671 : vector<16xi1>, vector<16xi32>
      %reduce_sum3A_2673 = arith.constant true
      %reduce_sum3A_2674 = vector.broadcast %reduce_sum3A_2673 : i1 to vector<16xi1>
      %reduce_sum3A_2675 = tpu.scan <sum>, %select_n3A_2672 masked %reduce_sum3A_2674 : vector<16xi32>, vector<16xi1> -> vector<16xi32>
      %reduce_sum3A_2676 = vector.extract %reduce_sum3A_2675[15] : i32 from vector<16xi32>
      %broadcast_in_dim3A_2677 = arith.constant 1 : i32
      %broadcast_in_dim3A_2678 = vector.broadcast %broadcast_in_dim3A_2677 : i32 to vector<16xi32>
      %broadcast_in_dim3A_2679 = arith.constant 4 : i32
      %broadcast_in_dim3A_2680 = vector.broadcast %broadcast_in_dim3A_2679 : i32 to vector<16xi32>
      %get3A_2681 = arith.constant 12 : i32
      %get3A_2682 = arith.index_cast %get3A_2681 : i32 to index
      %get3A_2683 = arith.constant 0 : index
      %get3A_2684 = tpu.vector_load %arg8[%get3A_2682, %get3A_2683] {strides = array<i32>} : memref<16x256xi32, #tpu.memory_space<vmem>>, vector<16xi32>,
      %add3A_2685 = arith.constant 0 : i32
      %add3A_2686 = arith.addi %reduce_sum3A_2676, %add3A_2685 : i32
      %swap3A_2687 = arith.index_cast %add3A_2686 : i32 to index
      %swap3A_2688 = tpu.vector_load %arg10[%swap3A_2687] {strides = array<i32>} : memref<3456xi32, #tpu.memory_space<vmem>>, vector<16xi32>,
      tpu.vector_store %arg10[%swap3A_2687], %broadcast_in_dim3A_2678 {strides = array<i32>} : memref<3456xi32, #tpu.memory_space<vmem>>, vector<16xi32>,
      %add3A_2689 = arith.constant 0 : i32
      %add3A_2690 = arith.addi %reduce_sum3A_2676, %add3A_2689 : i32
      %swap3A_2691 = arith.index_cast %add3A_2690 : i32 to index
      %swap3A_2692 = tpu.vector_load %arg11[%swap3A_2691] {strides = array<i32>} : memref<3456xi32, #tpu.memory_space<vmem>>, vector<16xi32>,
      tpu.vector_store %arg11[%swap3A_2691], %broadcast_in_dim3A_2680 {strides = array<i32>} : memref<3456xi32, #tpu.memory_space<vmem>>, vector<16xi32>,
      %add3A_2693 = arith.constant 0 : i32
      %add3A_2694 = arith.addi %reduce_sum3A_2676, %add3A_2693 : i32
      %swap3A_2695 = arith.index_cast %add3A_2694 : i32 to index
      %swap3A_2696 = tpu.vector_load %arg12[%swap3A_2695] {strides = array<i32>} : memref<3456xi32, #tpu.memory_space<vmem>>, vector<16xi32>,
      tpu.vector_store %arg12[%swap3A_2695], %get3A_2684 {strides = array<i32>} : memref<3456xi32, #tpu.memory_space<vmem>>, vector<16xi32>,
      %get3A_2697 = arith.constant 12 : i32
      %get3A_2698 = arith.index_cast %get3A_2697 : i32 to index
      %get3A_2699 = arith.constant 16 : index
      %get3A_2700 = tpu.vector_load %arg8[%get3A_2698, %get3A_2699] {strides = array<i32>} : memref<16x256xi32, #tpu.memory_space<vmem>>, vector<16xi32>,
      %add3A_2701 = arith.constant 16 : i32
      %add3A_2702 = arith.addi %reduce_sum3A_2676, %add3A_2701 : i32
      %swap3A_2703 = arith.index_cast %add3A_2702 : i32 to index
      %swap3A_2704 = tpu.vector_load %arg10[%swap3A_2703] {strides = array<i32>} : memref<3456xi32, #tpu.memory_space<vmem>>, vector<16xi32>,
      tpu.vector_store %arg10[%swap3A_2703], %broadcast_in_dim3A_2678 {strides = array<i32>} : memref<3456xi32, #tpu.memory_space<vmem>>, vector<16xi32>,
      %add3A_2705 = arith.constant 16 : i32
      %add3A_2706 = arith.addi %reduce_sum3A_2676, %add3A_2705 : i32
      %swap3A_2707 = arith.index_cast %add3A_2706 : i32 to index
      %swap3A_2708 = tpu.vector_load %arg11[%swap3A_2707] {strides = array<i32>} : memref<3456xi32, #tpu.memory_space<vmem>>, vector<16xi32>,
      tpu.vector_store %arg11[%swap3A_2707], %broadcast_in_dim3A_2680 {strides = array<i32>} : memref<3456xi32, #tpu.memory_space<vmem>>, vector<16xi32>,
      %add3A_2709 = arith.constant 16 : i32
      %add3A_2710 = arith.addi %reduce_sum3A_2676, %add3A_2709 : i32
      %swap3A_2711 = arith.index_cast %add3A_2710 : i32 to index
      %swap3A_2712 = tpu.vector_load %arg12[%swap3A_2711] {strides = array<i32>} : memref<3456xi32, #tpu.memory_space<vmem>>, vector<16xi32>,
      tpu.vector_store %arg12[%swap3A_2711], %get3A_2700 {strides = array<i32>} : memref<3456xi32, #tpu.memory_space<vmem>>, vector<16xi32>,
      %get3A_2713 = arith.constant 12 : i32
      %get3A_2714 = arith.index_cast %get3A_2713 : i32 to index
      %get3A_2715 = arith.constant 32 : index
      %get3A_2716 = tpu.vector_load %arg8[%get3A_2714, %get3A_2715] {strides = array<i32>} : memref<16x256xi32, #tpu.memory_space<vmem>>, vector<16xi32>,
      %add3A_2717 = arith.constant 32 : i32
      %add3A_2718 = arith.addi %reduce_sum3A_2676, %add3A_2717 : i32
      %swap3A_2719 = arith.index_cast %add3A_2718 : i32 to index
      %swap3A_2720 = tpu.vector_load %arg10[%swap3A_2719] {strides = array<i32>} : memref<3456xi32, #tpu.memory_space<vmem>>, vector<16xi32>,
      tpu.vector_store %arg10[%swap3A_2719], %broadcast_in_dim3A_2678 {strides = array<i32>} : memref<3456xi32, #tpu.memory_space<vmem>>, vector<16xi32>,
      %add3A_2721 = arith.constant 32 : i32
      %add3A_2722 = arith.addi %reduce_sum3A_2676, %add3A_2721 : i32
      %swap3A_2723 = arith.index_cast %add3A_2722 : i32 to index
      %swap3A_2724 = tpu.vector_load %arg11[%swap3A_2723] {strides = array<i32>} : memref<3456xi32, #tpu.memory_space<vmem>>, vector<16xi32>,
      tpu.vector_store %arg11[%swap3A_2723], %broadcast_in_dim3A_2680 {strides = array<i32>} : memref<3456xi32, #tpu.memory_space<vmem>>, vector<16xi32>,
      %add3A_2725 = arith.constant 32 : i32
      %add3A_2726 = arith.addi %reduce_sum3A_2676, %add3A_2725 : i32
      %swap3A_2727 = arith.index_cast %add3A_2726 : i32 to index
      %swap3A_2728 = tpu.vector_load %arg12[%swap3A_2727] {strides = array<i32>} : memref<3456xi32, #tpu.memory_space<vmem>>, vector<16xi32>,
      tpu.vector_store %arg12[%swap3A_2727], %get3A_2716 {strides = array<i32>} : memref<3456xi32, #tpu.memory_space<vmem>>, vector<16xi32>,
      %get3A_2729 = arith.constant 12 : i32
      %get3A_2730 = arith.index_cast %get3A_2729 : i32 to index
      %get3A_2731 = arith.constant 48 : index
      %get3A_2732 = tpu.vector_load %arg8[%get3A_2730, %get3A_2731] {strides = array<i32>} : memref<16x256xi32, #tpu.memory_space<vmem>>, vector<16xi32>,
      %add3A_2733 = arith.constant 48 : i32
      %add3A_2734 = arith.addi %reduce_sum3A_2676, %add3A_2733 : i32
      %swap3A_2735 = arith.index_cast %add3A_2734 : i32 to index
      %swap3A_2736 = tpu.vector_load %arg10[%swap3A_2735] {strides = array<i32>} : memref<3456xi32, #tpu.memory_space<vmem>>, vector<16xi32>,
      tpu.vector_store %arg10[%swap3A_2735], %broadcast_in_dim3A_2678 {strides = array<i32>} : memref<3456xi32, #tpu.memory_space<vmem>>, vector<16xi32>,
      %add3A_2737 = arith.constant 48 : i32
      %add3A_2738 = arith.addi %reduce_sum3A_2676, %add3A_2737 : i32
      %swap3A_2739 = arith.index_cast %add3A_2738 : i32 to index
      %swap3A_2740 = tpu.vector_load %arg11[%swap3A_2739] {strides = array<i32>} : memref<3456xi32, #tpu.memory_space<vmem>>, vector<16xi32>,
      tpu.vector_store %arg11[%swap3A_2739], %broadcast_in_dim3A_2680 {strides = array<i32>} : memref<3456xi32, #tpu.memory_space<vmem>>, vector<16xi32>,
      %add3A_2741 = arith.constant 48 : i32
      %add3A_2742 = arith.addi %reduce_sum3A_2676, %add3A_2741 : i32
      %swap3A_2743 = arith.index_cast %add3A_2742 : i32 to index
      %swap3A_2744 = tpu.vector_load %arg12[%swap3A_2743] {strides = array<i32>} : memref<3456xi32, #tpu.memory_space<vmem>>, vector<16xi32>,
      tpu.vector_store %arg12[%swap3A_2743], %get3A_2732 {strides = array<i32>} : memref<3456xi32, #tpu.memory_space<vmem>>, vector<16xi32>,
      %get3A_2745 = arith.constant 12 : i32
      %get3A_2746 = arith.index_cast %get3A_2745 : i32 to index
      %get3A_2747 = arith.constant 64 : index
      %get3A_2748 = tpu.vector_load %arg8[%get3A_2746, %get3A_2747] {strides = array<i32>} : memref<16x256xi32, #tpu.memory_space<vmem>>, vector<16xi32>,
      %add3A_2749 = arith.constant 64 : i32
      %add3A_2750 = arith.addi %reduce_sum3A_2676, %add3A_2749 : i32
      %swap3A_2751 = arith.index_cast %add3A_2750 : i32 to index
      %swap3A_2752 = tpu.vector_load %arg10[%swap3A_2751] {strides = array<i32>} : memref<3456xi32, #tpu.memory_space<vmem>>, vector<16xi32>,
      tpu.vector_store %arg10[%swap3A_2751], %broadcast_in_dim3A_2678 {strides = array<i32>} : memref<3456xi32, #tpu.memory_space<vmem>>, vector<16xi32>,
      %add3A_2753 = arith.constant 64 : i32
      %add3A_2754 = arith.addi %reduce_sum3A_2676, %add3A_2753 : i32
      %swap3A_2755 = arith.index_cast %add3A_2754 : i32 to index
      %swap3A_2756 = tpu.vector_load %arg11[%swap3A_2755] {strides = array<i32>} : memref<3456xi32, #tpu.memory_space<vmem>>, vector<16xi32>,
      tpu.vector_store %arg11[%swap3A_2755], %broadcast_in_dim3A_2680 {strides = array<i32>} : memref<3456xi32, #tpu.memory_space<vmem>>, vector<16xi32>,
      %add3A_2757 = arith.constant 64 : i32
      %add3A_2758 = arith.addi %reduce_sum3A_2676, %add3A_2757 : i32
      %swap3A_2759 = arith.index_cast %add3A_2758 : i32 to index
      %swap3A_2760 = tpu.vector_load %arg12[%swap3A_2759] {strides = array<i32>} : memref<3456xi32, #tpu.memory_space<vmem>>, vector<16xi32>,
      tpu.vector_store %arg12[%swap3A_2759], %get3A_2748 {strides = array<i32>} : memref<3456xi32, #tpu.memory_space<vmem>>, vector<16xi32>,
      %get3A_2761 = arith.constant 12 : i32
      %get3A_2762 = arith.index_cast %get3A_2761 : i32 to index
      %get3A_2763 = arith.constant 80 : index
      %get3A_2764 = tpu.vector_load %arg8[%get3A_2762, %get3A_2763] {strides = array<i32>} : memref<16x256xi32, #tpu.memory_space<vmem>>, vector<16xi32>,
      %add3A_2765 = arith.constant 80 : i32
      %add3A_2766 = arith.addi %reduce_sum3A_2676, %add3A_2765 : i32
      %swap3A_2767 = arith.index_cast %add3A_2766 : i32 to index
      %swap3A_2768 = tpu.vector_load %arg10[%swap3A_2767] {strides = array<i32>} : memref<3456xi32, #tpu.memory_space<vmem>>, vector<16xi32>,
      tpu.vector_store %arg10[%swap3A_2767], %broadcast_in_dim3A_2678 {strides = array<i32>} : memref<3456xi32, #tpu.memory_space<vmem>>, vector<16xi32>,
      %add3A_2769 = arith.constant 80 : i32
      %add3A_2770 = arith.addi %reduce_sum3A_2676, %add3A_2769 : i32
      %swap3A_2771 = arith.index_cast %add3A_2770 : i32 to index
      %swap3A_2772 = tpu.vector_load %arg11[%swap3A_2771] {strides = array<i32>} : memref<3456xi32, #tpu.memory_space<vmem>>, vector<16xi32>,
      tpu.vector_store %arg11[%swap3A_2771], %broadcast_in_dim3A_2680 {strides = array<i32>} : memref<3456xi32, #tpu.memory_space<vmem>>, vector<16xi32>,
      %add3A_2773 = arith.constant 80 : i32
      %add3A_2774 = arith.addi %reduce_sum3A_2676, %add3A_2773 : i32
      %swap3A_2775 = arith.index_cast %add3A_2774 : i32 to index
      %swap3A_2776 = tpu.vector_load %arg12[%swap3A_2775] {strides = array<i32>} : memref<3456xi32, #tpu.memory_space<vmem>>, vector<16xi32>,
      tpu.vector_store %arg12[%swap3A_2775], %get3A_2764 {strides = array<i32>} : memref<3456xi32, #tpu.memory_space<vmem>>, vector<16xi32>,
      %get3A_2777 = arith.constant 12 : i32
      %get3A_2778 = arith.index_cast %get3A_2777 : i32 to index
      %get3A_2779 = arith.constant 96 : index
      %get3A_2780 = tpu.vector_load %arg8[%get3A_2778, %get3A_2779] {strides = array<i32>} : memref<16x256xi32, #tpu.memory_space<vmem>>, vector<16xi32>,
      %add3A_2781 = arith.constant 96 : i32
      %add3A_2782 = arith.addi %reduce_sum3A_2676, %add3A_2781 : i32
      %swap3A_2783 = arith.index_cast %add3A_2782 : i32 to index
      %swap3A_2784 = tpu.vector_load %arg10[%swap3A_2783] {strides = array<i32>} : memref<3456xi32, #tpu.memory_space<vmem>>, vector<16xi32>,
      tpu.vector_store %arg10[%swap3A_2783], %broadcast_in_dim3A_2678 {strides = array<i32>} : memref<3456xi32, #tpu.memory_space<vmem>>, vector<16xi32>,
      %add3A_2785 = arith.constant 96 : i32
      %add3A_2786 = arith.addi %reduce_sum3A_2676, %add3A_2785 : i32
      %swap3A_2787 = arith.index_cast %add3A_2786 : i32 to index
      %swap3A_2788 = tpu.vector_load %arg11[%swap3A_2787] {strides = array<i32>} : memref<3456xi32, #tpu.memory_space<vmem>>, vector<16xi32>,
      tpu.vector_store %arg11[%swap3A_2787], %broadcast_in_dim3A_2680 {strides = array<i32>} : memref<3456xi32, #tpu.memory_space<vmem>>, vector<16xi32>,
      %add3A_2789 = arith.constant 96 : i32
      %add3A_2790 = arith.addi %reduce_sum3A_2676, %add3A_2789 : i32
      %swap3A_2791 = arith.index_cast %add3A_2790 : i32 to index
      %swap3A_2792 = tpu.vector_load %arg12[%swap3A_2791] {strides = array<i32>} : memref<3456xi32, #tpu.memory_space<vmem>>, vector<16xi32>,
      tpu.vector_store %arg12[%swap3A_2791], %get3A_2780 {strides = array<i32>} : memref<3456xi32, #tpu.memory_space<vmem>>, vector<16xi32>,
      %get3A_2793 = arith.constant 12 : i32
      %get3A_2794 = arith.index_cast %get3A_2793 : i32 to index
      %get3A_2795 = arith.constant 112 : index
      %get3A_2796 = tpu.vector_load %arg8[%get3A_2794, %get3A_2795] {strides = array<i32>} : memref<16x256xi32, #tpu.memory_space<vmem>>, vector<16xi32>,
      %add3A_2797 = arith.constant 112 : i32
      %add3A_2798 = arith.addi %reduce_sum3A_2676, %add3A_2797 : i32
      %swap3A_2799 = arith.index_cast %add3A_2798 : i32 to index
      %swap3A_2800 = tpu.vector_load %arg10[%swap3A_2799] {strides = array<i32>} : memref<3456xi32, #tpu.memory_space<vmem>>, vector<16xi32>,
      tpu.vector_store %arg10[%swap3A_2799], %broadcast_in_dim3A_2678 {strides = array<i32>} : memref<3456xi32, #tpu.memory_space<vmem>>, vector<16xi32>,
      %add3A_2801 = arith.constant 112 : i32
      %add3A_2802 = arith.addi %reduce_sum3A_2676, %add3A_2801 : i32
      %swap3A_2803 = arith.index_cast %add3A_2802 : i32 to index
      %swap3A_2804 = tpu.vector_load %arg11[%swap3A_2803] {strides = array<i32>} : memref<3456xi32, #tpu.memory_space<vmem>>, vector<16xi32>,
      tpu.vector_store %arg11[%swap3A_2803], %broadcast_in_dim3A_2680 {strides = array<i32>} : memref<3456xi32, #tpu.memory_space<vmem>>, vector<16xi32>,
      %add3A_2805 = arith.constant 112 : i32
      %add3A_2806 = arith.addi %reduce_sum3A_2676, %add3A_2805 : i32
      %swap3A_2807 = arith.index_cast %add3A_2806 : i32 to index
      %swap3A_2808 = tpu.vector_load %arg12[%swap3A_2807] {strides = array<i32>} : memref<3456xi32, #tpu.memory_space<vmem>>, vector<16xi32>,
      tpu.vector_store %arg12[%swap3A_2807], %get3A_2796 {strides = array<i32>} : memref<3456xi32, #tpu.memory_space<vmem>>, vector<16xi32>,
      %get3A_2809 = arith.constant 12 : i32
      %get3A_2810 = arith.index_cast %get3A_2809 : i32 to index
      %get3A_2811 = arith.constant 128 : index
      %get3A_2812 = tpu.vector_load %arg8[%get3A_2810, %get3A_2811] {strides = array<i32>} : memref<16x256xi32, #tpu.memory_space<vmem>>, vector<16xi32>,
      %add3A_2813 = arith.constant 128 : i32
      %add3A_2814 = arith.addi %reduce_sum3A_2676, %add3A_2813 : i32
      %swap3A_2815 = arith.index_cast %add3A_2814 : i32 to index
      %swap3A_2816 = tpu.vector_load %arg10[%swap3A_2815] {strides = array<i32>} : memref<3456xi32, #tpu.memory_space<vmem>>, vector<16xi32>,
      tpu.vector_store %arg10[%swap3A_2815], %broadcast_in_dim3A_2678 {strides = array<i32>} : memref<3456xi32, #tpu.memory_space<vmem>>, vector<16xi32>,
      %add3A_2817 = arith.constant 128 : i32
      %add3A_2818 = arith.addi %reduce_sum3A_2676, %add3A_2817 : i32
      %swap3A_2819 = arith.index_cast %add3A_2818 : i32 to index
      %swap3A_2820 = tpu.vector_load %arg11[%swap3A_2819] {strides = array<i32>} : memref<3456xi32, #tpu.memory_space<vmem>>, vector<16xi32>,
      tpu.vector_store %arg11[%swap3A_2819], %broadcast_in_dim3A_2680 {strides = array<i32>} : memref<3456xi32, #tpu.memory_space<vmem>>, vector<16xi32>,
      %add3A_2821 = arith.constant 128 : i32
      %add3A_2822 = arith.addi %reduce_sum3A_2676, %add3A_2821 : i32
      %swap3A_2823 = arith.index_cast %add3A_2822 : i32 to index
      %swap3A_2824 = tpu.vector_load %arg12[%swap3A_2823] {strides = array<i32>} : memref<3456xi32, #tpu.memory_space<vmem>>, vector<16xi32>,
      tpu.vector_store %arg12[%swap3A_2823], %get3A_2812 {strides = array<i32>} : memref<3456xi32, #tpu.memory_space<vmem>>, vector<16xi32>,
      %get3A_2825 = arith.constant 12 : i32
      %get3A_2826 = arith.index_cast %get3A_2825 : i32 to index
      %get3A_2827 = arith.constant 144 : index
      %get3A_2828 = tpu.vector_load %arg8[%get3A_2826, %get3A_2827] {strides = array<i32>} : memref<16x256xi32, #tpu.memory_space<vmem>>, vector<16xi32>,
      %add3A_2829 = arith.constant 144 : i32
      %add3A_2830 = arith.addi %reduce_sum3A_2676, %add3A_2829 : i32
      %swap3A_2831 = arith.index_cast %add3A_2830 : i32 to index
      %swap3A_2832 = tpu.vector_load %arg10[%swap3A_2831] {strides = array<i32>} : memref<3456xi32, #tpu.memory_space<vmem>>, vector<16xi32>,
      tpu.vector_store %arg10[%swap3A_2831], %broadcast_in_dim3A_2678 {strides = array<i32>} : memref<3456xi32, #tpu.memory_space<vmem>>, vector<16xi32>,
      %add3A_2833 = arith.constant 144 : i32
      %add3A_2834 = arith.addi %reduce_sum3A_2676, %add3A_2833 : i32
      %swap3A_2835 = arith.index_cast %add3A_2834 : i32 to index
      %swap3A_2836 = tpu.vector_load %arg11[%swap3A_2835] {strides = array<i32>} : memref<3456xi32, #tpu.memory_space<vmem>>, vector<16xi32>,
      tpu.vector_store %arg11[%swap3A_2835], %broadcast_in_dim3A_2680 {strides = array<i32>} : memref<3456xi32, #tpu.memory_space<vmem>>, vector<16xi32>,
      %add3A_2837 = arith.constant 144 : i32
      %add3A_2838 = arith.addi %reduce_sum3A_2676, %add3A_2837 : i32
      %swap3A_2839 = arith.index_cast %add3A_2838 : i32 to index
      %swap3A_2840 = tpu.vector_load %arg12[%swap3A_2839] {strides = array<i32>} : memref<3456xi32, #tpu.memory_space<vmem>>, vector<16xi32>,
      tpu.vector_store %arg12[%swap3A_2839], %get3A_2828 {strides = array<i32>} : memref<3456xi32, #tpu.memory_space<vmem>>, vector<16xi32>,
      %get3A_2841 = arith.constant 12 : i32
      %get3A_2842 = arith.index_cast %get3A_2841 : i32 to index
      %get3A_2843 = arith.constant 160 : index
      %get3A_2844 = tpu.vector_load %arg8[%get3A_2842, %get3A_2843] {strides = array<i32>} : memref<16x256xi32, #tpu.memory_space<vmem>>, vector<16xi32>,
      %add3A_2845 = arith.constant 160 : i32
      %add3A_2846 = arith.addi %reduce_sum3A_2676, %add3A_2845 : i32
      %swap3A_2847 = arith.index_cast %add3A_2846 : i32 to index
      %swap3A_2848 = tpu.vector_load %arg10[%swap3A_2847] {strides = array<i32>} : memref<3456xi32, #tpu.memory_space<vmem>>, vector<16xi32>,
      tpu.vector_store %arg10[%swap3A_2847], %broadcast_in_dim3A_2678 {strides = array<i32>} : memref<3456xi32, #tpu.memory_space<vmem>>, vector<16xi32>,
      %add3A_2849 = arith.constant 160 : i32
      %add3A_2850 = arith.addi %reduce_sum3A_2676, %add3A_2849 : i32
      %swap3A_2851 = arith.index_cast %add3A_2850 : i32 to index
      %swap3A_2852 = tpu.vector_load %arg11[%swap3A_2851] {strides = array<i32>} : memref<3456xi32, #tpu.memory_space<vmem>>, vector<16xi32>,
      tpu.vector_store %arg11[%swap3A_2851], %broadcast_in_dim3A_2680 {strides = array<i32>} : memref<3456xi32, #tpu.memory_space<vmem>>, vector<16xi32>,
      %add3A_2853 = arith.constant 160 : i32
      %add3A_2854 = arith.addi %reduce_sum3A_2676, %add3A_2853 : i32
      %swap3A_2855 = arith.index_cast %add3A_2854 : i32 to index
      %swap3A_2856 = tpu.vector_load %arg12[%swap3A_2855] {strides = array<i32>} : memref<3456xi32, #tpu.memory_space<vmem>>, vector<16xi32>,
      tpu.vector_store %arg12[%swap3A_2855], %get3A_2844 {strides = array<i32>} : memref<3456xi32, #tpu.memory_space<vmem>>, vector<16xi32>,
      %get3A_2857 = arith.constant 12 : i32
      %get3A_2858 = arith.index_cast %get3A_2857 : i32 to index
      %get3A_2859 = arith.constant 176 : index
      %get3A_2860 = tpu.vector_load %arg8[%get3A_2858, %get3A_2859] {strides = array<i32>} : memref<16x256xi32, #tpu.memory_space<vmem>>, vector<16xi32>,
      %add3A_2861 = arith.constant 176 : i32
      %add3A_2862 = arith.addi %reduce_sum3A_2676, %add3A_2861 : i32
      %swap3A_2863 = arith.index_cast %add3A_2862 : i32 to index
      %swap3A_2864 = tpu.vector_load %arg10[%swap3A_2863] {strides = array<i32>} : memref<3456xi32, #tpu.memory_space<vmem>>, vector<16xi32>,
      tpu.vector_store %arg10[%swap3A_2863], %broadcast_in_dim3A_2678 {strides = array<i32>} : memref<3456xi32, #tpu.memory_space<vmem>>, vector<16xi32>,
      %add3A_2865 = arith.constant 176 : i32
      %add3A_2866 = arith.addi %reduce_sum3A_2676, %add3A_2865 : i32
      %swap3A_2867 = arith.index_cast %add3A_2866 : i32 to index
      %swap3A_2868 = tpu.vector_load %arg11[%swap3A_2867] {strides = array<i32>} : memref<3456xi32, #tpu.memory_space<vmem>>, vector<16xi32>,
      tpu.vector_store %arg11[%swap3A_2867], %broadcast_in_dim3A_2680 {strides = array<i32>} : memref<3456xi32, #tpu.memory_space<vmem>>, vector<16xi32>,
      %add3A_2869 = arith.constant 176 : i32
      %add3A_2870 = arith.addi %reduce_sum3A_2676, %add3A_2869 : i32
      %swap3A_2871 = arith.index_cast %add3A_2870 : i32 to index
      %swap3A_2872 = tpu.vector_load %arg12[%swap3A_2871] {strides = array<i32>} : memref<3456xi32, #tpu.memory_space<vmem>>, vector<16xi32>,
      tpu.vector_store %arg12[%swap3A_2871], %get3A_2860 {strides = array<i32>} : memref<3456xi32, #tpu.memory_space<vmem>>, vector<16xi32>,
      %get3A_2873 = arith.constant 12 : i32
      %get3A_2874 = arith.index_cast %get3A_2873 : i32 to index
      %get3A_2875 = arith.constant 192 : index
      %get3A_2876 = tpu.vector_load %arg8[%get3A_2874, %get3A_2875] {strides = array<i32>} : memref<16x256xi32, #tpu.memory_space<vmem>>, vector<16xi32>,
      %add3A_2877 = arith.constant 192 : i32
      %add3A_2878 = arith.addi %reduce_sum3A_2676, %add3A_2877 : i32
      %swap3A_2879 = arith.index_cast %add3A_2878 : i32 to index
      %swap3A_2880 = tpu.vector_load %arg10[%swap3A_2879] {strides = array<i32>} : memref<3456xi32, #tpu.memory_space<vmem>>, vector<16xi32>,
      tpu.vector_store %arg10[%swap3A_2879], %broadcast_in_dim3A_2678 {strides = array<i32>} : memref<3456xi32, #tpu.memory_space<vmem>>, vector<16xi32>,
      %add3A_2881 = arith.constant 192 : i32
      %add3A_2882 = arith.addi %reduce_sum3A_2676, %add3A_2881 : i32
      %swap3A_2883 = arith.index_cast %add3A_2882 : i32 to index
      %swap3A_2884 = tpu.vector_load %arg11[%swap3A_2883] {strides = array<i32>} : memref<3456xi32, #tpu.memory_space<vmem>>, vector<16xi32>,
      tpu.vector_store %arg11[%swap3A_2883], %broadcast_in_dim3A_2680 {strides = array<i32>} : memref<3456xi32, #tpu.memory_space<vmem>>, vector<16xi32>,
      %add3A_2885 = arith.constant 192 : i32
      %add3A_2886 = arith.addi %reduce_sum3A_2676, %add3A_2885 : i32
      %swap3A_2887 = arith.index_cast %add3A_2886 : i32 to index
      %swap3A_2888 = tpu.vector_load %arg12[%swap3A_2887] {strides = array<i32>} : memref<3456xi32, #tpu.memory_space<vmem>>, vector<16xi32>,
      tpu.vector_store %arg12[%swap3A_2887], %get3A_2876 {strides = array<i32>} : memref<3456xi32, #tpu.memory_space<vmem>>, vector<16xi32>,
      %eq3A_2889 = arith.constant 13 : i32
      %eq3A_2890 = vector.broadcast %eq3A_2889 : i32 to vector<16xi32>
      %eq3A_2891 = arith.cmpi eq, %iota3A, %eq3A_2890 : vector<16xi32>
      %jit3A_2892 = arith.constant 0 : i32
      %broadcast_in_dim3A_2893 = vector.broadcast %jit3A_2892 : i32 to vector<16xi32>
      %select_n3A_2894 = arith.select %eq3A_2891, %sub3A, %broadcast_in_dim3A_2893 : vector<16xi1>, vector<16xi32>
      %reduce_sum3A_2895 = arith.constant true
      %reduce_sum3A_2896 = vector.broadcast %reduce_sum3A_2895 : i1 to vector<16xi1>
      %reduce_sum3A_2897 = tpu.scan <sum>, %select_n3A_2894 masked %reduce_sum3A_2896 : vector<16xi32>, vector<16xi1> -> vector<16xi32>
      %reduce_sum3A_2898 = vector.extract %reduce_sum3A_2897[15] : i32 from vector<16xi32>
      %broadcast_in_dim3A_2899 = arith.constant 1 : i32
      %broadcast_in_dim3A_2900 = vector.broadcast %broadcast_in_dim3A_2899 : i32 to vector<16xi32>
      %broadcast_in_dim3A_2901 = arith.constant 5 : i32
      %broadcast_in_dim3A_2902 = vector.broadcast %broadcast_in_dim3A_2901 : i32 to vector<16xi32>
      %get3A_2903 = arith.constant 13 : i32
      %get3A_2904 = arith.index_cast %get3A_2903 : i32 to index
      %get3A_2905 = arith.constant 0 : index
      %get3A_2906 = tpu.vector_load %arg8[%get3A_2904, %get3A_2905] {strides = array<i32>} : memref<16x256xi32, #tpu.memory_space<vmem>>, vector<16xi32>,
      %add3A_2907 = arith.constant 0 : i32
      %add3A_2908 = arith.addi %reduce_sum3A_2898, %add3A_2907 : i32
      %swap3A_2909 = arith.index_cast %add3A_2908 : i32 to index
      %swap3A_2910 = tpu.vector_load %arg10[%swap3A_2909] {strides = array<i32>} : memref<3456xi32, #tpu.memory_space<vmem>>, vector<16xi32>,
      tpu.vector_store %arg10[%swap3A_2909], %broadcast_in_dim3A_2900 {strides = array<i32>} : memref<3456xi32, #tpu.memory_space<vmem>>, vector<16xi32>,
      %add3A_2911 = arith.constant 0 : i32
      %add3A_2912 = arith.addi %reduce_sum3A_2898, %add3A_2911 : i32
      %swap3A_2913 = arith.index_cast %add3A_2912 : i32 to index
      %swap3A_2914 = tpu.vector_load %arg11[%swap3A_2913] {strides = array<i32>} : memref<3456xi32, #tpu.memory_space<vmem>>, vector<16xi32>,
      tpu.vector_store %arg11[%swap3A_2913], %broadcast_in_dim3A_2902 {strides = array<i32>} : memref<3456xi32, #tpu.memory_space<vmem>>, vector<16xi32>,
      %add3A_2915 = arith.constant 0 : i32
      %add3A_2916 = arith.addi %reduce_sum3A_2898, %add3A_2915 : i32
      %swap3A_2917 = arith.index_cast %add3A_2916 : i32 to index
      %swap3A_2918 = tpu.vector_load %arg12[%swap3A_2917] {strides = array<i32>} : memref<3456xi32, #tpu.memory_space<vmem>>, vector<16xi32>,
      tpu.vector_store %arg12[%swap3A_2917], %get3A_2906 {strides = array<i32>} : memref<3456xi32, #tpu.memory_space<vmem>>, vector<16xi32>,
      %get3A_2919 = arith.constant 13 : i32
      %get3A_2920 = arith.index_cast %get3A_2919 : i32 to index
      %get3A_2921 = arith.constant 16 : index
      %get3A_2922 = tpu.vector_load %arg8[%get3A_2920, %get3A_2921] {strides = array<i32>} : memref<16x256xi32, #tpu.memory_space<vmem>>, vector<16xi32>,
      %add3A_2923 = arith.constant 16 : i32
      %add3A_2924 = arith.addi %reduce_sum3A_2898, %add3A_2923 : i32
      %swap3A_2925 = arith.index_cast %add3A_2924 : i32 to index
      %swap3A_2926 = tpu.vector_load %arg10[%swap3A_2925] {strides = array<i32>} : memref<3456xi32, #tpu.memory_space<vmem>>, vector<16xi32>,
      tpu.vector_store %arg10[%swap3A_2925], %broadcast_in_dim3A_2900 {strides = array<i32>} : memref<3456xi32, #tpu.memory_space<vmem>>, vector<16xi32>,
      %add3A_2927 = arith.constant 16 : i32
      %add3A_2928 = arith.addi %reduce_sum3A_2898, %add3A_2927 : i32
      %swap3A_2929 = arith.index_cast %add3A_2928 : i32 to index
      %swap3A_2930 = tpu.vector_load %arg11[%swap3A_2929] {strides = array<i32>} : memref<3456xi32, #tpu.memory_space<vmem>>, vector<16xi32>,
      tpu.vector_store %arg11[%swap3A_2929], %broadcast_in_dim3A_2902 {strides = array<i32>} : memref<3456xi32, #tpu.memory_space<vmem>>, vector<16xi32>,
      %add3A_2931 = arith.constant 16 : i32
      %add3A_2932 = arith.addi %reduce_sum3A_2898, %add3A_2931 : i32
      %swap3A_2933 = arith.index_cast %add3A_2932 : i32 to index
      %swap3A_2934 = tpu.vector_load %arg12[%swap3A_2933] {strides = array<i32>} : memref<3456xi32, #tpu.memory_space<vmem>>, vector<16xi32>,
      tpu.vector_store %arg12[%swap3A_2933], %get3A_2922 {strides = array<i32>} : memref<3456xi32, #tpu.memory_space<vmem>>, vector<16xi32>,
      %get3A_2935 = arith.constant 13 : i32
      %get3A_2936 = arith.index_cast %get3A_2935 : i32 to index
      %get3A_2937 = arith.constant 32 : index
      %get3A_2938 = tpu.vector_load %arg8[%get3A_2936, %get3A_2937] {strides = array<i32>} : memref<16x256xi32, #tpu.memory_space<vmem>>, vector<16xi32>,
      %add3A_2939 = arith.constant 32 : i32
      %add3A_2940 = arith.addi %reduce_sum3A_2898, %add3A_2939 : i32
      %swap3A_2941 = arith.index_cast %add3A_2940 : i32 to index
      %swap3A_2942 = tpu.vector_load %arg10[%swap3A_2941] {strides = array<i32>} : memref<3456xi32, #tpu.memory_space<vmem>>, vector<16xi32>,
      tpu.vector_store %arg10[%swap3A_2941], %broadcast_in_dim3A_2900 {strides = array<i32>} : memref<3456xi32, #tpu.memory_space<vmem>>, vector<16xi32>,
      %add3A_2943 = arith.constant 32 : i32
      %add3A_2944 = arith.addi %reduce_sum3A_2898, %add3A_2943 : i32
      %swap3A_2945 = arith.index_cast %add3A_2944 : i32 to index
      %swap3A_2946 = tpu.vector_load %arg11[%swap3A_2945] {strides = array<i32>} : memref<3456xi32, #tpu.memory_space<vmem>>, vector<16xi32>,
      tpu.vector_store %arg11[%swap3A_2945], %broadcast_in_dim3A_2902 {strides = array<i32>} : memref<3456xi32, #tpu.memory_space<vmem>>, vector<16xi32>,
      %add3A_2947 = arith.constant 32 : i32
      %add3A_2948 = arith.addi %reduce_sum3A_2898, %add3A_2947 : i32
      %swap3A_2949 = arith.index_cast %add3A_2948 : i32 to index
      %swap3A_2950 = tpu.vector_load %arg12[%swap3A_2949] {strides = array<i32>} : memref<3456xi32, #tpu.memory_space<vmem>>, vector<16xi32>,
      tpu.vector_store %arg12[%swap3A_2949], %get3A_2938 {strides = array<i32>} : memref<3456xi32, #tpu.memory_space<vmem>>, vector<16xi32>,
      %get3A_2951 = arith.constant 13 : i32
      %get3A_2952 = arith.index_cast %get3A_2951 : i32 to index
      %get3A_2953 = arith.constant 48 : index
      %get3A_2954 = tpu.vector_load %arg8[%get3A_2952, %get3A_2953] {strides = array<i32>} : memref<16x256xi32, #tpu.memory_space<vmem>>, vector<16xi32>,
      %add3A_2955 = arith.constant 48 : i32
      %add3A_2956 = arith.addi %reduce_sum3A_2898, %add3A_2955 : i32
      %swap3A_2957 = arith.index_cast %add3A_2956 : i32 to index
      %swap3A_2958 = tpu.vector_load %arg10[%swap3A_2957] {strides = array<i32>} : memref<3456xi32, #tpu.memory_space<vmem>>, vector<16xi32>,
      tpu.vector_store %arg10[%swap3A_2957], %broadcast_in_dim3A_2900 {strides = array<i32>} : memref<3456xi32, #tpu.memory_space<vmem>>, vector<16xi32>,
      %add3A_2959 = arith.constant 48 : i32
      %add3A_2960 = arith.addi %reduce_sum3A_2898, %add3A_2959 : i32
      %swap3A_2961 = arith.index_cast %add3A_2960 : i32 to index
      %swap3A_2962 = tpu.vector_load %arg11[%swap3A_2961] {strides = array<i32>} : memref<3456xi32, #tpu.memory_space<vmem>>, vector<16xi32>,
      tpu.vector_store %arg11[%swap3A_2961], %broadcast_in_dim3A_2902 {strides = array<i32>} : memref<3456xi32, #tpu.memory_space<vmem>>, vector<16xi32>,
      %add3A_2963 = arith.constant 48 : i32
      %add3A_2964 = arith.addi %reduce_sum3A_2898, %add3A_2963 : i32
      %swap3A_2965 = arith.index_cast %add3A_2964 : i32 to index
      %swap3A_2966 = tpu.vector_load %arg12[%swap3A_2965] {strides = array<i32>} : memref<3456xi32, #tpu.memory_space<vmem>>, vector<16xi32>,
      tpu.vector_store %arg12[%swap3A_2965], %get3A_2954 {strides = array<i32>} : memref<3456xi32, #tpu.memory_space<vmem>>, vector<16xi32>,
      %get3A_2967 = arith.constant 13 : i32
      %get3A_2968 = arith.index_cast %get3A_2967 : i32 to index
      %get3A_2969 = arith.constant 64 : index
      %get3A_2970 = tpu.vector_load %arg8[%get3A_2968, %get3A_2969] {strides = array<i32>} : memref<16x256xi32, #tpu.memory_space<vmem>>, vector<16xi32>,
      %add3A_2971 = arith.constant 64 : i32
      %add3A_2972 = arith.addi %reduce_sum3A_2898, %add3A_2971 : i32
      %swap3A_2973 = arith.index_cast %add3A_2972 : i32 to index
      %swap3A_2974 = tpu.vector_load %arg10[%swap3A_2973] {strides = array<i32>} : memref<3456xi32, #tpu.memory_space<vmem>>, vector<16xi32>,
      tpu.vector_store %arg10[%swap3A_2973], %broadcast_in_dim3A_2900 {strides = array<i32>} : memref<3456xi32, #tpu.memory_space<vmem>>, vector<16xi32>,
      %add3A_2975 = arith.constant 64 : i32
      %add3A_2976 = arith.addi %reduce_sum3A_2898, %add3A_2975 : i32
      %swap3A_2977 = arith.index_cast %add3A_2976 : i32 to index
      %swap3A_2978 = tpu.vector_load %arg11[%swap3A_2977] {strides = array<i32>} : memref<3456xi32, #tpu.memory_space<vmem>>, vector<16xi32>,
      tpu.vector_store %arg11[%swap3A_2977], %broadcast_in_dim3A_2902 {strides = array<i32>} : memref<3456xi32, #tpu.memory_space<vmem>>, vector<16xi32>,
      %add3A_2979 = arith.constant 64 : i32
      %add3A_2980 = arith.addi %reduce_sum3A_2898, %add3A_2979 : i32
      %swap3A_2981 = arith.index_cast %add3A_2980 : i32 to index
      %swap3A_2982 = tpu.vector_load %arg12[%swap3A_2981] {strides = array<i32>} : memref<3456xi32, #tpu.memory_space<vmem>>, vector<16xi32>,
      tpu.vector_store %arg12[%swap3A_2981], %get3A_2970 {strides = array<i32>} : memref<3456xi32, #tpu.memory_space<vmem>>, vector<16xi32>,
      %get3A_2983 = arith.constant 13 : i32
      %get3A_2984 = arith.index_cast %get3A_2983 : i32 to index
      %get3A_2985 = arith.constant 80 : index
      %get3A_2986 = tpu.vector_load %arg8[%get3A_2984, %get3A_2985] {strides = array<i32>} : memref<16x256xi32, #tpu.memory_space<vmem>>, vector<16xi32>,
      %add3A_2987 = arith.constant 80 : i32
      %add3A_2988 = arith.addi %reduce_sum3A_2898, %add3A_2987 : i32
      %swap3A_2989 = arith.index_cast %add3A_2988 : i32 to index
      %swap3A_2990 = tpu.vector_load %arg10[%swap3A_2989] {strides = array<i32>} : memref<3456xi32, #tpu.memory_space<vmem>>, vector<16xi32>,
      tpu.vector_store %arg10[%swap3A_2989], %broadcast_in_dim3A_2900 {strides = array<i32>} : memref<3456xi32, #tpu.memory_space<vmem>>, vector<16xi32>,
      %add3A_2991 = arith.constant 80 : i32
      %add3A_2992 = arith.addi %reduce_sum3A_2898, %add3A_2991 : i32
      %swap3A_2993 = arith.index_cast %add3A_2992 : i32 to index
      %swap3A_2994 = tpu.vector_load %arg11[%swap3A_2993] {strides = array<i32>} : memref<3456xi32, #tpu.memory_space<vmem>>, vector<16xi32>,
      tpu.vector_store %arg11[%swap3A_2993], %broadcast_in_dim3A_2902 {strides = array<i32>} : memref<3456xi32, #tpu.memory_space<vmem>>, vector<16xi32>,
      %add3A_2995 = arith.constant 80 : i32
      %add3A_2996 = arith.addi %reduce_sum3A_2898, %add3A_2995 : i32
      %swap3A_2997 = arith.index_cast %add3A_2996 : i32 to index
      %swap3A_2998 = tpu.vector_load %arg12[%swap3A_2997] {strides = array<i32>} : memref<3456xi32, #tpu.memory_space<vmem>>, vector<16xi32>,
      tpu.vector_store %arg12[%swap3A_2997], %get3A_2986 {strides = array<i32>} : memref<3456xi32, #tpu.memory_space<vmem>>, vector<16xi32>,
      %get3A_2999 = arith.constant 13 : i32
      %get3A_3000 = arith.index_cast %get3A_2999 : i32 to index
      %get3A_3001 = arith.constant 96 : index
      %get3A_3002 = tpu.vector_load %arg8[%get3A_3000, %get3A_3001] {strides = array<i32>} : memref<16x256xi32, #tpu.memory_space<vmem>>, vector<16xi32>,
      %add3A_3003 = arith.constant 96 : i32
      %add3A_3004 = arith.addi %reduce_sum3A_2898, %add3A_3003 : i32
      %swap3A_3005 = arith.index_cast %add3A_3004 : i32 to index
      %swap3A_3006 = tpu.vector_load %arg10[%swap3A_3005] {strides = array<i32>} : memref<3456xi32, #tpu.memory_space<vmem>>, vector<16xi32>,
      tpu.vector_store %arg10[%swap3A_3005], %broadcast_in_dim3A_2900 {strides = array<i32>} : memref<3456xi32, #tpu.memory_space<vmem>>, vector<16xi32>,
      %add3A_3007 = arith.constant 96 : i32
      %add3A_3008 = arith.addi %reduce_sum3A_2898, %add3A_3007 : i32
      %swap3A_3009 = arith.index_cast %add3A_3008 : i32 to index
      %swap3A_3010 = tpu.vector_load %arg11[%swap3A_3009] {strides = array<i32>} : memref<3456xi32, #tpu.memory_space<vmem>>, vector<16xi32>,
      tpu.vector_store %arg11[%swap3A_3009], %broadcast_in_dim3A_2902 {strides = array<i32>} : memref<3456xi32, #tpu.memory_space<vmem>>, vector<16xi32>,
      %add3A_3011 = arith.constant 96 : i32
      %add3A_3012 = arith.addi %reduce_sum3A_2898, %add3A_3011 : i32
      %swap3A_3013 = arith.index_cast %add3A_3012 : i32 to index
      %swap3A_3014 = tpu.vector_load %arg12[%swap3A_3013] {strides = array<i32>} : memref<3456xi32, #tpu.memory_space<vmem>>, vector<16xi32>,
      tpu.vector_store %arg12[%swap3A_3013], %get3A_3002 {strides = array<i32>} : memref<3456xi32, #tpu.memory_space<vmem>>, vector<16xi32>,
      %get3A_3015 = arith.constant 13 : i32
      %get3A_3016 = arith.index_cast %get3A_3015 : i32 to index
      %get3A_3017 = arith.constant 112 : index
      %get3A_3018 = tpu.vector_load %arg8[%get3A_3016, %get3A_3017] {strides = array<i32>} : memref<16x256xi32, #tpu.memory_space<vmem>>, vector<16xi32>,
      %add3A_3019 = arith.constant 112 : i32
      %add3A_3020 = arith.addi %reduce_sum3A_2898, %add3A_3019 : i32
      %swap3A_3021 = arith.index_cast %add3A_3020 : i32 to index
      %swap3A_3022 = tpu.vector_load %arg10[%swap3A_3021] {strides = array<i32>} : memref<3456xi32, #tpu.memory_space<vmem>>, vector<16xi32>,
      tpu.vector_store %arg10[%swap3A_3021], %broadcast_in_dim3A_2900 {strides = array<i32>} : memref<3456xi32, #tpu.memory_space<vmem>>, vector<16xi32>,
      %add3A_3023 = arith.constant 112 : i32
      %add3A_3024 = arith.addi %reduce_sum3A_2898, %add3A_3023 : i32
      %swap3A_3025 = arith.index_cast %add3A_3024 : i32 to index
      %swap3A_3026 = tpu.vector_load %arg11[%swap3A_3025] {strides = array<i32>} : memref<3456xi32, #tpu.memory_space<vmem>>, vector<16xi32>,
      tpu.vector_store %arg11[%swap3A_3025], %broadcast_in_dim3A_2902 {strides = array<i32>} : memref<3456xi32, #tpu.memory_space<vmem>>, vector<16xi32>,
      %add3A_3027 = arith.constant 112 : i32
      %add3A_3028 = arith.addi %reduce_sum3A_2898, %add3A_3027 : i32
      %swap3A_3029 = arith.index_cast %add3A_3028 : i32 to index
      %swap3A_3030 = tpu.vector_load %arg12[%swap3A_3029] {strides = array<i32>} : memref<3456xi32, #tpu.memory_space<vmem>>, vector<16xi32>,
      tpu.vector_store %arg12[%swap3A_3029], %get3A_3018 {strides = array<i32>} : memref<3456xi32, #tpu.memory_space<vmem>>, vector<16xi32>,
      %get3A_3031 = arith.constant 13 : i32
      %get3A_3032 = arith.index_cast %get3A_3031 : i32 to index
      %get3A_3033 = arith.constant 128 : index
      %get3A_3034 = tpu.vector_load %arg8[%get3A_3032, %get3A_3033] {strides = array<i32>} : memref<16x256xi32, #tpu.memory_space<vmem>>, vector<16xi32>,
      %add3A_3035 = arith.constant 128 : i32
      %add3A_3036 = arith.addi %reduce_sum3A_2898, %add3A_3035 : i32
      %swap3A_3037 = arith.index_cast %add3A_3036 : i32 to index
      %swap3A_3038 = tpu.vector_load %arg10[%swap3A_3037] {strides = array<i32>} : memref<3456xi32, #tpu.memory_space<vmem>>, vector<16xi32>,
      tpu.vector_store %arg10[%swap3A_3037], %broadcast_in_dim3A_2900 {strides = array<i32>} : memref<3456xi32, #tpu.memory_space<vmem>>, vector<16xi32>,
      %add3A_3039 = arith.constant 128 : i32
      %add3A_3040 = arith.addi %reduce_sum3A_2898, %add3A_3039 : i32
      %swap3A_3041 = arith.index_cast %add3A_3040 : i32 to index
      %swap3A_3042 = tpu.vector_load %arg11[%swap3A_3041] {strides = array<i32>} : memref<3456xi32, #tpu.memory_space<vmem>>, vector<16xi32>,
      tpu.vector_store %arg11[%swap3A_3041], %broadcast_in_dim3A_2902 {strides = array<i32>} : memref<3456xi32, #tpu.memory_space<vmem>>, vector<16xi32>,
      %add3A_3043 = arith.constant 128 : i32
      %add3A_3044 = arith.addi %reduce_sum3A_2898, %add3A_3043 : i32
      %swap3A_3045 = arith.index_cast %add3A_3044 : i32 to index
      %swap3A_3046 = tpu.vector_load %arg12[%swap3A_3045] {strides = array<i32>} : memref<3456xi32, #tpu.memory_space<vmem>>, vector<16xi32>,
      tpu.vector_store %arg12[%swap3A_3045], %get3A_3034 {strides = array<i32>} : memref<3456xi32, #tpu.memory_space<vmem>>, vector<16xi32>,
      %get3A_3047 = arith.constant 13 : i32
      %get3A_3048 = arith.index_cast %get3A_3047 : i32 to index
      %get3A_3049 = arith.constant 144 : index
      %get3A_3050 = tpu.vector_load %arg8[%get3A_3048, %get3A_3049] {strides = array<i32>} : memref<16x256xi32, #tpu.memory_space<vmem>>, vector<16xi32>,
      %add3A_3051 = arith.constant 144 : i32
      %add3A_3052 = arith.addi %reduce_sum3A_2898, %add3A_3051 : i32
      %swap3A_3053 = arith.index_cast %add3A_3052 : i32 to index
      %swap3A_3054 = tpu.vector_load %arg10[%swap3A_3053] {strides = array<i32>} : memref<3456xi32, #tpu.memory_space<vmem>>, vector<16xi32>,
      tpu.vector_store %arg10[%swap3A_3053], %broadcast_in_dim3A_2900 {strides = array<i32>} : memref<3456xi32, #tpu.memory_space<vmem>>, vector<16xi32>,
      %add3A_3055 = arith.constant 144 : i32
      %add3A_3056 = arith.addi %reduce_sum3A_2898, %add3A_3055 : i32
      %swap3A_3057 = arith.index_cast %add3A_3056 : i32 to index
      %swap3A_3058 = tpu.vector_load %arg11[%swap3A_3057] {strides = array<i32>} : memref<3456xi32, #tpu.memory_space<vmem>>, vector<16xi32>,
      tpu.vector_store %arg11[%swap3A_3057], %broadcast_in_dim3A_2902 {strides = array<i32>} : memref<3456xi32, #tpu.memory_space<vmem>>, vector<16xi32>,
      %add3A_3059 = arith.constant 144 : i32
      %add3A_3060 = arith.addi %reduce_sum3A_2898, %add3A_3059 : i32
      %swap3A_3061 = arith.index_cast %add3A_3060 : i32 to index
      %swap3A_3062 = tpu.vector_load %arg12[%swap3A_3061] {strides = array<i32>} : memref<3456xi32, #tpu.memory_space<vmem>>, vector<16xi32>,
      tpu.vector_store %arg12[%swap3A_3061], %get3A_3050 {strides = array<i32>} : memref<3456xi32, #tpu.memory_space<vmem>>, vector<16xi32>,
      %get3A_3063 = arith.constant 13 : i32
      %get3A_3064 = arith.index_cast %get3A_3063 : i32 to index
      %get3A_3065 = arith.constant 160 : index
      %get3A_3066 = tpu.vector_load %arg8[%get3A_3064, %get3A_3065] {strides = array<i32>} : memref<16x256xi32, #tpu.memory_space<vmem>>, vector<16xi32>,
      %add3A_3067 = arith.constant 160 : i32
      %add3A_3068 = arith.addi %reduce_sum3A_2898, %add3A_3067 : i32
      %swap3A_3069 = arith.index_cast %add3A_3068 : i32 to index
      %swap3A_3070 = tpu.vector_load %arg10[%swap3A_3069] {strides = array<i32>} : memref<3456xi32, #tpu.memory_space<vmem>>, vector<16xi32>,
      tpu.vector_store %arg10[%swap3A_3069], %broadcast_in_dim3A_2900 {strides = array<i32>} : memref<3456xi32, #tpu.memory_space<vmem>>, vector<16xi32>,
      %add3A_3071 = arith.constant 160 : i32
      %add3A_3072 = arith.addi %reduce_sum3A_2898, %add3A_3071 : i32
      %swap3A_3073 = arith.index_cast %add3A_3072 : i32 to index
      %swap3A_3074 = tpu.vector_load %arg11[%swap3A_3073] {strides = array<i32>} : memref<3456xi32, #tpu.memory_space<vmem>>, vector<16xi32>,
      tpu.vector_store %arg11[%swap3A_3073], %broadcast_in_dim3A_2902 {strides = array<i32>} : memref<3456xi32, #tpu.memory_space<vmem>>, vector<16xi32>,
      %add3A_3075 = arith.constant 160 : i32
      %add3A_3076 = arith.addi %reduce_sum3A_2898, %add3A_3075 : i32
      %swap3A_3077 = arith.index_cast %add3A_3076 : i32 to index
      %swap3A_3078 = tpu.vector_load %arg12[%swap3A_3077] {strides = array<i32>} : memref<3456xi32, #tpu.memory_space<vmem>>, vector<16xi32>,
      tpu.vector_store %arg12[%swap3A_3077], %get3A_3066 {strides = array<i32>} : memref<3456xi32, #tpu.memory_space<vmem>>, vector<16xi32>,
      %get3A_3079 = arith.constant 13 : i32
      %get3A_3080 = arith.index_cast %get3A_3079 : i32 to index
      %get3A_3081 = arith.constant 176 : index
      %get3A_3082 = tpu.vector_load %arg8[%get3A_3080, %get3A_3081] {strides = array<i32>} : memref<16x256xi32, #tpu.memory_space<vmem>>, vector<16xi32>,
      %add3A_3083 = arith.constant 176 : i32
      %add3A_3084 = arith.addi %reduce_sum3A_2898, %add3A_3083 : i32
      %swap3A_3085 = arith.index_cast %add3A_3084 : i32 to index
      %swap3A_3086 = tpu.vector_load %arg10[%swap3A_3085] {strides = array<i32>} : memref<3456xi32, #tpu.memory_space<vmem>>, vector<16xi32>,
      tpu.vector_store %arg10[%swap3A_3085], %broadcast_in_dim3A_2900 {strides = array<i32>} : memref<3456xi32, #tpu.memory_space<vmem>>, vector<16xi32>,
      %add3A_3087 = arith.constant 176 : i32
      %add3A_3088 = arith.addi %reduce_sum3A_2898, %add3A_3087 : i32
      %swap3A_3089 = arith.index_cast %add3A_3088 : i32 to index
      %swap3A_3090 = tpu.vector_load %arg11[%swap3A_3089] {strides = array<i32>} : memref<3456xi32, #tpu.memory_space<vmem>>, vector<16xi32>,
      tpu.vector_store %arg11[%swap3A_3089], %broadcast_in_dim3A_2902 {strides = array<i32>} : memref<3456xi32, #tpu.memory_space<vmem>>, vector<16xi32>,
      %add3A_3091 = arith.constant 176 : i32
      %add3A_3092 = arith.addi %reduce_sum3A_2898, %add3A_3091 : i32
      %swap3A_3093 = arith.index_cast %add3A_3092 : i32 to index
      %swap3A_3094 = tpu.vector_load %arg12[%swap3A_3093] {strides = array<i32>} : memref<3456xi32, #tpu.memory_space<vmem>>, vector<16xi32>,
      tpu.vector_store %arg12[%swap3A_3093], %get3A_3082 {strides = array<i32>} : memref<3456xi32, #tpu.memory_space<vmem>>, vector<16xi32>,
      %get3A_3095 = arith.constant 13 : i32
      %get3A_3096 = arith.index_cast %get3A_3095 : i32 to index
      %get3A_3097 = arith.constant 192 : index
      %get3A_3098 = tpu.vector_load %arg8[%get3A_3096, %get3A_3097] {strides = array<i32>} : memref<16x256xi32, #tpu.memory_space<vmem>>, vector<16xi32>,
      %add3A_3099 = arith.constant 192 : i32
      %add3A_3100 = arith.addi %reduce_sum3A_2898, %add3A_3099 : i32
      %swap3A_3101 = arith.index_cast %add3A_3100 : i32 to index
      %swap3A_3102 = tpu.vector_load %arg10[%swap3A_3101] {strides = array<i32>} : memref<3456xi32, #tpu.memory_space<vmem>>, vector<16xi32>,
      tpu.vector_store %arg10[%swap3A_3101], %broadcast_in_dim3A_2900 {strides = array<i32>} : memref<3456xi32, #tpu.memory_space<vmem>>, vector<16xi32>,
      %add3A_3103 = arith.constant 192 : i32
      %add3A_3104 = arith.addi %reduce_sum3A_2898, %add3A_3103 : i32
      %swap3A_3105 = arith.index_cast %add3A_3104 : i32 to index
      %swap3A_3106 = tpu.vector_load %arg11[%swap3A_3105] {strides = array<i32>} : memref<3456xi32, #tpu.memory_space<vmem>>, vector<16xi32>,
      tpu.vector_store %arg11[%swap3A_3105], %broadcast_in_dim3A_2902 {strides = array<i32>} : memref<3456xi32, #tpu.memory_space<vmem>>, vector<16xi32>,
      %add3A_3107 = arith.constant 192 : i32
      %add3A_3108 = arith.addi %reduce_sum3A_2898, %add3A_3107 : i32
      %swap3A_3109 = arith.index_cast %add3A_3108 : i32 to index
      %swap3A_3110 = tpu.vector_load %arg12[%swap3A_3109] {strides = array<i32>} : memref<3456xi32, #tpu.memory_space<vmem>>, vector<16xi32>,
      tpu.vector_store %arg12[%swap3A_3109], %get3A_3098 {strides = array<i32>} : memref<3456xi32, #tpu.memory_space<vmem>>, vector<16xi32>,
      %eq3A_3111 = arith.constant 14 : i32
      %eq3A_3112 = vector.broadcast %eq3A_3111 : i32 to vector<16xi32>
      %eq3A_3113 = arith.cmpi eq, %iota3A, %eq3A_3112 : vector<16xi32>
      %jit3A_3114 = arith.constant 0 : i32
      %broadcast_in_dim3A_3115 = vector.broadcast %jit3A_3114 : i32 to vector<16xi32>
      %select_n3A_3116 = arith.select %eq3A_3113, %sub3A, %broadcast_in_dim3A_3115 : vector<16xi1>, vector<16xi32>
      %reduce_sum3A_3117 = arith.constant true
      %reduce_sum3A_3118 = vector.broadcast %reduce_sum3A_3117 : i1 to vector<16xi1>
      %reduce_sum3A_3119 = tpu.scan <sum>, %select_n3A_3116 masked %reduce_sum3A_3118 : vector<16xi32>, vector<16xi1> -> vector<16xi32>
      %reduce_sum3A_3120 = vector.extract %reduce_sum3A_3119[15] : i32 from vector<16xi32>
      %broadcast_in_dim3A_3121 = arith.constant 1 : i32
      %broadcast_in_dim3A_3122 = vector.broadcast %broadcast_in_dim3A_3121 : i32 to vector<16xi32>
      %broadcast_in_dim3A_3123 = arith.constant 6 : i32
      %broadcast_in_dim3A_3124 = vector.broadcast %broadcast_in_dim3A_3123 : i32 to vector<16xi32>
      %get3A_3125 = arith.constant 14 : i32
      %get3A_3126 = arith.index_cast %get3A_3125 : i32 to index
      %get3A_3127 = arith.constant 0 : index
      %get3A_3128 = tpu.vector_load %arg8[%get3A_3126, %get3A_3127] {strides = array<i32>} : memref<16x256xi32, #tpu.memory_space<vmem>>, vector<16xi32>,
      %add3A_3129 = arith.constant 0 : i32
      %add3A_3130 = arith.addi %reduce_sum3A_3120, %add3A_3129 : i32
      %swap3A_3131 = arith.index_cast %add3A_3130 : i32 to index
      %swap3A_3132 = tpu.vector_load %arg10[%swap3A_3131] {strides = array<i32>} : memref<3456xi32, #tpu.memory_space<vmem>>, vector<16xi32>,
      tpu.vector_store %arg10[%swap3A_3131], %broadcast_in_dim3A_3122 {strides = array<i32>} : memref<3456xi32, #tpu.memory_space<vmem>>, vector<16xi32>,
      %add3A_3133 = arith.constant 0 : i32
      %add3A_3134 = arith.addi %reduce_sum3A_3120, %add3A_3133 : i32
      %swap3A_3135 = arith.index_cast %add3A_3134 : i32 to index
      %swap3A_3136 = tpu.vector_load %arg11[%swap3A_3135] {strides = array<i32>} : memref<3456xi32, #tpu.memory_space<vmem>>, vector<16xi32>,
      tpu.vector_store %arg11[%swap3A_3135], %broadcast_in_dim3A_3124 {strides = array<i32>} : memref<3456xi32, #tpu.memory_space<vmem>>, vector<16xi32>,
      %add3A_3137 = arith.constant 0 : i32
      %add3A_3138 = arith.addi %reduce_sum3A_3120, %add3A_3137 : i32
      %swap3A_3139 = arith.index_cast %add3A_3138 : i32 to index
      %swap3A_3140 = tpu.vector_load %arg12[%swap3A_3139] {strides = array<i32>} : memref<3456xi32, #tpu.memory_space<vmem>>, vector<16xi32>,
      tpu.vector_store %arg12[%swap3A_3139], %get3A_3128 {strides = array<i32>} : memref<3456xi32, #tpu.memory_space<vmem>>, vector<16xi32>,
      %get3A_3141 = arith.constant 14 : i32
      %get3A_3142 = arith.index_cast %get3A_3141 : i32 to index
      %get3A_3143 = arith.constant 16 : index
      %get3A_3144 = tpu.vector_load %arg8[%get3A_3142, %get3A_3143] {strides = array<i32>} : memref<16x256xi32, #tpu.memory_space<vmem>>, vector<16xi32>,
      %add3A_3145 = arith.constant 16 : i32
      %add3A_3146 = arith.addi %reduce_sum3A_3120, %add3A_3145 : i32
      %swap3A_3147 = arith.index_cast %add3A_3146 : i32 to index
      %swap3A_3148 = tpu.vector_load %arg10[%swap3A_3147] {strides = array<i32>} : memref<3456xi32, #tpu.memory_space<vmem>>, vector<16xi32>,
      tpu.vector_store %arg10[%swap3A_3147], %broadcast_in_dim3A_3122 {strides = array<i32>} : memref<3456xi32, #tpu.memory_space<vmem>>, vector<16xi32>,
      %add3A_3149 = arith.constant 16 : i32
      %add3A_3150 = arith.addi %reduce_sum3A_3120, %add3A_3149 : i32
      %swap3A_3151 = arith.index_cast %add3A_3150 : i32 to index
      %swap3A_3152 = tpu.vector_load %arg11[%swap3A_3151] {strides = array<i32>} : memref<3456xi32, #tpu.memory_space<vmem>>, vector<16xi32>,
      tpu.vector_store %arg11[%swap3A_3151], %broadcast_in_dim3A_3124 {strides = array<i32>} : memref<3456xi32, #tpu.memory_space<vmem>>, vector<16xi32>,
      %add3A_3153 = arith.constant 16 : i32
      %add3A_3154 = arith.addi %reduce_sum3A_3120, %add3A_3153 : i32
      %swap3A_3155 = arith.index_cast %add3A_3154 : i32 to index
      %swap3A_3156 = tpu.vector_load %arg12[%swap3A_3155] {strides = array<i32>} : memref<3456xi32, #tpu.memory_space<vmem>>, vector<16xi32>,
      tpu.vector_store %arg12[%swap3A_3155], %get3A_3144 {strides = array<i32>} : memref<3456xi32, #tpu.memory_space<vmem>>, vector<16xi32>,
      %get3A_3157 = arith.constant 14 : i32
      %get3A_3158 = arith.index_cast %get3A_3157 : i32 to index
      %get3A_3159 = arith.constant 32 : index
      %get3A_3160 = tpu.vector_load %arg8[%get3A_3158, %get3A_3159] {strides = array<i32>} : memref<16x256xi32, #tpu.memory_space<vmem>>, vector<16xi32>,
      %add3A_3161 = arith.constant 32 : i32
      %add3A_3162 = arith.addi %reduce_sum3A_3120, %add3A_3161 : i32
      %swap3A_3163 = arith.index_cast %add3A_3162 : i32 to index
      %swap3A_3164 = tpu.vector_load %arg10[%swap3A_3163] {strides = array<i32>} : memref<3456xi32, #tpu.memory_space<vmem>>, vector<16xi32>,
      tpu.vector_store %arg10[%swap3A_3163], %broadcast_in_dim3A_3122 {strides = array<i32>} : memref<3456xi32, #tpu.memory_space<vmem>>, vector<16xi32>,
      %add3A_3165 = arith.constant 32 : i32
      %add3A_3166 = arith.addi %reduce_sum3A_3120, %add3A_3165 : i32
      %swap3A_3167 = arith.index_cast %add3A_3166 : i32 to index
      %swap3A_3168 = tpu.vector_load %arg11[%swap3A_3167] {strides = array<i32>} : memref<3456xi32, #tpu.memory_space<vmem>>, vector<16xi32>,
      tpu.vector_store %arg11[%swap3A_3167], %broadcast_in_dim3A_3124 {strides = array<i32>} : memref<3456xi32, #tpu.memory_space<vmem>>, vector<16xi32>,
      %add3A_3169 = arith.constant 32 : i32
      %add3A_3170 = arith.addi %reduce_sum3A_3120, %add3A_3169 : i32
      %swap3A_3171 = arith.index_cast %add3A_3170 : i32 to index
      %swap3A_3172 = tpu.vector_load %arg12[%swap3A_3171] {strides = array<i32>} : memref<3456xi32, #tpu.memory_space<vmem>>, vector<16xi32>,
      tpu.vector_store %arg12[%swap3A_3171], %get3A_3160 {strides = array<i32>} : memref<3456xi32, #tpu.memory_space<vmem>>, vector<16xi32>,
      %get3A_3173 = arith.constant 14 : i32
      %get3A_3174 = arith.index_cast %get3A_3173 : i32 to index
      %get3A_3175 = arith.constant 48 : index
      %get3A_3176 = tpu.vector_load %arg8[%get3A_3174, %get3A_3175] {strides = array<i32>} : memref<16x256xi32, #tpu.memory_space<vmem>>, vector<16xi32>,
      %add3A_3177 = arith.constant 48 : i32
      %add3A_3178 = arith.addi %reduce_sum3A_3120, %add3A_3177 : i32
      %swap3A_3179 = arith.index_cast %add3A_3178 : i32 to index
      %swap3A_3180 = tpu.vector_load %arg10[%swap3A_3179] {strides = array<i32>} : memref<3456xi32, #tpu.memory_space<vmem>>, vector<16xi32>,
      tpu.vector_store %arg10[%swap3A_3179], %broadcast_in_dim3A_3122 {strides = array<i32>} : memref<3456xi32, #tpu.memory_space<vmem>>, vector<16xi32>,
      %add3A_3181 = arith.constant 48 : i32
      %add3A_3182 = arith.addi %reduce_sum3A_3120, %add3A_3181 : i32
      %swap3A_3183 = arith.index_cast %add3A_3182 : i32 to index
      %swap3A_3184 = tpu.vector_load %arg11[%swap3A_3183] {strides = array<i32>} : memref<3456xi32, #tpu.memory_space<vmem>>, vector<16xi32>,
      tpu.vector_store %arg11[%swap3A_3183], %broadcast_in_dim3A_3124 {strides = array<i32>} : memref<3456xi32, #tpu.memory_space<vmem>>, vector<16xi32>,
      %add3A_3185 = arith.constant 48 : i32
      %add3A_3186 = arith.addi %reduce_sum3A_3120, %add3A_3185 : i32
      %swap3A_3187 = arith.index_cast %add3A_3186 : i32 to index
      %swap3A_3188 = tpu.vector_load %arg12[%swap3A_3187] {strides = array<i32>} : memref<3456xi32, #tpu.memory_space<vmem>>, vector<16xi32>,
      tpu.vector_store %arg12[%swap3A_3187], %get3A_3176 {strides = array<i32>} : memref<3456xi32, #tpu.memory_space<vmem>>, vector<16xi32>,
      %get3A_3189 = arith.constant 14 : i32
      %get3A_3190 = arith.index_cast %get3A_3189 : i32 to index
      %get3A_3191 = arith.constant 64 : index
      %get3A_3192 = tpu.vector_load %arg8[%get3A_3190, %get3A_3191] {strides = array<i32>} : memref<16x256xi32, #tpu.memory_space<vmem>>, vector<16xi32>,
      %add3A_3193 = arith.constant 64 : i32
      %add3A_3194 = arith.addi %reduce_sum3A_3120, %add3A_3193 : i32
      %swap3A_3195 = arith.index_cast %add3A_3194 : i32 to index
      %swap3A_3196 = tpu.vector_load %arg10[%swap3A_3195] {strides = array<i32>} : memref<3456xi32, #tpu.memory_space<vmem>>, vector<16xi32>,
      tpu.vector_store %arg10[%swap3A_3195], %broadcast_in_dim3A_3122 {strides = array<i32>} : memref<3456xi32, #tpu.memory_space<vmem>>, vector<16xi32>,
      %add3A_3197 = arith.constant 64 : i32
      %add3A_3198 = arith.addi %reduce_sum3A_3120, %add3A_3197 : i32
      %swap3A_3199 = arith.index_cast %add3A_3198 : i32 to index
      %swap3A_3200 = tpu.vector_load %arg11[%swap3A_3199] {strides = array<i32>} : memref<3456xi32, #tpu.memory_space<vmem>>, vector<16xi32>,
      tpu.vector_store %arg11[%swap3A_3199], %broadcast_in_dim3A_3124 {strides = array<i32>} : memref<3456xi32, #tpu.memory_space<vmem>>, vector<16xi32>,
      %add3A_3201 = arith.constant 64 : i32
      %add3A_3202 = arith.addi %reduce_sum3A_3120, %add3A_3201 : i32
      %swap3A_3203 = arith.index_cast %add3A_3202 : i32 to index
      %swap3A_3204 = tpu.vector_load %arg12[%swap3A_3203] {strides = array<i32>} : memref<3456xi32, #tpu.memory_space<vmem>>, vector<16xi32>,
      tpu.vector_store %arg12[%swap3A_3203], %get3A_3192 {strides = array<i32>} : memref<3456xi32, #tpu.memory_space<vmem>>, vector<16xi32>,
      %get3A_3205 = arith.constant 14 : i32
      %get3A_3206 = arith.index_cast %get3A_3205 : i32 to index
      %get3A_3207 = arith.constant 80 : index
      %get3A_3208 = tpu.vector_load %arg8[%get3A_3206, %get3A_3207] {strides = array<i32>} : memref<16x256xi32, #tpu.memory_space<vmem>>, vector<16xi32>,
      %add3A_3209 = arith.constant 80 : i32
      %add3A_3210 = arith.addi %reduce_sum3A_3120, %add3A_3209 : i32
      %swap3A_3211 = arith.index_cast %add3A_3210 : i32 to index
      %swap3A_3212 = tpu.vector_load %arg10[%swap3A_3211] {strides = array<i32>} : memref<3456xi32, #tpu.memory_space<vmem>>, vector<16xi32>,
      tpu.vector_store %arg10[%swap3A_3211], %broadcast_in_dim3A_3122 {strides = array<i32>} : memref<3456xi32, #tpu.memory_space<vmem>>, vector<16xi32>,
      %add3A_3213 = arith.constant 80 : i32
      %add3A_3214 = arith.addi %reduce_sum3A_3120, %add3A_3213 : i32
      %swap3A_3215 = arith.index_cast %add3A_3214 : i32 to index
      %swap3A_3216 = tpu.vector_load %arg11[%swap3A_3215] {strides = array<i32>} : memref<3456xi32, #tpu.memory_space<vmem>>, vector<16xi32>,
      tpu.vector_store %arg11[%swap3A_3215], %broadcast_in_dim3A_3124 {strides = array<i32>} : memref<3456xi32, #tpu.memory_space<vmem>>, vector<16xi32>,
      %add3A_3217 = arith.constant 80 : i32
      %add3A_3218 = arith.addi %reduce_sum3A_3120, %add3A_3217 : i32
      %swap3A_3219 = arith.index_cast %add3A_3218 : i32 to index
      %swap3A_3220 = tpu.vector_load %arg12[%swap3A_3219] {strides = array<i32>} : memref<3456xi32, #tpu.memory_space<vmem>>, vector<16xi32>,
      tpu.vector_store %arg12[%swap3A_3219], %get3A_3208 {strides = array<i32>} : memref<3456xi32, #tpu.memory_space<vmem>>, vector<16xi32>,
      %get3A_3221 = arith.constant 14 : i32
      %get3A_3222 = arith.index_cast %get3A_3221 : i32 to index
      %get3A_3223 = arith.constant 96 : index
      %get3A_3224 = tpu.vector_load %arg8[%get3A_3222, %get3A_3223] {strides = array<i32>} : memref<16x256xi32, #tpu.memory_space<vmem>>, vector<16xi32>,
      %add3A_3225 = arith.constant 96 : i32
      %add3A_3226 = arith.addi %reduce_sum3A_3120, %add3A_3225 : i32
      %swap3A_3227 = arith.index_cast %add3A_3226 : i32 to index
      %swap3A_3228 = tpu.vector_load %arg10[%swap3A_3227] {strides = array<i32>} : memref<3456xi32, #tpu.memory_space<vmem>>, vector<16xi32>,
      tpu.vector_store %arg10[%swap3A_3227], %broadcast_in_dim3A_3122 {strides = array<i32>} : memref<3456xi32, #tpu.memory_space<vmem>>, vector<16xi32>,
      %add3A_3229 = arith.constant 96 : i32
      %add3A_3230 = arith.addi %reduce_sum3A_3120, %add3A_3229 : i32
      %swap3A_3231 = arith.index_cast %add3A_3230 : i32 to index
      %swap3A_3232 = tpu.vector_load %arg11[%swap3A_3231] {strides = array<i32>} : memref<3456xi32, #tpu.memory_space<vmem>>, vector<16xi32>,
      tpu.vector_store %arg11[%swap3A_3231], %broadcast_in_dim3A_3124 {strides = array<i32>} : memref<3456xi32, #tpu.memory_space<vmem>>, vector<16xi32>,
      %add3A_3233 = arith.constant 96 : i32
      %add3A_3234 = arith.addi %reduce_sum3A_3120, %add3A_3233 : i32
      %swap3A_3235 = arith.index_cast %add3A_3234 : i32 to index
      %swap3A_3236 = tpu.vector_load %arg12[%swap3A_3235] {strides = array<i32>} : memref<3456xi32, #tpu.memory_space<vmem>>, vector<16xi32>,
      tpu.vector_store %arg12[%swap3A_3235], %get3A_3224 {strides = array<i32>} : memref<3456xi32, #tpu.memory_space<vmem>>, vector<16xi32>,
      %get3A_3237 = arith.constant 14 : i32
      %get3A_3238 = arith.index_cast %get3A_3237 : i32 to index
      %get3A_3239 = arith.constant 112 : index
      %get3A_3240 = tpu.vector_load %arg8[%get3A_3238, %get3A_3239] {strides = array<i32>} : memref<16x256xi32, #tpu.memory_space<vmem>>, vector<16xi32>,
      %add3A_3241 = arith.constant 112 : i32
      %add3A_3242 = arith.addi %reduce_sum3A_3120, %add3A_3241 : i32
      %swap3A_3243 = arith.index_cast %add3A_3242 : i32 to index
      %swap3A_3244 = tpu.vector_load %arg10[%swap3A_3243] {strides = array<i32>} : memref<3456xi32, #tpu.memory_space<vmem>>, vector<16xi32>,
      tpu.vector_store %arg10[%swap3A_3243], %broadcast_in_dim3A_3122 {strides = array<i32>} : memref<3456xi32, #tpu.memory_space<vmem>>, vector<16xi32>,
      %add3A_3245 = arith.constant 112 : i32
      %add3A_3246 = arith.addi %reduce_sum3A_3120, %add3A_3245 : i32
      %swap3A_3247 = arith.index_cast %add3A_3246 : i32 to index
      %swap3A_3248 = tpu.vector_load %arg11[%swap3A_3247] {strides = array<i32>} : memref<3456xi32, #tpu.memory_space<vmem>>, vector<16xi32>,
      tpu.vector_store %arg11[%swap3A_3247], %broadcast_in_dim3A_3124 {strides = array<i32>} : memref<3456xi32, #tpu.memory_space<vmem>>, vector<16xi32>,
      %add3A_3249 = arith.constant 112 : i32
      %add3A_3250 = arith.addi %reduce_sum3A_3120, %add3A_3249 : i32
      %swap3A_3251 = arith.index_cast %add3A_3250 : i32 to index
      %swap3A_3252 = tpu.vector_load %arg12[%swap3A_3251] {strides = array<i32>} : memref<3456xi32, #tpu.memory_space<vmem>>, vector<16xi32>,
      tpu.vector_store %arg12[%swap3A_3251], %get3A_3240 {strides = array<i32>} : memref<3456xi32, #tpu.memory_space<vmem>>, vector<16xi32>,
      %get3A_3253 = arith.constant 14 : i32
      %get3A_3254 = arith.index_cast %get3A_3253 : i32 to index
      %get3A_3255 = arith.constant 128 : index
      %get3A_3256 = tpu.vector_load %arg8[%get3A_3254, %get3A_3255] {strides = array<i32>} : memref<16x256xi32, #tpu.memory_space<vmem>>, vector<16xi32>,
      %add3A_3257 = arith.constant 128 : i32
      %add3A_3258 = arith.addi %reduce_sum3A_3120, %add3A_3257 : i32
      %swap3A_3259 = arith.index_cast %add3A_3258 : i32 to index
      %swap3A_3260 = tpu.vector_load %arg10[%swap3A_3259] {strides = array<i32>} : memref<3456xi32, #tpu.memory_space<vmem>>, vector<16xi32>,
      tpu.vector_store %arg10[%swap3A_3259], %broadcast_in_dim3A_3122 {strides = array<i32>} : memref<3456xi32, #tpu.memory_space<vmem>>, vector<16xi32>,
      %add3A_3261 = arith.constant 128 : i32
      %add3A_3262 = arith.addi %reduce_sum3A_3120, %add3A_3261 : i32
      %swap3A_3263 = arith.index_cast %add3A_3262 : i32 to index
      %swap3A_3264 = tpu.vector_load %arg11[%swap3A_3263] {strides = array<i32>} : memref<3456xi32, #tpu.memory_space<vmem>>, vector<16xi32>,
      tpu.vector_store %arg11[%swap3A_3263], %broadcast_in_dim3A_3124 {strides = array<i32>} : memref<3456xi32, #tpu.memory_space<vmem>>, vector<16xi32>,
      %add3A_3265 = arith.constant 128 : i32
      %add3A_3266 = arith.addi %reduce_sum3A_3120, %add3A_3265 : i32
      %swap3A_3267 = arith.index_cast %add3A_3266 : i32 to index
      %swap3A_3268 = tpu.vector_load %arg12[%swap3A_3267] {strides = array<i32>} : memref<3456xi32, #tpu.memory_space<vmem>>, vector<16xi32>,
      tpu.vector_store %arg12[%swap3A_3267], %get3A_3256 {strides = array<i32>} : memref<3456xi32, #tpu.memory_space<vmem>>, vector<16xi32>,
      %get3A_3269 = arith.constant 14 : i32
      %get3A_3270 = arith.index_cast %get3A_3269 : i32 to index
      %get3A_3271 = arith.constant 144 : index
      %get3A_3272 = tpu.vector_load %arg8[%get3A_3270, %get3A_3271] {strides = array<i32>} : memref<16x256xi32, #tpu.memory_space<vmem>>, vector<16xi32>,
      %add3A_3273 = arith.constant 144 : i32
      %add3A_3274 = arith.addi %reduce_sum3A_3120, %add3A_3273 : i32
      %swap3A_3275 = arith.index_cast %add3A_3274 : i32 to index
      %swap3A_3276 = tpu.vector_load %arg10[%swap3A_3275] {strides = array<i32>} : memref<3456xi32, #tpu.memory_space<vmem>>, vector<16xi32>,
      tpu.vector_store %arg10[%swap3A_3275], %broadcast_in_dim3A_3122 {strides = array<i32>} : memref<3456xi32, #tpu.memory_space<vmem>>, vector<16xi32>,
      %add3A_3277 = arith.constant 144 : i32
      %add3A_3278 = arith.addi %reduce_sum3A_3120, %add3A_3277 : i32
      %swap3A_3279 = arith.index_cast %add3A_3278 : i32 to index
      %swap3A_3280 = tpu.vector_load %arg11[%swap3A_3279] {strides = array<i32>} : memref<3456xi32, #tpu.memory_space<vmem>>, vector<16xi32>,
      tpu.vector_store %arg11[%swap3A_3279], %broadcast_in_dim3A_3124 {strides = array<i32>} : memref<3456xi32, #tpu.memory_space<vmem>>, vector<16xi32>,
      %add3A_3281 = arith.constant 144 : i32
      %add3A_3282 = arith.addi %reduce_sum3A_3120, %add3A_3281 : i32
      %swap3A_3283 = arith.index_cast %add3A_3282 : i32 to index
      %swap3A_3284 = tpu.vector_load %arg12[%swap3A_3283] {strides = array<i32>} : memref<3456xi32, #tpu.memory_space<vmem>>, vector<16xi32>,
      tpu.vector_store %arg12[%swap3A_3283], %get3A_3272 {strides = array<i32>} : memref<3456xi32, #tpu.memory_space<vmem>>, vector<16xi32>,
      %get3A_3285 = arith.constant 14 : i32
      %get3A_3286 = arith.index_cast %get3A_3285 : i32 to index
      %get3A_3287 = arith.constant 160 : index
      %get3A_3288 = tpu.vector_load %arg8[%get3A_3286, %get3A_3287] {strides = array<i32>} : memref<16x256xi32, #tpu.memory_space<vmem>>, vector<16xi32>,
      %add3A_3289 = arith.constant 160 : i32
      %add3A_3290 = arith.addi %reduce_sum3A_3120, %add3A_3289 : i32
      %swap3A_3291 = arith.index_cast %add3A_3290 : i32 to index
      %swap3A_3292 = tpu.vector_load %arg10[%swap3A_3291] {strides = array<i32>} : memref<3456xi32, #tpu.memory_space<vmem>>, vector<16xi32>,
      tpu.vector_store %arg10[%swap3A_3291], %broadcast_in_dim3A_3122 {strides = array<i32>} : memref<3456xi32, #tpu.memory_space<vmem>>, vector<16xi32>,
      %add3A_3293 = arith.constant 160 : i32
      %add3A_3294 = arith.addi %reduce_sum3A_3120, %add3A_3293 : i32
      %swap3A_3295 = arith.index_cast %add3A_3294 : i32 to index
      %swap3A_3296 = tpu.vector_load %arg11[%swap3A_3295] {strides = array<i32>} : memref<3456xi32, #tpu.memory_space<vmem>>, vector<16xi32>,
      tpu.vector_store %arg11[%swap3A_3295], %broadcast_in_dim3A_3124 {strides = array<i32>} : memref<3456xi32, #tpu.memory_space<vmem>>, vector<16xi32>,
      %add3A_3297 = arith.constant 160 : i32
      %add3A_3298 = arith.addi %reduce_sum3A_3120, %add3A_3297 : i32
      %swap3A_3299 = arith.index_cast %add3A_3298 : i32 to index
      %swap3A_3300 = tpu.vector_load %arg12[%swap3A_3299] {strides = array<i32>} : memref<3456xi32, #tpu.memory_space<vmem>>, vector<16xi32>,
      tpu.vector_store %arg12[%swap3A_3299], %get3A_3288 {strides = array<i32>} : memref<3456xi32, #tpu.memory_space<vmem>>, vector<16xi32>,
      %get3A_3301 = arith.constant 14 : i32
      %get3A_3302 = arith.index_cast %get3A_3301 : i32 to index
      %get3A_3303 = arith.constant 176 : index
      %get3A_3304 = tpu.vector_load %arg8[%get3A_3302, %get3A_3303] {strides = array<i32>} : memref<16x256xi32, #tpu.memory_space<vmem>>, vector<16xi32>,
      %add3A_3305 = arith.constant 176 : i32
      %add3A_3306 = arith.addi %reduce_sum3A_3120, %add3A_3305 : i32
      %swap3A_3307 = arith.index_cast %add3A_3306 : i32 to index
      %swap3A_3308 = tpu.vector_load %arg10[%swap3A_3307] {strides = array<i32>} : memref<3456xi32, #tpu.memory_space<vmem>>, vector<16xi32>,
      tpu.vector_store %arg10[%swap3A_3307], %broadcast_in_dim3A_3122 {strides = array<i32>} : memref<3456xi32, #tpu.memory_space<vmem>>, vector<16xi32>,
      %add3A_3309 = arith.constant 176 : i32
      %add3A_3310 = arith.addi %reduce_sum3A_3120, %add3A_3309 : i32
      %swap3A_3311 = arith.index_cast %add3A_3310 : i32 to index
      %swap3A_3312 = tpu.vector_load %arg11[%swap3A_3311] {strides = array<i32>} : memref<3456xi32, #tpu.memory_space<vmem>>, vector<16xi32>,
      tpu.vector_store %arg11[%swap3A_3311], %broadcast_in_dim3A_3124 {strides = array<i32>} : memref<3456xi32, #tpu.memory_space<vmem>>, vector<16xi32>,
      %add3A_3313 = arith.constant 176 : i32
      %add3A_3314 = arith.addi %reduce_sum3A_3120, %add3A_3313 : i32
      %swap3A_3315 = arith.index_cast %add3A_3314 : i32 to index
      %swap3A_3316 = tpu.vector_load %arg12[%swap3A_3315] {strides = array<i32>} : memref<3456xi32, #tpu.memory_space<vmem>>, vector<16xi32>,
      tpu.vector_store %arg12[%swap3A_3315], %get3A_3304 {strides = array<i32>} : memref<3456xi32, #tpu.memory_space<vmem>>, vector<16xi32>,
      %get3A_3317 = arith.constant 14 : i32
      %get3A_3318 = arith.index_cast %get3A_3317 : i32 to index
      %get3A_3319 = arith.constant 192 : index
      %get3A_3320 = tpu.vector_load %arg8[%get3A_3318, %get3A_3319] {strides = array<i32>} : memref<16x256xi32, #tpu.memory_space<vmem>>, vector<16xi32>,
      %add3A_3321 = arith.constant 192 : i32
      %add3A_3322 = arith.addi %reduce_sum3A_3120, %add3A_3321 : i32
      %swap3A_3323 = arith.index_cast %add3A_3322 : i32 to index
      %swap3A_3324 = tpu.vector_load %arg10[%swap3A_3323] {strides = array<i32>} : memref<3456xi32, #tpu.memory_space<vmem>>, vector<16xi32>,
      tpu.vector_store %arg10[%swap3A_3323], %broadcast_in_dim3A_3122 {strides = array<i32>} : memref<3456xi32, #tpu.memory_space<vmem>>, vector<16xi32>,
      %add3A_3325 = arith.constant 192 : i32
      %add3A_3326 = arith.addi %reduce_sum3A_3120, %add3A_3325 : i32
      %swap3A_3327 = arith.index_cast %add3A_3326 : i32 to index
      %swap3A_3328 = tpu.vector_load %arg11[%swap3A_3327] {strides = array<i32>} : memref<3456xi32, #tpu.memory_space<vmem>>, vector<16xi32>,
      tpu.vector_store %arg11[%swap3A_3327], %broadcast_in_dim3A_3124 {strides = array<i32>} : memref<3456xi32, #tpu.memory_space<vmem>>, vector<16xi32>,
      %add3A_3329 = arith.constant 192 : i32
      %add3A_3330 = arith.addi %reduce_sum3A_3120, %add3A_3329 : i32
      %swap3A_3331 = arith.index_cast %add3A_3330 : i32 to index
      %swap3A_3332 = tpu.vector_load %arg12[%swap3A_3331] {strides = array<i32>} : memref<3456xi32, #tpu.memory_space<vmem>>, vector<16xi32>,
      tpu.vector_store %arg12[%swap3A_3331], %get3A_3320 {strides = array<i32>} : memref<3456xi32, #tpu.memory_space<vmem>>, vector<16xi32>,
      %eq3A_3333 = arith.constant 15 : i32
      %eq3A_3334 = vector.broadcast %eq3A_3333 : i32 to vector<16xi32>
      %eq3A_3335 = arith.cmpi eq, %iota3A, %eq3A_3334 : vector<16xi32>
      %jit3A_3336 = arith.constant 0 : i32
      %broadcast_in_dim3A_3337 = vector.broadcast %jit3A_3336 : i32 to vector<16xi32>
      %select_n3A_3338 = arith.select %eq3A_3335, %sub3A, %broadcast_in_dim3A_3337 : vector<16xi1>, vector<16xi32>
      %reduce_sum3A_3339 = arith.constant true
      %reduce_sum3A_3340 = vector.broadcast %reduce_sum3A_3339 : i1 to vector<16xi1>
      %reduce_sum3A_3341 = tpu.scan <sum>, %select_n3A_3338 masked %reduce_sum3A_3340 : vector<16xi32>, vector<16xi1> -> vector<16xi32>
      %reduce_sum3A_3342 = vector.extract %reduce_sum3A_3341[15] : i32 from vector<16xi32>
      %broadcast_in_dim3A_3343 = arith.constant 1 : i32
      %broadcast_in_dim3A_3344 = vector.broadcast %broadcast_in_dim3A_3343 : i32 to vector<16xi32>
      %broadcast_in_dim3A_3345 = arith.constant 7 : i32
      %broadcast_in_dim3A_3346 = vector.broadcast %broadcast_in_dim3A_3345 : i32 to vector<16xi32>
      %get3A_3347 = arith.constant 15 : i32
      %get3A_3348 = arith.index_cast %get3A_3347 : i32 to index
      %get3A_3349 = arith.constant 0 : index
      %get3A_3350 = tpu.vector_load %arg8[%get3A_3348, %get3A_3349] {strides = array<i32>} : memref<16x256xi32, #tpu.memory_space<vmem>>, vector<16xi32>,
      %add3A_3351 = arith.constant 0 : i32
      %add3A_3352 = arith.addi %reduce_sum3A_3342, %add3A_3351 : i32
      %swap3A_3353 = arith.index_cast %add3A_3352 : i32 to index
      %swap3A_3354 = tpu.vector_load %arg10[%swap3A_3353] {strides = array<i32>} : memref<3456xi32, #tpu.memory_space<vmem>>, vector<16xi32>,
      tpu.vector_store %arg10[%swap3A_3353], %broadcast_in_dim3A_3344 {strides = array<i32>} : memref<3456xi32, #tpu.memory_space<vmem>>, vector<16xi32>,
      %add3A_3355 = arith.constant 0 : i32
      %add3A_3356 = arith.addi %reduce_sum3A_3342, %add3A_3355 : i32
      %swap3A_3357 = arith.index_cast %add3A_3356 : i32 to index
      %swap3A_3358 = tpu.vector_load %arg11[%swap3A_3357] {strides = array<i32>} : memref<3456xi32, #tpu.memory_space<vmem>>, vector<16xi32>,
      tpu.vector_store %arg11[%swap3A_3357], %broadcast_in_dim3A_3346 {strides = array<i32>} : memref<3456xi32, #tpu.memory_space<vmem>>, vector<16xi32>,
      %add3A_3359 = arith.constant 0 : i32
      %add3A_3360 = arith.addi %reduce_sum3A_3342, %add3A_3359 : i32
      %swap3A_3361 = arith.index_cast %add3A_3360 : i32 to index
      %swap3A_3362 = tpu.vector_load %arg12[%swap3A_3361] {strides = array<i32>} : memref<3456xi32, #tpu.memory_space<vmem>>, vector<16xi32>,
      tpu.vector_store %arg12[%swap3A_3361], %get3A_3350 {strides = array<i32>} : memref<3456xi32, #tpu.memory_space<vmem>>, vector<16xi32>,
      %get3A_3363 = arith.constant 15 : i32
      %get3A_3364 = arith.index_cast %get3A_3363 : i32 to index
      %get3A_3365 = arith.constant 16 : index
      %get3A_3366 = tpu.vector_load %arg8[%get3A_3364, %get3A_3365] {strides = array<i32>} : memref<16x256xi32, #tpu.memory_space<vmem>>, vector<16xi32>,
      %add3A_3367 = arith.constant 16 : i32
      %add3A_3368 = arith.addi %reduce_sum3A_3342, %add3A_3367 : i32
      %swap3A_3369 = arith.index_cast %add3A_3368 : i32 to index
      %swap3A_3370 = tpu.vector_load %arg10[%swap3A_3369] {strides = array<i32>} : memref<3456xi32, #tpu.memory_space<vmem>>, vector<16xi32>,
      tpu.vector_store %arg10[%swap3A_3369], %broadcast_in_dim3A_3344 {strides = array<i32>} : memref<3456xi32, #tpu.memory_space<vmem>>, vector<16xi32>,
      %add3A_3371 = arith.constant 16 : i32
      %add3A_3372 = arith.addi %reduce_sum3A_3342, %add3A_3371 : i32
      %swap3A_3373 = arith.index_cast %add3A_3372 : i32 to index
      %swap3A_3374 = tpu.vector_load %arg11[%swap3A_3373] {strides = array<i32>} : memref<3456xi32, #tpu.memory_space<vmem>>, vector<16xi32>,
      tpu.vector_store %arg11[%swap3A_3373], %broadcast_in_dim3A_3346 {strides = array<i32>} : memref<3456xi32, #tpu.memory_space<vmem>>, vector<16xi32>,
      %add3A_3375 = arith.constant 16 : i32
      %add3A_3376 = arith.addi %reduce_sum3A_3342, %add3A_3375 : i32
      %swap3A_3377 = arith.index_cast %add3A_3376 : i32 to index
      %swap3A_3378 = tpu.vector_load %arg12[%swap3A_3377] {strides = array<i32>} : memref<3456xi32, #tpu.memory_space<vmem>>, vector<16xi32>,
      tpu.vector_store %arg12[%swap3A_3377], %get3A_3366 {strides = array<i32>} : memref<3456xi32, #tpu.memory_space<vmem>>, vector<16xi32>,
      %get3A_3379 = arith.constant 15 : i32
      %get3A_3380 = arith.index_cast %get3A_3379 : i32 to index
      %get3A_3381 = arith.constant 32 : index
      %get3A_3382 = tpu.vector_load %arg8[%get3A_3380, %get3A_3381] {strides = array<i32>} : memref<16x256xi32, #tpu.memory_space<vmem>>, vector<16xi32>,
      %add3A_3383 = arith.constant 32 : i32
      %add3A_3384 = arith.addi %reduce_sum3A_3342, %add3A_3383 : i32
      %swap3A_3385 = arith.index_cast %add3A_3384 : i32 to index
      %swap3A_3386 = tpu.vector_load %arg10[%swap3A_3385] {strides = array<i32>} : memref<3456xi32, #tpu.memory_space<vmem>>, vector<16xi32>,
      tpu.vector_store %arg10[%swap3A_3385], %broadcast_in_dim3A_3344 {strides = array<i32>} : memref<3456xi32, #tpu.memory_space<vmem>>, vector<16xi32>,
      %add3A_3387 = arith.constant 32 : i32
      %add3A_3388 = arith.addi %reduce_sum3A_3342, %add3A_3387 : i32
      %swap3A_3389 = arith.index_cast %add3A_3388 : i32 to index
      %swap3A_3390 = tpu.vector_load %arg11[%swap3A_3389] {strides = array<i32>} : memref<3456xi32, #tpu.memory_space<vmem>>, vector<16xi32>,
      tpu.vector_store %arg11[%swap3A_3389], %broadcast_in_dim3A_3346 {strides = array<i32>} : memref<3456xi32, #tpu.memory_space<vmem>>, vector<16xi32>,
      %add3A_3391 = arith.constant 32 : i32
      %add3A_3392 = arith.addi %reduce_sum3A_3342, %add3A_3391 : i32
      %swap3A_3393 = arith.index_cast %add3A_3392 : i32 to index
      %swap3A_3394 = tpu.vector_load %arg12[%swap3A_3393] {strides = array<i32>} : memref<3456xi32, #tpu.memory_space<vmem>>, vector<16xi32>,
      tpu.vector_store %arg12[%swap3A_3393], %get3A_3382 {strides = array<i32>} : memref<3456xi32, #tpu.memory_space<vmem>>, vector<16xi32>,
      %get3A_3395 = arith.constant 15 : i32
      %get3A_3396 = arith.index_cast %get3A_3395 : i32 to index
      %get3A_3397 = arith.constant 48 : index
      %get3A_3398 = tpu.vector_load %arg8[%get3A_3396, %get3A_3397] {strides = array<i32>} : memref<16x256xi32, #tpu.memory_space<vmem>>, vector<16xi32>,
      %add3A_3399 = arith.constant 48 : i32
      %add3A_3400 = arith.addi %reduce_sum3A_3342, %add3A_3399 : i32
      %swap3A_3401 = arith.index_cast %add3A_3400 : i32 to index
      %swap3A_3402 = tpu.vector_load %arg10[%swap3A_3401] {strides = array<i32>} : memref<3456xi32, #tpu.memory_space<vmem>>, vector<16xi32>,
      tpu.vector_store %arg10[%swap3A_3401], %broadcast_in_dim3A_3344 {strides = array<i32>} : memref<3456xi32, #tpu.memory_space<vmem>>, vector<16xi32>,
      %add3A_3403 = arith.constant 48 : i32
      %add3A_3404 = arith.addi %reduce_sum3A_3342, %add3A_3403 : i32
      %swap3A_3405 = arith.index_cast %add3A_3404 : i32 to index
      %swap3A_3406 = tpu.vector_load %arg11[%swap3A_3405] {strides = array<i32>} : memref<3456xi32, #tpu.memory_space<vmem>>, vector<16xi32>,
      tpu.vector_store %arg11[%swap3A_3405], %broadcast_in_dim3A_3346 {strides = array<i32>} : memref<3456xi32, #tpu.memory_space<vmem>>, vector<16xi32>,
      %add3A_3407 = arith.constant 48 : i32
      %add3A_3408 = arith.addi %reduce_sum3A_3342, %add3A_3407 : i32
      %swap3A_3409 = arith.index_cast %add3A_3408 : i32 to index
      %swap3A_3410 = tpu.vector_load %arg12[%swap3A_3409] {strides = array<i32>} : memref<3456xi32, #tpu.memory_space<vmem>>, vector<16xi32>,
      tpu.vector_store %arg12[%swap3A_3409], %get3A_3398 {strides = array<i32>} : memref<3456xi32, #tpu.memory_space<vmem>>, vector<16xi32>,
      %get3A_3411 = arith.constant 15 : i32
      %get3A_3412 = arith.index_cast %get3A_3411 : i32 to index
      %get3A_3413 = arith.constant 64 : index
      %get3A_3414 = tpu.vector_load %arg8[%get3A_3412, %get3A_3413] {strides = array<i32>} : memref<16x256xi32, #tpu.memory_space<vmem>>, vector<16xi32>,
      %add3A_3415 = arith.constant 64 : i32
      %add3A_3416 = arith.addi %reduce_sum3A_3342, %add3A_3415 : i32
      %swap3A_3417 = arith.index_cast %add3A_3416 : i32 to index
      %swap3A_3418 = tpu.vector_load %arg10[%swap3A_3417] {strides = array<i32>} : memref<3456xi32, #tpu.memory_space<vmem>>, vector<16xi32>,
      tpu.vector_store %arg10[%swap3A_3417], %broadcast_in_dim3A_3344 {strides = array<i32>} : memref<3456xi32, #tpu.memory_space<vmem>>, vector<16xi32>,
      %add3A_3419 = arith.constant 64 : i32
      %add3A_3420 = arith.addi %reduce_sum3A_3342, %add3A_3419 : i32
      %swap3A_3421 = arith.index_cast %add3A_3420 : i32 to index
      %swap3A_3422 = tpu.vector_load %arg11[%swap3A_3421] {strides = array<i32>} : memref<3456xi32, #tpu.memory_space<vmem>>, vector<16xi32>,
      tpu.vector_store %arg11[%swap3A_3421], %broadcast_in_dim3A_3346 {strides = array<i32>} : memref<3456xi32, #tpu.memory_space<vmem>>, vector<16xi32>,
      %add3A_3423 = arith.constant 64 : i32
      %add3A_3424 = arith.addi %reduce_sum3A_3342, %add3A_3423 : i32
      %swap3A_3425 = arith.index_cast %add3A_3424 : i32 to index
      %swap3A_3426 = tpu.vector_load %arg12[%swap3A_3425] {strides = array<i32>} : memref<3456xi32, #tpu.memory_space<vmem>>, vector<16xi32>,
      tpu.vector_store %arg12[%swap3A_3425], %get3A_3414 {strides = array<i32>} : memref<3456xi32, #tpu.memory_space<vmem>>, vector<16xi32>,
      %get3A_3427 = arith.constant 15 : i32
      %get3A_3428 = arith.index_cast %get3A_3427 : i32 to index
      %get3A_3429 = arith.constant 80 : index
      %get3A_3430 = tpu.vector_load %arg8[%get3A_3428, %get3A_3429] {strides = array<i32>} : memref<16x256xi32, #tpu.memory_space<vmem>>, vector<16xi32>,
      %add3A_3431 = arith.constant 80 : i32
      %add3A_3432 = arith.addi %reduce_sum3A_3342, %add3A_3431 : i32
      %swap3A_3433 = arith.index_cast %add3A_3432 : i32 to index
      %swap3A_3434 = tpu.vector_load %arg10[%swap3A_3433] {strides = array<i32>} : memref<3456xi32, #tpu.memory_space<vmem>>, vector<16xi32>,
      tpu.vector_store %arg10[%swap3A_3433], %broadcast_in_dim3A_3344 {strides = array<i32>} : memref<3456xi32, #tpu.memory_space<vmem>>, vector<16xi32>,
      %add3A_3435 = arith.constant 80 : i32
      %add3A_3436 = arith.addi %reduce_sum3A_3342, %add3A_3435 : i32
      %swap3A_3437 = arith.index_cast %add3A_3436 : i32 to index
      %swap3A_3438 = tpu.vector_load %arg11[%swap3A_3437] {strides = array<i32>} : memref<3456xi32, #tpu.memory_space<vmem>>, vector<16xi32>,
      tpu.vector_store %arg11[%swap3A_3437], %broadcast_in_dim3A_3346 {strides = array<i32>} : memref<3456xi32, #tpu.memory_space<vmem>>, vector<16xi32>,
      %add3A_3439 = arith.constant 80 : i32
      %add3A_3440 = arith.addi %reduce_sum3A_3342, %add3A_3439 : i32
      %swap3A_3441 = arith.index_cast %add3A_3440 : i32 to index
      %swap3A_3442 = tpu.vector_load %arg12[%swap3A_3441] {strides = array<i32>} : memref<3456xi32, #tpu.memory_space<vmem>>, vector<16xi32>,
      tpu.vector_store %arg12[%swap3A_3441], %get3A_3430 {strides = array<i32>} : memref<3456xi32, #tpu.memory_space<vmem>>, vector<16xi32>,
      %get3A_3443 = arith.constant 15 : i32
      %get3A_3444 = arith.index_cast %get3A_3443 : i32 to index
      %get3A_3445 = arith.constant 96 : index
      %get3A_3446 = tpu.vector_load %arg8[%get3A_3444, %get3A_3445] {strides = array<i32>} : memref<16x256xi32, #tpu.memory_space<vmem>>, vector<16xi32>,
      %add3A_3447 = arith.constant 96 : i32
      %add3A_3448 = arith.addi %reduce_sum3A_3342, %add3A_3447 : i32
      %swap3A_3449 = arith.index_cast %add3A_3448 : i32 to index
      %swap3A_3450 = tpu.vector_load %arg10[%swap3A_3449] {strides = array<i32>} : memref<3456xi32, #tpu.memory_space<vmem>>, vector<16xi32>,
      tpu.vector_store %arg10[%swap3A_3449], %broadcast_in_dim3A_3344 {strides = array<i32>} : memref<3456xi32, #tpu.memory_space<vmem>>, vector<16xi32>,
      %add3A_3451 = arith.constant 96 : i32
      %add3A_3452 = arith.addi %reduce_sum3A_3342, %add3A_3451 : i32
      %swap3A_3453 = arith.index_cast %add3A_3452 : i32 to index
      %swap3A_3454 = tpu.vector_load %arg11[%swap3A_3453] {strides = array<i32>} : memref<3456xi32, #tpu.memory_space<vmem>>, vector<16xi32>,
      tpu.vector_store %arg11[%swap3A_3453], %broadcast_in_dim3A_3346 {strides = array<i32>} : memref<3456xi32, #tpu.memory_space<vmem>>, vector<16xi32>,
      %add3A_3455 = arith.constant 96 : i32
      %add3A_3456 = arith.addi %reduce_sum3A_3342, %add3A_3455 : i32
      %swap3A_3457 = arith.index_cast %add3A_3456 : i32 to index
      %swap3A_3458 = tpu.vector_load %arg12[%swap3A_3457] {strides = array<i32>} : memref<3456xi32, #tpu.memory_space<vmem>>, vector<16xi32>,
      tpu.vector_store %arg12[%swap3A_3457], %get3A_3446 {strides = array<i32>} : memref<3456xi32, #tpu.memory_space<vmem>>, vector<16xi32>,
      %get3A_3459 = arith.constant 15 : i32
      %get3A_3460 = arith.index_cast %get3A_3459 : i32 to index
      %get3A_3461 = arith.constant 112 : index
      %get3A_3462 = tpu.vector_load %arg8[%get3A_3460, %get3A_3461] {strides = array<i32>} : memref<16x256xi32, #tpu.memory_space<vmem>>, vector<16xi32>,
      %add3A_3463 = arith.constant 112 : i32
      %add3A_3464 = arith.addi %reduce_sum3A_3342, %add3A_3463 : i32
      %swap3A_3465 = arith.index_cast %add3A_3464 : i32 to index
      %swap3A_3466 = tpu.vector_load %arg10[%swap3A_3465] {strides = array<i32>} : memref<3456xi32, #tpu.memory_space<vmem>>, vector<16xi32>,
      tpu.vector_store %arg10[%swap3A_3465], %broadcast_in_dim3A_3344 {strides = array<i32>} : memref<3456xi32, #tpu.memory_space<vmem>>, vector<16xi32>,
      %add3A_3467 = arith.constant 112 : i32
      %add3A_3468 = arith.addi %reduce_sum3A_3342, %add3A_3467 : i32
      %swap3A_3469 = arith.index_cast %add3A_3468 : i32 to index
      %swap3A_3470 = tpu.vector_load %arg11[%swap3A_3469] {strides = array<i32>} : memref<3456xi32, #tpu.memory_space<vmem>>, vector<16xi32>,
      tpu.vector_store %arg11[%swap3A_3469], %broadcast_in_dim3A_3346 {strides = array<i32>} : memref<3456xi32, #tpu.memory_space<vmem>>, vector<16xi32>,
      %add3A_3471 = arith.constant 112 : i32
      %add3A_3472 = arith.addi %reduce_sum3A_3342, %add3A_3471 : i32
      %swap3A_3473 = arith.index_cast %add3A_3472 : i32 to index
      %swap3A_3474 = tpu.vector_load %arg12[%swap3A_3473] {strides = array<i32>} : memref<3456xi32, #tpu.memory_space<vmem>>, vector<16xi32>,
      tpu.vector_store %arg12[%swap3A_3473], %get3A_3462 {strides = array<i32>} : memref<3456xi32, #tpu.memory_space<vmem>>, vector<16xi32>,
      %get3A_3475 = arith.constant 15 : i32
      %get3A_3476 = arith.index_cast %get3A_3475 : i32 to index
      %get3A_3477 = arith.constant 128 : index
      %get3A_3478 = tpu.vector_load %arg8[%get3A_3476, %get3A_3477] {strides = array<i32>} : memref<16x256xi32, #tpu.memory_space<vmem>>, vector<16xi32>,
      %add3A_3479 = arith.constant 128 : i32
      %add3A_3480 = arith.addi %reduce_sum3A_3342, %add3A_3479 : i32
      %swap3A_3481 = arith.index_cast %add3A_3480 : i32 to index
      %swap3A_3482 = tpu.vector_load %arg10[%swap3A_3481] {strides = array<i32>} : memref<3456xi32, #tpu.memory_space<vmem>>, vector<16xi32>,
      tpu.vector_store %arg10[%swap3A_3481], %broadcast_in_dim3A_3344 {strides = array<i32>} : memref<3456xi32, #tpu.memory_space<vmem>>, vector<16xi32>,
      %add3A_3483 = arith.constant 128 : i32
      %add3A_3484 = arith.addi %reduce_sum3A_3342, %add3A_3483 : i32
      %swap3A_3485 = arith.index_cast %add3A_3484 : i32 to index
      %swap3A_3486 = tpu.vector_load %arg11[%swap3A_3485] {strides = array<i32>} : memref<3456xi32, #tpu.memory_space<vmem>>, vector<16xi32>,
      tpu.vector_store %arg11[%swap3A_3485], %broadcast_in_dim3A_3346 {strides = array<i32>} : memref<3456xi32, #tpu.memory_space<vmem>>, vector<16xi32>,
      %add3A_3487 = arith.constant 128 : i32
      %add3A_3488 = arith.addi %reduce_sum3A_3342, %add3A_3487 : i32
      %swap3A_3489 = arith.index_cast %add3A_3488 : i32 to index
      %swap3A_3490 = tpu.vector_load %arg12[%swap3A_3489] {strides = array<i32>} : memref<3456xi32, #tpu.memory_space<vmem>>, vector<16xi32>,
      tpu.vector_store %arg12[%swap3A_3489], %get3A_3478 {strides = array<i32>} : memref<3456xi32, #tpu.memory_space<vmem>>, vector<16xi32>,
      %get3A_3491 = arith.constant 15 : i32
      %get3A_3492 = arith.index_cast %get3A_3491 : i32 to index
      %get3A_3493 = arith.constant 144 : index
      %get3A_3494 = tpu.vector_load %arg8[%get3A_3492, %get3A_3493] {strides = array<i32>} : memref<16x256xi32, #tpu.memory_space<vmem>>, vector<16xi32>,
      %add3A_3495 = arith.constant 144 : i32
      %add3A_3496 = arith.addi %reduce_sum3A_3342, %add3A_3495 : i32
      %swap3A_3497 = arith.index_cast %add3A_3496 : i32 to index
      %swap3A_3498 = tpu.vector_load %arg10[%swap3A_3497] {strides = array<i32>} : memref<3456xi32, #tpu.memory_space<vmem>>, vector<16xi32>,
      tpu.vector_store %arg10[%swap3A_3497], %broadcast_in_dim3A_3344 {strides = array<i32>} : memref<3456xi32, #tpu.memory_space<vmem>>, vector<16xi32>,
      %add3A_3499 = arith.constant 144 : i32
      %add3A_3500 = arith.addi %reduce_sum3A_3342, %add3A_3499 : i32
      %swap3A_3501 = arith.index_cast %add3A_3500 : i32 to index
      %swap3A_3502 = tpu.vector_load %arg11[%swap3A_3501] {strides = array<i32>} : memref<3456xi32, #tpu.memory_space<vmem>>, vector<16xi32>,
      tpu.vector_store %arg11[%swap3A_3501], %broadcast_in_dim3A_3346 {strides = array<i32>} : memref<3456xi32, #tpu.memory_space<vmem>>, vector<16xi32>,
      %add3A_3503 = arith.constant 144 : i32
      %add3A_3504 = arith.addi %reduce_sum3A_3342, %add3A_3503 : i32
      %swap3A_3505 = arith.index_cast %add3A_3504 : i32 to index
      %swap3A_3506 = tpu.vector_load %arg12[%swap3A_3505] {strides = array<i32>} : memref<3456xi32, #tpu.memory_space<vmem>>, vector<16xi32>,
      tpu.vector_store %arg12[%swap3A_3505], %get3A_3494 {strides = array<i32>} : memref<3456xi32, #tpu.memory_space<vmem>>, vector<16xi32>,
      %get3A_3507 = arith.constant 15 : i32
      %get3A_3508 = arith.index_cast %get3A_3507 : i32 to index
      %get3A_3509 = arith.constant 160 : index
      %get3A_3510 = tpu.vector_load %arg8[%get3A_3508, %get3A_3509] {strides = array<i32>} : memref<16x256xi32, #tpu.memory_space<vmem>>, vector<16xi32>,
      %add3A_3511 = arith.constant 160 : i32
      %add3A_3512 = arith.addi %reduce_sum3A_3342, %add3A_3511 : i32
      %swap3A_3513 = arith.index_cast %add3A_3512 : i32 to index
      %swap3A_3514 = tpu.vector_load %arg10[%swap3A_3513] {strides = array<i32>} : memref<3456xi32, #tpu.memory_space<vmem>>, vector<16xi32>,
      tpu.vector_store %arg10[%swap3A_3513], %broadcast_in_dim3A_3344 {strides = array<i32>} : memref<3456xi32, #tpu.memory_space<vmem>>, vector<16xi32>,
      %add3A_3515 = arith.constant 160 : i32
      %add3A_3516 = arith.addi %reduce_sum3A_3342, %add3A_3515 : i32
      %swap3A_3517 = arith.index_cast %add3A_3516 : i32 to index
      %swap3A_3518 = tpu.vector_load %arg11[%swap3A_3517] {strides = array<i32>} : memref<3456xi32, #tpu.memory_space<vmem>>, vector<16xi32>,
      tpu.vector_store %arg11[%swap3A_3517], %broadcast_in_dim3A_3346 {strides = array<i32>} : memref<3456xi32, #tpu.memory_space<vmem>>, vector<16xi32>,
      %add3A_3519 = arith.constant 160 : i32
      %add3A_3520 = arith.addi %reduce_sum3A_3342, %add3A_3519 : i32
      %swap3A_3521 = arith.index_cast %add3A_3520 : i32 to index
      %swap3A_3522 = tpu.vector_load %arg12[%swap3A_3521] {strides = array<i32>} : memref<3456xi32, #tpu.memory_space<vmem>>, vector<16xi32>,
      tpu.vector_store %arg12[%swap3A_3521], %get3A_3510 {strides = array<i32>} : memref<3456xi32, #tpu.memory_space<vmem>>, vector<16xi32>,
      %get3A_3523 = arith.constant 15 : i32
      %get3A_3524 = arith.index_cast %get3A_3523 : i32 to index
      %get3A_3525 = arith.constant 176 : index
      %get3A_3526 = tpu.vector_load %arg8[%get3A_3524, %get3A_3525] {strides = array<i32>} : memref<16x256xi32, #tpu.memory_space<vmem>>, vector<16xi32>,
      %add3A_3527 = arith.constant 176 : i32
      %add3A_3528 = arith.addi %reduce_sum3A_3342, %add3A_3527 : i32
      %swap3A_3529 = arith.index_cast %add3A_3528 : i32 to index
      %swap3A_3530 = tpu.vector_load %arg10[%swap3A_3529] {strides = array<i32>} : memref<3456xi32, #tpu.memory_space<vmem>>, vector<16xi32>,
      tpu.vector_store %arg10[%swap3A_3529], %broadcast_in_dim3A_3344 {strides = array<i32>} : memref<3456xi32, #tpu.memory_space<vmem>>, vector<16xi32>,
      %add3A_3531 = arith.constant 176 : i32
      %add3A_3532 = arith.addi %reduce_sum3A_3342, %add3A_3531 : i32
      %swap3A_3533 = arith.index_cast %add3A_3532 : i32 to index
      %swap3A_3534 = tpu.vector_load %arg11[%swap3A_3533] {strides = array<i32>} : memref<3456xi32, #tpu.memory_space<vmem>>, vector<16xi32>,
      tpu.vector_store %arg11[%swap3A_3533], %broadcast_in_dim3A_3346 {strides = array<i32>} : memref<3456xi32, #tpu.memory_space<vmem>>, vector<16xi32>,
      %add3A_3535 = arith.constant 176 : i32
      %add3A_3536 = arith.addi %reduce_sum3A_3342, %add3A_3535 : i32
      %swap3A_3537 = arith.index_cast %add3A_3536 : i32 to index
      %swap3A_3538 = tpu.vector_load %arg12[%swap3A_3537] {strides = array<i32>} : memref<3456xi32, #tpu.memory_space<vmem>>, vector<16xi32>,
      tpu.vector_store %arg12[%swap3A_3537], %get3A_3526 {strides = array<i32>} : memref<3456xi32, #tpu.memory_space<vmem>>, vector<16xi32>,
      %get3A_3539 = arith.constant 15 : i32
      %get3A_3540 = arith.index_cast %get3A_3539 : i32 to index
      %get3A_3541 = arith.constant 192 : index
      %get3A_3542 = tpu.vector_load %arg8[%get3A_3540, %get3A_3541] {strides = array<i32>} : memref<16x256xi32, #tpu.memory_space<vmem>>, vector<16xi32>,
      %add3A_3543 = arith.constant 192 : i32
      %add3A_3544 = arith.addi %reduce_sum3A_3342, %add3A_3543 : i32
      %swap3A_3545 = arith.index_cast %add3A_3544 : i32 to index
      %swap3A_3546 = tpu.vector_load %arg10[%swap3A_3545] {strides = array<i32>} : memref<3456xi32, #tpu.memory_space<vmem>>, vector<16xi32>,
      tpu.vector_store %arg10[%swap3A_3545], %broadcast_in_dim3A_3344 {strides = array<i32>} : memref<3456xi32, #tpu.memory_space<vmem>>, vector<16xi32>,
      %add3A_3547 = arith.constant 192 : i32
      %add3A_3548 = arith.addi %reduce_sum3A_3342, %add3A_3547 : i32
      %swap3A_3549 = arith.index_cast %add3A_3548 : i32 to index
      %swap3A_3550 = tpu.vector_load %arg11[%swap3A_3549] {strides = array<i32>} : memref<3456xi32, #tpu.memory_space<vmem>>, vector<16xi32>,
      tpu.vector_store %arg11[%swap3A_3549], %broadcast_in_dim3A_3346 {strides = array<i32>} : memref<3456xi32, #tpu.memory_space<vmem>>, vector<16xi32>,
      %add3A_3551 = arith.constant 192 : i32
      %add3A_3552 = arith.addi %reduce_sum3A_3342, %add3A_3551 : i32
      %swap3A_3553 = arith.index_cast %add3A_3552 : i32 to index
      %swap3A_3554 = tpu.vector_load %arg12[%swap3A_3553] {strides = array<i32>} : memref<3456xi32, #tpu.memory_space<vmem>>, vector<16xi32>,
      tpu.vector_store %arg12[%swap3A_3553], %get3A_3542 {strides = array<i32>} : memref<3456xi32, #tpu.memory_space<vmem>>, vector<16xi32>,
      %reduce_sum3A_3555 = arith.constant true
      %reduce_sum3A_3556 = vector.broadcast %reduce_sum3A_3555 : i1 to vector<16xi1>
      %reduce_sum3A_3557 = tpu.scan <sum>, %get3A_4 masked %reduce_sum3A_3556 : vector<16xi32>, vector<16xi1> -> vector<16xi32>
      %reduce_sum3A_3558 = vector.extract %reduce_sum3A_3557[15] : i32 from vector<16xi32>
      %add3A_3559 = arith.constant 0 : i32
      %add3A_3560 = arith.addi %reduce_sum3A_3558, %add3A_3559 : i32
      %swap3A_3561 = arith.index_cast %add3A_3560 : i32 to index
      %swap3A_3562 = tpu.vector_load %arg10[%swap3A_3561] {strides = array<i32>} : memref<3456xi32, #tpu.memory_space<vmem>>, vector<16xi32>,
      tpu.vector_store %arg10[%swap3A_3561], %broadcast_in_dim3A_7 {strides = array<i32>} : memref<3456xi32, #tpu.memory_space<vmem>>, vector<16xi32>,
      %add3A_3563 = arith.constant 0 : i32
      %add3A_3564 = arith.addi %reduce_sum3A_3558, %add3A_3563 : i32
      %swap3A_3565 = arith.index_cast %add3A_3564 : i32 to index
      %swap3A_3566 = tpu.vector_load %arg11[%swap3A_3565] {strides = array<i32>} : memref<3456xi32, #tpu.memory_space<vmem>>, vector<16xi32>,
      tpu.vector_store %arg11[%swap3A_3565], %broadcast_in_dim3A_7 {strides = array<i32>} : memref<3456xi32, #tpu.memory_space<vmem>>, vector<16xi32>,
      %add3A_3567 = arith.constant 0 : i32
      %add3A_3568 = arith.addi %reduce_sum3A_3558, %add3A_3567 : i32
      %swap3A_3569 = arith.index_cast %add3A_3568 : i32 to index
      %swap3A_3570 = tpu.vector_load %arg12[%swap3A_3569] {strides = array<i32>} : memref<3456xi32, #tpu.memory_space<vmem>>, vector<16xi32>,
      tpu.vector_store %arg12[%swap3A_3569], %broadcast_in_dim3A_7 {strides = array<i32>} : memref<3456xi32, #tpu.memory_space<vmem>>, vector<16xi32>,
      %add3A_3571 = arith.constant 16 : i32
      %add3A_3572 = arith.addi %reduce_sum3A_3558, %add3A_3571 : i32
      %swap3A_3573 = arith.index_cast %add3A_3572 : i32 to index
      %swap3A_3574 = tpu.vector_load %arg10[%swap3A_3573] {strides = array<i32>} : memref<3456xi32, #tpu.memory_space<vmem>>, vector<16xi32>,
      tpu.vector_store %arg10[%swap3A_3573], %broadcast_in_dim3A_7 {strides = array<i32>} : memref<3456xi32, #tpu.memory_space<vmem>>, vector<16xi32>,
      %add3A_3575 = arith.constant 16 : i32
      %add3A_3576 = arith.addi %reduce_sum3A_3558, %add3A_3575 : i32
      %swap3A_3577 = arith.index_cast %add3A_3576 : i32 to index
      %swap3A_3578 = tpu.vector_load %arg11[%swap3A_3577] {strides = array<i32>} : memref<3456xi32, #tpu.memory_space<vmem>>, vector<16xi32>,
      tpu.vector_store %arg11[%swap3A_3577], %broadcast_in_dim3A_7 {strides = array<i32>} : memref<3456xi32, #tpu.memory_space<vmem>>, vector<16xi32>,
      %add3A_3579 = arith.constant 16 : i32
      %add3A_3580 = arith.addi %reduce_sum3A_3558, %add3A_3579 : i32
      %swap3A_3581 = arith.index_cast %add3A_3580 : i32 to index
      %swap3A_3582 = tpu.vector_load %arg12[%swap3A_3581] {strides = array<i32>} : memref<3456xi32, #tpu.memory_space<vmem>>, vector<16xi32>,
      tpu.vector_store %arg12[%swap3A_3581], %broadcast_in_dim3A_7 {strides = array<i32>} : memref<3456xi32, #tpu.memory_space<vmem>>, vector<16xi32>,
      %add3A_3583 = arith.constant 32 : i32
      %add3A_3584 = arith.addi %reduce_sum3A_3558, %add3A_3583 : i32
      %swap3A_3585 = arith.index_cast %add3A_3584 : i32 to index
      %swap3A_3586 = tpu.vector_load %arg10[%swap3A_3585] {strides = array<i32>} : memref<3456xi32, #tpu.memory_space<vmem>>, vector<16xi32>,
      tpu.vector_store %arg10[%swap3A_3585], %broadcast_in_dim3A_7 {strides = array<i32>} : memref<3456xi32, #tpu.memory_space<vmem>>, vector<16xi32>,
      %add3A_3587 = arith.constant 32 : i32
      %add3A_3588 = arith.addi %reduce_sum3A_3558, %add3A_3587 : i32
      %swap3A_3589 = arith.index_cast %add3A_3588 : i32 to index
      %swap3A_3590 = tpu.vector_load %arg11[%swap3A_3589] {strides = array<i32>} : memref<3456xi32, #tpu.memory_space<vmem>>, vector<16xi32>,
      tpu.vector_store %arg11[%swap3A_3589], %broadcast_in_dim3A_7 {strides = array<i32>} : memref<3456xi32, #tpu.memory_space<vmem>>, vector<16xi32>,
      %add3A_3591 = arith.constant 32 : i32
      %add3A_3592 = arith.addi %reduce_sum3A_3558, %add3A_3591 : i32
      %swap3A_3593 = arith.index_cast %add3A_3592 : i32 to index
      %swap3A_3594 = tpu.vector_load %arg12[%swap3A_3593] {strides = array<i32>} : memref<3456xi32, #tpu.memory_space<vmem>>, vector<16xi32>,
      tpu.vector_store %arg12[%swap3A_3593], %broadcast_in_dim3A_7 {strides = array<i32>} : memref<3456xi32, #tpu.memory_space<vmem>>, vector<16xi32>,
      %add3A_3595 = arith.constant 48 : i32
      %add3A_3596 = arith.addi %reduce_sum3A_3558, %add3A_3595 : i32
      %swap3A_3597 = arith.index_cast %add3A_3596 : i32 to index
      %swap3A_3598 = tpu.vector_load %arg10[%swap3A_3597] {strides = array<i32>} : memref<3456xi32, #tpu.memory_space<vmem>>, vector<16xi32>,
      tpu.vector_store %arg10[%swap3A_3597], %broadcast_in_dim3A_7 {strides = array<i32>} : memref<3456xi32, #tpu.memory_space<vmem>>, vector<16xi32>,
      %add3A_3599 = arith.constant 48 : i32
      %add3A_3600 = arith.addi %reduce_sum3A_3558, %add3A_3599 : i32
      %swap3A_3601 = arith.index_cast %add3A_3600 : i32 to index
      %swap3A_3602 = tpu.vector_load %arg11[%swap3A_3601] {strides = array<i32>} : memref<3456xi32, #tpu.memory_space<vmem>>, vector<16xi32>,
      tpu.vector_store %arg11[%swap3A_3601], %broadcast_in_dim3A_7 {strides = array<i32>} : memref<3456xi32, #tpu.memory_space<vmem>>, vector<16xi32>,
      %add3A_3603 = arith.constant 48 : i32
      %add3A_3604 = arith.addi %reduce_sum3A_3558, %add3A_3603 : i32
      %swap3A_3605 = arith.index_cast %add3A_3604 : i32 to index
      %swap3A_3606 = tpu.vector_load %arg12[%swap3A_3605] {strides = array<i32>} : memref<3456xi32, #tpu.memory_space<vmem>>, vector<16xi32>,
      tpu.vector_store %arg12[%swap3A_3605], %broadcast_in_dim3A_7 {strides = array<i32>} : memref<3456xi32, #tpu.memory_space<vmem>>, vector<16xi32>,
      %add3A_3607 = arith.constant 64 : i32
      %add3A_3608 = arith.addi %reduce_sum3A_3558, %add3A_3607 : i32
      %swap3A_3609 = arith.index_cast %add3A_3608 : i32 to index
      %swap3A_3610 = tpu.vector_load %arg10[%swap3A_3609] {strides = array<i32>} : memref<3456xi32, #tpu.memory_space<vmem>>, vector<16xi32>,
      tpu.vector_store %arg10[%swap3A_3609], %broadcast_in_dim3A_7 {strides = array<i32>} : memref<3456xi32, #tpu.memory_space<vmem>>, vector<16xi32>,
      %add3A_3611 = arith.constant 64 : i32
      %add3A_3612 = arith.addi %reduce_sum3A_3558, %add3A_3611 : i32
      %swap3A_3613 = arith.index_cast %add3A_3612 : i32 to index
      %swap3A_3614 = tpu.vector_load %arg11[%swap3A_3613] {strides = array<i32>} : memref<3456xi32, #tpu.memory_space<vmem>>, vector<16xi32>,
      tpu.vector_store %arg11[%swap3A_3613], %broadcast_in_dim3A_7 {strides = array<i32>} : memref<3456xi32, #tpu.memory_space<vmem>>, vector<16xi32>,
      %add3A_3615 = arith.constant 64 : i32
      %add3A_3616 = arith.addi %reduce_sum3A_3558, %add3A_3615 : i32
      %swap3A_3617 = arith.index_cast %add3A_3616 : i32 to index
      %swap3A_3618 = tpu.vector_load %arg12[%swap3A_3617] {strides = array<i32>} : memref<3456xi32, #tpu.memory_space<vmem>>, vector<16xi32>,
      tpu.vector_store %arg12[%swap3A_3617], %broadcast_in_dim3A_7 {strides = array<i32>} : memref<3456xi32, #tpu.memory_space<vmem>>, vector<16xi32>,
      %add3A_3619 = arith.constant 80 : i32
      %add3A_3620 = arith.addi %reduce_sum3A_3558, %add3A_3619 : i32
      %swap3A_3621 = arith.index_cast %add3A_3620 : i32 to index
      %swap3A_3622 = tpu.vector_load %arg10[%swap3A_3621] {strides = array<i32>} : memref<3456xi32, #tpu.memory_space<vmem>>, vector<16xi32>,
      tpu.vector_store %arg10[%swap3A_3621], %broadcast_in_dim3A_7 {strides = array<i32>} : memref<3456xi32, #tpu.memory_space<vmem>>, vector<16xi32>,
      %add3A_3623 = arith.constant 80 : i32
      %add3A_3624 = arith.addi %reduce_sum3A_3558, %add3A_3623 : i32
      %swap3A_3625 = arith.index_cast %add3A_3624 : i32 to index
      %swap3A_3626 = tpu.vector_load %arg11[%swap3A_3625] {strides = array<i32>} : memref<3456xi32, #tpu.memory_space<vmem>>, vector<16xi32>,
      tpu.vector_store %arg11[%swap3A_3625], %broadcast_in_dim3A_7 {strides = array<i32>} : memref<3456xi32, #tpu.memory_space<vmem>>, vector<16xi32>,
      %add3A_3627 = arith.constant 80 : i32
      %add3A_3628 = arith.addi %reduce_sum3A_3558, %add3A_3627 : i32
      %swap3A_3629 = arith.index_cast %add3A_3628 : i32 to index
      %swap3A_3630 = tpu.vector_load %arg12[%swap3A_3629] {strides = array<i32>} : memref<3456xi32, #tpu.memory_space<vmem>>, vector<16xi32>,
      tpu.vector_store %arg12[%swap3A_3629], %broadcast_in_dim3A_7 {strides = array<i32>} : memref<3456xi32, #tpu.memory_space<vmem>>, vector<16xi32>,
      %add3A_3631 = arith.constant 96 : i32
      %add3A_3632 = arith.addi %reduce_sum3A_3558, %add3A_3631 : i32
      %swap3A_3633 = arith.index_cast %add3A_3632 : i32 to index
      %swap3A_3634 = tpu.vector_load %arg10[%swap3A_3633] {strides = array<i32>} : memref<3456xi32, #tpu.memory_space<vmem>>, vector<16xi32>,
      tpu.vector_store %arg10[%swap3A_3633], %broadcast_in_dim3A_7 {strides = array<i32>} : memref<3456xi32, #tpu.memory_space<vmem>>, vector<16xi32>,
      %add3A_3635 = arith.constant 96 : i32
      %add3A_3636 = arith.addi %reduce_sum3A_3558, %add3A_3635 : i32
      %swap3A_3637 = arith.index_cast %add3A_3636 : i32 to index
      %swap3A_3638 = tpu.vector_load %arg11[%swap3A_3637] {strides = array<i32>} : memref<3456xi32, #tpu.memory_space<vmem>>, vector<16xi32>,
      tpu.vector_store %arg11[%swap3A_3637], %broadcast_in_dim3A_7 {strides = array<i32>} : memref<3456xi32, #tpu.memory_space<vmem>>, vector<16xi32>,
      %add3A_3639 = arith.constant 96 : i32
      %add3A_3640 = arith.addi %reduce_sum3A_3558, %add3A_3639 : i32
      %swap3A_3641 = arith.index_cast %add3A_3640 : i32 to index
      %swap3A_3642 = tpu.vector_load %arg12[%swap3A_3641] {strides = array<i32>} : memref<3456xi32, #tpu.memory_space<vmem>>, vector<16xi32>,
      tpu.vector_store %arg12[%swap3A_3641], %broadcast_in_dim3A_7 {strides = array<i32>} : memref<3456xi32, #tpu.memory_space<vmem>>, vector<16xi32>,
      %add3A_3643 = arith.constant 112 : i32
      %add3A_3644 = arith.addi %reduce_sum3A_3558, %add3A_3643 : i32
      %swap3A_3645 = arith.index_cast %add3A_3644 : i32 to index
      %swap3A_3646 = tpu.vector_load %arg10[%swap3A_3645] {strides = array<i32>} : memref<3456xi32, #tpu.memory_space<vmem>>, vector<16xi32>,
      tpu.vector_store %arg10[%swap3A_3645], %broadcast_in_dim3A_7 {strides = array<i32>} : memref<3456xi32, #tpu.memory_space<vmem>>, vector<16xi32>,
      %add3A_3647 = arith.constant 112 : i32
      %add3A_3648 = arith.addi %reduce_sum3A_3558, %add3A_3647 : i32
      %swap3A_3649 = arith.index_cast %add3A_3648 : i32 to index
      %swap3A_3650 = tpu.vector_load %arg11[%swap3A_3649] {strides = array<i32>} : memref<3456xi32, #tpu.memory_space<vmem>>, vector<16xi32>,
      tpu.vector_store %arg11[%swap3A_3649], %broadcast_in_dim3A_7 {strides = array<i32>} : memref<3456xi32, #tpu.memory_space<vmem>>, vector<16xi32>,
      %add3A_3651 = arith.constant 112 : i32
      %add3A_3652 = arith.addi %reduce_sum3A_3558, %add3A_3651 : i32
      %swap3A_3653 = arith.index_cast %add3A_3652 : i32 to index
      %swap3A_3654 = tpu.vector_load %arg12[%swap3A_3653] {strides = array<i32>} : memref<3456xi32, #tpu.memory_space<vmem>>, vector<16xi32>,
      tpu.vector_store %arg12[%swap3A_3653], %broadcast_in_dim3A_7 {strides = array<i32>} : memref<3456xi32, #tpu.memory_space<vmem>>, vector<16xi32>,
      %add3A_3655 = arith.constant 128 : i32
      %add3A_3656 = arith.addi %reduce_sum3A_3558, %add3A_3655 : i32
      %swap3A_3657 = arith.index_cast %add3A_3656 : i32 to index
      %swap3A_3658 = tpu.vector_load %arg10[%swap3A_3657] {strides = array<i32>} : memref<3456xi32, #tpu.memory_space<vmem>>, vector<16xi32>,
      tpu.vector_store %arg10[%swap3A_3657], %broadcast_in_dim3A_7 {strides = array<i32>} : memref<3456xi32, #tpu.memory_space<vmem>>, vector<16xi32>,
      %add3A_3659 = arith.constant 128 : i32
      %add3A_3660 = arith.addi %reduce_sum3A_3558, %add3A_3659 : i32
      %swap3A_3661 = arith.index_cast %add3A_3660 : i32 to index
      %swap3A_3662 = tpu.vector_load %arg11[%swap3A_3661] {strides = array<i32>} : memref<3456xi32, #tpu.memory_space<vmem>>, vector<16xi32>,
      tpu.vector_store %arg11[%swap3A_3661], %broadcast_in_dim3A_7 {strides = array<i32>} : memref<3456xi32, #tpu.memory_space<vmem>>, vector<16xi32>,
      %add3A_3663 = arith.constant 128 : i32
      %add3A_3664 = arith.addi %reduce_sum3A_3558, %add3A_3663 : i32
      %swap3A_3665 = arith.index_cast %add3A_3664 : i32 to index
      %swap3A_3666 = tpu.vector_load %arg12[%swap3A_3665] {strides = array<i32>} : memref<3456xi32, #tpu.memory_space<vmem>>, vector<16xi32>,
      tpu.vector_store %arg12[%swap3A_3665], %broadcast_in_dim3A_7 {strides = array<i32>} : memref<3456xi32, #tpu.memory_space<vmem>>, vector<16xi32>,
      %add3A_3667 = arith.constant 144 : i32
      %add3A_3668 = arith.addi %reduce_sum3A_3558, %add3A_3667 : i32
      %swap3A_3669 = arith.index_cast %add3A_3668 : i32 to index
      %swap3A_3670 = tpu.vector_load %arg10[%swap3A_3669] {strides = array<i32>} : memref<3456xi32, #tpu.memory_space<vmem>>, vector<16xi32>,
      tpu.vector_store %arg10[%swap3A_3669], %broadcast_in_dim3A_7 {strides = array<i32>} : memref<3456xi32, #tpu.memory_space<vmem>>, vector<16xi32>,
      %add3A_3671 = arith.constant 144 : i32
      %add3A_3672 = arith.addi %reduce_sum3A_3558, %add3A_3671 : i32
      %swap3A_3673 = arith.index_cast %add3A_3672 : i32 to index
      %swap3A_3674 = tpu.vector_load %arg11[%swap3A_3673] {strides = array<i32>} : memref<3456xi32, #tpu.memory_space<vmem>>, vector<16xi32>,
      tpu.vector_store %arg11[%swap3A_3673], %broadcast_in_dim3A_7 {strides = array<i32>} : memref<3456xi32, #tpu.memory_space<vmem>>, vector<16xi32>,
      %add3A_3675 = arith.constant 144 : i32
      %add3A_3676 = arith.addi %reduce_sum3A_3558, %add3A_3675 : i32
      %swap3A_3677 = arith.index_cast %add3A_3676 : i32 to index
      %swap3A_3678 = tpu.vector_load %arg12[%swap3A_3677] {strides = array<i32>} : memref<3456xi32, #tpu.memory_space<vmem>>, vector<16xi32>,
      tpu.vector_store %arg12[%swap3A_3677], %broadcast_in_dim3A_7 {strides = array<i32>} : memref<3456xi32, #tpu.memory_space<vmem>>, vector<16xi32>,
      %add3A_3679 = arith.constant 160 : i32
      %add3A_3680 = arith.addi %reduce_sum3A_3558, %add3A_3679 : i32
      %swap3A_3681 = arith.index_cast %add3A_3680 : i32 to index
      %swap3A_3682 = tpu.vector_load %arg10[%swap3A_3681] {strides = array<i32>} : memref<3456xi32, #tpu.memory_space<vmem>>, vector<16xi32>,
      tpu.vector_store %arg10[%swap3A_3681], %broadcast_in_dim3A_7 {strides = array<i32>} : memref<3456xi32, #tpu.memory_space<vmem>>, vector<16xi32>,
      %add3A_3683 = arith.constant 160 : i32
      %add3A_3684 = arith.addi %reduce_sum3A_3558, %add3A_3683 : i32
      %swap3A_3685 = arith.index_cast %add3A_3684 : i32 to index
      %swap3A_3686 = tpu.vector_load %arg11[%swap3A_3685] {strides = array<i32>} : memref<3456xi32, #tpu.memory_space<vmem>>, vector<16xi32>,
      tpu.vector_store %arg11[%swap3A_3685], %broadcast_in_dim3A_7 {strides = array<i32>} : memref<3456xi32, #tpu.memory_space<vmem>>, vector<16xi32>,
      %add3A_3687 = arith.constant 160 : i32
      %add3A_3688 = arith.addi %reduce_sum3A_3558, %add3A_3687 : i32
      %swap3A_3689 = arith.index_cast %add3A_3688 : i32 to index
      %swap3A_3690 = tpu.vector_load %arg12[%swap3A_3689] {strides = array<i32>} : memref<3456xi32, #tpu.memory_space<vmem>>, vector<16xi32>,
      tpu.vector_store %arg12[%swap3A_3689], %broadcast_in_dim3A_7 {strides = array<i32>} : memref<3456xi32, #tpu.memory_space<vmem>>, vector<16xi32>,
      %add3A_3691 = arith.constant 176 : i32
      %add3A_3692 = arith.addi %reduce_sum3A_3558, %add3A_3691 : i32
      %swap3A_3693 = arith.index_cast %add3A_3692 : i32 to index
      %swap3A_3694 = tpu.vector_load %arg10[%swap3A_3693] {strides = array<i32>} : memref<3456xi32, #tpu.memory_space<vmem>>, vector<16xi32>,
      tpu.vector_store %arg10[%swap3A_3693], %broadcast_in_dim3A_7 {strides = array<i32>} : memref<3456xi32, #tpu.memory_space<vmem>>, vector<16xi32>,
      %add3A_3695 = arith.constant 176 : i32
      %add3A_3696 = arith.addi %reduce_sum3A_3558, %add3A_3695 : i32
      %swap3A_3697 = arith.index_cast %add3A_3696 : i32 to index
      %swap3A_3698 = tpu.vector_load %arg11[%swap3A_3697] {strides = array<i32>} : memref<3456xi32, #tpu.memory_space<vmem>>, vector<16xi32>,
      tpu.vector_store %arg11[%swap3A_3697], %broadcast_in_dim3A_7 {strides = array<i32>} : memref<3456xi32, #tpu.memory_space<vmem>>, vector<16xi32>,
      %add3A_3699 = arith.constant 176 : i32
      %add3A_3700 = arith.addi %reduce_sum3A_3558, %add3A_3699 : i32
      %swap3A_3701 = arith.index_cast %add3A_3700 : i32 to index
      %swap3A_3702 = tpu.vector_load %arg12[%swap3A_3701] {strides = array<i32>} : memref<3456xi32, #tpu.memory_space<vmem>>, vector<16xi32>,
      tpu.vector_store %arg12[%swap3A_3701], %broadcast_in_dim3A_7 {strides = array<i32>} : memref<3456xi32, #tpu.memory_space<vmem>>, vector<16xi32>,
      %add3A_3703 = arith.constant 192 : i32
      %add3A_3704 = arith.addi %reduce_sum3A_3558, %add3A_3703 : i32
      %swap3A_3705 = arith.index_cast %add3A_3704 : i32 to index
      %swap3A_3706 = tpu.vector_load %arg10[%swap3A_3705] {strides = array<i32>} : memref<3456xi32, #tpu.memory_space<vmem>>, vector<16xi32>,
      tpu.vector_store %arg10[%swap3A_3705], %broadcast_in_dim3A_7 {strides = array<i32>} : memref<3456xi32, #tpu.memory_space<vmem>>, vector<16xi32>,
      %add3A_3707 = arith.constant 192 : i32
      %add3A_3708 = arith.addi %reduce_sum3A_3558, %add3A_3707 : i32
      %swap3A_3709 = arith.index_cast %add3A_3708 : i32 to index
      %swap3A_3710 = tpu.vector_load %arg11[%swap3A_3709] {strides = array<i32>} : memref<3456xi32, #tpu.memory_space<vmem>>, vector<16xi32>,
      tpu.vector_store %arg11[%swap3A_3709], %broadcast_in_dim3A_7 {strides = array<i32>} : memref<3456xi32, #tpu.memory_space<vmem>>, vector<16xi32>,
      %add3A_3711 = arith.constant 192 : i32
      %add3A_3712 = arith.addi %reduce_sum3A_3558, %add3A_3711 : i32
      %swap3A_3713 = arith.index_cast %add3A_3712 : i32 to index
      %swap3A_3714 = tpu.vector_load %arg12[%swap3A_3713] {strides = array<i32>} : memref<3456xi32, #tpu.memory_space<vmem>>, vector<16xi32>,
      tpu.vector_store %arg12[%swap3A_3713], %broadcast_in_dim3A_7 {strides = array<i32>} : memref<3456xi32, #tpu.memory_space<vmem>>, vector<16xi32>,
      %add3A_3715 = arith.constant 208 : i32
      %add3A_3716 = arith.addi %reduce_sum3A_3558, %add3A_3715 : i32
      %swap3A_3717 = arith.index_cast %add3A_3716 : i32 to index
      %swap3A_3718 = tpu.vector_load %arg10[%swap3A_3717] {strides = array<i32>} : memref<3456xi32, #tpu.memory_space<vmem>>, vector<16xi32>,
      tpu.vector_store %arg10[%swap3A_3717], %broadcast_in_dim3A_7 {strides = array<i32>} : memref<3456xi32, #tpu.memory_space<vmem>>, vector<16xi32>,
      %add3A_3719 = arith.constant 208 : i32
      %add3A_3720 = arith.addi %reduce_sum3A_3558, %add3A_3719 : i32
      %swap3A_3721 = arith.index_cast %add3A_3720 : i32 to index
      %swap3A_3722 = tpu.vector_load %arg11[%swap3A_3721] {strides = array<i32>} : memref<3456xi32, #tpu.memory_space<vmem>>, vector<16xi32>,
      tpu.vector_store %arg11[%swap3A_3721], %broadcast_in_dim3A_7 {strides = array<i32>} : memref<3456xi32, #tpu.memory_space<vmem>>, vector<16xi32>,
      %add3A_3723 = arith.constant 208 : i32
      %add3A_3724 = arith.addi %reduce_sum3A_3558, %add3A_3723 : i32
      %swap3A_3725 = arith.index_cast %add3A_3724 : i32 to index
      %swap3A_3726 = tpu.vector_load %arg12[%swap3A_3725] {strides = array<i32>} : memref<3456xi32, #tpu.memory_space<vmem>>, vector<16xi32>,
      tpu.vector_store %arg12[%swap3A_3725], %broadcast_in_dim3A_7 {strides = array<i32>} : memref<3456xi32, #tpu.memory_space<vmem>>, vector<16xi32>,
      "tpu.region"() ({
        %run_scoped3A = tpu.sem_alloc : memref<!tpu.dma_semaphore, #tpu.memory_space<semaphore_mem>>
        %dma_start3A = arith.constant 0 : i32
        %dma_start3A_3727 = tpu.memref_slice %arg10[%dma_start3A] : memref<3456xi32, #tpu.memory_space<vmem>> -> memref<3200xi32, #tpu.memory_space<vmem>>
        %dma_start3A_3728 = arith.constant 0 : i32
        %dma_start3A_3729 = tpu.memref_slice %arg10[%dma_start3A_3728] : memref<3456xi32, #tpu.memory_space<vmem>> -> memref<3200xi32, #tpu.memory_space<vmem>>
        tpu.enqueue_dma source(%dma_start3A_3729 : memref<3200xi32, #tpu.memory_space<vmem>>) target(%arg5 : memref<3200xi32, #tpu.memory_space<hbm>>) target_semaphore(%run_scoped3A : memref<!tpu.dma_semaphore, #tpu.memory_space<semaphore_mem>>)
        %dma_wait3A = arith.constant 0 : i32
        %dma_wait3A_3730 = tpu.memref_slice %arg10[%dma_wait3A] : memref<3456xi32, #tpu.memory_space<vmem>> -> memref<3200xi32, #tpu.memory_space<vmem>>
        %dma_wait3A_3731 = arith.constant 0 : i32
        %dma_wait3A_3732 = tpu.memref_slice %arg10[%dma_wait3A_3731] : memref<3456xi32, #tpu.memory_space<vmem>> -> memref<3200xi32, #tpu.memory_space<vmem>>
        tpu.wait_dma2 semaphore(%run_scoped3A : memref<!tpu.dma_semaphore, #tpu.memory_space<semaphore_mem>>) src(%dma_wait3A_3732 : memref<3200xi32, #tpu.memory_space<vmem>>) dst(%arg5 : memref<3200xi32, #tpu.memory_space<hbm>>)
        tpu.yield
      }) : () -> ()
      "tpu.region"() ({
        %run_scoped3A = tpu.sem_alloc : memref<!tpu.dma_semaphore, #tpu.memory_space<semaphore_mem>>
        %dma_start3A = arith.constant 0 : i32
        %dma_start3A_3727 = tpu.memref_slice %arg11[%dma_start3A] : memref<3456xi32, #tpu.memory_space<vmem>> -> memref<3200xi32, #tpu.memory_space<vmem>>
        %dma_start3A_3728 = arith.constant 0 : i32
        %dma_start3A_3729 = tpu.memref_slice %arg11[%dma_start3A_3728] : memref<3456xi32, #tpu.memory_space<vmem>> -> memref<3200xi32, #tpu.memory_space<vmem>>
        tpu.enqueue_dma source(%dma_start3A_3729 : memref<3200xi32, #tpu.memory_space<vmem>>) target(%arg6 : memref<3200xi32, #tpu.memory_space<hbm>>) target_semaphore(%run_scoped3A : memref<!tpu.dma_semaphore, #tpu.memory_space<semaphore_mem>>)
        %dma_wait3A = arith.constant 0 : i32
        %dma_wait3A_3730 = tpu.memref_slice %arg11[%dma_wait3A] : memref<3456xi32, #tpu.memory_space<vmem>> -> memref<3200xi32, #tpu.memory_space<vmem>>
        %dma_wait3A_3731 = arith.constant 0 : i32
        %dma_wait3A_3732 = tpu.memref_slice %arg11[%dma_wait3A_3731] : memref<3456xi32, #tpu.memory_space<vmem>> -> memref<3200xi32, #tpu.memory_space<vmem>>
        tpu.wait_dma2 semaphore(%run_scoped3A : memref<!tpu.dma_semaphore, #tpu.memory_space<semaphore_mem>>) src(%dma_wait3A_3732 : memref<3200xi32, #tpu.memory_space<vmem>>) dst(%arg6 : memref<3200xi32, #tpu.memory_space<hbm>>)
        tpu.yield
      }) : () -> ()
      "tpu.region"() ({
        %run_scoped3A = tpu.sem_alloc : memref<!tpu.dma_semaphore, #tpu.memory_space<semaphore_mem>>
        %dma_start3A = arith.constant 0 : i32
        %dma_start3A_3727 = tpu.memref_slice %arg12[%dma_start3A] : memref<3456xi32, #tpu.memory_space<vmem>> -> memref<3200xi32, #tpu.memory_space<vmem>>
        %dma_start3A_3728 = arith.constant 0 : i32
        %dma_start3A_3729 = tpu.memref_slice %arg12[%dma_start3A_3728] : memref<3456xi32, #tpu.memory_space<vmem>> -> memref<3200xi32, #tpu.memory_space<vmem>>
        tpu.enqueue_dma source(%dma_start3A_3729 : memref<3200xi32, #tpu.memory_space<vmem>>) target(%arg7 : memref<3200xi32, #tpu.memory_space<hbm>>) target_semaphore(%run_scoped3A : memref<!tpu.dma_semaphore, #tpu.memory_space<semaphore_mem>>)
        %dma_wait3A = arith.constant 0 : i32
        %dma_wait3A_3730 = tpu.memref_slice %arg12[%dma_wait3A] : memref<3456xi32, #tpu.memory_space<vmem>> -> memref<3200xi32, #tpu.memory_space<vmem>>
        %dma_wait3A_3731 = arith.constant 0 : i32
        %dma_wait3A_3732 = tpu.memref_slice %arg12[%dma_wait3A_3731] : memref<3456xi32, #tpu.memory_space<vmem>> -> memref<3200xi32, #tpu.memory_space<vmem>>
        tpu.wait_dma2 semaphore(%run_scoped3A : memref<!tpu.dma_semaphore, #tpu.memory_space<semaphore_mem>>) src(%dma_wait3A_3732 : memref<3200xi32, #tpu.memory_space<vmem>>) dst(%arg7 : memref<3200xi32, #tpu.memory_space<hbm>>)
        tpu.yield
      }) : () -> ()
    } else {
    }
    return
  }
}

module attributes {stable_mosaic.version = 14 : i64} {
  func.func @_nms_kernel(%arg0: memref<16x5120xf32, #tpu.memory_space<vmem>>, %arg1: memref<16x5120xf32, #tpu.memory_space<vmem>>, %arg2: memref<16x5120xf32, #tpu.memory_space<vmem>>, %arg3: memref<16x5120xf32, #tpu.memory_space<vmem>>, %arg4: memref<16x5120xf32, #tpu.memory_space<vmem>>, %arg5: memref<16x256xi32, #tpu.memory_space<vmem>>, %arg6: memref<16x1xi32, #tpu.memory_space<vmem>>) attributes {dimension_semantics = [], scalar_prefetch = 0 : i64, scratch_operands = 0 : i64, tpu.core_type = #tpu.core_type<tc>} {
    %get3A = arith.constant 0 : index
    %get3A_0 = arith.constant 0 : index
    %get3A_1 = vector.load %arg0[%get3A, %get3A_0] : memref<16x5120xf32, #tpu.memory_space<vmem>>, vector<16x5120xf32>
    %get3A_2 = arith.constant 0 : index
    %get3A_3 = arith.constant 0 : index
    %get3A_4 = vector.load %arg1[%get3A_2, %get3A_3] : memref<16x5120xf32, #tpu.memory_space<vmem>>, vector<16x5120xf32>
    %get3A_5 = arith.constant 0 : index
    %get3A_6 = arith.constant 0 : index
    %get3A_7 = vector.load %arg2[%get3A_5, %get3A_6] : memref<16x5120xf32, #tpu.memory_space<vmem>>, vector<16x5120xf32>
    %get3A_8 = arith.constant 0 : index
    %get3A_9 = arith.constant 0 : index
    %get3A_10 = vector.load %arg3[%get3A_8, %get3A_9] : memref<16x5120xf32, #tpu.memory_space<vmem>>, vector<16x5120xf32>
    %get3A_11 = arith.constant 0 : index
    %get3A_12 = arith.constant 0 : index
    %get3A_13 = vector.load %arg4[%get3A_11, %get3A_12] : memref<16x5120xf32, #tpu.memory_space<vmem>>, vector<16x5120xf32>
    %sub3A = arith.subf %get3A_7, %get3A_1 : vector<16x5120xf32>
    %sub3A_14 = arith.subf %get3A_10, %get3A_4 : vector<16x5120xf32>
    %mul3A = arith.mulf %sub3A, %sub3A_14 : vector<16x5120xf32>
    %iota3A = tpu.iota {dimensions = array<i32: 1>} : vector<16x5120xi32>
    %iota3A_15 = tpu.iota {dimensions = array<i32: 1>} : vector<16x256xi32>
    %gt3A = arith.constant 5.000000e-01 : f32
    %gt3A_16 = vector.broadcast %gt3A : f32 to vector<16x5120xf32>
    %gt3A_17 = arith.cmpf ogt, %get3A_13, %gt3A_16 : vector<16x5120xf32>
    %jit3A = arith.constant -1.000000e+00 : f32
    %broadcast_in_dim3A = vector.broadcast %jit3A : f32 to vector<16x5120xf32>
    %select_n3A = arith.select %gt3A_17, %get3A_13, %broadcast_in_dim3A : vector<16x5120xi1>, vector<16x5120xf32>
    %broadcast_in_dim3A_18 = arith.constant 0 : i32
    %broadcast_in_dim3A_19 = vector.broadcast %broadcast_in_dim3A_18 : i32 to vector<16x256xi32>
    %broadcast_in_dim3A_20 = arith.constant 0 : i32
    %broadcast_in_dim3A_21 = vector.broadcast %broadcast_in_dim3A_20 : i32 to vector<16x1xi32>
    %scan3A = arith.constant 0 : i32
    %scan3A_22 = arith.constant 200 : i32
    %scan3A_23 = arith.addi %scan3A, %scan3A_22 : i32
    %scan3A_24 = arith.constant 4 : i32
    %scan3A_25:3 = scf.for %scan3A_32 = %scan3A to %scan3A_23 step %scan3A_24 iter_args(%scan3A_33 = %select_n3A, %scan3A_34 = %broadcast_in_dim3A_19, %scan3A_35 = %broadcast_in_dim3A_21) -> (vector<16x5120xf32>, vector<16x256xi32>, vector<16x1xi32>)  : i32 {
      %reduce_max3A = arith.constant dense<0xFF800000> : vector<16xf32>
      %reduce_max3A_36 = vector.multi_reduction <maximumf>, %scan3A_33, %reduce_max3A [1] : vector<16x5120xf32> to vector<16xf32>
      %broadcast_in_dim3A_37 = vector.shape_cast %reduce_max3A_36 : vector<16xf32> to vector<16x1xf32>
      %gt3A_38 = arith.constant 5.000000e-01 : f32
      %gt3A_39 = vector.broadcast %gt3A_38 : f32 to vector<16x1xf32>
      %gt3A_40 = arith.cmpf ogt, %broadcast_in_dim3A_37, %gt3A_39 : vector<16x1xf32>
      %eq3A = vector.broadcast %broadcast_in_dim3A_37 : vector<16x1xf32> to vector<16x5120xf32>
      %eq3A_41 = arith.cmpf oeq, %scan3A_33, %eq3A : vector<16x5120xf32>
      %jit3A_42 = arith.constant 5120 : i32
      %broadcast_in_dim3A_43 = vector.broadcast %jit3A_42 : i32 to vector<16x5120xi32>
      %select_n3A_44 = arith.select %eq3A_41, %iota3A, %broadcast_in_dim3A_43 : vector<16x5120xi1>, vector<16x5120xi32>
      %reduce_min3A = arith.constant dense<2147483647> : vector<16xi32>
      %reduce_min3A_45 = vector.multi_reduction <minsi>, %select_n3A_44, %reduce_min3A [1] : vector<16x5120xi32> to vector<16xi32>
      %broadcast_in_dim3A_46 = vector.shape_cast %reduce_min3A_45 : vector<16xi32> to vector<16x1xi32>
      %eq3A_47 = vector.broadcast %broadcast_in_dim3A_46 : vector<16x1xi32> to vector<16x5120xi32>
      %eq3A_48 = arith.cmpi eq, %iota3A, %eq3A_47 : vector<16x5120xi32>
      %jit3A_49 = arith.constant 0.000000e+00 : f32
      %broadcast_in_dim3A_50 = vector.broadcast %jit3A_49 : f32 to vector<16x5120xf32>
      %select_n3A_51 = arith.select %eq3A_48, %get3A_1, %broadcast_in_dim3A_50 : vector<16x5120xi1>, vector<16x5120xf32>
      %reduce_sum3A = arith.constant dense<0.000000e+00> : vector<16xf32>
      %reduce_sum3A_52 = vector.multi_reduction <add>, %select_n3A_51, %reduce_sum3A [1] : vector<16x5120xf32> to vector<16xf32>
      %broadcast_in_dim3A_53 = vector.shape_cast %reduce_sum3A_52 : vector<16xf32> to vector<16x1xf32>
      %jit3A_54 = arith.constant 0.000000e+00 : f32
      %broadcast_in_dim3A_55 = vector.broadcast %jit3A_54 : f32 to vector<16x5120xf32>
      %select_n3A_56 = arith.select %eq3A_48, %get3A_4, %broadcast_in_dim3A_55 : vector<16x5120xi1>, vector<16x5120xf32>
      %reduce_sum3A_57 = arith.constant dense<0.000000e+00> : vector<16xf32>
      %reduce_sum3A_58 = vector.multi_reduction <add>, %select_n3A_56, %reduce_sum3A_57 [1] : vector<16x5120xf32> to vector<16xf32>
      %broadcast_in_dim3A_59 = vector.shape_cast %reduce_sum3A_58 : vector<16xf32> to vector<16x1xf32>
      %jit3A_60 = arith.constant 0.000000e+00 : f32
      %broadcast_in_dim3A_61 = vector.broadcast %jit3A_60 : f32 to vector<16x5120xf32>
      %select_n3A_62 = arith.select %eq3A_48, %get3A_7, %broadcast_in_dim3A_61 : vector<16x5120xi1>, vector<16x5120xf32>
      %reduce_sum3A_63 = arith.constant dense<0.000000e+00> : vector<16xf32>
      %reduce_sum3A_64 = vector.multi_reduction <add>, %select_n3A_62, %reduce_sum3A_63 [1] : vector<16x5120xf32> to vector<16xf32>
      %broadcast_in_dim3A_65 = vector.shape_cast %reduce_sum3A_64 : vector<16xf32> to vector<16x1xf32>
      %jit3A_66 = arith.constant 0.000000e+00 : f32
      %broadcast_in_dim3A_67 = vector.broadcast %jit3A_66 : f32 to vector<16x5120xf32>
      %select_n3A_68 = arith.select %eq3A_48, %get3A_10, %broadcast_in_dim3A_67 : vector<16x5120xi1>, vector<16x5120xf32>
      %reduce_sum3A_69 = arith.constant dense<0.000000e+00> : vector<16xf32>
      %reduce_sum3A_70 = vector.multi_reduction <add>, %select_n3A_68, %reduce_sum3A_69 [1] : vector<16x5120xf32> to vector<16xf32>
      %broadcast_in_dim3A_71 = vector.shape_cast %reduce_sum3A_70 : vector<16xf32> to vector<16x1xf32>
      %sub3A_72 = arith.subf %broadcast_in_dim3A_65, %broadcast_in_dim3A_53 : vector<16x1xf32>
      %sub3A_73 = arith.subf %broadcast_in_dim3A_71, %broadcast_in_dim3A_59 : vector<16x1xf32>
      %mul3A_74 = arith.mulf %sub3A_72, %sub3A_73 : vector<16x1xf32>
      %min3A = vector.broadcast %broadcast_in_dim3A_65 : vector<16x1xf32> to vector<16x5120xf32>
      %min3A_75 = arith.minimumf %get3A_7, %min3A : vector<16x5120xf32>
      %max3A = vector.broadcast %broadcast_in_dim3A_53 : vector<16x1xf32> to vector<16x5120xf32>
      %max3A_76 = arith.maximumf %get3A_1, %max3A : vector<16x5120xf32>
      %sub3A_77 = arith.subf %min3A_75, %max3A_76 : vector<16x5120xf32>
      %max3A_78 = arith.constant 0.000000e+00 : f32
      %max3A_79 = vector.broadcast %max3A_78 : f32 to vector<16x5120xf32>
      %max3A_80 = arith.maximumf %sub3A_77, %max3A_79 : vector<16x5120xf32>
      %min3A_81 = vector.broadcast %broadcast_in_dim3A_71 : vector<16x1xf32> to vector<16x5120xf32>
      %min3A_82 = arith.minimumf %get3A_10, %min3A_81 : vector<16x5120xf32>
      %max3A_83 = vector.broadcast %broadcast_in_dim3A_59 : vector<16x1xf32> to vector<16x5120xf32>
      %max3A_84 = arith.maximumf %get3A_4, %max3A_83 : vector<16x5120xf32>
      %sub3A_85 = arith.subf %min3A_82, %max3A_84 : vector<16x5120xf32>
      %max3A_86 = arith.constant 0.000000e+00 : f32
      %max3A_87 = vector.broadcast %max3A_86 : f32 to vector<16x5120xf32>
      %max3A_88 = arith.maximumf %sub3A_85, %max3A_87 : vector<16x5120xf32>
      %mul3A_89 = arith.mulf %max3A_80, %max3A_88 : vector<16x5120xf32>
      %add3A = vector.broadcast %mul3A_74 : vector<16x1xf32> to vector<16x5120xf32>
      %add3A_90 = arith.addf %mul3A, %add3A : vector<16x5120xf32>
      %sub3A_91 = arith.subf %add3A_90, %mul3A_89 : vector<16x5120xf32>
      %div3A = arith.divf %mul3A_89, %sub3A_91 : vector<16x5120xf32>
      %gt3A_92 = arith.constant 5.000000e-01 : f32
      %gt3A_93 = vector.broadcast %gt3A_92 : f32 to vector<16x5120xf32>
      %gt3A_94 = arith.cmpf ogt, %div3A, %gt3A_93 : vector<16x5120xf32>
      %or3A = arith.ori %gt3A_94, %eq3A_48 : vector<16x5120xi1>
      %and3A = vector.broadcast %gt3A_40 : vector<16x1xi1> to vector<16x5120xi1>
      %and3A_95 = arith.andi %or3A, %and3A : vector<16x5120xi1>
      %jit3A_96 = arith.constant -1.000000e+00 : f32
      %broadcast_in_dim3A_97 = vector.broadcast %jit3A_96 : f32 to vector<16x5120xf32>
      %select_n3A_98 = arith.select %and3A_95, %broadcast_in_dim3A_97, %scan3A_33 : vector<16x5120xi1>, vector<16x5120xf32>
      %eq3A_99 = vector.broadcast %scan3A_32 : i32 to vector<16x256xi32>
      %eq3A_100 = arith.cmpi eq, %iota3A_15, %eq3A_99 : vector<16x256xi32>
      %and3A_101 = vector.broadcast %gt3A_40 : vector<16x1xi1> to vector<16x256xi1>
      %and3A_102 = arith.andi %eq3A_100, %and3A_101 : vector<16x256xi1>
      %jit3A_103 = arith.constant 0 : i32
      %broadcast_in_dim3A_104 = vector.shape_cast %broadcast_in_dim3A_46 : vector<16x1xi32> to vector<16x1xi32>
      %broadcast_in_dim3A_105 = vector.broadcast %broadcast_in_dim3A_104 : vector<16x1xi32> to vector<16x256xi32>
      %broadcast_in_dim3A_106 = vector.broadcast %jit3A_103 : i32 to vector<16x256xi32>
      %select_n3A_107 = arith.select %and3A_102, %broadcast_in_dim3A_105, %broadcast_in_dim3A_106 : vector<16x256xi1>, vector<16x256xi32>
      %add3A_108 = arith.addi %scan3A_34, %select_n3A_107 : vector<16x256xi32>
      %convert_element_type3A = arith.extui %gt3A_40 : vector<16x1xi1> to vector<16x1xi32>
      %add3A_109 = arith.addi %scan3A_35, %convert_element_type3A : vector<16x1xi32>
      %scan3A_110 = arith.constant 1 : i32
      %scan3A_111 = arith.addi %scan3A_32, %scan3A_110 : i32
      %reduce_max3A_112 = arith.constant dense<0xFF800000> : vector<16xf32>
      %reduce_max3A_113 = vector.multi_reduction <maximumf>, %select_n3A_98, %reduce_max3A_112 [1] : vector<16x5120xf32> to vector<16xf32>
      %broadcast_in_dim3A_114 = vector.shape_cast %reduce_max3A_113 : vector<16xf32> to vector<16x1xf32>
      %gt3A_115 = arith.constant 5.000000e-01 : f32
      %gt3A_116 = vector.broadcast %gt3A_115 : f32 to vector<16x1xf32>
      %gt3A_117 = arith.cmpf ogt, %broadcast_in_dim3A_114, %gt3A_116 : vector<16x1xf32>
      %eq3A_118 = vector.broadcast %broadcast_in_dim3A_114 : vector<16x1xf32> to vector<16x5120xf32>
      %eq3A_119 = arith.cmpf oeq, %select_n3A_98, %eq3A_118 : vector<16x5120xf32>
      %jit3A_120 = arith.constant 5120 : i32
      %broadcast_in_dim3A_121 = vector.broadcast %jit3A_120 : i32 to vector<16x5120xi32>
      %select_n3A_122 = arith.select %eq3A_119, %iota3A, %broadcast_in_dim3A_121 : vector<16x5120xi1>, vector<16x5120xi32>
      %reduce_min3A_123 = arith.constant dense<2147483647> : vector<16xi32>
      %reduce_min3A_124 = vector.multi_reduction <minsi>, %select_n3A_122, %reduce_min3A_123 [1] : vector<16x5120xi32> to vector<16xi32>
      %broadcast_in_dim3A_125 = vector.shape_cast %reduce_min3A_124 : vector<16xi32> to vector<16x1xi32>
      %eq3A_126 = vector.broadcast %broadcast_in_dim3A_125 : vector<16x1xi32> to vector<16x5120xi32>
      %eq3A_127 = arith.cmpi eq, %iota3A, %eq3A_126 : vector<16x5120xi32>
      %jit3A_128 = arith.constant 0.000000e+00 : f32
      %broadcast_in_dim3A_129 = vector.broadcast %jit3A_128 : f32 to vector<16x5120xf32>
      %select_n3A_130 = arith.select %eq3A_127, %get3A_1, %broadcast_in_dim3A_129 : vector<16x5120xi1>, vector<16x5120xf32>
      %reduce_sum3A_131 = arith.constant dense<0.000000e+00> : vector<16xf32>
      %reduce_sum3A_132 = vector.multi_reduction <add>, %select_n3A_130, %reduce_sum3A_131 [1] : vector<16x5120xf32> to vector<16xf32>
      %broadcast_in_dim3A_133 = vector.shape_cast %reduce_sum3A_132 : vector<16xf32> to vector<16x1xf32>
      %jit3A_134 = arith.constant 0.000000e+00 : f32
      %broadcast_in_dim3A_135 = vector.broadcast %jit3A_134 : f32 to vector<16x5120xf32>
      %select_n3A_136 = arith.select %eq3A_127, %get3A_4, %broadcast_in_dim3A_135 : vector<16x5120xi1>, vector<16x5120xf32>
      %reduce_sum3A_137 = arith.constant dense<0.000000e+00> : vector<16xf32>
      %reduce_sum3A_138 = vector.multi_reduction <add>, %select_n3A_136, %reduce_sum3A_137 [1] : vector<16x5120xf32> to vector<16xf32>
      %broadcast_in_dim3A_139 = vector.shape_cast %reduce_sum3A_138 : vector<16xf32> to vector<16x1xf32>
      %jit3A_140 = arith.constant 0.000000e+00 : f32
      %broadcast_in_dim3A_141 = vector.broadcast %jit3A_140 : f32 to vector<16x5120xf32>
      %select_n3A_142 = arith.select %eq3A_127, %get3A_7, %broadcast_in_dim3A_141 : vector<16x5120xi1>, vector<16x5120xf32>
      %reduce_sum3A_143 = arith.constant dense<0.000000e+00> : vector<16xf32>
      %reduce_sum3A_144 = vector.multi_reduction <add>, %select_n3A_142, %reduce_sum3A_143 [1] : vector<16x5120xf32> to vector<16xf32>
      %broadcast_in_dim3A_145 = vector.shape_cast %reduce_sum3A_144 : vector<16xf32> to vector<16x1xf32>
      %jit3A_146 = arith.constant 0.000000e+00 : f32
      %broadcast_in_dim3A_147 = vector.broadcast %jit3A_146 : f32 to vector<16x5120xf32>
      %select_n3A_148 = arith.select %eq3A_127, %get3A_10, %broadcast_in_dim3A_147 : vector<16x5120xi1>, vector<16x5120xf32>
      %reduce_sum3A_149 = arith.constant dense<0.000000e+00> : vector<16xf32>
      %reduce_sum3A_150 = vector.multi_reduction <add>, %select_n3A_148, %reduce_sum3A_149 [1] : vector<16x5120xf32> to vector<16xf32>
      %broadcast_in_dim3A_151 = vector.shape_cast %reduce_sum3A_150 : vector<16xf32> to vector<16x1xf32>
      %sub3A_152 = arith.subf %broadcast_in_dim3A_145, %broadcast_in_dim3A_133 : vector<16x1xf32>
      %sub3A_153 = arith.subf %broadcast_in_dim3A_151, %broadcast_in_dim3A_139 : vector<16x1xf32>
      %mul3A_154 = arith.mulf %sub3A_152, %sub3A_153 : vector<16x1xf32>
      %min3A_155 = vector.broadcast %broadcast_in_dim3A_145 : vector<16x1xf32> to vector<16x5120xf32>
      %min3A_156 = arith.minimumf %get3A_7, %min3A_155 : vector<16x5120xf32>
      %max3A_157 = vector.broadcast %broadcast_in_dim3A_133 : vector<16x1xf32> to vector<16x5120xf32>
      %max3A_158 = arith.maximumf %get3A_1, %max3A_157 : vector<16x5120xf32>
      %sub3A_159 = arith.subf %min3A_156, %max3A_158 : vector<16x5120xf32>
      %max3A_160 = arith.constant 0.000000e+00 : f32
      %max3A_161 = vector.broadcast %max3A_160 : f32 to vector<16x5120xf32>
      %max3A_162 = arith.maximumf %sub3A_159, %max3A_161 : vector<16x5120xf32>
      %min3A_163 = vector.broadcast %broadcast_in_dim3A_151 : vector<16x1xf32> to vector<16x5120xf32>
      %min3A_164 = arith.minimumf %get3A_10, %min3A_163 : vector<16x5120xf32>
      %max3A_165 = vector.broadcast %broadcast_in_dim3A_139 : vector<16x1xf32> to vector<16x5120xf32>
      %max3A_166 = arith.maximumf %get3A_4, %max3A_165 : vector<16x5120xf32>
      %sub3A_167 = arith.subf %min3A_164, %max3A_166 : vector<16x5120xf32>
      %max3A_168 = arith.constant 0.000000e+00 : f32
      %max3A_169 = vector.broadcast %max3A_168 : f32 to vector<16x5120xf32>
      %max3A_170 = arith.maximumf %sub3A_167, %max3A_169 : vector<16x5120xf32>
      %mul3A_171 = arith.mulf %max3A_162, %max3A_170 : vector<16x5120xf32>
      %add3A_172 = vector.broadcast %mul3A_154 : vector<16x1xf32> to vector<16x5120xf32>
      %add3A_173 = arith.addf %mul3A, %add3A_172 : vector<16x5120xf32>
      %sub3A_174 = arith.subf %add3A_173, %mul3A_171 : vector<16x5120xf32>
      %div3A_175 = arith.divf %mul3A_171, %sub3A_174 : vector<16x5120xf32>
      %gt3A_176 = arith.constant 5.000000e-01 : f32
      %gt3A_177 = vector.broadcast %gt3A_176 : f32 to vector<16x5120xf32>
      %gt3A_178 = arith.cmpf ogt, %div3A_175, %gt3A_177 : vector<16x5120xf32>
      %or3A_179 = arith.ori %gt3A_178, %eq3A_127 : vector<16x5120xi1>
      %and3A_180 = vector.broadcast %gt3A_117 : vector<16x1xi1> to vector<16x5120xi1>
      %and3A_181 = arith.andi %or3A_179, %and3A_180 : vector<16x5120xi1>
      %jit3A_182 = arith.constant -1.000000e+00 : f32
      %broadcast_in_dim3A_183 = vector.broadcast %jit3A_182 : f32 to vector<16x5120xf32>
      %select_n3A_184 = arith.select %and3A_181, %broadcast_in_dim3A_183, %select_n3A_98 : vector<16x5120xi1>, vector<16x5120xf32>
      %eq3A_185 = vector.broadcast %scan3A_111 : i32 to vector<16x256xi32>
      %eq3A_186 = arith.cmpi eq, %iota3A_15, %eq3A_185 : vector<16x256xi32>
      %and3A_187 = vector.broadcast %gt3A_117 : vector<16x1xi1> to vector<16x256xi1>
      %and3A_188 = arith.andi %eq3A_186, %and3A_187 : vector<16x256xi1>
      %jit3A_189 = arith.constant 0 : i32
      %broadcast_in_dim3A_190 = vector.shape_cast %broadcast_in_dim3A_125 : vector<16x1xi32> to vector<16x1xi32>
      %broadcast_in_dim3A_191 = vector.broadcast %broadcast_in_dim3A_190 : vector<16x1xi32> to vector<16x256xi32>
      %broadcast_in_dim3A_192 = vector.broadcast %jit3A_189 : i32 to vector<16x256xi32>
      %select_n3A_193 = arith.select %and3A_188, %broadcast_in_dim3A_191, %broadcast_in_dim3A_192 : vector<16x256xi1>, vector<16x256xi32>
      %add3A_194 = arith.addi %add3A_108, %select_n3A_193 : vector<16x256xi32>
      %convert_element_type3A_195 = arith.extui %gt3A_117 : vector<16x1xi1> to vector<16x1xi32>
      %add3A_196 = arith.addi %add3A_109, %convert_element_type3A_195 : vector<16x1xi32>
      %scan3A_197 = arith.constant 2 : i32
      %scan3A_198 = arith.addi %scan3A_32, %scan3A_197 : i32
      %reduce_max3A_199 = arith.constant dense<0xFF800000> : vector<16xf32>
      %reduce_max3A_200 = vector.multi_reduction <maximumf>, %select_n3A_184, %reduce_max3A_199 [1] : vector<16x5120xf32> to vector<16xf32>
      %broadcast_in_dim3A_201 = vector.shape_cast %reduce_max3A_200 : vector<16xf32> to vector<16x1xf32>
      %gt3A_202 = arith.constant 5.000000e-01 : f32
      %gt3A_203 = vector.broadcast %gt3A_202 : f32 to vector<16x1xf32>
      %gt3A_204 = arith.cmpf ogt, %broadcast_in_dim3A_201, %gt3A_203 : vector<16x1xf32>
      %eq3A_205 = vector.broadcast %broadcast_in_dim3A_201 : vector<16x1xf32> to vector<16x5120xf32>
      %eq3A_206 = arith.cmpf oeq, %select_n3A_184, %eq3A_205 : vector<16x5120xf32>
      %jit3A_207 = arith.constant 5120 : i32
      %broadcast_in_dim3A_208 = vector.broadcast %jit3A_207 : i32 to vector<16x5120xi32>
      %select_n3A_209 = arith.select %eq3A_206, %iota3A, %broadcast_in_dim3A_208 : vector<16x5120xi1>, vector<16x5120xi32>
      %reduce_min3A_210 = arith.constant dense<2147483647> : vector<16xi32>
      %reduce_min3A_211 = vector.multi_reduction <minsi>, %select_n3A_209, %reduce_min3A_210 [1] : vector<16x5120xi32> to vector<16xi32>
      %broadcast_in_dim3A_212 = vector.shape_cast %reduce_min3A_211 : vector<16xi32> to vector<16x1xi32>
      %eq3A_213 = vector.broadcast %broadcast_in_dim3A_212 : vector<16x1xi32> to vector<16x5120xi32>
      %eq3A_214 = arith.cmpi eq, %iota3A, %eq3A_213 : vector<16x5120xi32>
      %jit3A_215 = arith.constant 0.000000e+00 : f32
      %broadcast_in_dim3A_216 = vector.broadcast %jit3A_215 : f32 to vector<16x5120xf32>
      %select_n3A_217 = arith.select %eq3A_214, %get3A_1, %broadcast_in_dim3A_216 : vector<16x5120xi1>, vector<16x5120xf32>
      %reduce_sum3A_218 = arith.constant dense<0.000000e+00> : vector<16xf32>
      %reduce_sum3A_219 = vector.multi_reduction <add>, %select_n3A_217, %reduce_sum3A_218 [1] : vector<16x5120xf32> to vector<16xf32>
      %broadcast_in_dim3A_220 = vector.shape_cast %reduce_sum3A_219 : vector<16xf32> to vector<16x1xf32>
      %jit3A_221 = arith.constant 0.000000e+00 : f32
      %broadcast_in_dim3A_222 = vector.broadcast %jit3A_221 : f32 to vector<16x5120xf32>
      %select_n3A_223 = arith.select %eq3A_214, %get3A_4, %broadcast_in_dim3A_222 : vector<16x5120xi1>, vector<16x5120xf32>
      %reduce_sum3A_224 = arith.constant dense<0.000000e+00> : vector<16xf32>
      %reduce_sum3A_225 = vector.multi_reduction <add>, %select_n3A_223, %reduce_sum3A_224 [1] : vector<16x5120xf32> to vector<16xf32>
      %broadcast_in_dim3A_226 = vector.shape_cast %reduce_sum3A_225 : vector<16xf32> to vector<16x1xf32>
      %jit3A_227 = arith.constant 0.000000e+00 : f32
      %broadcast_in_dim3A_228 = vector.broadcast %jit3A_227 : f32 to vector<16x5120xf32>
      %select_n3A_229 = arith.select %eq3A_214, %get3A_7, %broadcast_in_dim3A_228 : vector<16x5120xi1>, vector<16x5120xf32>
      %reduce_sum3A_230 = arith.constant dense<0.000000e+00> : vector<16xf32>
      %reduce_sum3A_231 = vector.multi_reduction <add>, %select_n3A_229, %reduce_sum3A_230 [1] : vector<16x5120xf32> to vector<16xf32>
      %broadcast_in_dim3A_232 = vector.shape_cast %reduce_sum3A_231 : vector<16xf32> to vector<16x1xf32>
      %jit3A_233 = arith.constant 0.000000e+00 : f32
      %broadcast_in_dim3A_234 = vector.broadcast %jit3A_233 : f32 to vector<16x5120xf32>
      %select_n3A_235 = arith.select %eq3A_214, %get3A_10, %broadcast_in_dim3A_234 : vector<16x5120xi1>, vector<16x5120xf32>
      %reduce_sum3A_236 = arith.constant dense<0.000000e+00> : vector<16xf32>
      %reduce_sum3A_237 = vector.multi_reduction <add>, %select_n3A_235, %reduce_sum3A_236 [1] : vector<16x5120xf32> to vector<16xf32>
      %broadcast_in_dim3A_238 = vector.shape_cast %reduce_sum3A_237 : vector<16xf32> to vector<16x1xf32>
      %sub3A_239 = arith.subf %broadcast_in_dim3A_232, %broadcast_in_dim3A_220 : vector<16x1xf32>
      %sub3A_240 = arith.subf %broadcast_in_dim3A_238, %broadcast_in_dim3A_226 : vector<16x1xf32>
      %mul3A_241 = arith.mulf %sub3A_239, %sub3A_240 : vector<16x1xf32>
      %min3A_242 = vector.broadcast %broadcast_in_dim3A_232 : vector<16x1xf32> to vector<16x5120xf32>
      %min3A_243 = arith.minimumf %get3A_7, %min3A_242 : vector<16x5120xf32>
      %max3A_244 = vector.broadcast %broadcast_in_dim3A_220 : vector<16x1xf32> to vector<16x5120xf32>
      %max3A_245 = arith.maximumf %get3A_1, %max3A_244 : vector<16x5120xf32>
      %sub3A_246 = arith.subf %min3A_243, %max3A_245 : vector<16x5120xf32>
      %max3A_247 = arith.constant 0.000000e+00 : f32
      %max3A_248 = vector.broadcast %max3A_247 : f32 to vector<16x5120xf32>
      %max3A_249 = arith.maximumf %sub3A_246, %max3A_248 : vector<16x5120xf32>
      %min3A_250 = vector.broadcast %broadcast_in_dim3A_238 : vector<16x1xf32> to vector<16x5120xf32>
      %min3A_251 = arith.minimumf %get3A_10, %min3A_250 : vector<16x5120xf32>
      %max3A_252 = vector.broadcast %broadcast_in_dim3A_226 : vector<16x1xf32> to vector<16x5120xf32>
      %max3A_253 = arith.maximumf %get3A_4, %max3A_252 : vector<16x5120xf32>
      %sub3A_254 = arith.subf %min3A_251, %max3A_253 : vector<16x5120xf32>
      %max3A_255 = arith.constant 0.000000e+00 : f32
      %max3A_256 = vector.broadcast %max3A_255 : f32 to vector<16x5120xf32>
      %max3A_257 = arith.maximumf %sub3A_254, %max3A_256 : vector<16x5120xf32>
      %mul3A_258 = arith.mulf %max3A_249, %max3A_257 : vector<16x5120xf32>
      %add3A_259 = vector.broadcast %mul3A_241 : vector<16x1xf32> to vector<16x5120xf32>
      %add3A_260 = arith.addf %mul3A, %add3A_259 : vector<16x5120xf32>
      %sub3A_261 = arith.subf %add3A_260, %mul3A_258 : vector<16x5120xf32>
      %div3A_262 = arith.divf %mul3A_258, %sub3A_261 : vector<16x5120xf32>
      %gt3A_263 = arith.constant 5.000000e-01 : f32
      %gt3A_264 = vector.broadcast %gt3A_263 : f32 to vector<16x5120xf32>
      %gt3A_265 = arith.cmpf ogt, %div3A_262, %gt3A_264 : vector<16x5120xf32>
      %or3A_266 = arith.ori %gt3A_265, %eq3A_214 : vector<16x5120xi1>
      %and3A_267 = vector.broadcast %gt3A_204 : vector<16x1xi1> to vector<16x5120xi1>
      %and3A_268 = arith.andi %or3A_266, %and3A_267 : vector<16x5120xi1>
      %jit3A_269 = arith.constant -1.000000e+00 : f32
      %broadcast_in_dim3A_270 = vector.broadcast %jit3A_269 : f32 to vector<16x5120xf32>
      %select_n3A_271 = arith.select %and3A_268, %broadcast_in_dim3A_270, %select_n3A_184 : vector<16x5120xi1>, vector<16x5120xf32>
      %eq3A_272 = vector.broadcast %scan3A_198 : i32 to vector<16x256xi32>
      %eq3A_273 = arith.cmpi eq, %iota3A_15, %eq3A_272 : vector<16x256xi32>
      %and3A_274 = vector.broadcast %gt3A_204 : vector<16x1xi1> to vector<16x256xi1>
      %and3A_275 = arith.andi %eq3A_273, %and3A_274 : vector<16x256xi1>
      %jit3A_276 = arith.constant 0 : i32
      %broadcast_in_dim3A_277 = vector.shape_cast %broadcast_in_dim3A_212 : vector<16x1xi32> to vector<16x1xi32>
      %broadcast_in_dim3A_278 = vector.broadcast %broadcast_in_dim3A_277 : vector<16x1xi32> to vector<16x256xi32>
      %broadcast_in_dim3A_279 = vector.broadcast %jit3A_276 : i32 to vector<16x256xi32>
      %select_n3A_280 = arith.select %and3A_275, %broadcast_in_dim3A_278, %broadcast_in_dim3A_279 : vector<16x256xi1>, vector<16x256xi32>
      %add3A_281 = arith.addi %add3A_194, %select_n3A_280 : vector<16x256xi32>
      %convert_element_type3A_282 = arith.extui %gt3A_204 : vector<16x1xi1> to vector<16x1xi32>
      %add3A_283 = arith.addi %add3A_196, %convert_element_type3A_282 : vector<16x1xi32>
      %scan3A_284 = arith.constant 3 : i32
      %scan3A_285 = arith.addi %scan3A_32, %scan3A_284 : i32
      %reduce_max3A_286 = arith.constant dense<0xFF800000> : vector<16xf32>
      %reduce_max3A_287 = vector.multi_reduction <maximumf>, %select_n3A_271, %reduce_max3A_286 [1] : vector<16x5120xf32> to vector<16xf32>
      %broadcast_in_dim3A_288 = vector.shape_cast %reduce_max3A_287 : vector<16xf32> to vector<16x1xf32>
      %gt3A_289 = arith.constant 5.000000e-01 : f32
      %gt3A_290 = vector.broadcast %gt3A_289 : f32 to vector<16x1xf32>
      %gt3A_291 = arith.cmpf ogt, %broadcast_in_dim3A_288, %gt3A_290 : vector<16x1xf32>
      %eq3A_292 = vector.broadcast %broadcast_in_dim3A_288 : vector<16x1xf32> to vector<16x5120xf32>
      %eq3A_293 = arith.cmpf oeq, %select_n3A_271, %eq3A_292 : vector<16x5120xf32>
      %jit3A_294 = arith.constant 5120 : i32
      %broadcast_in_dim3A_295 = vector.broadcast %jit3A_294 : i32 to vector<16x5120xi32>
      %select_n3A_296 = arith.select %eq3A_293, %iota3A, %broadcast_in_dim3A_295 : vector<16x5120xi1>, vector<16x5120xi32>
      %reduce_min3A_297 = arith.constant dense<2147483647> : vector<16xi32>
      %reduce_min3A_298 = vector.multi_reduction <minsi>, %select_n3A_296, %reduce_min3A_297 [1] : vector<16x5120xi32> to vector<16xi32>
      %broadcast_in_dim3A_299 = vector.shape_cast %reduce_min3A_298 : vector<16xi32> to vector<16x1xi32>
      %eq3A_300 = vector.broadcast %broadcast_in_dim3A_299 : vector<16x1xi32> to vector<16x5120xi32>
      %eq3A_301 = arith.cmpi eq, %iota3A, %eq3A_300 : vector<16x5120xi32>
      %jit3A_302 = arith.constant 0.000000e+00 : f32
      %broadcast_in_dim3A_303 = vector.broadcast %jit3A_302 : f32 to vector<16x5120xf32>
      %select_n3A_304 = arith.select %eq3A_301, %get3A_1, %broadcast_in_dim3A_303 : vector<16x5120xi1>, vector<16x5120xf32>
      %reduce_sum3A_305 = arith.constant dense<0.000000e+00> : vector<16xf32>
      %reduce_sum3A_306 = vector.multi_reduction <add>, %select_n3A_304, %reduce_sum3A_305 [1] : vector<16x5120xf32> to vector<16xf32>
      %broadcast_in_dim3A_307 = vector.shape_cast %reduce_sum3A_306 : vector<16xf32> to vector<16x1xf32>
      %jit3A_308 = arith.constant 0.000000e+00 : f32
      %broadcast_in_dim3A_309 = vector.broadcast %jit3A_308 : f32 to vector<16x5120xf32>
      %select_n3A_310 = arith.select %eq3A_301, %get3A_4, %broadcast_in_dim3A_309 : vector<16x5120xi1>, vector<16x5120xf32>
      %reduce_sum3A_311 = arith.constant dense<0.000000e+00> : vector<16xf32>
      %reduce_sum3A_312 = vector.multi_reduction <add>, %select_n3A_310, %reduce_sum3A_311 [1] : vector<16x5120xf32> to vector<16xf32>
      %broadcast_in_dim3A_313 = vector.shape_cast %reduce_sum3A_312 : vector<16xf32> to vector<16x1xf32>
      %jit3A_314 = arith.constant 0.000000e+00 : f32
      %broadcast_in_dim3A_315 = vector.broadcast %jit3A_314 : f32 to vector<16x5120xf32>
      %select_n3A_316 = arith.select %eq3A_301, %get3A_7, %broadcast_in_dim3A_315 : vector<16x5120xi1>, vector<16x5120xf32>
      %reduce_sum3A_317 = arith.constant dense<0.000000e+00> : vector<16xf32>
      %reduce_sum3A_318 = vector.multi_reduction <add>, %select_n3A_316, %reduce_sum3A_317 [1] : vector<16x5120xf32> to vector<16xf32>
      %broadcast_in_dim3A_319 = vector.shape_cast %reduce_sum3A_318 : vector<16xf32> to vector<16x1xf32>
      %jit3A_320 = arith.constant 0.000000e+00 : f32
      %broadcast_in_dim3A_321 = vector.broadcast %jit3A_320 : f32 to vector<16x5120xf32>
      %select_n3A_322 = arith.select %eq3A_301, %get3A_10, %broadcast_in_dim3A_321 : vector<16x5120xi1>, vector<16x5120xf32>
      %reduce_sum3A_323 = arith.constant dense<0.000000e+00> : vector<16xf32>
      %reduce_sum3A_324 = vector.multi_reduction <add>, %select_n3A_322, %reduce_sum3A_323 [1] : vector<16x5120xf32> to vector<16xf32>
      %broadcast_in_dim3A_325 = vector.shape_cast %reduce_sum3A_324 : vector<16xf32> to vector<16x1xf32>
      %sub3A_326 = arith.subf %broadcast_in_dim3A_319, %broadcast_in_dim3A_307 : vector<16x1xf32>
      %sub3A_327 = arith.subf %broadcast_in_dim3A_325, %broadcast_in_dim3A_313 : vector<16x1xf32>
      %mul3A_328 = arith.mulf %sub3A_326, %sub3A_327 : vector<16x1xf32>
      %min3A_329 = vector.broadcast %broadcast_in_dim3A_319 : vector<16x1xf32> to vector<16x5120xf32>
      %min3A_330 = arith.minimumf %get3A_7, %min3A_329 : vector<16x5120xf32>
      %max3A_331 = vector.broadcast %broadcast_in_dim3A_307 : vector<16x1xf32> to vector<16x5120xf32>
      %max3A_332 = arith.maximumf %get3A_1, %max3A_331 : vector<16x5120xf32>
      %sub3A_333 = arith.subf %min3A_330, %max3A_332 : vector<16x5120xf32>
      %max3A_334 = arith.constant 0.000000e+00 : f32
      %max3A_335 = vector.broadcast %max3A_334 : f32 to vector<16x5120xf32>
      %max3A_336 = arith.maximumf %sub3A_333, %max3A_335 : vector<16x5120xf32>
      %min3A_337 = vector.broadcast %broadcast_in_dim3A_325 : vector<16x1xf32> to vector<16x5120xf32>
      %min3A_338 = arith.minimumf %get3A_10, %min3A_337 : vector<16x5120xf32>
      %max3A_339 = vector.broadcast %broadcast_in_dim3A_313 : vector<16x1xf32> to vector<16x5120xf32>
      %max3A_340 = arith.maximumf %get3A_4, %max3A_339 : vector<16x5120xf32>
      %sub3A_341 = arith.subf %min3A_338, %max3A_340 : vector<16x5120xf32>
      %max3A_342 = arith.constant 0.000000e+00 : f32
      %max3A_343 = vector.broadcast %max3A_342 : f32 to vector<16x5120xf32>
      %max3A_344 = arith.maximumf %sub3A_341, %max3A_343 : vector<16x5120xf32>
      %mul3A_345 = arith.mulf %max3A_336, %max3A_344 : vector<16x5120xf32>
      %add3A_346 = vector.broadcast %mul3A_328 : vector<16x1xf32> to vector<16x5120xf32>
      %add3A_347 = arith.addf %mul3A, %add3A_346 : vector<16x5120xf32>
      %sub3A_348 = arith.subf %add3A_347, %mul3A_345 : vector<16x5120xf32>
      %div3A_349 = arith.divf %mul3A_345, %sub3A_348 : vector<16x5120xf32>
      %gt3A_350 = arith.constant 5.000000e-01 : f32
      %gt3A_351 = vector.broadcast %gt3A_350 : f32 to vector<16x5120xf32>
      %gt3A_352 = arith.cmpf ogt, %div3A_349, %gt3A_351 : vector<16x5120xf32>
      %or3A_353 = arith.ori %gt3A_352, %eq3A_301 : vector<16x5120xi1>
      %and3A_354 = vector.broadcast %gt3A_291 : vector<16x1xi1> to vector<16x5120xi1>
      %and3A_355 = arith.andi %or3A_353, %and3A_354 : vector<16x5120xi1>
      %jit3A_356 = arith.constant -1.000000e+00 : f32
      %broadcast_in_dim3A_357 = vector.broadcast %jit3A_356 : f32 to vector<16x5120xf32>
      %select_n3A_358 = arith.select %and3A_355, %broadcast_in_dim3A_357, %select_n3A_271 : vector<16x5120xi1>, vector<16x5120xf32>
      %eq3A_359 = vector.broadcast %scan3A_285 : i32 to vector<16x256xi32>
      %eq3A_360 = arith.cmpi eq, %iota3A_15, %eq3A_359 : vector<16x256xi32>
      %and3A_361 = vector.broadcast %gt3A_291 : vector<16x1xi1> to vector<16x256xi1>
      %and3A_362 = arith.andi %eq3A_360, %and3A_361 : vector<16x256xi1>
      %jit3A_363 = arith.constant 0 : i32
      %broadcast_in_dim3A_364 = vector.shape_cast %broadcast_in_dim3A_299 : vector<16x1xi32> to vector<16x1xi32>
      %broadcast_in_dim3A_365 = vector.broadcast %broadcast_in_dim3A_364 : vector<16x1xi32> to vector<16x256xi32>
      %broadcast_in_dim3A_366 = vector.broadcast %jit3A_363 : i32 to vector<16x256xi32>
      %select_n3A_367 = arith.select %and3A_362, %broadcast_in_dim3A_365, %broadcast_in_dim3A_366 : vector<16x256xi1>, vector<16x256xi32>
      %add3A_368 = arith.addi %add3A_281, %select_n3A_367 : vector<16x256xi32>
      %convert_element_type3A_369 = arith.extui %gt3A_291 : vector<16x1xi1> to vector<16x1xi32>
      %add3A_370 = arith.addi %add3A_283, %convert_element_type3A_369 : vector<16x1xi32>
      scf.yield %select_n3A_358, %add3A_368, %add3A_370 : vector<16x5120xf32>, vector<16x256xi32>, vector<16x1xi32>
    }
    %scan3A_26 = arith.constant 200 : i32
    %swap3A = arith.constant 0 : index
    %swap3A_27 = arith.constant 0 : index
    %swap3A_28 = vector.load %arg5[%swap3A, %swap3A_27] : memref<16x256xi32, #tpu.memory_space<vmem>>, vector<16x256xi32>
    tpu.vector_store %arg5[%swap3A, %swap3A_27], %scan3A_25#1 {strides = array<i32>} : memref<16x256xi32, #tpu.memory_space<vmem>>, vector<16x256xi32>,
    %swap3A_29 = arith.constant 0 : index
    %swap3A_30 = arith.constant 0 : index
    %swap3A_31 = vector.load %arg6[%swap3A_29, %swap3A_30] : memref<16x1xi32, #tpu.memory_space<vmem>>, vector<16x1xi32>
    tpu.vector_store %arg6[%swap3A_29, %swap3A_30], %scan3A_25#2 {strides = array<i32>} : memref<16x1xi32, #tpu.memory_space<vmem>>, vector<16x1xi32>,
    return
  }
}

</mosaic_0001>

<sc_bundles>
// kernel: kernel.4.cloned.1.call-start
scs
__scs_entry_jumppad:
0x0: {  	(pc) =	sbr.rel $0x88, $3  }
0x1: {  	(tag) =	ssettag $0x0;
	lr =	simm.s32 $0x1  }
0x2: {  	[smem:$0x3F9F] =	sst lr;
	_ =	strace $0xD0000000  }
0x3: {  	_ = 	snop  }
0x4: {  	_ = 	snop  }
0x5: {  	_ = 	snop  }
0x6: {  	_ = 	snop  }
0x7: {  	_ = 	snop  }
__scs_overlays_trampoline_lowered:
0x8: {  	[smem:$0x3FAE] =	sst s0  }
0x9: {  	[smem:$0x3FAF] =	sst s1  }
0xa: {  	[smem:$0x3FB0] =	sst s2  }
0xb: {  	[smem:$0x3FB1] =	sst s3  }
0xc: {  	[smem:$0x3FB2] =	sst s4  }
0xd: {  	[smem:$0x3FB3] =	sst s5  }
0xe: {  	[smem:$0x3FB4] =	sst s6  }
0xf: {  	[smem:$0x3FB5] =	sst s7  }
0x10: {  	[smem:$0x3FB6] =	sst s8  }
0x11: {  	[smem:$0x3FB7] =	sst s9;
	s0 =	simm.s32 @!p0 $0x0  }
0x12: {  	s1 =	sld [smem:$0x3F9D];
	s0 =	simm.s32 @p0 $0x1  }
0x13: {  	[smem:$0x3FB8] =	sst s0;
	s0 =	simm.s32 @!p1 $0x0  }
0x14: {  	s2 =	sld [smem:$0x3F9C];
	s0 =	simm.s32 @p1 $0x1  }
0x15: {  	[smem:$0x3FB9] =	sst s0;
	s0 =	simm.s32 @!p2 $0x0  }
0x16: {  	s3 =	sld [smem:$0x3FDB];
	s0 =	simm.s32 @p2 $0x1  }
0x17: {  	s4 =	simm.s32 $0x1BF5;
	[smem:$0x3FBB] =	sst s0  }
0x18: {  	s0 =	sld [smem:$0x3F9E];
	_ =	swait.ge [sflag:s4], $0x0  }
0x19: {  	s7 =	sld [smem:$0x3F9F]  }
0x1a: {  	s8 =	sadd.s32 $0xFFFFE003, lr  }
0x1b: {  	s9 =	sadd.s32 $0xFFFFFEF7, lr;
	s5 =	simm.s32 $0xFFFFFFFF;
	p2 =	slt.u32 s8, $0xFFFFF086  }
0x1c: {  	p1 =	slt.u32 s9, $0xF7A;
	s5 =	simm.s32 @!p2 $0x0  }
0x1d: {  	s5 =	simm.s32 @p1 $0x1;
	p0 =	seq.s32 s7, s2  }
0x1e: {  	s7 =	smul.u32 @!p0 $0xF7A, s2;
	p2 =	seq.s32 @!p0 s5, $0x0  }
0x1f: {  	s9 =	smul.u32 $0xF7A, s1;
	s8 =	simm.s32 @!p0 $0x1BF5;
	p2 =	por !p2, p0  }
0x20: {  	[sflag:s8] =	ssyncset.s32 @!p0 $0xFFFFF086;
	s6 =	sadd.s32 @!p0 s3, s7;
	s7 =	simm.s32 @!p0 $0x108  }
0x21: {  	s3 =	sadd.s32 s3, s9;
	s6 =	sadd.s32 @!p0 $0x88, s6;
	s7 =	simm.s32 @p2 $0x1082  }
0x22: {  	[simem:s7], [sflag:s8] =	dma.local @!p0 [hbm:s6], $0xF7A  }
0x23: {  	s9 =	sor.u32 $0xD0000000, s2;
	s6 =	simm.s32 $0x108;
	_ =	swait.ge @!p0 [sflag:s8], $0x0  }
0x24: {  	s3 =	sadd.s32 $0x88, s3;
	s6 =	simm.s32 @!p1 $0x1082;
	[sflag:s4] =	ssyncset.s32 $0xFFFFF086  }
0x25: {  	[simem:s6], [sflag:s4] =	dma.local [hbm:s3], $0xF7A  }
0x26: {  	[smem:$0x3F9F] =	sst s1;
	(tag) =	ssettag s2;
	_ =	strace s9  }
0x27: {  	s1 =	sld [smem:$0x3FAF]  }
0x28: {  	s2 =	sld [smem:$0x3FB0]  }
0x29: {  	s4 =	sld [smem:$0x3FB2]  }
0x2a: {  	p0 =	seq.s32 s5, $0x0;
	s5 =	sld [smem:$0x3FB3]  }
0x2b: {  	s6 =	sld [smem:$0x3FB4]  }
0x2c: {  	s7 =	sld [smem:$0x3FB5]  }
0x2d: {  	s3 =	simm.s32 $0x108;
	s8 =	sld [smem:$0x3FB6]  }
0x2e: {  	s3 =	simm.s32 @!p0 $0x1082;
	s9 =	sld [smem:$0x3FB7]  }
0x2f: {  	lr =	sadd.s32 s0, s3;
	s0 =	sld [smem:$0x3FAE]  }
0x30: {  	s3 =	sld [smem:$0x3FB1]  }
0x31: {  	[smem:$0x3FBA] =	sst s10  }
0x32: {  	s10 =	sld [smem:$0x3FB8];
	_ =	sdelay $0x3  }
0x33: {  	p0 =	seq.s32 s10, $0x1;
	s10 =	sld [smem:$0x3FBA];
	_ =	sdelay $0x3  }
0x34: {  	[smem:$0x3FBA] =	sst s10  }
0x35: {  	s10 =	sld [smem:$0x3FB9];
	_ =	sdelay $0x3  }
0x36: {  	p1 =	seq.s32 s10, $0x1;
	s10 =	sld [smem:$0x3FBA];
	_ =	sdelay $0x3  }
0x37: {  	[smem:$0x3FBA] =	sst s10  }
0x38: {  	s10 =	sld [smem:$0x3FBB]  }
0x39: {  	_ = 	snop;
	(pc) =	sbr.ind lr, $3  }
0x3a: {  	_ = 	snop  }
0x3b: {  	_ = 	snop  }
0x3c: {  	p2 =	seq.s32 s10, $0x1;
	s10 =	sld [smem:$0x3FBA]  }
0x3d: {  	_ =	shalt  }
0x3e: {  	_ =	shalt  }
0x3f: {  	_ =	shalt  }
0x40: {  	_ =	shalt  }
0x41: {  	_ =	shalt  }
0x42: {  	_ =	shalt  }
0x43: {  	_ =	shalt  }
0x44: {  	_ =	shalt  }
0x45: {  	_ =	shalt  }
0x46: {  	_ =	shalt  }
0x47: {  	_ =	shalt  }
0x48: {  	_ =	shalt  }
0x49: {  	_ =	shalt  }
0x4a: {  	_ =	shalt  }
0x4b: {  	_ =	shalt  }
0x4c: {  	_ =	shalt  }
0x4d: {  	_ =	shalt  }
0x4e: {  	_ =	shalt  }
0x4f: {  	_ =	shalt  }
0x50: {  	_ =	shalt  }
0x51: {  	_ =	shalt  }
0x52: {  	_ =	shalt  }
0x53: {  	_ =	shalt  }
0x54: {  	_ =	shalt  }
0x55: {  	_ =	shalt  }
0x56: {  	_ =	shalt  }
0x57: {  	_ =	shalt  }
0x58: {  	_ =	shalt  }
0x59: {  	_ =	shalt  }
0x5a: {  	_ =	shalt  }
0x5b: {  	_ =	shalt  }
0x5c: {  	_ =	shalt  }
0x5d: {  	_ =	shalt  }
0x5e: {  	_ =	shalt  }
0x5f: {  	_ =	shalt  }
0x60: {  	_ =	shalt  }
0x61: {  	_ =	shalt  }
0x62: {  	_ =	shalt  }
0x63: {  	_ =	shalt  }
0x64: {  	_ =	shalt  }
0x65: {  	_ =	shalt  }
0x66: {  	_ =	shalt  }
0x67: {  	_ =	shalt  }
0x68: {  	_ =	shalt  }
0x69: {  	_ =	shalt  }
0x6a: {  	_ =	shalt  }
0x6b: {  	_ =	shalt  }
0x6c: {  	_ =	shalt  }
0x6d: {  	_ =	shalt  }
0x6e: {  	_ =	shalt  }
0x6f: {  	_ =	shalt  }
0x70: {  	_ =	shalt  }
0x71: {  	_ =	shalt  }
0x72: {  	_ =	shalt  }
0x73: {  	_ =	shalt  }
0x74: {  	_ =	shalt  }
0x75: {  	_ =	shalt  }
0x76: {  	_ =	shalt  }
0x77: {  	_ =	shalt  }
0x78: {  	_ =	shalt  }
0x79: {  	_ =	shalt  }
0x7a: {  	_ =	shalt  }
0x7b: {  	_ =	shalt  }
0x7c: {  	_ =	shalt  }
0x7d: {  	_ =	shalt  }
0x7e: {  	_ =	shalt  }
0x7f: {  	_ =	shalt  }
0x80: {  	_ =	shalt  }
0x81: {  	_ =	shalt  }
0x82: {  	_ =	shalt  }
0x83: {  	_ =	shalt  }
0x84: {  	_ =	shalt  }
0x85: {  	_ =	shalt  }
0x86: {  	_ =	shalt  }
0x87: {  	_ =	shalt  }
.Lfunc_end0:
.L_simem_size_0:
called_computation_lowered:
.L_overlay_start_0:
0x88: {  	s2 =	sld [smem:$0x3FD9]  }
0x89: {  	s3 =	sld [smem:$0x3FFE];
	_ =	sdelay $0x1  }
0x8a: {  	s1 =	srdreg.scid  }
0x8b: {  	s0 =	sand.u32 $0x1, s1  }
0x8c: {  	s17 =	sshll.u32 s0, $0xA;
	s2 =	sadd.s32 s3, s2  }
0x8d: {  	s2 =	sadd.s32 s2, s17  }
0x8e: {  	[smem:$0x3FC6] =	sst s2  }
0x8f: {  	_ = 	snop  }
0x90: {  	s2 =	sld [smem:$0x3FD0];
	(tm) =	ssettm $0x1  }
0x91: {  	s18 =	sld [smem:$0x3FFB];
	_ =	sdelay $0x3  }
0x92: {  	_ =	strace s18  }
0x93: {  	s3 =	sld [smem:$0x3FFC];
	_ =	sdelay $0x3  }
0x94: {  	_ =	strace s3  }
0x95: {  	s3 =	sld [smem:$0x3FFD];
	_ =	sdelay $0x3  }
0x96: {  	_ =	strace s3  }
0x97: {  	_ =	strace $0x8FFFFFFF  }
0x98: {  	s19 =	sld [smem:$0x3FDB];
	_ =	sdelay $0x1  }
0x99: {  	s4 =	simm.s32 $_scs_section_size  }
0x9a: {  	s5 =	simm.s32 $_size__tile_overlayer_lowered;
	s6 =	simm.s32 $_tile_overlayer_lowered  }
0x9b: {  	s22 =	simm.s32 $0x1BFF;
	s21 =	sshll.u32 s6, $0x1;
	s3 =	sadd.s32 s4, s19  }
0x9c: {  	s7 =	simm.s32 $0x0;
	s20 =	sshll.u32 s5, $0x1;
	s5 =	sadd.s32 s21, s3  }
0x9d: {  	[timem:s7], [sflag:s22] =	dma.local [hbm:s5], s20  }
0x9e: {  	_ =	swait.ge [sflag:s22], s20  }
0x9f: {  	s4 =	ssub.s32 $0x0, s20;
	[sflag:s22] =	ssyncset.done $0x0  }
0xa0: {  	[sflag:s22] =	ssyncadd.s32 s4;
	_ =	sdelay $0x1  }
0xa1: {  	s23 =	simm.s32 $0x1B8B  }
0xa2: {  	_ =	swait.ge [sflag:s23], $0x1  }
0xa3: {  	[sflag:s23] =	ssyncset.done $0x0  }
0xa4: {  	s25 =	simm.s32 $0x1B8E;
	s24 =	sld [smem:$0x3FFE];
	[sflag:s23] =	ssyncadd.s32 $0xFFFFFFFF  }
0xa5: {  	s26 =	simm.s32 $execute0_lowered;
	[smem:$0x3FD2] =	sst s25  }
0xa6: {  	s5 =	sshll.u32 s26, $0x1;
	_ =	strace $0x80000046;
	[dreg:$0x1] =	wrdreg $0xFFFFFFFF  }
0xa7: {  	s28 =	simm.s32 $_size_execute0_lowered;
	s3 =	sadd.s32 s3, s5;
	[dreg:$0x0] =	wrdreg $0x0  }
0xa8: {  	s5 =	sshll.u32 s28, $0x1;
	[dreg:$0x2] =	wrdreg s3  }
0xa9: {  	[dreg:$0x3] =	wrdreg s5  }
0xaa: {  	[dreg:$0x4] =	wrdreg $0xC0  }
0xab: {  	_ =	task [dreg:s7], $0x5FFFF  }
0xac: {  	[dreg:$0x1] =	wrdreg $0xFFFFFFFF  }
0xad: {  	[dreg:$0x0] =	wrdreg $0x60  }
0xae: {  	[dreg:$0x2] =	wrdreg s2  }
0xaf: {  	[dreg:$0x3] =	wrdreg s24  }
0xb0: {  	[dreg:$0x4] =	wrdreg $0x9  }
0xb1: {  	_ =	task.clear_ibuf [dreg:s7], $0x5FFFF;
	_ =	strace $0x90000046  }
0xb2: {  	s29 =	simm.s32 $0x9;
	_ =	strace $0x80000048  }
0xb3: {  	_ =	swait.ge [sflag:s29], $0x1  }
0xb4: {  	[sflag:s29] =	ssyncadd.s32 $0xFFFFFFFF  }
0xb5: {  	_ =	strace $0x90000048  }
0xb6: {  	_ =	sfence  }
0xb7: {  	s30 =	sld [smem:$0x0];
	_ =	sdelay $0x2  }
0xb8: {  	s31 =	sshll.u32 s1, $0xD;
	s1 =	sshrl.u32 s1, $0x2  }
0xb9: {  	s3 =	sand.u32 $0x4000, s31;
	s1 =	sadd.s32 s1, s30  }
0xba: {  	s0 =	sor.u32 s3, s0;
	s1 =	sshll.u32 s1, $0x11  }
0xbb: {  	s0 =	sor.u32 s1, s0  }
0xbc: {  	s0 =	sadd.s32 $0x8F2B, s0  }
0xbd: {  	[sflag:s0] =	ssyncadd.remote.s32 $0x1  }
0xbe: {  	_ =	sfence.sel $0xFFFF  }
0xbf: {  	[dreg:$0x0] =	wrdreg $0xFFFFFFFF;
	(pc) =	sbr.abs _section_cstart, $3  }
0xc0: {  	[dreg:$0x1] =	wrdreg $0xFFFFFFFF  }
0xc1: {  	_ =	task.clear_ibuf [dreg:s7], $0x2FFFF;
	_ =	strace $0x9FFFFFFF  }
0xc2: {  	(tm) =	ssettm $0x7FFFFFFF  }
0xc3: {  	_ =	shalt  }
tec
execute0_lowered:
.L_overlay_start_1:
0x0: {  	(tag) =	ssettag $0x1  }
0x1: {  	s0 =	srdreg.scid  }
0x2: {  	s4 =	sand.u32 $0x1, s0;
	s0 =	stileid.u32  }
0x3: {  	s3 =	sor.u32 s0, s4  }
0x4: {  	p0 =	sne.s32 s3, $0x0  }
.Ltmp0:
0x5: {  	_ = 	snop;
	(pc) =	sbr.rel @p0 .LBB2_3-.Ltmp0, $4  }
0x6: {  	_ = 	snop  }
0x7: {  	s2 =	rddreg [dreg:$0x0]  }
0x8: {  	s7 =	rddreg [dreg:$0x1]  }
0x9: {  	s1 =	rddreg [dreg:$0x2];
	_ =	strace $0x80000047  }
0xa: {  	vm0 =	vmmov $0x1;
	v0 =	vimm.s32 $0x0;
	vm1 =	vcmask $0x308  }
0xb: {  	v1 =	vimm.s32 $0x1;
	vm2 =	vcmask $0x70C;
	v2 =	vimm.s32 $0x2  }
0xc: {  	vm3 =	vcmask $0xB10;
	v3 =	vimm.s32 $0x3;
	vm4 =	vcmask $0xF14  }
0xd: {  	s3 =	sadd.s32 $0x1400, s7;
	s8 =	ssub.s32 $0x2, s4;
	v4 =	vimm.s32 $0x4;
	vm5 =	vcmask $0x1318;
	v5 =	vimm.s32 $0x5  }
0xe: {  	s4 =	sadd.s32 $0x1600, s7;
	s5 =	sadd.s32 $0x1800, s7;
	vm6 =	vcmask $0x171C;
	v6 =	vimm.s32 $0x6;
	vm7 =	vcmask $0x1B20;
	s6 =	sadd.s32 $0x1A00, s7  }
0xf: {  	s7 =	sadd.s32 $0x1C00, s7;
	v7 =	vimm.s32 $0x7;
	vm8 =	vcmask $0x1F24;
	vm9 =	vcmask $0x2328;
	s10 =	simm.s32 $0x1;
	s11 =	simm.s32 $0x1000  }
0x10: {  	vm10 =	vcmask $0x272C;
	vm11 =	vcmask $0x2B30;
	vm12 =	vcmask $0x2F34;
	s12 =	simm.s32 $0x1080;
	s13 =	simm.s32 $0x1E00;
	s9 =	sshrl.u32 s8, $0x1  }
0x11: {  	s14 =	simm.s32 $0x2B80;
	vm13 =	vcmask $0x3338;
	vm14 =	vcmask $0x373C;
	vm15 =	vmmov $0x7fff;
	s8 =	ssub.s32 s8, s9;
	s9 =	simm.s32 $0x0  }
.LBB2_2:
0x12: {  	[tilespmem:s9], [sflag:$0x1] =	stream.linear.gather [hbm4b:s2+s9], $0x1000, $0x38;
	[tilespmem:$0x3900] =	vst v63  }
0x13: {  	_ =	swait.ge [sflag:s10], $0x1000  }
0x14: {  	[sflag:s10] =	ssyncset.done $0x0  }
0x15: {  	[sflag:s10] =	ssyncadd.s32 $0xFFFFF000  }
0x16: {  	[tilespmem:s11], [sflag:$0x1] =	stream.linear.gather [hbm4b:s3+s9], $0x80, $0x38;
	[tilespmem:$0x3900] =	vst v63  }
0x17: {  	_ =	swait.ge [sflag:s10], $0x80  }
0x18: {  	[sflag:s10] =	ssyncset.done $0x0  }
0x19: {  	[sflag:s10] =	ssyncadd.s32 $0xFFFFFF80  }
0x1a: {  	[tilespmem:s12], [sflag:$0x1] =	stream.linear.gather [hbm4b:s4+s9], $0xD80, $0x38;
	[tilespmem:$0x3900] =	vst v63  }
0x1b: {  	_ =	swait.ge [sflag:s10], $0xD80  }
0x1c: {  	[sflag:s10] =	ssyncset.done $0x0  }
0x1d: {  	[sflag:s10] =	ssyncadd.s32 $0xFFFFF280  }
0x1e: {  	[tilespmem:s13], [sflag:$0x1] =	stream.linear.gather [hbm4b:s4+s9], $0xD80, $0x38;
	[tilespmem:$0x3900] =	vst v63  }
0x1f: {  	_ =	swait.ge [sflag:s10], $0xD80  }
0x20: {  	[sflag:s10] =	ssyncset.done $0x0  }
0x21: {  	[sflag:s10] =	ssyncadd.s32 $0xFFFFF280  }
0x22: {  	[tilespmem:s14], [sflag:$0x1] =	stream.linear.gather [hbm4b:s4+s9], $0xD80, $0x38;
	[tilespmem:$0x3900] =	vst v63  }
0x23: {  	_ =	swait.ge [sflag:s10], $0xD80  }
0x24: {  	[sflag:s10] =	ssyncset.done $0x0  }
0x25: {  	[sflag:s10] =	ssyncadd.s32 $0xFFFFF280  }
0x26: {  	v9 =	vld [tilespmem:$0x1000];
	_ =	sdelay $0x4  }
0x27: {  	(xrf0) =	vadd.scan.msk.s32 $0xffff, v9;
	_ =	sdelay $0x5  }
0x28: {  	v8, _, _ =	vpop (xrf0)  }
0x29: {  	v9 =	vsub.s32 v8, v9  }
0x2a: {  	v10 =	vnsel vm0, $0x0, v9  }
0x2b: {  	(xrf0) =	vadd.scan.msk.s32 $0xffff, v10;
	_ =	sdelay $0x5  }
0x2c: {  	v10, _, _ =	vpop (xrf0)  }
0x2d: {  	(v2sf) =	vpush v10, $0xF;
	_ =	sdelay $0xc  }
0x2e: {  	v58 =	vld [tilespmem:$0x0];
	_ =	sdelay $0x1  }
0x2f: {  	s15 =	spop (v2sf)  }
0x30: {  	[tilespmem:s15+$0x1080] =	vst v0  }
0x31: {  	[tilespmem:s15+$0x1E00] =	vst v0  }
0x32: {  	[tilespmem:s15+$0x2B80] =	vst v58  }
0x33: {  	v10 =	vld [tilespmem:$0x10];
	_ =	sdelay $0x2  }
0x34: {  	[tilespmem:s15+$0x1090] =	vst v0  }
0x35: {  	[tilespmem:s15+$0x1E10] =	vst v0  }
0x36: {  	[tilespmem:s15+$0x2B90] =	vst v10  }
0x37: {  	v10 =	vld [tilespmem:$0x20];
	_ =	sdelay $0x2  }
0x38: {  	[tilespmem:s15+$0x10A0] =	vst v0  }
0x39: {  	[tilespmem:s15+$0x1E20] =	vst v0  }
0x3a: {  	[tilespmem:s15+$0x2BA0] =	vst v10  }
0x3b: {  	v10 =	vld [tilespmem:$0x30];
	_ =	sdelay $0x2  }
0x3c: {  	[tilespmem:s15+$0x10B0] =	vst v0  }
0x3d: {  	[tilespmem:s15+$0x1E30] =	vst v0  }
0x3e: {  	[tilespmem:s15+$0x2BB0] =	vst v10  }
0x3f: {  	v10 =	vld [tilespmem:$0x40];
	_ =	sdelay $0x2  }
0x40: {  	[tilespmem:s15+$0x10C0] =	vst v0  }
0x41: {  	[tilespmem:s15+$0x1E40] =	vst v0  }
0x42: {  	[tilespmem:s15+$0x2BC0] =	vst v10  }
0x43: {  	v10 =	vld [tilespmem:$0x50];
	_ =	sdelay $0x2  }
0x44: {  	[tilespmem:s15+$0x10D0] =	vst v0  }
0x45: {  	[tilespmem:s15+$0x1E50] =	vst v0  }
0x46: {  	[tilespmem:s15+$0x2BD0] =	vst v10  }
0x47: {  	v10 =	vld [tilespmem:$0x60];
	_ =	sdelay $0x2  }
0x48: {  	[tilespmem:s15+$0x10E0] =	vst v0  }
0x49: {  	[tilespmem:s15+$0x1E60] =	vst v0  }
0x4a: {  	[tilespmem:s15+$0x2BE0] =	vst v10  }
0x4b: {  	v10 =	vld [tilespmem:$0x70];
	_ =	sdelay $0x2  }
0x4c: {  	[tilespmem:s15+$0x10F0] =	vst v0  }
0x4d: {  	[tilespmem:s15+$0x1E70] =	vst v0  }
0x4e: {  	[tilespmem:s15+$0x2BF0] =	vst v10  }
0x4f: {  	v10 =	vld [tilespmem:$0x400];
	_ =	sdelay $0x2  }
0x50: {  	[tilespmem:s15+$0x1100] =	vst v0  }
0x51: {  	[tilespmem:s15+$0x1E80] =	vst v0  }
0x52: {  	[tilespmem:s15+$0x2C00] =	vst v10  }
0x53: {  	v10 =	vld [tilespmem:$0x410];
	_ =	sdelay $0x2  }
0x54: {  	v59 =	vsel vm1, $0x0, v9;
	[tilespmem:s15+$0x1110] =	vst v0  }
0x55: {  	(xrf0) =	vadd.scan.msk.s32 $0xffff, v59;
	[tilespmem:s15+$0x1E90] =	vst v0  }
0x56: {  	[tilespmem:s15+$0x2C10] =	vst v10  }
0x57: {  	v60 =	vld [tilespmem:$0x420];
	_ =	sdelay $0x2  }
0x58: {  	[tilespmem:s15+$0x1120] =	vst v0  }
0x59: {  	v61, _, _ =	vpop (xrf0);
	[tilespmem:s15+$0x1EA0] =	vst v0  }
0x5a: {  	(v2sf) =	vpush v61, $0xF;
	[tilespmem:s15+$0x2C20] =	vst v60  }
0x5b: {  	v62 =	vld [tilespmem:$0x430];
	_ =	sdelay $0x2  }
0x5c: {  	[tilespmem:s15+$0x1130] =	vst v0  }
0x5d: {  	[tilespmem:s15+$0x1EB0] =	vst v0  }
0x5e: {  	[tilespmem:s15+$0x2C30] =	vst v62  }
0x5f: {  	v10 =	vld [tilespmem:$0x440];
	_ =	sdelay $0x2  }
0x60: {  	[tilespmem:s15+$0x1140] =	vst v0  }
0x61: {  	[tilespmem:s15+$0x1EC0] =	vst v0  }
0x62: {  	[tilespmem:s15+$0x2C40] =	vst v10  }
0x63: {  	v10 =	vld [tilespmem:$0x80];
	_ =	sdelay $0x1  }
0x64: {  	s31 =	spop (v2sf)  }
0x65: {  	[tilespmem:s31+$0x1080] =	vst v0  }
0x66: {  	[tilespmem:s31+$0x1E00] =	vst v1  }
0x67: {  	[tilespmem:s31+$0x2B80] =	vst v10  }
0x68: {  	v10 =	vld [tilespmem:$0x90];
	_ =	sdelay $0x2  }
0x69: {  	[tilespmem:s31+$0x1090] =	vst v0  }
0x6a: {  	[tilespmem:s31+$0x1E10] =	vst v1  }
0x6b: {  	[tilespmem:s31+$0x2B90] =	vst v10  }
0x6c: {  	v10 =	vld [tilespmem:$0xA0];
	_ =	sdelay $0x2  }
0x6d: {  	[tilespmem:s31+$0x10A0] =	vst v0  }
0x6e: {  	[tilespmem:s31+$0x1E20] =	vst v1  }
0x6f: {  	[tilespmem:s31+$0x2BA0] =	vst v10  }
0x70: {  	v10 =	vld [tilespmem:$0xB0];
	_ =	sdelay $0x2  }
0x71: {  	[tilespmem:s31+$0x10B0] =	vst v0  }
0x72: {  	[tilespmem:s31+$0x1E30] =	vst v1  }
0x73: {  	[tilespmem:s31+$0x2BB0] =	vst v10  }
0x74: {  	v10 =	vld [tilespmem:$0xC0];
	_ =	sdelay $0x2  }
0x75: {  	[tilespmem:s31+$0x10C0] =	vst v0  }
0x76: {  	[tilespmem:s31+$0x1E40] =	vst v1  }
0x77: {  	[tilespmem:s31+$0x2BC0] =	vst v10  }
0x78: {  	v10 =	vld [tilespmem:$0xD0];
	_ =	sdelay $0x2  }
0x79: {  	[tilespmem:s31+$0x10D0] =	vst v0  }
0x7a: {  	[tilespmem:s31+$0x1E50] =	vst v1  }
0x7b: {  	[tilespmem:s31+$0x2BD0] =	vst v10  }
0x7c: {  	v10 =	vld [tilespmem:$0xE0];
	_ =	sdelay $0x2  }
0x7d: {  	[tilespmem:s31+$0x10E0] =	vst v0  }
0x7e: {  	[tilespmem:s31+$0x1E60] =	vst v1  }
0x7f: {  	[tilespmem:s31+$0x2BE0] =	vst v10  }
0x80: {  	v10 =	vld [tilespmem:$0xF0];
	_ =	sdelay $0x2  }
0x81: {  	[tilespmem:s31+$0x10F0] =	vst v0  }
0x82: {  	[tilespmem:s31+$0x1E70] =	vst v1  }
0x83: {  	[tilespmem:s31+$0x2BF0] =	vst v10  }
0x84: {  	v10 =	vld [tilespmem:$0x480];
	_ =	sdelay $0x2  }
0x85: {  	[tilespmem:s31+$0x1100] =	vst v0  }
0x86: {  	[tilespmem:s31+$0x1E80] =	vst v1  }
0x87: {  	[tilespmem:s31+$0x2C00] =	vst v10  }
0x88: {  	v10 =	vld [tilespmem:$0x490];
	_ =	sdelay $0x2  }
0x89: {  	v63 =	vsel vm2, $0x0, v9;
	[tilespmem:s31+$0x1110] =	vst v0  }
0x8a: {  	(xrf0) =	vadd.scan.msk.s32 $0xffff, v63;
	[tilespmem:s31+$0x1E90] =	vst v1  }
0x8b: {  	[tilespmem:s31+$0x2C10] =	vst v10  }
0x8c: {  	v12 =	vld [tilespmem:$0x4A0];
	_ =	sdelay $0x2  }
0x8d: {  	[tilespmem:s31+$0x1120] =	vst v0  }
0x8e: {  	v13, _, _ =	vpop (xrf0);
	[tilespmem:s31+$0x1EA0] =	vst v1  }
0x8f: {  	(v2sf) =	vpush v13, $0xF;
	[tilespmem:s31+$0x2C20] =	vst v12  }
0x90: {  	v14 =	vld [tilespmem:$0x4B0];
	_ =	sdelay $0x2  }
0x91: {  	[tilespmem:s31+$0x1130] =	vst v0  }
0x92: {  	[tilespmem:s31+$0x1EB0] =	vst v1  }
0x93: {  	[tilespmem:s31+$0x2C30] =	vst v14  }
0x94: {  	v10 =	vld [tilespmem:$0x4C0];
	_ =	sdelay $0x2  }
0x95: {  	[tilespmem:s31+$0x1140] =	vst v0  }
0x96: {  	[tilespmem:s31+$0x1EC0] =	vst v1  }
0x97: {  	[tilespmem:s31+$0x2C40] =	vst v10  }
0x98: {  	v10 =	vld [tilespmem:$0x100];
	_ =	sdelay $0x1  }
0x99: {  	s16 =	spop (v2sf)  }
0x9a: {  	[tilespmem:s16+$0x1080] =	vst v0  }
0x9b: {  	[tilespmem:s16+$0x1E00] =	vst v2  }
0x9c: {  	[tilespmem:s16+$0x2B80] =	vst v10  }
0x9d: {  	v10 =	vld [tilespmem:$0x110];
	_ =	sdelay $0x2  }
0x9e: {  	[tilespmem:s16+$0x1090] =	vst v0  }
0x9f: {  	[tilespmem:s16+$0x1E10] =	vst v2  }
0xa0: {  	[tilespmem:s16+$0x2B90] =	vst v10  }
0xa1: {  	v10 =	vld [tilespmem:$0x120];
	_ =	sdelay $0x2  }
0xa2: {  	[tilespmem:s16+$0x10A0] =	vst v0  }
0xa3: {  	[tilespmem:s16+$0x1E20] =	vst v2  }
0xa4: {  	[tilespmem:s16+$0x2BA0] =	vst v10  }
0xa5: {  	v10 =	vld [tilespmem:$0x130];
	_ =	sdelay $0x2  }
0xa6: {  	[tilespmem:s16+$0x10B0] =	vst v0  }
0xa7: {  	[tilespmem:s16+$0x1E30] =	vst v2  }
0xa8: {  	[tilespmem:s16+$0x2BB0] =	vst v10  }
0xa9: {  	v10 =	vld [tilespmem:$0x140];
	_ =	sdelay $0x2  }
0xaa: {  	[tilespmem:s16+$0x10C0] =	vst v0  }
0xab: {  	[tilespmem:s16+$0x1E40] =	vst v2  }
0xac: {  	[tilespmem:s16+$0x2BC0] =	vst v10  }
0xad: {  	v10 =	vld [tilespmem:$0x150];
	_ =	sdelay $0x2  }
0xae: {  	[tilespmem:s16+$0x10D0] =	vst v0  }
0xaf: {  	[tilespmem:s16+$0x1E50] =	vst v2  }
0xb0: {  	[tilespmem:s16+$0x2BD0] =	vst v10  }
0xb1: {  	v10 =	vld [tilespmem:$0x160];
	_ =	sdelay $0x2  }
0xb2: {  	[tilespmem:s16+$0x10E0] =	vst v0  }
0xb3: {  	[tilespmem:s16+$0x1E60] =	vst v2  }
0xb4: {  	[tilespmem:s16+$0x2BE0] =	vst v10  }
0xb5: {  	v10 =	vld [tilespmem:$0x170];
	_ =	sdelay $0x2  }
0xb6: {  	[tilespmem:s16+$0x10F0] =	vst v0  }
0xb7: {  	[tilespmem:s16+$0x1E70] =	vst v2  }
0xb8: {  	[tilespmem:s16+$0x2BF0] =	vst v10  }
0xb9: {  	v10 =	vld [tilespmem:$0x500];
	_ =	sdelay $0x2  }
0xba: {  	[tilespmem:s16+$0x1100] =	vst v0  }
0xbb: {  	[tilespmem:s16+$0x1E80] =	vst v2  }
0xbc: {  	[tilespmem:s16+$0x2C00] =	vst v10  }
0xbd: {  	v10 =	vld [tilespmem:$0x510];
	_ =	sdelay $0x2  }
0xbe: {  	v15 =	vsel vm3, $0x0, v9;
	[tilespmem:s16+$0x1110] =	vst v0  }
0xbf: {  	(xrf0) =	vadd.scan.msk.s32 $0xffff, v15;
	[tilespmem:s16+$0x1E90] =	vst v2  }
0xc0: {  	[tilespmem:s16+$0x2C10] =	vst v10  }
0xc1: {  	v16 =	vld [tilespmem:$0x520];
	_ =	sdelay $0x2  }
0xc2: {  	[tilespmem:s16+$0x1120] =	vst v0  }
0xc3: {  	v17, _, _ =	vpop (xrf0);
	[tilespmem:s16+$0x1EA0] =	vst v2  }
0xc4: {  	(v2sf) =	vpush v17, $0xF;
	[tilespmem:s16+$0x2C20] =	vst v16  }
0xc5: {  	v18 =	vld [tilespmem:$0x530];
	_ =	sdelay $0x2  }
0xc6: {  	[tilespmem:s16+$0x1130] =	vst v0  }
0xc7: {  	[tilespmem:s16+$0x1EB0] =	vst v2  }
0xc8: {  	[tilespmem:s16+$0x2C30] =	vst v18  }
0xc9: {  	v10 =	vld [tilespmem:$0x540];
	_ =	sdelay $0x2  }
0xca: {  	[tilespmem:s16+$0x1140] =	vst v0  }
0xcb: {  	[tilespmem:s16+$0x1EC0] =	vst v2  }
0xcc: {  	[tilespmem:s16+$0x2C40] =	vst v10  }
0xcd: {  	v10 =	vld [tilespmem:$0x180];
	_ =	sdelay $0x1  }
0xce: {  	s17 =	spop (v2sf)  }
0xcf: {  	[tilespmem:s17+$0x1080] =	vst v0  }
0xd0: {  	[tilespmem:s17+$0x1E00] =	vst v3  }
0xd1: {  	[tilespmem:s17+$0x2B80] =	vst v10  }
0xd2: {  	v10 =	vld [tilespmem:$0x190];
	_ =	sdelay $0x2  }
0xd3: {  	[tilespmem:s17+$0x1090] =	vst v0  }
0xd4: {  	[tilespmem:s17+$0x1E10] =	vst v3  }
0xd5: {  	[tilespmem:s17+$0x2B90] =	vst v10  }
0xd6: {  	v10 =	vld [tilespmem:$0x1A0];
	_ =	sdelay $0x2  }
0xd7: {  	[tilespmem:s17+$0x10A0] =	vst v0  }
0xd8: {  	[tilespmem:s17+$0x1E20] =	vst v3  }
0xd9: {  	[tilespmem:s17+$0x2BA0] =	vst v10  }
0xda: {  	v10 =	vld [tilespmem:$0x1B0];
	_ =	sdelay $0x2  }
0xdb: {  	[tilespmem:s17+$0x10B0] =	vst v0  }
0xdc: {  	[tilespmem:s17+$0x1E30] =	vst v3  }
0xdd: {  	[tilespmem:s17+$0x2BB0] =	vst v10  }
0xde: {  	v10 =	vld [tilespmem:$0x1C0];
	_ =	sdelay $0x2  }
0xdf: {  	[tilespmem:s17+$0x10C0] =	vst v0  }
0xe0: {  	[tilespmem:s17+$0x1E40] =	vst v3  }
0xe1: {  	[tilespmem:s17+$0x2BC0] =	vst v10  }
0xe2: {  	v10 =	vld [tilespmem:$0x1D0];
	_ =	sdelay $0x2  }
0xe3: {  	[tilespmem:s17+$0x10D0] =	vst v0  }
0xe4: {  	[tilespmem:s17+$0x1E50] =	vst v3  }
0xe5: {  	[tilespmem:s17+$0x2BD0] =	vst v10  }
0xe6: {  	v10 =	vld [tilespmem:$0x1E0];
	_ =	sdelay $0x2  }
0xe7: {  	[tilespmem:s17+$0x10E0] =	vst v0  }
0xe8: {  	[tilespmem:s17+$0x1E60] =	vst v3  }
0xe9: {  	[tilespmem:s17+$0x2BE0] =	vst v10  }
0xea: {  	v10 =	vld [tilespmem:$0x1F0];
	_ =	sdelay $0x2  }
0xeb: {  	[tilespmem:s17+$0x10F0] =	vst v0  }
0xec: {  	[tilespmem:s17+$0x1E70] =	vst v3  }
0xed: {  	[tilespmem:s17+$0x2BF0] =	vst v10  }
0xee: {  	v10 =	vld [tilespmem:$0x580];
	_ =	sdelay $0x2  }
0xef: {  	[tilespmem:s17+$0x1100] =	vst v0  }
0xf0: {  	[tilespmem:s17+$0x1E80] =	vst v3  }
0xf1: {  	[tilespmem:s17+$0x2C00] =	vst v10  }
0xf2: {  	v10 =	vld [tilespmem:$0x590];
	_ =	sdelay $0x2  }
0xf3: {  	v19 =	vsel vm4, $0x0, v9;
	[tilespmem:s17+$0x1110] =	vst v0  }
0xf4: {  	(xrf0) =	vadd.scan.msk.s32 $0xffff, v19;
	[tilespmem:s17+$0x1E90] =	vst v3  }
0xf5: {  	[tilespmem:s17+$0x2C10] =	vst v10  }
0xf6: {  	v20 =	vld [tilespmem:$0x5A0];
	_ =	sdelay $0x2  }
0xf7: {  	[tilespmem:s17+$0x1120] =	vst v0  }
0xf8: {  	v21, _, _ =	vpop (xrf0);
	[tilespmem:s17+$0x1EA0] =	vst v3  }
0xf9: {  	(v2sf) =	vpush v21, $0xF;
	[tilespmem:s17+$0x2C20] =	vst v20  }
0xfa: {  	v22 =	vld [tilespmem:$0x5B0];
	_ =	sdelay $0x2  }
0xfb: {  	[tilespmem:s17+$0x1130] =	vst v0  }
0xfc: {  	[tilespmem:s17+$0x1EB0] =	vst v3  }
0xfd: {  	[tilespmem:s17+$0x2C30] =	vst v22  }
0xfe: {  	v10 =	vld [tilespmem:$0x5C0];
	_ =	sdelay $0x2  }
0xff: {  	[tilespmem:s17+$0x1140] =	vst v0  }
0x100: {  	[tilespmem:s17+$0x1EC0] =	vst v3  }
0x101: {  	[tilespmem:s17+$0x2C40] =	vst v10  }
0x102: {  	v10 =	vld [tilespmem:$0x200];
	_ =	sdelay $0x1  }
0x103: {  	s18 =	spop (v2sf)  }
0x104: {  	[tilespmem:s18+$0x1080] =	vst v0  }
0x105: {  	[tilespmem:s18+$0x1E00] =	vst v4  }
0x106: {  	[tilespmem:s18+$0x2B80] =	vst v10  }
0x107: {  	v10 =	vld [tilespmem:$0x210];
	_ =	sdelay $0x2  }
0x108: {  	[tilespmem:s18+$0x1090] =	vst v0  }
0x109: {  	[tilespmem:s18+$0x1E10] =	vst v4  }
0x10a: {  	[tilespmem:s18+$0x2B90] =	vst v10  }
0x10b: {  	v10 =	vld [tilespmem:$0x220];
	_ =	sdelay $0x2  }
0x10c: {  	[tilespmem:s18+$0x10A0] =	vst v0  }
0x10d: {  	[tilespmem:s18+$0x1E20] =	vst v4  }
0x10e: {  	[tilespmem:s18+$0x2BA0] =	vst v10  }
0x10f: {  	v10 =	vld [tilespmem:$0x230];
	_ =	sdelay $0x2  }
0x110: {  	[tilespmem:s18+$0x10B0] =	vst v0  }
0x111: {  	[tilespmem:s18+$0x1E30] =	vst v4  }
0x112: {  	[tilespmem:s18+$0x2BB0] =	vst v10  }
0x113: {  	v10 =	vld [tilespmem:$0x240];
	_ =	sdelay $0x2  }
0x114: {  	[tilespmem:s18+$0x10C0] =	vst v0  }
0x115: {  	[tilespmem:s18+$0x1E40] =	vst v4  }
0x116: {  	[tilespmem:s18+$0x2BC0] =	vst v10  }
0x117: {  	v10 =	vld [tilespmem:$0x250];
	_ =	sdelay $0x2  }
0x118: {  	[tilespmem:s18+$0x10D0] =	vst v0  }
0x119: {  	[tilespmem:s18+$0x1E50] =	vst v4  }
0x11a: {  	[tilespmem:s18+$0x2BD0] =	vst v10  }
0x11b: {  	v10 =	vld [tilespmem:$0x260];
	_ =	sdelay $0x2  }
0x11c: {  	[tilespmem:s18+$0x10E0] =	vst v0  }
0x11d: {  	[tilespmem:s18+$0x1E60] =	vst v4  }
0x11e: {  	[tilespmem:s18+$0x2BE0] =	vst v10  }
0x11f: {  	v10 =	vld [tilespmem:$0x270];
	_ =	sdelay $0x2  }
0x120: {  	[tilespmem:s18+$0x10F0] =	vst v0  }
0x121: {  	[tilespmem:s18+$0x1E70] =	vst v4  }
0x122: {  	[tilespmem:s18+$0x2BF0] =	vst v10  }
0x123: {  	v10 =	vld [tilespmem:$0x600];
	_ =	sdelay $0x2  }
0x124: {  	[tilespmem:s18+$0x1100] =	vst v0  }
0x125: {  	[tilespmem:s18+$0x1E80] =	vst v4  }
0x126: {  	[tilespmem:s18+$0x2C00] =	vst v10  }
0x127: {  	v10 =	vld [tilespmem:$0x610];
	_ =	sdelay $0x2  }
0x128: {  	v23 =	vsel vm5, $0x0, v9;
	[tilespmem:s18+$0x1110] =	vst v0  }
0x129: {  	(xrf0) =	vadd.scan.msk.s32 $0xffff, v23;
	[tilespmem:s18+$0x1E90] =	vst v4  }
0x12a: {  	[tilespmem:s18+$0x2C10] =	vst v10  }
0x12b: {  	v24 =	vld [tilespmem:$0x620];
	_ =	sdelay $0x2  }
0x12c: {  	[tilespmem:s18+$0x1120] =	vst v0  }
0x12d: {  	v25, _, _ =	vpop (xrf0);
	[tilespmem:s18+$0x1EA0] =	vst v4  }
0x12e: {  	(v2sf) =	vpush v25, $0xF;
	[tilespmem:s18+$0x2C20] =	vst v24  }
0x12f: {  	v26 =	vld [tilespmem:$0x630];
	_ =	sdelay $0x2  }
0x130: {  	[tilespmem:s18+$0x1130] =	vst v0  }
0x131: {  	[tilespmem:s18+$0x1EB0] =	vst v4  }
0x132: {  	[tilespmem:s18+$0x2C30] =	vst v26  }
0x133: {  	v10 =	vld [tilespmem:$0x640];
	_ =	sdelay $0x2  }
0x134: {  	[tilespmem:s18+$0x1140] =	vst v0  }
0x135: {  	[tilespmem:s18+$0x1EC0] =	vst v4  }
0x136: {  	[tilespmem:s18+$0x2C40] =	vst v10  }
0x137: {  	v10 =	vld [tilespmem:$0x280];
	_ =	sdelay $0x1  }
0x138: {  	s19 =	spop (v2sf)  }
0x139: {  	[tilespmem:s19+$0x1080] =	vst v0  }
0x13a: {  	[tilespmem:s19+$0x1E00] =	vst v5  }
0x13b: {  	[tilespmem:s19+$0x2B80] =	vst v10  }
0x13c: {  	v10 =	vld [tilespmem:$0x290];
	_ =	sdelay $0x2  }
0x13d: {  	[tilespmem:s19+$0x1090] =	vst v0  }
0x13e: {  	[tilespmem:s19+$0x1E10] =	vst v5  }
0x13f: {  	[tilespmem:s19+$0x2B90] =	vst v10  }
0x140: {  	v10 =	vld [tilespmem:$0x2A0];
	_ =	sdelay $0x2  }
0x141: {  	[tilespmem:s19+$0x10A0] =	vst v0  }
0x142: {  	[tilespmem:s19+$0x1E20] =	vst v5  }
0x143: {  	[tilespmem:s19+$0x2BA0] =	vst v10  }
0x144: {  	v10 =	vld [tilespmem:$0x2B0];
	_ =	sdelay $0x2  }
0x145: {  	[tilespmem:s19+$0x10B0] =	vst v0  }
0x146: {  	[tilespmem:s19+$0x1E30] =	vst v5  }
0x147: {  	[tilespmem:s19+$0x2BB0] =	vst v10  }
0x148: {  	v10 =	vld [tilespmem:$0x2C0];
	_ =	sdelay $0x2  }
0x149: {  	[tilespmem:s19+$0x10C0] =	vst v0  }
0x14a: {  	[tilespmem:s19+$0x1E40] =	vst v5  }
0x14b: {  	[tilespmem:s19+$0x2BC0] =	vst v10  }
0x14c: {  	v10 =	vld [tilespmem:$0x2D0];
	_ =	sdelay $0x2  }
0x14d: {  	[tilespmem:s19+$0x10D0] =	vst v0  }
0x14e: {  	[tilespmem:s19+$0x1E50] =	vst v5  }
0x14f: {  	[tilespmem:s19+$0x2BD0] =	vst v10  }
0x150: {  	v10 =	vld [tilespmem:$0x2E0];
	_ =	sdelay $0x2  }
0x151: {  	[tilespmem:s19+$0x10E0] =	vst v0  }
0x152: {  	[tilespmem:s19+$0x1E60] =	vst v5  }
0x153: {  	[tilespmem:s19+$0x2BE0] =	vst v10  }
0x154: {  	v10 =	vld [tilespmem:$0x2F0];
	_ =	sdelay $0x2  }
0x155: {  	[tilespmem:s19+$0x10F0] =	vst v0  }
0x156: {  	[tilespmem:s19+$0x1E70] =	vst v5  }
0x157: {  	[tilespmem:s19+$0x2BF0] =	vst v10  }
0x158: {  	v10 =	vld [tilespmem:$0x680];
	_ =	sdelay $0x2  }
0x159: {  	[tilespmem:s19+$0x1100] =	vst v0  }
0x15a: {  	[tilespmem:s19+$0x1E80] =	vst v5  }
0x15b: {  	[tilespmem:s19+$0x2C00] =	vst v10  }
0x15c: {  	v10 =	vld [tilespmem:$0x690];
	_ =	sdelay $0x2  }
0x15d: {  	v27 =	vsel vm6, $0x0, v9;
	[tilespmem:s19+$0x1110] =	vst v0  }
0x15e: {  	(xrf0) =	vadd.scan.msk.s32 $0xffff, v27;
	[tilespmem:s19+$0x1E90] =	vst v5  }
0x15f: {  	[tilespmem:s19+$0x2C10] =	vst v10  }
0x160: {  	v28 =	vld [tilespmem:$0x6A0];
	_ =	sdelay $0x2  }
0x161: {  	[tilespmem:s19+$0x1120] =	vst v0  }
0x162: {  	v29, _, _ =	vpop (xrf0);
	[tilespmem:s19+$0x1EA0] =	vst v5  }
0x163: {  	(v2sf) =	vpush v29, $0xF;
	[tilespmem:s19+$0x2C20] =	vst v28  }
0x164: {  	v30 =	vld [tilespmem:$0x6B0];
	_ =	sdelay $0x2  }
0x165: {  	[tilespmem:s19+$0x1130] =	vst v0  }
0x166: {  	[tilespmem:s19+$0x1EB0] =	vst v5  }
0x167: {  	[tilespmem:s19+$0x2C30] =	vst v30  }
0x168: {  	v10 =	vld [tilespmem:$0x6C0];
	_ =	sdelay $0x2  }
0x169: {  	[tilespmem:s19+$0x1140] =	vst v0  }
0x16a: {  	[tilespmem:s19+$0x1EC0] =	vst v5  }
0x16b: {  	[tilespmem:s19+$0x2C40] =	vst v10  }
0x16c: {  	v10 =	vld [tilespmem:$0x300];
	_ =	sdelay $0x1  }
0x16d: {  	s20 =	spop (v2sf)  }
0x16e: {  	[tilespmem:s20+$0x1080] =	vst v0  }
0x16f: {  	[tilespmem:s20+$0x1E00] =	vst v6  }
0x170: {  	[tilespmem:s20+$0x2B80] =	vst v10  }
0x171: {  	v10 =	vld [tilespmem:$0x310];
	_ =	sdelay $0x2  }
0x172: {  	[tilespmem:s20+$0x1090] =	vst v0  }
0x173: {  	[tilespmem:s20+$0x1E10] =	vst v6  }
0x174: {  	[tilespmem:s20+$0x2B90] =	vst v10  }
0x175: {  	v10 =	vld [tilespmem:$0x320];
	_ =	sdelay $0x2  }
0x176: {  	[tilespmem:s20+$0x10A0] =	vst v0  }
0x177: {  	[tilespmem:s20+$0x1E20] =	vst v6  }
0x178: {  	[tilespmem:s20+$0x2BA0] =	vst v10  }
0x179: {  	v10 =	vld [tilespmem:$0x330];
	_ =	sdelay $0x2  }
0x17a: {  	[tilespmem:s20+$0x10B0] =	vst v0  }
0x17b: {  	[tilespmem:s20+$0x1E30] =	vst v6  }
0x17c: {  	[tilespmem:s20+$0x2BB0] =	vst v10  }
0x17d: {  	v10 =	vld [tilespmem:$0x340];
	_ =	sdelay $0x2  }
0x17e: {  	[tilespmem:s20+$0x10C0] =	vst v0  }
0x17f: {  	[tilespmem:s20+$0x1E40] =	vst v6  }
0x180: {  	[tilespmem:s20+$0x2BC0] =	vst v10  }
0x181: {  	v10 =	vld [tilespmem:$0x350];
	_ =	sdelay $0x2  }
0x182: {  	[tilespmem:s20+$0x10D0] =	vst v0  }
0x183: {  	[tilespmem:s20+$0x1E50] =	vst v6  }
0x184: {  	[tilespmem:s20+$0x2BD0] =	vst v10  }
0x185: {  	v10 =	vld [tilespmem:$0x360];
	_ =	sdelay $0x2  }
0x186: {  	[tilespmem:s20+$0x10E0] =	vst v0  }
0x187: {  	[tilespmem:s20+$0x1E60] =	vst v6  }
0x188: {  	[tilespmem:s20+$0x2BE0] =	vst v10  }
0x189: {  	v10 =	vld [tilespmem:$0x370];
	_ =	sdelay $0x2  }
0x18a: {  	[tilespmem:s20+$0x10F0] =	vst v0  }
0x18b: {  	[tilespmem:s20+$0x1E70] =	vst v6  }
0x18c: {  	[tilespmem:s20+$0x2BF0] =	vst v10  }
0x18d: {  	v10 =	vld [tilespmem:$0x700];
	_ =	sdelay $0x2  }
0x18e: {  	[tilespmem:s20+$0x1100] =	vst v0  }
0x18f: {  	[tilespmem:s20+$0x1E80] =	vst v6  }
0x190: {  	[tilespmem:s20+$0x2C00] =	vst v10  }
0x191: {  	v10 =	vld [tilespmem:$0x710];
	_ =	sdelay $0x2  }
0x192: {  	v31 =	vsel vm7, $0x0, v9;
	[tilespmem:s20+$0x1110] =	vst v0  }
0x193: {  	(xrf0) =	vadd.scan.msk.s32 $0xffff, v31;
	[tilespmem:s20+$0x1E90] =	vst v6  }
0x194: {  	[tilespmem:s20+$0x2C10] =	vst v10  }
0x195: {  	v32 =	vld [tilespmem:$0x720];
	_ =	sdelay $0x2  }
0x196: {  	[tilespmem:s20+$0x1120] =	vst v0  }
0x197: {  	v33, _, _ =	vpop (xrf0);
	[tilespmem:s20+$0x1EA0] =	vst v6  }
0x198: {  	(v2sf) =	vpush v33, $0xF;
	[tilespmem:s20+$0x2C20] =	vst v32  }
0x199: {  	v34 =	vld [tilespmem:$0x730];
	_ =	sdelay $0x2  }
0x19a: {  	[tilespmem:s20+$0x1130] =	vst v0  }
0x19b: {  	[tilespmem:s20+$0x1EB0] =	vst v6  }
0x19c: {  	[tilespmem:s20+$0x2C30] =	vst v34  }
0x19d: {  	v10 =	vld [tilespmem:$0x740];
	_ =	sdelay $0x2  }
0x19e: {  	[tilespmem:s20+$0x1140] =	vst v0  }
0x19f: {  	[tilespmem:s20+$0x1EC0] =	vst v6  }
0x1a0: {  	[tilespmem:s20+$0x2C40] =	vst v10  }
0x1a1: {  	v10 =	vld [tilespmem:$0x380];
	_ =	sdelay $0x1  }
0x1a2: {  	s21 =	spop (v2sf)  }
0x1a3: {  	[tilespmem:s21+$0x1080] =	vst v0  }
0x1a4: {  	[tilespmem:s21+$0x1E00] =	vst v7  }
0x1a5: {  	[tilespmem:s21+$0x2B80] =	vst v10  }
0x1a6: {  	v10 =	vld [tilespmem:$0x390];
	_ =	sdelay $0x2  }
0x1a7: {  	[tilespmem:s21+$0x1090] =	vst v0  }
0x1a8: {  	[tilespmem:s21+$0x1E10] =	vst v7  }
0x1a9: {  	[tilespmem:s21+$0x2B90] =	vst v10  }
0x1aa: {  	v10 =	vld [tilespmem:$0x3A0];
	_ =	sdelay $0x2  }
0x1ab: {  	[tilespmem:s21+$0x10A0] =	vst v0  }
0x1ac: {  	[tilespmem:s21+$0x1E20] =	vst v7  }
0x1ad: {  	[tilespmem:s21+$0x2BA0] =	vst v10  }
0x1ae: {  	v10 =	vld [tilespmem:$0x3B0];
	_ =	sdelay $0x2  }
0x1af: {  	[tilespmem:s21+$0x10B0] =	vst v0  }
0x1b0: {  	[tilespmem:s21+$0x1E30] =	vst v7  }
0x1b1: {  	[tilespmem:s21+$0x2BB0] =	vst v10  }
0x1b2: {  	v10 =	vld [tilespmem:$0x3C0];
	_ =	sdelay $0x2  }
0x1b3: {  	[tilespmem:s21+$0x10C0] =	vst v0  }
0x1b4: {  	[tilespmem:s21+$0x1E40] =	vst v7  }
0x1b5: {  	[tilespmem:s21+$0x2BC0] =	vst v10  }
0x1b6: {  	v10 =	vld [tilespmem:$0x3D0];
	_ =	sdelay $0x2  }
0x1b7: {  	[tilespmem:s21+$0x10D0] =	vst v0  }
0x1b8: {  	[tilespmem:s21+$0x1E50] =	vst v7  }
0x1b9: {  	[tilespmem:s21+$0x2BD0] =	vst v10  }
0x1ba: {  	v10 =	vld [tilespmem:$0x3E0];
	_ =	sdelay $0x2  }
0x1bb: {  	[tilespmem:s21+$0x10E0] =	vst v0  }
0x1bc: {  	[tilespmem:s21+$0x1E60] =	vst v7  }
0x1bd: {  	[tilespmem:s21+$0x2BE0] =	vst v10  }
0x1be: {  	v10 =	vld [tilespmem:$0x3F0];
	_ =	sdelay $0x2  }
0x1bf: {  	[tilespmem:s21+$0x10F0] =	vst v0  }
0x1c0: {  	[tilespmem:s21+$0x1E70] =	vst v7  }
0x1c1: {  	[tilespmem:s21+$0x2BF0] =	vst v10  }
0x1c2: {  	v10 =	vld [tilespmem:$0x780];
	_ =	sdelay $0x2  }
0x1c3: {  	[tilespmem:s21+$0x1100] =	vst v0  }
0x1c4: {  	[tilespmem:s21+$0x1E80] =	vst v7  }
0x1c5: {  	[tilespmem:s21+$0x2C00] =	vst v10  }
0x1c6: {  	v10 =	vld [tilespmem:$0x790];
	_ =	sdelay $0x2  }
0x1c7: {  	[tilespmem:s21+$0x1110] =	vst v0  }
0x1c8: {  	[tilespmem:s21+$0x1E90] =	vst v7  }
0x1c9: {  	[tilespmem:s21+$0x2C10] =	vst v10  }
0x1ca: {  	v10 =	vld [tilespmem:$0x7A0];
	_ =	sdelay $0x2  }
0x1cb: {  	[tilespmem:s21+$0x1120] =	vst v0  }
0x1cc: {  	[tilespmem:s21+$0x1EA0] =	vst v7  }
0x1cd: {  	[tilespmem:s21+$0x2C20] =	vst v10  }
0x1ce: {  	v10 =	vld [tilespmem:$0x7B0];
	_ =	sdelay $0x2  }
0x1cf: {  	[tilespmem:s21+$0x1130] =	vst v0  }
0x1d0: {  	[tilespmem:s21+$0x1EB0] =	vst v7  }
0x1d1: {  	v35 =	vsel vm8, $0x0, v9;
	[tilespmem:s21+$0x2C30] =	vst v10  }
0x1d2: {  	(xrf0) =	vadd.scan.msk.s32 $0xffff, v35;
	v36 =	vld [tilespmem:$0x7C0];
	_ =	sdelay $0x2  }
0x1d3: {  	[tilespmem:s21+$0x1140] =	vst v0  }
0x1d4: {  	[tilespmem:s21+$0x1EC0] =	vst v7  }
0x1d5: {  	[tilespmem:s21+$0x2C40] =	vst v36  }
0x1d6: {  	v10, _, _ =	vpop (xrf0)  }
0x1d7: {  	(v2sf) =	vpush v10, $0xF;
	_ =	sdelay $0xc  }
0x1d8: {  	v37 =	vld [tilespmem:$0x800];
	_ =	sdelay $0x1  }
0x1d9: {  	s22 =	spop (v2sf)  }
0x1da: {  	[tilespmem:s22+$0x1080] =	vst v1  }
0x1db: {  	[tilespmem:s22+$0x1E00] =	vst v0  }
0x1dc: {  	[tilespmem:s22+$0x2B80] =	vst v37  }
0x1dd: {  	v10 =	vld [tilespmem:$0x810];
	_ =	sdelay $0x2  }
0x1de: {  	[tilespmem:s22+$0x1090] =	vst v1  }
0x1df: {  	[tilespmem:s22+$0x1E10] =	vst v0  }
0x1e0: {  	[tilespmem:s22+$0x2B90] =	vst v10  }
0x1e1: {  	v10 =	vld [tilespmem:$0x820];
	_ =	sdelay $0x2  }
0x1e2: {  	[tilespmem:s22+$0x10A0] =	vst v1  }
0x1e3: {  	[tilespmem:s22+$0x1E20] =	vst v0  }
0x1e4: {  	[tilespmem:s22+$0x2BA0] =	vst v10  }
0x1e5: {  	v10 =	vld [tilespmem:$0x830];
	_ =	sdelay $0x2  }
0x1e6: {  	[tilespmem:s22+$0x10B0] =	vst v1  }
0x1e7: {  	[tilespmem:s22+$0x1E30] =	vst v0  }
0x1e8: {  	[tilespmem:s22+$0x2BB0] =	vst v10  }
0x1e9: {  	v10 =	vld [tilespmem:$0x840];
	_ =	sdelay $0x2  }
0x1ea: {  	[tilespmem:s22+$0x10C0] =	vst v1  }
0x1eb: {  	[tilespmem:s22+$0x1E40] =	vst v0  }
0x1ec: {  	[tilespmem:s22+$0x2BC0] =	vst v10  }
0x1ed: {  	v10 =	vld [tilespmem:$0x850];
	_ =	sdelay $0x2  }
0x1ee: {  	[tilespmem:s22+$0x10D0] =	vst v1  }
0x1ef: {  	[tilespmem:s22+$0x1E50] =	vst v0  }
0x1f0: {  	[tilespmem:s22+$0x2BD0] =	vst v10  }
0x1f1: {  	v10 =	vld [tilespmem:$0x860];
	_ =	sdelay $0x2  }
0x1f2: {  	[tilespmem:s22+$0x10E0] =	vst v1  }
0x1f3: {  	[tilespmem:s22+$0x1E60] =	vst v0  }
0x1f4: {  	[tilespmem:s22+$0x2BE0] =	vst v10  }
0x1f5: {  	v10 =	vld [tilespmem:$0x870];
	_ =	sdelay $0x2  }
0x1f6: {  	[tilespmem:s22+$0x10F0] =	vst v1  }
0x1f7: {  	[tilespmem:s22+$0x1E70] =	vst v0  }
0x1f8: {  	[tilespmem:s22+$0x2BF0] =	vst v10  }
0x1f9: {  	v10 =	vld [tilespmem:$0xC00];
	_ =	sdelay $0x2  }
0x1fa: {  	[tilespmem:s22+$0x1100] =	vst v1  }
0x1fb: {  	[tilespmem:s22+$0x1E80] =	vst v0  }
0x1fc: {  	[tilespmem:s22+$0x2C00] =	vst v10  }
0x1fd: {  	v10 =	vld [tilespmem:$0xC10];
	_ =	sdelay $0x2  }
0x1fe: {  	v38 =	vsel vm9, $0x0, v9;
	[tilespmem:s22+$0x1110] =	vst v1  }
0x1ff: {  	(xrf0) =	vadd.scan.msk.s32 $0xffff, v38;
	[tilespmem:s22+$0x1E90] =	vst v0  }
0x200: {  	[tilespmem:s22+$0x2C10] =	vst v10  }
0x201: {  	v39 =	vld [tilespmem:$0xC20];
	_ =	sdelay $0x2  }
0x202: {  	[tilespmem:s22+$0x1120] =	vst v1  }
0x203: {  	v40, _, _ =	vpop (xrf0);
	[tilespmem:s22+$0x1EA0] =	vst v0  }
0x204: {  	(v2sf) =	vpush v40, $0xF;
	[tilespmem:s22+$0x2C20] =	vst v39  }
0x205: {  	v41 =	vld [tilespmem:$0xC30];
	_ =	sdelay $0x2  }
0x206: {  	[tilespmem:s22+$0x1130] =	vst v1  }
0x207: {  	[tilespmem:s22+$0x1EB0] =	vst v0  }
0x208: {  	[tilespmem:s22+$0x2C30] =	vst v41  }
0x209: {  	v10 =	vld [tilespmem:$0xC40];
	_ =	sdelay $0x2  }
0x20a: {  	[tilespmem:s22+$0x1140] =	vst v1  }
0x20b: {  	[tilespmem:s22+$0x1EC0] =	vst v0  }
0x20c: {  	[tilespmem:s22+$0x2C40] =	vst v10  }
0x20d: {  	v10 =	vld [tilespmem:$0x880];
	_ =	sdelay $0x1  }
0x20e: {  	s23 =	spop (v2sf)  }
0x20f: {  	[tilespmem:s23+$0x1080] =	vst v1  }
0x210: {  	[tilespmem:s23+$0x1E00] =	vst v1  }
0x211: {  	[tilespmem:s23+$0x2B80] =	vst v10  }
0x212: {  	v10 =	vld [tilespmem:$0x890];
	_ =	sdelay $0x2  }
0x213: {  	[tilespmem:s23+$0x1090] =	vst v1  }
0x214: {  	[tilespmem:s23+$0x1E10] =	vst v1  }
0x215: {  	[tilespmem:s23+$0x2B90] =	vst v10  }
0x216: {  	v10 =	vld [tilespmem:$0x8A0];
	_ =	sdelay $0x2  }
0x217: {  	[tilespmem:s23+$0x10A0] =	vst v1  }
0x218: {  	[tilespmem:s23+$0x1E20] =	vst v1  }
0x219: {  	[tilespmem:s23+$0x2BA0] =	vst v10  }
0x21a: {  	v10 =	vld [tilespmem:$0x8B0];
	_ =	sdelay $0x2  }
0x21b: {  	[tilespmem:s23+$0x10B0] =	vst v1  }
0x21c: {  	[tilespmem:s23+$0x1E30] =	vst v1  }
0x21d: {  	[tilespmem:s23+$0x2BB0] =	vst v10  }
0x21e: {  	v10 =	vld [tilespmem:$0x8C0];
	_ =	sdelay $0x2  }
0x21f: {  	[tilespmem:s23+$0x10C0] =	vst v1  }
0x220: {  	[tilespmem:s23+$0x1E40] =	vst v1  }
0x221: {  	[tilespmem:s23+$0x2BC0] =	vst v10  }
0x222: {  	v10 =	vld [tilespmem:$0x8D0];
	_ =	sdelay $0x2  }
0x223: {  	[tilespmem:s23+$0x10D0] =	vst v1  }
0x224: {  	[tilespmem:s23+$0x1E50] =	vst v1  }
0x225: {  	[tilespmem:s23+$0x2BD0] =	vst v10  }
0x226: {  	v10 =	vld [tilespmem:$0x8E0];
	_ =	sdelay $0x2  }
0x227: {  	[tilespmem:s23+$0x10E0] =	vst v1  }
0x228: {  	[tilespmem:s23+$0x1E60] =	vst v1  }
0x229: {  	[tilespmem:s23+$0x2BE0] =	vst v10  }
0x22a: {  	v10 =	vld [tilespmem:$0x8F0];
	_ =	sdelay $0x2  }
0x22b: {  	[tilespmem:s23+$0x10F0] =	vst v1  }
0x22c: {  	[tilespmem:s23+$0x1E70] =	vst v1  }
0x22d: {  	[tilespmem:s23+$0x2BF0] =	vst v10  }
0x22e: {  	v10 =	vld [tilespmem:$0xC80];
	_ =	sdelay $0x2  }
0x22f: {  	[tilespmem:s23+$0x1100] =	vst v1  }
0x230: {  	[tilespmem:s23+$0x1E80] =	vst v1  }
0x231: {  	[tilespmem:s23+$0x2C00] =	vst v10  }
0x232: {  	v10 =	vld [tilespmem:$0xC90];
	_ =	sdelay $0x2  }
0x233: {  	v42 =	vsel vm10, $0x0, v9;
	[tilespmem:s23+$0x1110] =	vst v1  }
0x234: {  	(xrf0) =	vadd.scan.msk.s32 $0xffff, v42;
	[tilespmem:s23+$0x1E90] =	vst v1  }
0x235: {  	[tilespmem:s23+$0x2C10] =	vst v10  }
0x236: {  	v43 =	vld [tilespmem:$0xCA0];
	_ =	sdelay $0x2  }
0x237: {  	[tilespmem:s23+$0x1120] =	vst v1  }
0x238: {  	v44, _, _ =	vpop (xrf0);
	[tilespmem:s23+$0x1EA0] =	vst v1  }
0x239: {  	(v2sf) =	vpush v44, $0xF;
	[tilespmem:s23+$0x2C20] =	vst v43  }
0x23a: {  	v45 =	vld [tilespmem:$0xCB0];
	_ =	sdelay $0x2  }
0x23b: {  	[tilespmem:s23+$0x1130] =	vst v1  }
0x23c: {  	[tilespmem:s23+$0x1EB0] =	vst v1  }
0x23d: {  	[tilespmem:s23+$0x2C30] =	vst v45  }
0x23e: {  	v10 =	vld [tilespmem:$0xCC0];
	_ =	sdelay $0x2  }
0x23f: {  	[tilespmem:s23+$0x1140] =	vst v1  }
0x240: {  	[tilespmem:s23+$0x1EC0] =	vst v1  }
0x241: {  	[tilespmem:s23+$0x2C40] =	vst v10  }
0x242: {  	v10 =	vld [tilespmem:$0x900];
	_ =	sdelay $0x1  }
0x243: {  	s24 =	spop (v2sf)  }
0x244: {  	[tilespmem:s24+$0x1080] =	vst v1  }
0x245: {  	[tilespmem:s24+$0x1E00] =	vst v2  }
0x246: {  	[tilespmem:s24+$0x2B80] =	vst v10  }
0x247: {  	v10 =	vld [tilespmem:$0x910];
	_ =	sdelay $0x2  }
0x248: {  	[tilespmem:s24+$0x1090] =	vst v1  }
0x249: {  	[tilespmem:s24+$0x1E10] =	vst v2  }
0x24a: {  	[tilespmem:s24+$0x2B90] =	vst v10  }
0x24b: {  	v10 =	vld [tilespmem:$0x920];
	_ =	sdelay $0x2  }
0x24c: {  	[tilespmem:s24+$0x10A0] =	vst v1  }
0x24d: {  	[tilespmem:s24+$0x1E20] =	vst v2  }
0x24e: {  	[tilespmem:s24+$0x2BA0] =	vst v10  }
0x24f: {  	v10 =	vld [tilespmem:$0x930];
	_ =	sdelay $0x2  }
0x250: {  	[tilespmem:s24+$0x10B0] =	vst v1  }
0x251: {  	[tilespmem:s24+$0x1E30] =	vst v2  }
0x252: {  	[tilespmem:s24+$0x2BB0] =	vst v10  }
0x253: {  	v10 =	vld [tilespmem:$0x940];
	_ =	sdelay $0x2  }
0x254: {  	[tilespmem:s24+$0x10C0] =	vst v1  }
0x255: {  	[tilespmem:s24+$0x1E40] =	vst v2  }
0x256: {  	[tilespmem:s24+$0x2BC0] =	vst v10  }
0x257: {  	v10 =	vld [tilespmem:$0x950];
	_ =	sdelay $0x2  }
0x258: {  	[tilespmem:s24+$0x10D0] =	vst v1  }
0x259: {  	[tilespmem:s24+$0x1E50] =	vst v2  }
0x25a: {  	[tilespmem:s24+$0x2BD0] =	vst v10  }
0x25b: {  	v10 =	vld [tilespmem:$0x960];
	_ =	sdelay $0x2  }
0x25c: {  	[tilespmem:s24+$0x10E0] =	vst v1  }
0x25d: {  	[tilespmem:s24+$0x1E60] =	vst v2  }
0x25e: {  	[tilespmem:s24+$0x2BE0] =	vst v10  }
0x25f: {  	v10 =	vld [tilespmem:$0x970];
	_ =	sdelay $0x2  }
0x260: {  	[tilespmem:s24+$0x10F0] =	vst v1  }
0x261: {  	[tilespmem:s24+$0x1E70] =	vst v2  }
0x262: {  	[tilespmem:s24+$0x2BF0] =	vst v10  }
0x263: {  	v10 =	vld [tilespmem:$0xD00];
	_ =	sdelay $0x2  }
0x264: {  	[tilespmem:s24+$0x1100] =	vst v1  }
0x265: {  	[tilespmem:s24+$0x1E80] =	vst v2  }
0x266: {  	[tilespmem:s24+$0x2C00] =	vst v10  }
0x267: {  	v10 =	vld [tilespmem:$0xD10];
	_ =	sdelay $0x2  }
0x268: {  	v46 =	vsel vm11, $0x0, v9;
	[tilespmem:s24+$0x1110] =	vst v1  }
0x269: {  	(xrf0) =	vadd.scan.msk.s32 $0xffff, v46;
	[tilespmem:s24+$0x1E90] =	vst v2  }
0x26a: {  	[tilespmem:s24+$0x2C10] =	vst v10  }
0x26b: {  	v47 =	vld [tilespmem:$0xD20];
	_ =	sdelay $0x2  }
0x26c: {  	[tilespmem:s24+$0x1120] =	vst v1  }
0x26d: {  	v48, _, _ =	vpop (xrf0);
	[tilespmem:s24+$0x1EA0] =	vst v2  }
0x26e: {  	(v2sf) =	vpush v48, $0xF;
	[tilespmem:s24+$0x2C20] =	vst v47  }
0x26f: {  	v49 =	vld [tilespmem:$0xD30];
	_ =	sdelay $0x2  }
0x270: {  	[tilespmem:s24+$0x1130] =	vst v1  }
0x271: {  	[tilespmem:s24+$0x1EB0] =	vst v2  }
0x272: {  	[tilespmem:s24+$0x2C30] =	vst v49  }
0x273: {  	v10 =	vld [tilespmem:$0xD40];
	_ =	sdelay $0x2  }
0x274: {  	[tilespmem:s24+$0x1140] =	vst v1  }
0x275: {  	[tilespmem:s24+$0x1EC0] =	vst v2  }
0x276: {  	[tilespmem:s24+$0x2C40] =	vst v10  }
0x277: {  	v10 =	vld [tilespmem:$0x980];
	_ =	sdelay $0x1  }
0x278: {  	s25 =	spop (v2sf)  }
0x279: {  	[tilespmem:s25+$0x1080] =	vst v1  }
0x27a: {  	[tilespmem:s25+$0x1E00] =	vst v3  }
0x27b: {  	[tilespmem:s25+$0x2B80] =	vst v10  }
0x27c: {  	v10 =	vld [tilespmem:$0x990];
	_ =	sdelay $0x2  }
0x27d: {  	[tilespmem:s25+$0x1090] =	vst v1  }
0x27e: {  	[tilespmem:s25+$0x1E10] =	vst v3  }
0x27f: {  	[tilespmem:s25+$0x2B90] =	vst v10  }
0x280: {  	v10 =	vld [tilespmem:$0x9A0];
	_ =	sdelay $0x2  }
0x281: {  	[tilespmem:s25+$0x10A0] =	vst v1  }
0x282: {  	[tilespmem:s25+$0x1E20] =	vst v3  }
0x283: {  	[tilespmem:s25+$0x2BA0] =	vst v10  }
0x284: {  	v10 =	vld [tilespmem:$0x9B0];
	_ =	sdelay $0x2  }
0x285: {  	[tilespmem:s25+$0x10B0] =	vst v1  }
0x286: {  	[tilespmem:s25+$0x1E30] =	vst v3  }
0x287: {  	[tilespmem:s25+$0x2BB0] =	vst v10  }
0x288: {  	v10 =	vld [tilespmem:$0x9C0];
	_ =	sdelay $0x2  }
0x289: {  	[tilespmem:s25+$0x10C0] =	vst v1  }
0x28a: {  	[tilespmem:s25+$0x1E40] =	vst v3  }
0x28b: {  	[tilespmem:s25+$0x2BC0] =	vst v10  }
0x28c: {  	v10 =	vld [tilespmem:$0x9D0];
	_ =	sdelay $0x2  }
0x28d: {  	[tilespmem:s25+$0x10D0] =	vst v1  }
0x28e: {  	[tilespmem:s25+$0x1E50] =	vst v3  }
0x28f: {  	[tilespmem:s25+$0x2BD0] =	vst v10  }
0x290: {  	v10 =	vld [tilespmem:$0x9E0];
	_ =	sdelay $0x2  }
0x291: {  	[tilespmem:s25+$0x10E0] =	vst v1  }
0x292: {  	[tilespmem:s25+$0x1E60] =	vst v3  }
0x293: {  	[tilespmem:s25+$0x2BE0] =	vst v10  }
0x294: {  	v10 =	vld [tilespmem:$0x9F0];
	_ =	sdelay $0x2  }
0x295: {  	[tilespmem:s25+$0x10F0] =	vst v1  }
0x296: {  	[tilespmem:s25+$0x1E70] =	vst v3  }
0x297: {  	[tilespmem:s25+$0x2BF0] =	vst v10  }
0x298: {  	v10 =	vld [tilespmem:$0xD80];
	_ =	sdelay $0x2  }
0x299: {  	[tilespmem:s25+$0x1100] =	vst v1  }
0x29a: {  	[tilespmem:s25+$0x1E80] =	vst v3  }
0x29b: {  	[tilespmem:s25+$0x2C00] =	vst v10  }
0x29c: {  	v10 =	vld [tilespmem:$0xD90];
	_ =	sdelay $0x2  }
0x29d: {  	v50 =	vsel vm12, $0x0, v9;
	[tilespmem:s25+$0x1110] =	vst v1  }
0x29e: {  	(xrf0) =	vadd.scan.msk.s32 $0xffff, v50;
	[tilespmem:s25+$0x1E90] =	vst v3  }
0x29f: {  	[tilespmem:s25+$0x2C10] =	vst v10  }
0x2a0: {  	v51 =	vld [tilespmem:$0xDA0];
	_ =	sdelay $0x2  }
0x2a1: {  	[tilespmem:s25+$0x1120] =	vst v1  }
0x2a2: {  	v52, _, _ =	vpop (xrf0);
	[tilespmem:s25+$0x1EA0] =	vst v3  }
0x2a3: {  	(v2sf) =	vpush v52, $0xF;
	[tilespmem:s25+$0x2C20] =	vst v51  }
0x2a4: {  	v53 =	vld [tilespmem:$0xDB0];
	_ =	sdelay $0x2  }
0x2a5: {  	[tilespmem:s25+$0x1130] =	vst v1  }
0x2a6: {  	[tilespmem:s25+$0x1EB0] =	vst v3  }
0x2a7: {  	[tilespmem:s25+$0x2C30] =	vst v53  }
0x2a8: {  	v10 =	vld [tilespmem:$0xDC0];
	_ =	sdelay $0x2  }
0x2a9: {  	[tilespmem:s25+$0x1140] =	vst v1  }
0x2aa: {  	[tilespmem:s25+$0x1EC0] =	vst v3  }
0x2ab: {  	[tilespmem:s25+$0x2C40] =	vst v10  }
0x2ac: {  	v10 =	vld [tilespmem:$0xA00];
	_ =	sdelay $0x1  }
0x2ad: {  	s26 =	spop (v2sf)  }
0x2ae: {  	[tilespmem:s26+$0x1080] =	vst v1  }
0x2af: {  	[tilespmem:s26+$0x1E00] =	vst v4  }
0x2b0: {  	[tilespmem:s26+$0x2B80] =	vst v10  }
0x2b1: {  	v10 =	vld [tilespmem:$0xA10];
	_ =	sdelay $0x2  }
0x2b2: {  	[tilespmem:s26+$0x1090] =	vst v1  }
0x2b3: {  	[tilespmem:s26+$0x1E10] =	vst v4  }
0x2b4: {  	[tilespmem:s26+$0x2B90] =	vst v10  }
0x2b5: {  	v10 =	vld [tilespmem:$0xA20];
	_ =	sdelay $0x2  }
0x2b6: {  	[tilespmem:s26+$0x10A0] =	vst v1  }
0x2b7: {  	[tilespmem:s26+$0x1E20] =	vst v4  }
0x2b8: {  	[tilespmem:s26+$0x2BA0] =	vst v10  }
0x2b9: {  	v10 =	vld [tilespmem:$0xA30];
	_ =	sdelay $0x2  }
0x2ba: {  	[tilespmem:s26+$0x10B0] =	vst v1  }
0x2bb: {  	[tilespmem:s26+$0x1E30] =	vst v4  }
0x2bc: {  	[tilespmem:s26+$0x2BB0] =	vst v10  }
0x2bd: {  	v10 =	vld [tilespmem:$0xA40];
	_ =	sdelay $0x2  }
0x2be: {  	[tilespmem:s26+$0x10C0] =	vst v1  }
0x2bf: {  	[tilespmem:s26+$0x1E40] =	vst v4  }
0x2c0: {  	[tilespmem:s26+$0x2BC0] =	vst v10  }
0x2c1: {  	v10 =	vld [tilespmem:$0xA50];
	_ =	sdelay $0x2  }
0x2c2: {  	[tilespmem:s26+$0x10D0] =	vst v1  }
0x2c3: {  	[tilespmem:s26+$0x1E50] =	vst v4  }
0x2c4: {  	[tilespmem:s26+$0x2BD0] =	vst v10  }
0x2c5: {  	v10 =	vld [tilespmem:$0xA60];
	_ =	sdelay $0x2  }
0x2c6: {  	[tilespmem:s26+$0x10E0] =	vst v1  }
0x2c7: {  	[tilespmem:s26+$0x1E60] =	vst v4  }
0x2c8: {  	[tilespmem:s26+$0x2BE0] =	vst v10  }
0x2c9: {  	v10 =	vld [tilespmem:$0xA70];
	_ =	sdelay $0x2  }
0x2ca: {  	[tilespmem:s26+$0x10F0] =	vst v1  }
0x2cb: {  	[tilespmem:s26+$0x1E70] =	vst v4  }
0x2cc: {  	[tilespmem:s26+$0x2BF0] =	vst v10  }
0x2cd: {  	v10 =	vld [tilespmem:$0xE00];
	_ =	sdelay $0x2  }
0x2ce: {  	[tilespmem:s26+$0x1100] =	vst v1  }
0x2cf: {  	[tilespmem:s26+$0x1E80] =	vst v4  }
0x2d0: {  	[tilespmem:s26+$0x2C00] =	vst v10  }
0x2d1: {  	v10 =	vld [tilespmem:$0xE10];
	_ =	sdelay $0x2  }
0x2d2: {  	v54 =	vsel vm13, $0x0, v9;
	[tilespmem:s26+$0x1110] =	vst v1  }
0x2d3: {  	(xrf0) =	vadd.scan.msk.s32 $0xffff, v54;
	[tilespmem:s26+$0x1E90] =	vst v4  }
0x2d4: {  	[tilespmem:s26+$0x2C10] =	vst v10  }
0x2d5: {  	v55 =	vld [tilespmem:$0xE20];
	_ =	sdelay $0x2  }
0x2d6: {  	[tilespmem:s26+$0x1120] =	vst v1  }
0x2d7: {  	v56, _, _ =	vpop (xrf0);
	[tilespmem:s26+$0x1EA0] =	vst v4  }
0x2d8: {  	(v2sf) =	vpush v56, $0xF;
	[tilespmem:s26+$0x2C20] =	vst v55  }
0x2d9: {  	v57 =	vld [tilespmem:$0xE30];
	_ =	sdelay $0x2  }
0x2da: {  	[tilespmem:s26+$0x1130] =	vst v1  }
0x2db: {  	[tilespmem:s26+$0x1EB0] =	vst v4  }
0x2dc: {  	[tilespmem:s26+$0x2C30] =	vst v57  }
0x2dd: {  	v10 =	vld [tilespmem:$0xE40];
	_ =	sdelay $0x2  }
0x2de: {  	[tilespmem:s26+$0x1140] =	vst v1  }
0x2df: {  	[tilespmem:s26+$0x1EC0] =	vst v4  }
0x2e0: {  	[tilespmem:s26+$0x2C40] =	vst v10  }
0x2e1: {  	v10 =	vld [tilespmem:$0xA80];
	_ =	sdelay $0x1  }
0x2e2: {  	s28 =	spop (v2sf)  }
0x2e3: {  	[tilespmem:s28+$0x1080] =	vst v1  }
0x2e4: {  	[tilespmem:s28+$0x1E00] =	vst v5  }
0x2e5: {  	[tilespmem:s28+$0x2B80] =	vst v10  }
0x2e6: {  	v10 =	vld [tilespmem:$0xA90];
	_ =	sdelay $0x2  }
0x2e7: {  	[tilespmem:s28+$0x1090] =	vst v1  }
0x2e8: {  	[tilespmem:s28+$0x1E10] =	vst v5  }
0x2e9: {  	[tilespmem:s28+$0x2B90] =	vst v10  }
0x2ea: {  	v10 =	vld [tilespmem:$0xAA0];
	_ =	sdelay $0x2  }
0x2eb: {  	[tilespmem:s28+$0x10A0] =	vst v1  }
0x2ec: {  	[tilespmem:s28+$0x1E20] =	vst v5  }
0x2ed: {  	[tilespmem:s28+$0x2BA0] =	vst v10  }
0x2ee: {  	v10 =	vld [tilespmem:$0xAB0];
	_ =	sdelay $0x2  }
0x2ef: {  	[tilespmem:s28+$0x10B0] =	vst v1  }
0x2f0: {  	[tilespmem:s28+$0x1E30] =	vst v5  }
0x2f1: {  	[tilespmem:s28+$0x2BB0] =	vst v10  }
0x2f2: {  	v10 =	vld [tilespmem:$0xAC0];
	_ =	sdelay $0x2  }
0x2f3: {  	[tilespmem:s28+$0x10C0] =	vst v1  }
0x2f4: {  	[tilespmem:s28+$0x1E40] =	vst v5  }
0x2f5: {  	[tilespmem:s28+$0x2BC0] =	vst v10  }
0x2f6: {  	v10 =	vld [tilespmem:$0xAD0];
	_ =	sdelay $0x2  }
0x2f7: {  	[tilespmem:s28+$0x10D0] =	vst v1  }
0x2f8: {  	[tilespmem:s28+$0x1E50] =	vst v5  }
0x2f9: {  	[tilespmem:s28+$0x2BD0] =	vst v10  }
0x2fa: {  	v10 =	vld [tilespmem:$0xAE0];
	_ =	sdelay $0x2  }
0x2fb: {  	[tilespmem:s28+$0x10E0] =	vst v1  }
0x2fc: {  	[tilespmem:s28+$0x1E60] =	vst v5  }
0x2fd: {  	[tilespmem:s28+$0x2BE0] =	vst v10  }
0x2fe: {  	v10 =	vld [tilespmem:$0xAF0];
	_ =	sdelay $0x2  }
0x2ff: {  	[tilespmem:s28+$0x10F0] =	vst v1  }
0x300: {  	[tilespmem:s28+$0x1E70] =	vst v5  }
0x301: {  	[tilespmem:s28+$0x2BF0] =	vst v10  }
0x302: {  	v10 =	vld [tilespmem:$0xE80];
	_ =	sdelay $0x2  }
0x303: {  	[tilespmem:s28+$0x1100] =	vst v1  }
0x304: {  	[tilespmem:s28+$0x1E80] =	vst v5  }
0x305: {  	[tilespmem:s28+$0x2C00] =	vst v10  }
0x306: {  	v10 =	vld [tilespmem:$0xE90];
	_ =	sdelay $0x2  }
0x307: {  	v58 =	vsel vm14, $0x0, v9;
	[tilespmem:s28+$0x1110] =	vst v1  }
0x308: {  	(xrf0) =	vadd.scan.msk.s32 $0xffff, v58;
	[tilespmem:s28+$0x1E90] =	vst v5  }
0x309: {  	[tilespmem:s28+$0x2C10] =	vst v10  }
0x30a: {  	v59 =	vld [tilespmem:$0xEA0];
	_ =	sdelay $0x2  }
0x30b: {  	[tilespmem:s28+$0x1120] =	vst v1  }
0x30c: {  	v60, _, _ =	vpop (xrf0);
	[tilespmem:s28+$0x1EA0] =	vst v5  }
0x30d: {  	(v2sf) =	vpush v60, $0xF;
	[tilespmem:s28+$0x2C20] =	vst v59  }
0x30e: {  	v61 =	vld [tilespmem:$0xEB0];
	_ =	sdelay $0x2  }
0x30f: {  	[tilespmem:s28+$0x1130] =	vst v1  }
0x310: {  	[tilespmem:s28+$0x1EB0] =	vst v5  }
0x311: {  	[tilespmem:s28+$0x2C30] =	vst v61  }
0x312: {  	v10 =	vld [tilespmem:$0xEC0];
	_ =	sdelay $0x2  }
0x313: {  	[tilespmem:s28+$0x1140] =	vst v1  }
0x314: {  	[tilespmem:s28+$0x1EC0] =	vst v5  }
0x315: {  	[tilespmem:s28+$0x2C40] =	vst v10  }
0x316: {  	v10 =	vld [tilespmem:$0xB00];
	_ =	sdelay $0x1  }
0x317: {  	s29 =	spop (v2sf)  }
0x318: {  	[tilespmem:s29+$0x1080] =	vst v1  }
0x319: {  	[tilespmem:s29+$0x1E00] =	vst v6  }
0x31a: {  	[tilespmem:s29+$0x2B80] =	vst v10  }
0x31b: {  	v10 =	vld [tilespmem:$0xB10];
	_ =	sdelay $0x2  }
0x31c: {  	[tilespmem:s29+$0x1090] =	vst v1  }
0x31d: {  	[tilespmem:s29+$0x1E10] =	vst v6  }
0x31e: {  	[tilespmem:s29+$0x2B90] =	vst v10  }
0x31f: {  	v10 =	vld [tilespmem:$0xB20];
	_ =	sdelay $0x2  }
0x320: {  	[tilespmem:s29+$0x10A0] =	vst v1  }
0x321: {  	[tilespmem:s29+$0x1E20] =	vst v6  }
0x322: {  	[tilespmem:s29+$0x2BA0] =	vst v10  }
0x323: {  	v10 =	vld [tilespmem:$0xB30];
	_ =	sdelay $0x2  }
0x324: {  	[tilespmem:s29+$0x10B0] =	vst v1  }
0x325: {  	[tilespmem:s29+$0x1E30] =	vst v6  }
0x326: {  	[tilespmem:s29+$0x2BB0] =	vst v10  }
0x327: {  	v10 =	vld [tilespmem:$0xB40];
	_ =	sdelay $0x2  }
0x328: {  	[tilespmem:s29+$0x10C0] =	vst v1  }
0x329: {  	[tilespmem:s29+$0x1E40] =	vst v6  }
0x32a: {  	[tilespmem:s29+$0x2BC0] =	vst v10  }
0x32b: {  	v10 =	vld [tilespmem:$0xB50];
	_ =	sdelay $0x2  }
0x32c: {  	[tilespmem:s29+$0x10D0] =	vst v1  }
0x32d: {  	[tilespmem:s29+$0x1E50] =	vst v6  }
0x32e: {  	[tilespmem:s29+$0x2BD0] =	vst v10  }
0x32f: {  	v10 =	vld [tilespmem:$0xB60];
	_ =	sdelay $0x2  }
0x330: {  	[tilespmem:s29+$0x10E0] =	vst v1  }
0x331: {  	[tilespmem:s29+$0x1E60] =	vst v6  }
0x332: {  	[tilespmem:s29+$0x2BE0] =	vst v10  }
0x333: {  	v10 =	vld [tilespmem:$0xB70];
	_ =	sdelay $0x2  }
0x334: {  	[tilespmem:s29+$0x10F0] =	vst v1  }
0x335: {  	[tilespmem:s29+$0x1E70] =	vst v6  }
0x336: {  	[tilespmem:s29+$0x2BF0] =	vst v10  }
0x337: {  	v10 =	vld [tilespmem:$0xF00];
	_ =	sdelay $0x2  }
0x338: {  	[tilespmem:s29+$0x1100] =	vst v1  }
0x339: {  	[tilespmem:s29+$0x1E80] =	vst v6  }
0x33a: {  	[tilespmem:s29+$0x2C00] =	vst v10  }
0x33b: {  	v10 =	vld [tilespmem:$0xF10];
	_ =	sdelay $0x2  }
0x33c: {  	v9 =	vsel vm15, $0x0, v9;
	[tilespmem:s29+$0x1110] =	vst v1  }
0x33d: {  	(xrf0) =	vadd.scan.msk.s32 $0xffff, v9;
	[tilespmem:s29+$0x1E90] =	vst v6  }
0x33e: {  	[tilespmem:s29+$0x2C10] =	vst v10  }
0x33f: {  	v62 =	vld [tilespmem:$0xF20];
	_ =	sdelay $0x2  }
0x340: {  	[tilespmem:s29+$0x1120] =	vst v1  }
0x341: {  	v63, _, _ =	vpop (xrf0);
	[tilespmem:s29+$0x1EA0] =	vst v6  }
0x342: {  	(v2sf) =	vpush v63, $0xF;
	[tilespmem:s29+$0x2C20] =	vst v62  }
0x343: {  	v9 =	vld [tilespmem:$0xF30];
	_ =	sdelay $0x2  }
0x344: {  	[tilespmem:s29+$0x1130] =	vst v1  }
0x345: {  	[tilespmem:s29+$0x1EB0] =	vst v6  }
0x346: {  	[tilespmem:s29+$0x2C30] =	vst v9  }
0x347: {  	v9 =	vld [tilespmem:$0xF40];
	_ =	sdelay $0x2  }
0x348: {  	[tilespmem:s29+$0x1140] =	vst v1  }
0x349: {  	[tilespmem:s29+$0x1EC0] =	vst v6  }
0x34a: {  	[tilespmem:s29+$0x2C40] =	vst v9  }
0x34b: {  	v9 =	vld [tilespmem:$0xB80];
	_ =	sdelay $0x1  }
0x34c: {  	s30 =	spop (v2sf)  }
0x34d: {  	[tilespmem:s30+$0x1080] =	vst v1  }
0x34e: {  	[tilespmem:s30+$0x1E00] =	vst v7  }
0x34f: {  	[tilespmem:s30+$0x2B80] =	vst v9  }
0x350: {  	v9 =	vld [tilespmem:$0xB90];
	_ =	sdelay $0x2  }
0x351: {  	[tilespmem:s30+$0x1090] =	vst v1  }
0x352: {  	[tilespmem:s30+$0x1E10] =	vst v7  }
0x353: {  	[tilespmem:s30+$0x2B90] =	vst v9  }
0x354: {  	v9 =	vld [tilespmem:$0xBA0];
	_ =	sdelay $0x2  }
0x355: {  	[tilespmem:s30+$0x10A0] =	vst v1  }
0x356: {  	[tilespmem:s30+$0x1E20] =	vst v7  }
0x357: {  	[tilespmem:s30+$0x2BA0] =	vst v9  }
0x358: {  	v9 =	vld [tilespmem:$0xBB0];
	_ =	sdelay $0x2  }
0x359: {  	[tilespmem:s30+$0x10B0] =	vst v1  }
0x35a: {  	[tilespmem:s30+$0x1E30] =	vst v7  }
0x35b: {  	[tilespmem:s30+$0x2BB0] =	vst v9  }
0x35c: {  	v9 =	vld [tilespmem:$0xBC0];
	_ =	sdelay $0x2  }
0x35d: {  	[tilespmem:s30+$0x10C0] =	vst v1  }
0x35e: {  	[tilespmem:s30+$0x1E40] =	vst v7  }
0x35f: {  	[tilespmem:s30+$0x2BC0] =	vst v9  }
0x360: {  	v9 =	vld [tilespmem:$0xBD0];
	_ =	sdelay $0x2  }
0x361: {  	[tilespmem:s30+$0x10D0] =	vst v1  }
0x362: {  	[tilespmem:s30+$0x1E50] =	vst v7  }
0x363: {  	[tilespmem:s30+$0x2BD0] =	vst v9  }
0x364: {  	v9 =	vld [tilespmem:$0xBE0];
	_ =	sdelay $0x2  }
0x365: {  	[tilespmem:s30+$0x10E0] =	vst v1  }
0x366: {  	[tilespmem:s30+$0x1E60] =	vst v7  }
0x367: {  	[tilespmem:s30+$0x2BE0] =	vst v9  }
0x368: {  	v9 =	vld [tilespmem:$0xBF0];
	_ =	sdelay $0x2  }
0x369: {  	[tilespmem:s30+$0x10F0] =	vst v1  }
0x36a: {  	[tilespmem:s30+$0x1E70] =	vst v7  }
0x36b: {  	[tilespmem:s30+$0x2BF0] =	vst v9  }
0x36c: {  	v9 =	vld [tilespmem:$0xF80];
	_ =	sdelay $0x2  }
0x36d: {  	[tilespmem:s30+$0x1100] =	vst v1  }
0x36e: {  	[tilespmem:s30+$0x1E80] =	vst v7  }
0x36f: {  	[tilespmem:s30+$0x2C00] =	vst v9  }
0x370: {  	v9 =	vld [tilespmem:$0xF90];
	_ =	sdelay $0x2  }
0x371: {  	[tilespmem:s30+$0x1110] =	vst v1  }
0x372: {  	[tilespmem:s30+$0x1E90] =	vst v7  }
0x373: {  	[tilespmem:s30+$0x2C10] =	vst v9  }
0x374: {  	v9 =	vld [tilespmem:$0xFA0];
	_ =	sdelay $0x1  }
0x375: {  	(v2sf) =	vpush v8, $0xF  }
0x376: {  	[tilespmem:s30+$0x1120] =	vst v1  }
0x377: {  	[tilespmem:s30+$0x1EA0] =	vst v7  }
0x378: {  	[tilespmem:s30+$0x2C20] =	vst v9  }
0x379: {  	v8 =	vld [tilespmem:$0xFB0];
	_ =	sdelay $0x2  }
0x37a: {  	[tilespmem:s30+$0x1130] =	vst v1  }
0x37b: {  	[tilespmem:s30+$0x1EB0] =	vst v7  }
0x37c: {  	[tilespmem:s30+$0x2C30] =	vst v8  }
0x37d: {  	v8 =	vld [tilespmem:$0xFC0];
	_ =	sdelay $0x2  }
0x37e: {  	[tilespmem:s30+$0x1140] =	vst v1  }
0x37f: {  	[tilespmem:s30+$0x1EC0] =	vst v7  }
0x380: {  	s31 =	spop (v2sf);
	[tilespmem:s30+$0x2C40] =	vst v8  }
0x381: {  	[tilespmem:s31+$0x1080] =	vst v0  }
0x382: {  	[tilespmem:s31+$0x1E00] =	vst v0  }
0x383: {  	[tilespmem:s31+$0x2B80] =	vst v0  }
0x384: {  	[tilespmem:s31+$0x1090] =	vst v0  }
0x385: {  	[tilespmem:s31+$0x1E10] =	vst v0  }
0x386: {  	[tilespmem:s31+$0x2B90] =	vst v0  }
0x387: {  	[tilespmem:s31+$0x10A0] =	vst v0  }
0x388: {  	[tilespmem:s31+$0x1E20] =	vst v0  }
0x389: {  	[tilespmem:s31+$0x2BA0] =	vst v0  }
0x38a: {  	[tilespmem:s31+$0x10B0] =	vst v0  }
0x38b: {  	[tilespmem:s31+$0x1E30] =	vst v0  }
0x38c: {  	[tilespmem:s31+$0x2BB0] =	vst v0  }
0x38d: {  	[tilespmem:s31+$0x10C0] =	vst v0  }
0x38e: {  	[tilespmem:s31+$0x1E40] =	vst v0  }
0x38f: {  	[tilespmem:s31+$0x2BC0] =	vst v0  }
0x390: {  	[tilespmem:s31+$0x10D0] =	vst v0  }
0x391: {  	[tilespmem:s31+$0x1E50] =	vst v0  }
0x392: {  	[tilespmem:s31+$0x2BD0] =	vst v0  }
0x393: {  	[tilespmem:s31+$0x10E0] =	vst v0  }
0x394: {  	[tilespmem:s31+$0x1E60] =	vst v0  }
0x395: {  	[tilespmem:s31+$0x2BE0] =	vst v0  }
0x396: {  	[tilespmem:s31+$0x10F0] =	vst v0  }
0x397: {  	[tilespmem:s31+$0x1E70] =	vst v0  }
0x398: {  	[tilespmem:s31+$0x2BF0] =	vst v0  }
0x399: {  	[tilespmem:s31+$0x1100] =	vst v0  }
0x39a: {  	[tilespmem:s31+$0x1E80] =	vst v0  }
0x39b: {  	[tilespmem:s31+$0x2C00] =	vst v0  }
0x39c: {  	[tilespmem:s31+$0x1110] =	vst v0  }
0x39d: {  	[tilespmem:s31+$0x1E90] =	vst v0  }
0x39e: {  	[tilespmem:s31+$0x2C10] =	vst v0  }
0x39f: {  	[tilespmem:s31+$0x1120] =	vst v0  }
0x3a0: {  	[tilespmem:s31+$0x1EA0] =	vst v0  }
0x3a1: {  	[tilespmem:s31+$0x2C20] =	vst v0  }
0x3a2: {  	[tilespmem:s31+$0x1130] =	vst v0  }
0x3a3: {  	[tilespmem:s31+$0x1EB0] =	vst v0  }
0x3a4: {  	[tilespmem:s31+$0x2C30] =	vst v0  }
0x3a5: {  	[tilespmem:s31+$0x1140] =	vst v0  }
0x3a6: {  	[tilespmem:s31+$0x1EC0] =	vst v0  }
0x3a7: {  	[tilespmem:s31+$0x2C40] =	vst v0  }
0x3a8: {  	[tilespmem:s31+$0x1150] =	vst v0  }
0x3a9: {  	[tilespmem:s31+$0x1ED0] =	vst v0  }
0x3aa: {  	[tilespmem:s31+$0x2C50] =	vst v0  }
0x3ab: {  	[hbm4b:s5+s9] =	stream.linear.scatter [tilespmem:s12], [sflag:$0x1], $0xC80, $0x38;
	[tilespmem:$0x3900] =	vst v63  }
0x3ac: {  	_ =	swait.ge [sflag:s10], $0xC80  }
0x3ad: {  	[sflag:s10] =	ssyncset.done $0x0  }
0x3ae: {  	[sflag:s10] =	ssyncadd.s32 $0xFFFFF380  }
0x3af: {  	[hbm4b:s6+s9] =	stream.linear.scatter [tilespmem:s13], [sflag:$0x1], $0xC80, $0x38;
	[tilespmem:$0x3900] =	vst v63  }
0x3b0: {  	_ =	swait.ge [sflag:s10], $0xC80  }
0x3b1: {  	p0 =	sne.s32 s8, $0x1;
	[sflag:s10] =	ssyncset.done $0x0  }
.Ltmp1:
0x3b2: {  	[sflag:s10] =	ssyncadd.s32 $0xFFFFF380;
	(pc) =	sbr.rel @p0 .LBB2_2-.Ltmp1, $4  }
0x3b3: {  	[hbm4b:s7+s9] =	stream.linear.scatter [tilespmem:s14], [sflag:$0x1], $0xC80, $0x38;
	[tilespmem:$0x3900] =	vst v63  }
0x3b4: {  	_ =	swait.ge [sflag:s10], $0xC80  }
0x3b5: {  	[sflag:s10] =	ssyncset.done $0x0  }
0x3b6: {  	s8 =	sadd.s32 $0xFFFFFFFF, s8;
	[sflag:s10] =	ssyncadd.s32 $0xFFFFF380  }
.LBB2_3:
0x3b7: {  	_ =	sfence.sel $0x180000  }
0x3b8: {  	[bflag:$0x0] =	sbarrier.arrive $0xFFFF  }
0x3b9: {  	p0 =	sne.s32 s0, $0x0;
	_ =	strace $0x90000047  }
0x3ba: {  	s0 =	sadd.s32 @!p0 $0x100000, s1;
	[bflag:$0x2] =	sbarrier.arrive $0xFFFF  }
0x3bb: {  	[sflag:s0] =	ssyncadd.tile.s32 @!p0 $0x1;
	_ =	shalt  }
.Lfunc_end2:
_tile_overlayer_lowered:
.L_overlay_start_2:
0x3bc: {  	(tag) =	ssettag $0x2  }
0x3bd: {  	s0 =	rddreg [dreg:$0x0];
	s2 =	stileid.u32  }
0x3be: {  	s1 =	rddreg [dreg:$0x1];
	p0 =	sne.s32 s2, $0x0  }
0x3bf: {  	s3 =	rddreg [dreg:$0x2];
	[bflag:$0x3] =	sbarrier.arrive $0xFFFF;
	s2 =	simm.s32 @!p0 $0x1C01  }
0x3c0: {  	[timem:s3], [sflag:s2] =	dma.local @!p0 [hbm:s0], s1  }
0x3c1: {  	s0 =	simm.s32 @!p0 $0x1  }
0x3c2: {  	_ =	swait.ge @!p0 [sflag:s0], s1  }
0x3c3: {  	s1 =	ssub.s32 @!p0 $0x0, s1;
	[sflag:s0] =	ssyncset.done @!p0 $0x0  }
0x3c4: {  	[sflag:s0] =	ssyncadd.s32 @!p0 s1  }
0x3c5: {  	[bflag:$0x3] =	sbarrier.arrive $0xFFFF  }
0x3c6: {  	_ =	shalt  }

</sc_bundles>
